<compile_context>
chip_gen: v7x
topology: tpu7x:2x2x1
jax: 0.10.2.dev20260603
libtpu: 0.0.44.dev20260713+nightly
codegen_flags: <defaults>
</compile_context>

<pallas_src>
import jax
import jax.numpy as jnp
from jax import lax
from jax.experimental import pallas as pl
from jax.experimental.pallas import tpu as pltpu
from jax.experimental.pallas import tpu_sc as plsc

N = 10000
E = 320000
DH = 256
HALF = 128
G = 64
NCLS = 3
NC = 2
NS = 16
B = 80
BN = 1000


def _fill_f32(ref, n, val):
    def body(i, _):
        ref[pl.ds(i * 16, 16)] = jnp.full((16,), val, jnp.float32)
        return 0
    lax.fori_loop(0, n // 16, body, 0)


def _zero_rows(ref, rows):
    def body(i, _):
        ref[i // 8, pl.ds((i % 8) * 16, 16)] = jnp.zeros((16,), jnp.float32)
        return 0
    lax.fori_loop(0, rows * 8, body, 0)


def _deg_body(dst_hbm, out_hbm, dstb_a, dstb_b, ones, zbuf, acc,
              sem_a, sem_b):
    c = lax.axis_index("c")
    s = lax.axis_index("s")
    DB = 80
    _fill_f32(ones, DB, 1.0)
    _fill_f32(zbuf, 2000, 0.0)

    @pl.when(s < 5)
    def _():
        pltpu.sync_copy(zbuf, acc.at[pl.ds(s * 2000, 2000)])

    plsc.subcore_barrier()

    per_tile = E // NC // NS
    base = c * (E // NC) + s * per_tile

    def start(j, dstb, sem):
        pltpu.async_copy(dst_hbm.at[pl.ds(base + j * DB, DB)], dstb, sem)

    def wait(dstb, sem):
        pltpu.make_async_copy(dst_hbm.at[pl.ds(base, DB)], dstb, sem).wait()

    nchunks = per_tile // DB
    npairs = nchunks // 2
    start(0, dstb_a, sem_a)

    def pair(p, _):
        start(2 * p + 1, dstb_b, sem_b)
        wait(dstb_a, sem_a)
        pltpu.sync_copy(ones, acc.at[dstb_a], add=True)

        @pl.when(p < npairs - 1)
        def _():
            start(2 * p + 2, dstb_a, sem_a)

        wait(dstb_b, sem_b)
        pltpu.sync_copy(ones, acc.at[dstb_b], add=True)
        return 0

    lax.fori_loop(0, npairs, pair, 0)
    start(nchunks - 1, dstb_a, sem_a)
    wait(dstb_a, sem_a)
    pltpu.sync_copy(ones, acc.at[dstb_a], add=True)
    plsc.subcore_barrier()

    @pl.when(s < 5)
    def _():
        pltpu.sync_copy(acc.at[pl.ds(s * 2000, 2000)], zbuf)
        pltpu.sync_copy(zbuf, out_hbm.at[pl.ds(c * N + s * 2000, 2000)])


def _sc_degree(dst):
    mesh = plsc.VectorSubcoreMesh(core_axis_name="c", subcore_axis_name="s")
    k = pl.kernel(
        _deg_body,
        out_type=jax.ShapeDtypeStruct((NC * N,), jnp.float32),
        mesh=mesh,
        scratch_types=[
            pltpu.VMEM((80,), jnp.int32),
            pltpu.VMEM((80,), jnp.int32),
            pltpu.VMEM((80,), jnp.float32),
            pltpu.VMEM((2000,), jnp.float32),
            pltpu.VMEM_SHARED((N,), jnp.float32),
            pltpu.SemaphoreType.DMA,
            pltpu.SemaphoreType.DMA,
        ],
    )
    return k(dst)


def _scat_body(h_hbm, src_hbm, dst_hbm, out_hbm,
               src_all, dst_all, gidx_a, didx_a, gidx_b, didx_b,
               rows_a, rows_b, zrows, acc, sem_ga, sem_gb):
    c = lax.axis_index("c")
    s = lax.axis_index("s")
    _zero_rows(zrows, 16)

    rbase = s * 624
    nch = jnp.where(s == NS - 1, 40, 39)

    def zchunk(j, _):
        pltpu.sync_copy(zrows, acc.at[pl.ds(rbase + j * 16, 16)])
        return 0

    lax.fori_loop(0, nch, zchunk, 0)

    per_tile = E // NS
    ebase = s * per_tile
    plsc.subcore_barrier()

    cN = c * N
    EB = 4000
    npairs = EB // B // 2

    def prep(ch, gidx, didx):
        for i in range(B // 16):
            sl = pl.ds(ch * B + i * 16, 16)
            gidx[pl.ds(i * 16, 16)] = src_all[sl] + cN
            didx[pl.ds(i * 16, 16)] = dst_all[sl]

    def startg(gidx, rows, sem):
        pltpu.async_copy(h_hbm.at[gidx], rows, sem)

    def waitg(gidx, rows, sem):
        pltpu.make_async_copy(h_hbm.at[gidx], rows, sem).wait()

    def block(bi, _):
        pltpu.sync_copy(src_hbm.at[pl.ds(ebase + bi * EB, EB)], src_all)
        pltpu.sync_copy(dst_hbm.at[pl.ds(ebase + bi * EB, EB)], dst_all)
        prep(0, gidx_a, didx_a)
        startg(gidx_a, rows_a, sem_ga)

        def pair(p, _):
            prep(2 * p + 1, gidx_b, didx_b)
            startg(gidx_b, rows_b, sem_gb)
            waitg(gidx_a, rows_a, sem_ga)
            pltpu.sync_copy(rows_a, acc.at[didx_a], add=True)

            @pl.when(p < npairs - 1)
            def _():
                prep(2 * p + 2, gidx_a, didx_a)
                startg(gidx_a, rows_a, sem_ga)

            waitg(gidx_b, rows_b, sem_gb)
            pltpu.sync_copy(rows_b, acc.at[didx_b], add=True)
            return 0

        lax.fori_loop(0, npairs, pair, 0)
        return 0

    lax.fori_loop(0, per_tile // EB, block, 0)
    plsc.subcore_barrier()

    def wchunk(j, _):
        r0 = rbase + j * 16
        pltpu.sync_copy(acc.at[pl.ds(r0, 16)], zrows)
        pltpu.sync_copy(zrows, out_hbm.at[pl.ds(cN + r0, 16)])
        return 0

    lax.fori_loop(0, nch, wchunk, 0)


def _sc_scatter(h2, src, dst):
    mesh = plsc.VectorSubcoreMesh(core_axis_name="c", subcore_axis_name="s")
    k = pl.kernel(
        _scat_body,
        out_type=jax.ShapeDtypeStruct((NC * N, HALF), jnp.float32),
        mesh=mesh,
        scratch_types=[
            pltpu.VMEM((4000,), jnp.int32),
            pltpu.VMEM((4000,), jnp.int32),
            pltpu.VMEM((B,), jnp.int32),
            pltpu.VMEM((B,), jnp.int32),
            pltpu.VMEM((B,), jnp.int32),
            pltpu.VMEM((B,), jnp.int32),
            pltpu.VMEM((B, HALF), jnp.float32),
            pltpu.VMEM((B, HALF), jnp.float32),
            pltpu.VMEM((16, HALF), jnp.float32),
            pltpu.VMEM_SHARED((N, HALF), jnp.float32),
            pltpu.SemaphoreType.DMA,
            pltpu.SemaphoreType.DMA,
        ],
    )
    return k(h2, src, dst)


def _mm1a_body(x_ref, w_ref, u_ref):
    u_ref[...] = jnp.dot(x_ref[...], w_ref[...],
                         preferred_element_type=jnp.float32,
                         precision=lax.Precision.HIGHEST)


def _tc_mm1a(x, W1):
    return pl.pallas_call(
        _mm1a_body,
        grid=(N // BN,),
        in_specs=[
            pl.BlockSpec((BN, 128), lambda i: (i, 0)),
            pl.BlockSpec((128, DH), lambda i: (0, 0)),
        ],
        out_specs=pl.BlockSpec((BN, DH), lambda i: (i, 0)),
        out_shape=jax.ShapeDtypeStruct((N, DH), jnp.float32),
    )(x, W1)


def _mm1b_body(u_ref, deg_ref, h_ref, inv_ref):
    deg = deg_ref[0] + deg_ref[1] + 1.0
    inv = lax.rsqrt(deg)
    inv_ref[...] = inv
    h_ref[0] = u_ref[...] * inv


def _tc_mm1b(u, deg2):
    grid = (N // BN, NC)
    h, inv = pl.pallas_call(
        _mm1b_body,
        grid=grid,
        in_specs=[
            pl.BlockSpec((BN, HALF), lambda i, c: (i, c)),
            pl.BlockSpec((NC, BN, 1), lambda i, c: (0, i, 0)),
        ],
        out_specs=[
            pl.BlockSpec((1, BN, HALF), lambda i, c: (c, i, 0)),
            pl.BlockSpec((BN, 1), lambda i, c: (i, 0)),
        ],
        out_shape=[
            jax.ShapeDtypeStruct((NC, N, HALF), jnp.float32),
            jax.ShapeDtypeStruct((N, 1), jnp.float32),
        ],
    )(u, deg2)
    return h, inv


def _mm2_body(s_ref, h_ref, inv_ref, b_ref, w_ref, o_ref):
    inv = inv_ref[...]
    t = s_ref[...] + h_ref[...]
    z = jnp.concatenate([t[0], t[1]], axis=1) * inv + b_ref[...]
    z = jnp.maximum(z, 0.0)
    o = jnp.dot(z, w_ref[...], preferred_element_type=jnp.float32,
                precision=lax.Precision.HIGHEST)
    o_ref[0] = o * inv


def _tc_mm23(s2, h2, inv, b, W):
    grid = (N // BN, NC)
    return pl.pallas_call(
        _mm2_body,
        grid=grid,
        in_specs=[
            pl.BlockSpec((NC, BN, HALF), lambda i, c: (0, i, 0)),
            pl.BlockSpec((NC, BN, HALF), lambda i, c: (0, i, 0)),
            pl.BlockSpec((BN, 1), lambda i, c: (i, 0)),
            pl.BlockSpec((1, DH), lambda i, c: (0, 0)),
            pl.BlockSpec((DH, HALF), lambda i, c: (0, c)),
        ],
        out_specs=pl.BlockSpec((1, BN, HALF), lambda i, c: (c, i, 0)),
        out_shape=jax.ShapeDtypeStruct((NC, N, HALF), jnp.float32),
    )(s2, h2, inv, b, W)


def _pool_body(s_ref, h_ref, inv_ref, b_ref, bat_ref, wl_ref, bl_ref,
               o_ref, sums, counts):
    i = pl.program_id(0)

    @pl.when(i == 0)
    def _():
        sums[...] = jnp.zeros_like(sums)
        counts[...] = jnp.zeros_like(counts)

    t = s_ref[...] + h_ref[...]
    h3 = jnp.concatenate([t[0], t[1]], axis=1) * inv_ref[...] + b_ref[...]
    bat = bat_ref[...].reshape(1, BN)
    M = (lax.broadcasted_iota(jnp.int32, (G, BN), 0) == bat)
    Mf = M.astype(jnp.float32)
    sums[...] += jnp.dot(Mf, h3, preferred_element_type=jnp.float32,
                         precision=lax.Precision.HIGHEST)
    counts[...] += jnp.broadcast_to(jnp.sum(Mf, axis=1, keepdims=True),
                                    (G, 128))

    @pl.when(i == N // BN - 1)
    def _():
        pooled = sums[...] / jnp.maximum(counts[:, 0:1], 1.0)
        logits = jnp.dot(pooled, wl_ref[...],
                         preferred_element_type=jnp.float32,
                         precision=lax.Precision.HIGHEST) + bl_ref[...]
        m = jnp.max(logits, axis=1, keepdims=True)
        lse = m + jnp.log(jnp.sum(jnp.exp(logits - m), axis=1, keepdims=True))
        o_ref[...] = logits - lse


def _tc_pool(s3, h3, inv, b3, batch, Wlin, blin):
    grid = (N // BN,)
    return pl.pallas_call(
        _pool_body,
        grid=grid,
        in_specs=[
            pl.BlockSpec((NC, BN, HALF), lambda i: (0, i, 0)),
            pl.BlockSpec((NC, BN, HALF), lambda i: (0, i, 0)),
            pl.BlockSpec((BN, 1), lambda i: (i, 0)),
            pl.BlockSpec((1, DH), lambda i: (0, 0)),
            pl.BlockSpec((BN, 1), lambda i: (i, 0)),
            pl.BlockSpec((DH, NCLS), lambda i: (0, 0)),
            pl.BlockSpec((1, NCLS), lambda i: (0, 0)),
        ],
        out_specs=pl.BlockSpec((G, NCLS), lambda i: (0, 0)),
        out_shape=jax.ShapeDtypeStruct((G, NCLS), jnp.float32),
        scratch_shapes=[
            pltpu.VMEM((G, DH), jnp.float32),
            pltpu.VMEM((G, 128), jnp.float32),
        ],
    )(s3, h3, inv, b3, batch, Wlin, blin)


def kernel(x, edge_index, batch, W1, b1, W2, b2, W3, b3, Wlin, blin):
    src = edge_index[0]
    dst = edge_index[1]

    u1 = _tc_mm1a(x, W1)
    deg2 = _sc_degree(dst).reshape(NC, N, 1)
    h1, inv = _tc_mm1b(u1, deg2)
    s1 = _sc_scatter(h1.reshape(NC * N, HALF), src, dst)
    h2 = _tc_mm23(s1.reshape(NC, N, HALF), h1, inv, b1.reshape(1, DH), W2)
    s2 = _sc_scatter(h2.reshape(NC * N, HALF), src, dst)
    h3 = _tc_mm23(s2.reshape(NC, N, HALF), h2, inv, b2.reshape(1, DH), W3)
    s3 = _sc_scatter(h3.reshape(NC * N, HALF), src, dst)
    return _tc_pool(s3.reshape(NC, N, HALF), h3, inv, b3.reshape(1, DH),
                    batch.reshape(N, 1), Wlin, blin.reshape(1, NCLS))

# --- scband reference (transcript-rebuilt; emitter-appended) ---
"""Pipeline reference for scband-gcn-59682865545426 (READ-ONLY COPY).

The authoritative reference and input builder live on the scoring server;
editing this copy changes nothing except your own understanding.
"""

import jax, jax.numpy as jnp
import numpy as np

N = 10000
E = 320000
DIN = 128
DH = 256
G = 64
NCLS = 3


def setup_inputs(seed: int = 0) -> dict:
    key = jax.random.key(seed)
    ks = jax.random.split(key, 12)
    x = jax.random.normal(ks[0], (N, DIN), dtype=jnp.float32)
    edge_index = jax.random.randint(ks[1], (2, E), 0, N, dtype=jnp.int32)
    batch = jnp.sort(jax.random.randint(ks[2], (N,), 0, G, dtype=jnp.int32))
    W1 = jax.random.normal(ks[3], (DIN, DH), dtype=jnp.float32) * 0.05
    b1 = jnp.zeros((DH,), dtype=jnp.float32)
    W2 = jax.random.normal(ks[4], (DH, DH), dtype=jnp.float32) * 0.05
    b2 = jnp.zeros((DH,), dtype=jnp.float32)
    W3 = jax.random.normal(ks[5], (DH, DH), dtype=jnp.float32) * 0.05
    b3 = jnp.zeros((DH,), dtype=jnp.float32)
    Wlin = jax.random.normal(ks[6], (DH, NCLS), dtype=jnp.float32) * 0.05
    blin = jnp.zeros((NCLS,), dtype=jnp.float32)
    return {"x": x, "edge_index": edge_index, "batch": batch,
            "W1": W1, "b1": b1, "W2": W2, "b2": b2, "W3": W3, "b3": b3,
            "Wlin": Wlin, "blin": blin}


def _gcn_norm(edge_index):
    # add self loops (PyG GCNConv default) and compute sym normalization
    loop = jnp.arange(N, dtype=edge_index.dtype)
    src = jnp.concatenate([edge_index[0], loop])
    dst = jnp.concatenate([edge_index[1], loop])
    ones = jnp.ones(src.shape[0], dtype=jnp.float32)
    deg = jax.ops.segment_sum(ones, dst, num_segments=N)
    inv_sqrt = jnp.where(deg > 0, jax.lax.rsqrt(jnp.maximum(deg, 1e-12)), 0.0)
    norm = inv_sqrt[src] * inv_sqrt[dst]
    return src, dst, norm


def _gcn_conv(x, src, dst, norm, W, b):
    h = x @ W
    msgs = h[src] * norm[:, None]
    out = jax.ops.segment_sum(msgs, dst, num_segments=N)
    return out + b


def reference(x, edge_index, batch, W1, b1, W2, b2, W3, b3, Wlin, blin):
    src, dst, norm = _gcn_norm(edge_index)
    h = _gcn_conv(x, src, dst, norm, W1, b1)
    h = jax.nn.relu(h)
    h = _gcn_conv(h, src, dst, norm, W2, b2)
    h = jax.nn.relu(h)
    h = _gcn_conv(h, src, dst, norm, W3, b3)
    # global mean pool over batch ids
    sums = jax.ops.segment_sum(h, batch, num_segments=G)
    counts = jax.ops.segment_sum(jnp.ones((N,), dtype=jnp.float32), batch, num_segments=G)
    pooled = sums / jnp.maximum(counts, 1.0)[:, None]
    logits = pooled @ Wlin + blin
    return jax.nn.log_softmax(logits, axis=-1)

if __name__ == "__main__":
    import jax
    _d = setup_inputs()
    print(jax.jit(kernel)(*tuple(_d.values())))

</pallas_src>

<mosaic_0001>
#map = affine_map<(d0, d1) -> (0, 0)>
#map1 = affine_map<(d0, d1) -> (0)>
module attributes {stable_mosaic.version = 14 : i64} {
  func.func @_scat_body(%arg0: i32, %arg1: i32, %arg2: memref<20000x128xf32, #tpu.memory_space<hbm>>, %arg3: memref<320000xi32, #tpu.memory_space<hbm>>, %arg4: memref<320000xi32, #tpu.memory_space<hbm>>, %arg5: memref<20000x128xf32, #tpu.memory_space<hbm>>, %arg6: memref<4000xi32, #tpu.memory_space<vmem>>, %arg7: memref<4000xi32, #tpu.memory_space<vmem>>, %arg8: memref<80xi32, #tpu.memory_space<vmem>>, %arg9: memref<80xi32, #tpu.memory_space<vmem>>, %arg10: memref<80xi32, #tpu.memory_space<vmem>>, %arg11: memref<80xi32, #tpu.memory_space<vmem>>, %arg12: memref<80x128xf32, #tpu.memory_space<vmem>>, %arg13: memref<80x128xf32, #tpu.memory_space<vmem>>, %arg14: memref<16x128xf32, #tpu.memory_space<vmem>>, %arg15: memref<10000x128xf32, #tpu.memory_space<vmem_shared>>, %arg16: memref<!tpu.dma_semaphore, #tpu.memory_space<semaphore_mem>>, %arg17: memref<!tpu.dma_semaphore, #tpu.memory_space<semaphore_mem>>) attributes {dimension_semantics = [#tpu.dimension_semantics<core_parallel>, #tpu.dimension_semantics<subcore_parallel>], iteration_bounds = array<i64: 2, 16>, scalar_prefetch = 0 : i64, scratch_operands = 12 : i64, tpu.core_type = #tpu.core_type<sc_vector_subcore>, window_params = [{transform_indices = #map}, {transform_indices = #map1}, {transform_indices = #map1}, {transform_indices = #map}]} {
    %scan3A = arith.constant 0 : i32
    %scan3A_0 = arith.constant 0 : i32
    %scan3A_1 = arith.constant 128 : i32
    %scan3A_2 = arith.addi %scan3A_0, %scan3A_1 : i32
    %scan3A_3 = arith.constant 1 : i32
    %scan3A_4 = scf.for %scan3A_44 = %scan3A_0 to %scan3A_2 step %scan3A_3 iter_args(%scan3A_45 = %scan3A) -> (i32)  : i32 {
      %broadcast_in_dim3A = arith.constant 0.000000e+00 : f32
      %broadcast_in_dim3A_46 = vector.broadcast %broadcast_in_dim3A : f32 to vector<16xf32>
      %jit3A_47 = arith.constant 8 : i32
      %div3A = arith.divsi %scan3A_44, %jit3A_47 : i32
      %sign3A = arith.constant 0 : i32
      %sign3A_48 = arith.cmpi sgt, %scan3A_44, %sign3A : i32
      %sign3A_49 = arith.extui %sign3A_48 : i1 to i32
      %sign3A_50 = arith.constant 0 : i32
      %sign3A_51 = arith.cmpi slt, %scan3A_44, %sign3A_50 : i32
      %sign3A_52 = arith.extui %sign3A_51 : i1 to i32
      %sign3A_53 = arith.subi %sign3A_49, %sign3A_52 : i32
      %sign3A_54 = arith.constant 0 : i32
      %sign3A_55 = arith.cmpi sgt, %jit3A_47, %sign3A_54 : i32
      %sign3A_56 = arith.extui %sign3A_55 : i1 to i32
      %sign3A_57 = arith.constant 0 : i32
      %sign3A_58 = arith.cmpi slt, %jit3A_47, %sign3A_57 : i32
      %sign3A_59 = arith.extui %sign3A_58 : i1 to i32
      %sign3A_60 = arith.subi %sign3A_56, %sign3A_59 : i32
      %ne3A = arith.cmpi ne, %sign3A_53, %sign3A_60 : i32
      %rem3A = arith.remsi %scan3A_44, %jit3A_47 : i32
      %ne3A_61 = arith.constant 0 : i32
      %ne3A_62 = arith.cmpi ne, %rem3A, %ne3A_61 : i32
      %and3A = arith.andi %ne3A, %ne3A_62 : i1
      %sub3A = arith.constant 1 : i32
      %sub3A_63 = arith.subi %div3A, %sub3A : i32
      %select_n3A_64 = arith.select %and3A, %sub3A_63, %div3A : i32
      %jit3A_65 = arith.constant 8 : i32
      %eq3A_66 = arith.constant 0 : i32
      %eq3A_67 = arith.cmpi eq, %jit3A_65, %eq3A_66 : i32
      %jit3A_68 = arith.constant 1 : i32
      %select_n3A_69 = arith.select %eq3A_67, %jit3A_68, %jit3A_65 : i32
      %rem3A_70 = arith.remsi %scan3A_44, %select_n3A_69 : i32
      %ne3A_71 = arith.constant 0 : i32
      %ne3A_72 = arith.cmpi ne, %rem3A_70, %ne3A_71 : i32
      %lt3A = arith.constant 0 : i32
      %lt3A_73 = arith.cmpi slt, %rem3A_70, %lt3A : i32
      %lt3A_74 = arith.constant 0 : i32
      %lt3A_75 = arith.cmpi slt, %select_n3A_69, %lt3A_74 : i32
      %ne3A_76 = arith.xori %lt3A_73, %lt3A_75 : i1
      %and3A_77 = arith.andi %ne3A_76, %ne3A_72 : i1
      %add3A = arith.addi %rem3A_70, %select_n3A_69 : i32
      %select_n3A_78 = arith.select %and3A_77, %add3A, %rem3A_70 : i32
      %mul3A_79 = arith.constant 16 : i32
      %mul3A_80 = arith.muli %select_n3A_78, %mul3A_79 : i32
      %swap3A = arith.index_cast %select_n3A_64 : i32 to index
      %swap3A_81 = arith.index_cast %mul3A_80 : i32 to index
      %swap3A_82 = tpu.vector_load %arg14[%swap3A, %swap3A_81] {strides = array<i32>} : memref<16x128xf32, #tpu.memory_space<vmem>>, vector<1x16xf32>,
      %swap3A_83 = vector.shape_cast %swap3A_82 : vector<1x16xf32> to vector<16xf32>
      %swap3A_84 = vector.shape_cast %broadcast_in_dim3A_46 : vector<16xf32> to vector<1x16xf32>
      tpu.vector_store %arg14[%swap3A, %swap3A_81], %swap3A_84 {strides = array<i32>} : memref<16x128xf32, #tpu.memory_space<vmem>>, vector<1x16xf32>,
      %scan3A_85 = arith.constant 0 : i32
      scf.yield %scan3A_85 : i32
    }
    %scan3A_5 = arith.constant 128 : i32
    %mul3A = arith.constant 624 : i32
    %mul3A_6 = arith.muli %arg1, %mul3A : i32
    %eq3A = arith.constant 15 : i32
    %eq3A_7 = arith.cmpi eq, %arg1, %eq3A : i32
    %jit3A = arith.constant 40 : i32
    %jit3A_8 = arith.constant 39 : i32
    %select_n3A = arith.select %eq3A_7, %jit3A, %jit3A_8 : i32
    %while3A = arith.constant 0 : i32
    %while3A_9 = arith.constant 0 : i32
    %while3A_10 = arith.subi %select_n3A, %while3A : i32
    %while3A_11 = arith.addi %while3A, %while3A_10 : i32
    %while3A_12 = arith.constant 1 : i32
    %while3A_13 = arith.divsi %while3A_10, %while3A_12 : i32
    %while3A_14 = arith.muli %while3A_13, %while3A_12 : i32
    %while3A_15 = arith.addi %while3A, %while3A_14 : i32
    %while3A_16 = arith.constant 1 : i32
    %while3A_17 = scf.for %while3A_44 = %while3A to %while3A_15 step %while3A_16 iter_args(%while3A_45 = %while3A_9) -> (i32)  : i32 {
      %mul3A_46 = arith.constant 16 : i32
      %mul3A_47 = arith.muli %while3A_44, %mul3A_46 : i32
      %add3A = arith.addi %mul3A_6, %mul3A_47 : i32
      "tpu.region"() ({
        %run_scoped3A = tpu.sem_alloc : memref<!tpu.dma_semaphore, #tpu.memory_space<semaphore_mem>>
        %dma_start3A = arith.constant 0 : i32
        %dma_start3A_49 = tpu.memref_slice %arg15[%add3A, %dma_start3A] : memref<10000x128xf32, #tpu.memory_space<vmem_shared>> -> memref<16x128xf32, #tpu.memory_space<vmem_shared>>
        %dma_start3A_50 = arith.constant 0 : i32
        %dma_start3A_51 = tpu.memref_slice %arg15[%add3A, %dma_start3A_50] : memref<10000x128xf32, #tpu.memory_space<vmem_shared>> -> memref<16x128xf32, #tpu.memory_space<vmem_shared>>
        tpu.enqueue_dma source(%arg14 : memref<16x128xf32, #tpu.memory_space<vmem>>) target(%dma_start3A_51 : memref<16x128xf32, #tpu.memory_space<vmem_shared>>) target_semaphore(%run_scoped3A : memref<!tpu.dma_semaphore, #tpu.memory_space<semaphore_mem>>)
        %dma_wait3A = arith.constant 0 : i32
        %dma_wait3A_52 = tpu.memref_slice %arg15[%add3A, %dma_wait3A] : memref<10000x128xf32, #tpu.memory_space<vmem_shared>> -> memref<16x128xf32, #tpu.memory_space<vmem_shared>>
        %dma_wait3A_53 = arith.constant 0 : i32
        %dma_wait3A_54 = tpu.memref_slice %arg15[%add3A, %dma_wait3A_53] : memref<10000x128xf32, #tpu.memory_space<vmem_shared>> -> memref<16x128xf32, #tpu.memory_space<vmem_shared>>
        tpu.wait_dma2 semaphore(%run_scoped3A : memref<!tpu.dma_semaphore, #tpu.memory_space<semaphore_mem>>) src(%arg14 : memref<16x128xf32, #tpu.memory_space<vmem>>) dst(%dma_wait3A_54 : memref<16x128xf32, #tpu.memory_space<vmem_shared>>)
        tpu.yield
      }) : () -> ()
      %while3A_48 = arith.constant 0 : i32
      scf.yield %while3A_48 : i32
    }
    %while3A_18 = arith.constant 1 : i32
    %while3A_19 = scf.for %while3A_44 = %while3A_15 to %while3A_11 step %while3A_18 iter_args(%while3A_45 = %while3A_17) -> (i32)  : i32 {
      %mul3A_46 = arith.constant 16 : i32
      %mul3A_47 = arith.muli %while3A_44, %mul3A_46 : i32
      %add3A = arith.addi %mul3A_6, %mul3A_47 : i32
      "tpu.region"() ({
        %run_scoped3A = tpu.sem_alloc : memref<!tpu.dma_semaphore, #tpu.memory_space<semaphore_mem>>
        %dma_start3A = arith.constant 0 : i32
        %dma_start3A_49 = tpu.memref_slice %arg15[%add3A, %dma_start3A] : memref<10000x128xf32, #tpu.memory_space<vmem_shared>> -> memref<16x128xf32, #tpu.memory_space<vmem_shared>>
        %dma_start3A_50 = arith.constant 0 : i32
        %dma_start3A_51 = tpu.memref_slice %arg15[%add3A, %dma_start3A_50] : memref<10000x128xf32, #tpu.memory_space<vmem_shared>> -> memref<16x128xf32, #tpu.memory_space<vmem_shared>>
        tpu.enqueue_dma source(%arg14 : memref<16x128xf32, #tpu.memory_space<vmem>>) target(%dma_start3A_51 : memref<16x128xf32, #tpu.memory_space<vmem_shared>>) target_semaphore(%run_scoped3A : memref<!tpu.dma_semaphore, #tpu.memory_space<semaphore_mem>>)
        %dma_wait3A = arith.constant 0 : i32
        %dma_wait3A_52 = tpu.memref_slice %arg15[%add3A, %dma_wait3A] : memref<10000x128xf32, #tpu.memory_space<vmem_shared>> -> memref<16x128xf32, #tpu.memory_space<vmem_shared>>
        %dma_wait3A_53 = arith.constant 0 : i32
        %dma_wait3A_54 = tpu.memref_slice %arg15[%add3A, %dma_wait3A_53] : memref<10000x128xf32, #tpu.memory_space<vmem_shared>> -> memref<16x128xf32, #tpu.memory_space<vmem_shared>>
        tpu.wait_dma2 semaphore(%run_scoped3A : memref<!tpu.dma_semaphore, #tpu.memory_space<semaphore_mem>>) src(%arg14 : memref<16x128xf32, #tpu.memory_space<vmem>>) dst(%dma_wait3A_54 : memref<16x128xf32, #tpu.memory_space<vmem_shared>>)
        tpu.yield
      }) : () -> ()
      %while3A_48 = arith.constant 0 : i32
      scf.yield %while3A_48 : i32
    }
    %mul3A_20 = arith.constant 20000 : i32
    %mul3A_21 = arith.muli %arg1, %mul3A_20 : i32
    %barrier3A = arith.constant 0 : index
    tpu.barrier barrier_id(%barrier3A)
    %mul3A_22 = arith.constant 10000 : i32
    %mul3A_23 = arith.muli %arg0, %mul3A_22 : i32
    %scan3A_24 = arith.constant 0 : i32
    %scan3A_25 = arith.constant 0 : i32
    %scan3A_26 = arith.constant 5 : i32
    %scan3A_27 = arith.addi %scan3A_25, %scan3A_26 : i32
    %scan3A_28 = arith.constant 1 : i32
    %scan3A_29 = scf.for %scan3A_44 = %scan3A_25 to %scan3A_27 step %scan3A_28 iter_args(%scan3A_45 = %scan3A_24) -> (i32)  : i32 {
      %mul3A_46 = arith.constant 4000 : i32
      %mul3A_47 = arith.muli %scan3A_44, %mul3A_46 : i32
      %add3A = arith.addi %mul3A_21, %mul3A_47 : i32
      "tpu.region"() ({
        %run_scoped3A = tpu.sem_alloc : memref<!tpu.dma_semaphore, #tpu.memory_space<semaphore_mem>>
        %dma_start3A_139 = tpu.memref_slice %arg3[%add3A] : memref<320000xi32, #tpu.memory_space<hbm>> -> memref<4000xi32, #tpu.memory_space<hbm>>
        %dma_start3A_140 = tpu.memref_slice %arg3[%add3A] : memref<320000xi32, #tpu.memory_space<hbm>> -> memref<4000xi32, #tpu.memory_space<hbm>>
        tpu.enqueue_dma source(%dma_start3A_140 : memref<4000xi32, #tpu.memory_space<hbm>>) target(%arg6 : memref<4000xi32, #tpu.memory_space<vmem>>) target_semaphore(%run_scoped3A : memref<!tpu.dma_semaphore, #tpu.memory_space<semaphore_mem>>)
        %dma_wait3A = tpu.memref_slice %arg3[%add3A] : memref<320000xi32, #tpu.memory_space<hbm>> -> memref<4000xi32, #tpu.memory_space<hbm>>
        %dma_wait3A_141 = tpu.memref_slice %arg3[%add3A] : memref<320000xi32, #tpu.memory_space<hbm>> -> memref<4000xi32, #tpu.memory_space<hbm>>
        tpu.wait_dma2 semaphore(%run_scoped3A : memref<!tpu.dma_semaphore, #tpu.memory_space<semaphore_mem>>) src(%dma_wait3A_141 : memref<4000xi32, #tpu.memory_space<hbm>>) dst(%arg6 : memref<4000xi32, #tpu.memory_space<vmem>>)
        tpu.yield
      }) : () -> ()
      %mul3A_48 = arith.constant 4000 : i32
      %mul3A_49 = arith.muli %scan3A_44, %mul3A_48 : i32
      %add3A_50 = arith.addi %mul3A_21, %mul3A_49 : i32
      "tpu.region"() ({
        %run_scoped3A = tpu.sem_alloc : memref<!tpu.dma_semaphore, #tpu.memory_space<semaphore_mem>>
        %dma_start3A_139 = tpu.memref_slice %arg4[%add3A_50] : memref<320000xi32, #tpu.memory_space<hbm>> -> memref<4000xi32, #tpu.memory_space<hbm>>
        %dma_start3A_140 = tpu.memref_slice %arg4[%add3A_50] : memref<320000xi32, #tpu.memory_space<hbm>> -> memref<4000xi32, #tpu.memory_space<hbm>>
        tpu.enqueue_dma source(%dma_start3A_140 : memref<4000xi32, #tpu.memory_space<hbm>>) target(%arg7 : memref<4000xi32, #tpu.memory_space<vmem>>) target_semaphore(%run_scoped3A : memref<!tpu.dma_semaphore, #tpu.memory_space<semaphore_mem>>)
        %dma_wait3A = tpu.memref_slice %arg4[%add3A_50] : memref<320000xi32, #tpu.memory_space<hbm>> -> memref<4000xi32, #tpu.memory_space<hbm>>
        %dma_wait3A_141 = tpu.memref_slice %arg4[%add3A_50] : memref<320000xi32, #tpu.memory_space<hbm>> -> memref<4000xi32, #tpu.memory_space<hbm>>
        tpu.wait_dma2 semaphore(%run_scoped3A : memref<!tpu.dma_semaphore, #tpu.memory_space<semaphore_mem>>) src(%dma_wait3A_141 : memref<4000xi32, #tpu.memory_space<hbm>>) dst(%arg7 : memref<4000xi32, #tpu.memory_space<vmem>>)
        tpu.yield
      }) : () -> ()
      %get3A = arith.constant 0 : index
      %get3A_51 = tpu.vector_load %arg6[%get3A] {strides = array<i32>} : memref<4000xi32, #tpu.memory_space<vmem>>, vector<16xi32>,
      %get3A_52 = vector.shape_cast %get3A_51 : vector<16xi32> to vector<16xi32>
      %add3A_53 = vector.broadcast %mul3A_23 : i32 to vector<16xi32>
      %add3A_54 = arith.addi %get3A_52, %add3A_53 : vector<16xi32>
      %swap3A = arith.constant 0 : index
      %swap3A_55 = tpu.vector_load %arg8[%swap3A] {strides = array<i32>} : memref<80xi32, #tpu.memory_space<vmem>>, vector<16xi32>,
      %swap3A_56 = vector.shape_cast %swap3A_55 : vector<16xi32> to vector<16xi32>
      %swap3A_57 = vector.shape_cast %add3A_54 : vector<16xi32> to vector<16xi32>
      tpu.vector_store %arg8[%swap3A], %swap3A_57 {strides = array<i32>} : memref<80xi32, #tpu.memory_space<vmem>>, vector<16xi32>,
      %get3A_58 = arith.constant 0 : index
      %get3A_59 = tpu.vector_load %arg7[%get3A_58] {strides = array<i32>} : memref<4000xi32, #tpu.memory_space<vmem>>, vector<16xi32>,
      %get3A_60 = vector.shape_cast %get3A_59 : vector<16xi32> to vector<16xi32>
      %swap3A_61 = arith.constant 0 : index
      %swap3A_62 = tpu.vector_load %arg9[%swap3A_61] {strides = array<i32>} : memref<80xi32, #tpu.memory_space<vmem>>, vector<16xi32>,
      %swap3A_63 = vector.shape_cast %swap3A_62 : vector<16xi32> to vector<16xi32>
      %swap3A_64 = vector.shape_cast %get3A_60 : vector<16xi32> to vector<16xi32>
      tpu.vector_store %arg9[%swap3A_61], %swap3A_64 {strides = array<i32>} : memref<80xi32, #tpu.memory_space<vmem>>, vector<16xi32>,
      %get3A_65 = arith.constant 16 : index
      %get3A_66 = tpu.vector_load %arg6[%get3A_65] {strides = array<i32>} : memref<4000xi32, #tpu.memory_space<vmem>>, vector<16xi32>,
      %get3A_67 = vector.shape_cast %get3A_66 : vector<16xi32> to vector<16xi32>
      %add3A_68 = vector.broadcast %mul3A_23 : i32 to vector<16xi32>
      %add3A_69 = arith.addi %get3A_67, %add3A_68 : vector<16xi32>
      %swap3A_70 = arith.constant 16 : index
      %swap3A_71 = tpu.vector_load %arg8[%swap3A_70] {strides = array<i32>} : memref<80xi32, #tpu.memory_space<vmem>>, vector<16xi32>,
      %swap3A_72 = vector.shape_cast %swap3A_71 : vector<16xi32> to vector<16xi32>
      %swap3A_73 = vector.shape_cast %add3A_69 : vector<16xi32> to vector<16xi32>
      tpu.vector_store %arg8[%swap3A_70], %swap3A_73 {strides = array<i32>} : memref<80xi32, #tpu.memory_space<vmem>>, vector<16xi32>,
      %get3A_74 = arith.constant 16 : index
      %get3A_75 = tpu.vector_load %arg7[%get3A_74] {strides = array<i32>} : memref<4000xi32, #tpu.memory_space<vmem>>, vector<16xi32>,
      %get3A_76 = vector.shape_cast %get3A_75 : vector<16xi32> to vector<16xi32>
      %swap3A_77 = arith.constant 16 : index
      %swap3A_78 = tpu.vector_load %arg9[%swap3A_77] {strides = array<i32>} : memref<80xi32, #tpu.memory_space<vmem>>, vector<16xi32>,
      %swap3A_79 = vector.shape_cast %swap3A_78 : vector<16xi32> to vector<16xi32>
      %swap3A_80 = vector.shape_cast %get3A_76 : vector<16xi32> to vector<16xi32>
      tpu.vector_store %arg9[%swap3A_77], %swap3A_80 {strides = array<i32>} : memref<80xi32, #tpu.memory_space<vmem>>, vector<16xi32>,
      %get3A_81 = arith.constant 32 : index
      %get3A_82 = tpu.vector_load %arg6[%get3A_81] {strides = array<i32>} : memref<4000xi32, #tpu.memory_space<vmem>>, vector<16xi32>,
      %get3A_83 = vector.shape_cast %get3A_82 : vector<16xi32> to vector<16xi32>
      %add3A_84 = vector.broadcast %mul3A_23 : i32 to vector<16xi32>
      %add3A_85 = arith.addi %get3A_83, %add3A_84 : vector<16xi32>
      %swap3A_86 = arith.constant 32 : index
      %swap3A_87 = tpu.vector_load %arg8[%swap3A_86] {strides = array<i32>} : memref<80xi32, #tpu.memory_space<vmem>>, vector<16xi32>,
      %swap3A_88 = vector.shape_cast %swap3A_87 : vector<16xi32> to vector<16xi32>
      %swap3A_89 = vector.shape_cast %add3A_85 : vector<16xi32> to vector<16xi32>
      tpu.vector_store %arg8[%swap3A_86], %swap3A_89 {strides = array<i32>} : memref<80xi32, #tpu.memory_space<vmem>>, vector<16xi32>,
      %get3A_90 = arith.constant 32 : index
      %get3A_91 = tpu.vector_load %arg7[%get3A_90] {strides = array<i32>} : memref<4000xi32, #tpu.memory_space<vmem>>, vector<16xi32>,
      %get3A_92 = vector.shape_cast %get3A_91 : vector<16xi32> to vector<16xi32>
      %swap3A_93 = arith.constant 32 : index
      %swap3A_94 = tpu.vector_load %arg9[%swap3A_93] {strides = array<i32>} : memref<80xi32, #tpu.memory_space<vmem>>, vector<16xi32>,
      %swap3A_95 = vector.shape_cast %swap3A_94 : vector<16xi32> to vector<16xi32>
      %swap3A_96 = vector.shape_cast %get3A_92 : vector<16xi32> to vector<16xi32>
      tpu.vector_store %arg9[%swap3A_93], %swap3A_96 {strides = array<i32>} : memref<80xi32, #tpu.memory_space<vmem>>, vector<16xi32>,
      %get3A_97 = arith.constant 48 : index
      %get3A_98 = tpu.vector_load %arg6[%get3A_97] {strides = array<i32>} : memref<4000xi32, #tpu.memory_space<vmem>>, vector<16xi32>,
      %get3A_99 = vector.shape_cast %get3A_98 : vector<16xi32> to vector<16xi32>
      %add3A_100 = vector.broadcast %mul3A_23 : i32 to vector<16xi32>
      %add3A_101 = arith.addi %get3A_99, %add3A_100 : vector<16xi32>
      %swap3A_102 = arith.constant 48 : index
      %swap3A_103 = tpu.vector_load %arg8[%swap3A_102] {strides = array<i32>} : memref<80xi32, #tpu.memory_space<vmem>>, vector<16xi32>,
      %swap3A_104 = vector.shape_cast %swap3A_103 : vector<16xi32> to vector<16xi32>
      %swap3A_105 = vector.shape_cast %add3A_101 : vector<16xi32> to vector<16xi32>
      tpu.vector_store %arg8[%swap3A_102], %swap3A_105 {strides = array<i32>} : memref<80xi32, #tpu.memory_space<vmem>>, vector<16xi32>,
      %get3A_106 = arith.constant 48 : index
      %get3A_107 = tpu.vector_load %arg7[%get3A_106] {strides = array<i32>} : memref<4000xi32, #tpu.memory_space<vmem>>, vector<16xi32>,
      %get3A_108 = vector.shape_cast %get3A_107 : vector<16xi32> to vector<16xi32>
      %swap3A_109 = arith.constant 48 : index
      %swap3A_110 = tpu.vector_load %arg9[%swap3A_109] {strides = array<i32>} : memref<80xi32, #tpu.memory_space<vmem>>, vector<16xi32>,
      %swap3A_111 = vector.shape_cast %swap3A_110 : vector<16xi32> to vector<16xi32>
      %swap3A_112 = vector.shape_cast %get3A_108 : vector<16xi32> to vector<16xi32>
      tpu.vector_store %arg9[%swap3A_109], %swap3A_112 {strides = array<i32>} : memref<80xi32, #tpu.memory_space<vmem>>, vector<16xi32>,
      %get3A_113 = arith.constant 64 : index
      %get3A_114 = tpu.vector_load %arg6[%get3A_113] {strides = array<i32>} : memref<4000xi32, #tpu.memory_space<vmem>>, vector<16xi32>,
      %get3A_115 = vector.shape_cast %get3A_114 : vector<16xi32> to vector<16xi32>
      %add3A_116 = vector.broadcast %mul3A_23 : i32 to vector<16xi32>
      %add3A_117 = arith.addi %get3A_115, %add3A_116 : vector<16xi32>
      %swap3A_118 = arith.constant 64 : index
      %swap3A_119 = tpu.vector_load %arg8[%swap3A_118] {strides = array<i32>} : memref<80xi32, #tpu.memory_space<vmem>>, vector<16xi32>,
      %swap3A_120 = vector.shape_cast %swap3A_119 : vector<16xi32> to vector<16xi32>
      %swap3A_121 = vector.shape_cast %add3A_117 : vector<16xi32> to vector<16xi32>
      tpu.vector_store %arg8[%swap3A_118], %swap3A_121 {strides = array<i32>} : memref<80xi32, #tpu.memory_space<vmem>>, vector<16xi32>,
      %get3A_122 = arith.constant 64 : index
      %get3A_123 = tpu.vector_load %arg7[%get3A_122] {strides = array<i32>} : memref<4000xi32, #tpu.memory_space<vmem>>, vector<16xi32>,
      %get3A_124 = vector.shape_cast %get3A_123 : vector<16xi32> to vector<16xi32>
      %swap3A_125 = arith.constant 64 : index
      %swap3A_126 = tpu.vector_load %arg9[%swap3A_125] {strides = array<i32>} : memref<80xi32, #tpu.memory_space<vmem>>, vector<16xi32>,
      %swap3A_127 = vector.shape_cast %swap3A_126 : vector<16xi32> to vector<16xi32>
      %swap3A_128 = vector.shape_cast %get3A_124 : vector<16xi32> to vector<16xi32>
      tpu.vector_store %arg9[%swap3A_125], %swap3A_128 {strides = array<i32>} : memref<80xi32, #tpu.memory_space<vmem>>, vector<16xi32>,
      %dma_start3A = arith.constant 0 : i32
      %dma_start3A_129 = arith.constant 0 : i32
      %dma_start3A_130 = tpu.memref_slice %arg2[%dma_start3A, %dma_start3A_129] : memref<20000x128xf32, #tpu.memory_space<hbm>> -> memref<20000x128xf32, #tpu.memory_space<hbm>>
      tpu.enqueue_indirect_dma source(%dma_start3A_130 : memref<20000x128xf32, #tpu.memory_space<hbm>>) target(%arg12 : memref<80x128xf32, #tpu.memory_space<vmem>>) offsets(%arg8 : memref<80xi32, #tpu.memory_space<vmem>>) semaphore(%arg16 : memref<!tpu.dma_semaphore, #tpu.memory_space<semaphore_mem>>)
      %scan3A_131 = arith.constant 0 : i32
      %scan3A_132 = arith.constant 0 : i32
      %scan3A_133 = arith.constant 25 : i32
      %scan3A_134 = arith.addi %scan3A_132, %scan3A_133 : i32
      %scan3A_135 = arith.constant 1 : i32
      %scan3A_136 = scf.for %scan3A_139 = %scan3A_132 to %scan3A_134 step %scan3A_135 iter_args(%scan3A_140 = %scan3A_131) -> (i32)  : i32 {
        %mul3A_141 = arith.constant 2 : i32
        %mul3A_142 = arith.muli %mul3A_141, %scan3A_139 : i32
        %add3A_143 = arith.constant 1 : i32
        %add3A_144 = arith.addi %mul3A_142, %add3A_143 : i32
        %mul3A_145 = arith.constant 80 : i32
        %mul3A_146 = arith.muli %add3A_144, %mul3A_145 : i32
        %add3A_147 = arith.constant 0 : i32
        %add3A_148 = arith.addi %mul3A_146, %add3A_147 : i32
        %get3A_149 = arith.index_cast %add3A_148 : i32 to index
        %get3A_150 = tpu.vector_load %arg6[%get3A_149] {strides = array<i32>} : memref<4000xi32, #tpu.memory_space<vmem>>, vector<16xi32>,
        %get3A_151 = vector.shape_cast %get3A_150 : vector<16xi32> to vector<16xi32>
        %add3A_152 = vector.broadcast %mul3A_23 : i32 to vector<16xi32>
        %add3A_153 = arith.addi %get3A_151, %add3A_152 : vector<16xi32>
        %swap3A_154 = arith.constant 0 : index
        %swap3A_155 = tpu.vector_load %arg10[%swap3A_154] {strides = array<i32>} : memref<80xi32, #tpu.memory_space<vmem>>, vector<16xi32>,
        %swap3A_156 = vector.shape_cast %swap3A_155 : vector<16xi32> to vector<16xi32>
        %swap3A_157 = vector.shape_cast %add3A_153 : vector<16xi32> to vector<16xi32>
        tpu.vector_store %arg10[%swap3A_154], %swap3A_157 {strides = array<i32>} : memref<80xi32, #tpu.memory_space<vmem>>, vector<16xi32>,
        %get3A_158 = arith.index_cast %add3A_148 : i32 to index
        %get3A_159 = tpu.vector_load %arg7[%get3A_158] {strides = array<i32>} : memref<4000xi32, #tpu.memory_space<vmem>>, vector<16xi32>,
        %get3A_160 = vector.shape_cast %get3A_159 : vector<16xi32> to vector<16xi32>
        %swap3A_161 = arith.constant 0 : index
        %swap3A_162 = tpu.vector_load %arg11[%swap3A_161] {strides = array<i32>} : memref<80xi32, #tpu.memory_space<vmem>>, vector<16xi32>,
        %swap3A_163 = vector.shape_cast %swap3A_162 : vector<16xi32> to vector<16xi32>
        %swap3A_164 = vector.shape_cast %get3A_160 : vector<16xi32> to vector<16xi32>
        tpu.vector_store %arg11[%swap3A_161], %swap3A_164 {strides = array<i32>} : memref<80xi32, #tpu.memory_space<vmem>>, vector<16xi32>,
        %mul3A_165 = arith.constant 80 : i32
        %mul3A_166 = arith.muli %add3A_144, %mul3A_165 : i32
        %add3A_167 = arith.constant 16 : i32
        %add3A_168 = arith.addi %mul3A_166, %add3A_167 : i32
        %get3A_169 = arith.index_cast %add3A_168 : i32 to index
        %get3A_170 = tpu.vector_load %arg6[%get3A_169] {strides = array<i32>} : memref<4000xi32, #tpu.memory_space<vmem>>, vector<16xi32>,
        %get3A_171 = vector.shape_cast %get3A_170 : vector<16xi32> to vector<16xi32>
        %add3A_172 = vector.broadcast %mul3A_23 : i32 to vector<16xi32>
        %add3A_173 = arith.addi %get3A_171, %add3A_172 : vector<16xi32>
        %swap3A_174 = arith.constant 16 : index
        %swap3A_175 = tpu.vector_load %arg10[%swap3A_174] {strides = array<i32>} : memref<80xi32, #tpu.memory_space<vmem>>, vector<16xi32>,
        %swap3A_176 = vector.shape_cast %swap3A_175 : vector<16xi32> to vector<16xi32>
        %swap3A_177 = vector.shape_cast %add3A_173 : vector<16xi32> to vector<16xi32>
        tpu.vector_store %arg10[%swap3A_174], %swap3A_177 {strides = array<i32>} : memref<80xi32, #tpu.memory_space<vmem>>, vector<16xi32>,
        %get3A_178 = arith.index_cast %add3A_168 : i32 to index
        %get3A_179 = tpu.vector_load %arg7[%get3A_178] {strides = array<i32>} : memref<4000xi32, #tpu.memory_space<vmem>>, vector<16xi32>,
        %get3A_180 = vector.shape_cast %get3A_179 : vector<16xi32> to vector<16xi32>
        %swap3A_181 = arith.constant 16 : index
        %swap3A_182 = tpu.vector_load %arg11[%swap3A_181] {strides = array<i32>} : memref<80xi32, #tpu.memory_space<vmem>>, vector<16xi32>,
        %swap3A_183 = vector.shape_cast %swap3A_182 : vector<16xi32> to vector<16xi32>
        %swap3A_184 = vector.shape_cast %get3A_180 : vector<16xi32> to vector<16xi32>
        tpu.vector_store %arg11[%swap3A_181], %swap3A_184 {strides = array<i32>} : memref<80xi32, #tpu.memory_space<vmem>>, vector<16xi32>,
        %mul3A_185 = arith.constant 80 : i32
        %mul3A_186 = arith.muli %add3A_144, %mul3A_185 : i32
        %add3A_187 = arith.constant 32 : i32
        %add3A_188 = arith.addi %mul3A_186, %add3A_187 : i32
        %get3A_189 = arith.index_cast %add3A_188 : i32 to index
        %get3A_190 = tpu.vector_load %arg6[%get3A_189] {strides = array<i32>} : memref<4000xi32, #tpu.memory_space<vmem>>, vector<16xi32>,
        %get3A_191 = vector.shape_cast %get3A_190 : vector<16xi32> to vector<16xi32>
        %add3A_192 = vector.broadcast %mul3A_23 : i32 to vector<16xi32>
        %add3A_193 = arith.addi %get3A_191, %add3A_192 : vector<16xi32>
        %swap3A_194 = arith.constant 32 : index
        %swap3A_195 = tpu.vector_load %arg10[%swap3A_194] {strides = array<i32>} : memref<80xi32, #tpu.memory_space<vmem>>, vector<16xi32>,
        %swap3A_196 = vector.shape_cast %swap3A_195 : vector<16xi32> to vector<16xi32>
        %swap3A_197 = vector.shape_cast %add3A_193 : vector<16xi32> to vector<16xi32>
        tpu.vector_store %arg10[%swap3A_194], %swap3A_197 {strides = array<i32>} : memref<80xi32, #tpu.memory_space<vmem>>, vector<16xi32>,
        %get3A_198 = arith.index_cast %add3A_188 : i32 to index
        %get3A_199 = tpu.vector_load %arg7[%get3A_198] {strides = array<i32>} : memref<4000xi32, #tpu.memory_space<vmem>>, vector<16xi32>,
        %get3A_200 = vector.shape_cast %get3A_199 : vector<16xi32> to vector<16xi32>
        %swap3A_201 = arith.constant 32 : index
        %swap3A_202 = tpu.vector_load %arg11[%swap3A_201] {strides = array<i32>} : memref<80xi32, #tpu.memory_space<vmem>>, vector<16xi32>,
        %swap3A_203 = vector.shape_cast %swap3A_202 : vector<16xi32> to vector<16xi32>
        %swap3A_204 = vector.shape_cast %get3A_200 : vector<16xi32> to vector<16xi32>
        tpu.vector_store %arg11[%swap3A_201], %swap3A_204 {strides = array<i32>} : memref<80xi32, #tpu.memory_space<vmem>>, vector<16xi32>,
        %mul3A_205 = arith.constant 80 : i32
        %mul3A_206 = arith.muli %add3A_144, %mul3A_205 : i32
        %add3A_207 = arith.constant 48 : i32
        %add3A_208 = arith.addi %mul3A_206, %add3A_207 : i32
        %get3A_209 = arith.index_cast %add3A_208 : i32 to index
        %get3A_210 = tpu.vector_load %arg6[%get3A_209] {strides = array<i32>} : memref<4000xi32, #tpu.memory_space<vmem>>, vector<16xi32>,
        %get3A_211 = vector.shape_cast %get3A_210 : vector<16xi32> to vector<16xi32>
        %add3A_212 = vector.broadcast %mul3A_23 : i32 to vector<16xi32>
        %add3A_213 = arith.addi %get3A_211, %add3A_212 : vector<16xi32>
        %swap3A_214 = arith.constant 48 : index
        %swap3A_215 = tpu.vector_load %arg10[%swap3A_214] {strides = array<i32>} : memref<80xi32, #tpu.memory_space<vmem>>, vector<16xi32>,
        %swap3A_216 = vector.shape_cast %swap3A_215 : vector<16xi32> to vector<16xi32>
        %swap3A_217 = vector.shape_cast %add3A_213 : vector<16xi32> to vector<16xi32>
        tpu.vector_store %arg10[%swap3A_214], %swap3A_217 {strides = array<i32>} : memref<80xi32, #tpu.memory_space<vmem>>, vector<16xi32>,
        %get3A_218 = arith.index_cast %add3A_208 : i32 to index
        %get3A_219 = tpu.vector_load %arg7[%get3A_218] {strides = array<i32>} : memref<4000xi32, #tpu.memory_space<vmem>>, vector<16xi32>,
        %get3A_220 = vector.shape_cast %get3A_219 : vector<16xi32> to vector<16xi32>
        %swap3A_221 = arith.constant 48 : index
        %swap3A_222 = tpu.vector_load %arg11[%swap3A_221] {strides = array<i32>} : memref<80xi32, #tpu.memory_space<vmem>>, vector<16xi32>,
        %swap3A_223 = vector.shape_cast %swap3A_222 : vector<16xi32> to vector<16xi32>
        %swap3A_224 = vector.shape_cast %get3A_220 : vector<16xi32> to vector<16xi32>
        tpu.vector_store %arg11[%swap3A_221], %swap3A_224 {strides = array<i32>} : memref<80xi32, #tpu.memory_space<vmem>>, vector<16xi32>,
        %mul3A_225 = arith.constant 80 : i32
        %mul3A_226 = arith.muli %add3A_144, %mul3A_225 : i32
        %add3A_227 = arith.constant 64 : i32
        %add3A_228 = arith.addi %mul3A_226, %add3A_227 : i32
        %get3A_229 = arith.index_cast %add3A_228 : i32 to index
        %get3A_230 = tpu.vector_load %arg6[%get3A_229] {strides = array<i32>} : memref<4000xi32, #tpu.memory_space<vmem>>, vector<16xi32>,
        %get3A_231 = vector.shape_cast %get3A_230 : vector<16xi32> to vector<16xi32>
        %add3A_232 = vector.broadcast %mul3A_23 : i32 to vector<16xi32>
        %add3A_233 = arith.addi %get3A_231, %add3A_232 : vector<16xi32>
        %swap3A_234 = arith.constant 64 : index
        %swap3A_235 = tpu.vector_load %arg10[%swap3A_234] {strides = array<i32>} : memref<80xi32, #tpu.memory_space<vmem>>, vector<16xi32>,
        %swap3A_236 = vector.shape_cast %swap3A_235 : vector<16xi32> to vector<16xi32>
        %swap3A_237 = vector.shape_cast %add3A_233 : vector<16xi32> to vector<16xi32>
        tpu.vector_store %arg10[%swap3A_234], %swap3A_237 {strides = array<i32>} : memref<80xi32, #tpu.memory_space<vmem>>, vector<16xi32>,
        %get3A_238 = arith.index_cast %add3A_228 : i32 to index
        %get3A_239 = tpu.vector_load %arg7[%get3A_238] {strides = array<i32>} : memref<4000xi32, #tpu.memory_space<vmem>>, vector<16xi32>,
        %get3A_240 = vector.shape_cast %get3A_239 : vector<16xi32> to vector<16xi32>
        %swap3A_241 = arith.constant 64 : index
        %swap3A_242 = tpu.vector_load %arg11[%swap3A_241] {strides = array<i32>} : memref<80xi32, #tpu.memory_space<vmem>>, vector<16xi32>,
        %swap3A_243 = vector.shape_cast %swap3A_242 : vector<16xi32> to vector<16xi32>
        %swap3A_244 = vector.shape_cast %get3A_240 : vector<16xi32> to vector<16xi32>
        tpu.vector_store %arg11[%swap3A_241], %swap3A_244 {strides = array<i32>} : memref<80xi32, #tpu.memory_space<vmem>>, vector<16xi32>,
        %dma_start3A_245 = arith.constant 0 : i32
        %dma_start3A_246 = arith.constant 0 : i32
        %dma_start3A_247 = tpu.memref_slice %arg2[%dma_start3A_245, %dma_start3A_246] : memref<20000x128xf32, #tpu.memory_space<hbm>> -> memref<20000x128xf32, #tpu.memory_space<hbm>>
        tpu.enqueue_indirect_dma source(%dma_start3A_247 : memref<20000x128xf32, #tpu.memory_space<hbm>>) target(%arg13 : memref<80x128xf32, #tpu.memory_space<vmem>>) offsets(%arg10 : memref<80xi32, #tpu.memory_space<vmem>>) semaphore(%arg17 : memref<!tpu.dma_semaphore, #tpu.memory_space<semaphore_mem>>)
        %dma_wait3A = arith.constant 0 : i32
        %dma_wait3A_248 = arith.constant 0 : i32
        %dma_wait3A_249 = tpu.memref_slice %arg2[%dma_wait3A, %dma_wait3A_248] : memref<20000x128xf32, #tpu.memory_space<hbm>> -> memref<20000x128xf32, #tpu.memory_space<hbm>>
        tpu.wait_indirect_dma semaphore(%arg16 : memref<!tpu.dma_semaphore, #tpu.memory_space<semaphore_mem>>) src(%dma_wait3A_249 : memref<20000x128xf32, #tpu.memory_space<hbm>>) dst(%arg12 : memref<80x128xf32, #tpu.memory_space<vmem>>)
        "tpu.region"() ({
          %run_scoped3A = tpu.sem_alloc : memref<!tpu.dma_semaphore, #tpu.memory_space<semaphore_mem>>
          %dma_start3A_256 = arith.constant 0 : i32
          %dma_start3A_257 = arith.constant 0 : i32
          %dma_start3A_258 = tpu.memref_slice %arg15[%dma_start3A_256, %dma_start3A_257] : memref<10000x128xf32, #tpu.memory_space<vmem_shared>> -> memref<10000x128xf32, #tpu.memory_space<vmem_shared>>
          tpu.enqueue_indirect_dma source(%arg12 : memref<80x128xf32, #tpu.memory_space<vmem>>) target(%dma_start3A_258 : memref<10000x128xf32, #tpu.memory_space<vmem_shared>>) offsets(%arg9 : memref<80xi32, #tpu.memory_space<vmem>>) semaphore(%run_scoped3A : memref<!tpu.dma_semaphore, #tpu.memory_space<semaphore_mem>>) {add = true}
          %dma_wait3A_259 = arith.constant 0 : i32
          %dma_wait3A_260 = arith.constant 0 : i32
          %dma_wait3A_261 = tpu.memref_slice %arg15[%dma_wait3A_259, %dma_wait3A_260] : memref<10000x128xf32, #tpu.memory_space<vmem_shared>> -> memref<10000x128xf32, #tpu.memory_space<vmem_shared>>
          tpu.wait_indirect_dma semaphore(%run_scoped3A : memref<!tpu.dma_semaphore, #tpu.memory_space<semaphore_mem>>) src(%arg12 : memref<80x128xf32, #tpu.memory_space<vmem>>) dst(%dma_wait3A_261 : memref<10000x128xf32, #tpu.memory_space<vmem_shared>>)
          tpu.yield
        }) : () -> ()
        %lt3A = arith.constant 24 : i32
        %lt3A_250 = arith.cmpi slt, %scan3A_139, %lt3A : i32
        %convert_element_type3A = arith.extui %lt3A_250 : i1 to i32
        %cond3A = arith.constant 0 : i32
        %cond3A_251 = arith.cmpi ne, %convert_element_type3A, %cond3A : i32
        scf.if %cond3A_251 {
          %mul3A_256 = arith.constant 2 : i32
          %mul3A_257 = arith.muli %mul3A_256, %scan3A_139 : i32
          %add3A_258 = arith.constant 2 : i32
          %add3A_259 = arith.addi %mul3A_257, %add3A_258 : i32
          %mul3A_260 = arith.constant 80 : i32
          %mul3A_261 = arith.muli %add3A_259, %mul3A_260 : i32
          %add3A_262 = arith.constant 0 : i32
          %add3A_263 = arith.addi %mul3A_261, %add3A_262 : i32
          %get3A_264 = arith.index_cast %add3A_263 : i32 to index
          %get3A_265 = tpu.vector_load %arg6[%get3A_264] {strides = array<i32>} : memref<4000xi32, #tpu.memory_space<vmem>>, vector<16xi32>,
          %get3A_266 = vector.shape_cast %get3A_265 : vector<16xi32> to vector<16xi32>
          %add3A_267 = vector.broadcast %mul3A_23 : i32 to vector<16xi32>
          %add3A_268 = arith.addi %get3A_266, %add3A_267 : vector<16xi32>
          %swap3A_269 = arith.constant 0 : index
          %swap3A_270 = tpu.vector_load %arg8[%swap3A_269] {strides = array<i32>} : memref<80xi32, #tpu.memory_space<vmem>>, vector<16xi32>,
          %swap3A_271 = vector.shape_cast %swap3A_270 : vector<16xi32> to vector<16xi32>
          %swap3A_272 = vector.shape_cast %add3A_268 : vector<16xi32> to vector<16xi32>
          tpu.vector_store %arg8[%swap3A_269], %swap3A_272 {strides = array<i32>} : memref<80xi32, #tpu.memory_space<vmem>>, vector<16xi32>,
          %get3A_273 = arith.index_cast %add3A_263 : i32 to index
          %get3A_274 = tpu.vector_load %arg7[%get3A_273] {strides = array<i32>} : memref<4000xi32, #tpu.memory_space<vmem>>, vector<16xi32>,
          %get3A_275 = vector.shape_cast %get3A_274 : vector<16xi32> to vector<16xi32>
          %swap3A_276 = arith.constant 0 : index
          %swap3A_277 = tpu.vector_load %arg9[%swap3A_276] {strides = array<i32>} : memref<80xi32, #tpu.memory_space<vmem>>, vector<16xi32>,
          %swap3A_278 = vector.shape_cast %swap3A_277 : vector<16xi32> to vector<16xi32>
          %swap3A_279 = vector.shape_cast %get3A_275 : vector<16xi32> to vector<16xi32>
          tpu.vector_store %arg9[%swap3A_276], %swap3A_279 {strides = array<i32>} : memref<80xi32, #tpu.memory_space<vmem>>, vector<16xi32>,
          %mul3A_280 = arith.constant 80 : i32
          %mul3A_281 = arith.muli %add3A_259, %mul3A_280 : i32
          %add3A_282 = arith.constant 16 : i32
          %add3A_283 = arith.addi %mul3A_281, %add3A_282 : i32
          %get3A_284 = arith.index_cast %add3A_283 : i32 to index
          %get3A_285 = tpu.vector_load %arg6[%get3A_284] {strides = array<i32>} : memref<4000xi32, #tpu.memory_space<vmem>>, vector<16xi32>,
          %get3A_286 = vector.shape_cast %get3A_285 : vector<16xi32> to vector<16xi32>
          %add3A_287 = vector.broadcast %mul3A_23 : i32 to vector<16xi32>
          %add3A_288 = arith.addi %get3A_286, %add3A_287 : vector<16xi32>
          %swap3A_289 = arith.constant 16 : index
          %swap3A_290 = tpu.vector_load %arg8[%swap3A_289] {strides = array<i32>} : memref<80xi32, #tpu.memory_space<vmem>>, vector<16xi32>,
          %swap3A_291 = vector.shape_cast %swap3A_290 : vector<16xi32> to vector<16xi32>
          %swap3A_292 = vector.shape_cast %add3A_288 : vector<16xi32> to vector<16xi32>
          tpu.vector_store %arg8[%swap3A_289], %swap3A_292 {strides = array<i32>} : memref<80xi32, #tpu.memory_space<vmem>>, vector<16xi32>,
          %get3A_293 = arith.index_cast %add3A_283 : i32 to index
          %get3A_294 = tpu.vector_load %arg7[%get3A_293] {strides = array<i32>} : memref<4000xi32, #tpu.memory_space<vmem>>, vector<16xi32>,
          %get3A_295 = vector.shape_cast %get3A_294 : vector<16xi32> to vector<16xi32>
          %swap3A_296 = arith.constant 16 : index
          %swap3A_297 = tpu.vector_load %arg9[%swap3A_296] {strides = array<i32>} : memref<80xi32, #tpu.memory_space<vmem>>, vector<16xi32>,
          %swap3A_298 = vector.shape_cast %swap3A_297 : vector<16xi32> to vector<16xi32>
          %swap3A_299 = vector.shape_cast %get3A_295 : vector<16xi32> to vector<16xi32>
          tpu.vector_store %arg9[%swap3A_296], %swap3A_299 {strides = array<i32>} : memref<80xi32, #tpu.memory_space<vmem>>, vector<16xi32>,
          %mul3A_300 = arith.constant 80 : i32
          %mul3A_301 = arith.muli %add3A_259, %mul3A_300 : i32
          %add3A_302 = arith.constant 32 : i32
          %add3A_303 = arith.addi %mul3A_301, %add3A_302 : i32
          %get3A_304 = arith.index_cast %add3A_303 : i32 to index
          %get3A_305 = tpu.vector_load %arg6[%get3A_304] {strides = array<i32>} : memref<4000xi32, #tpu.memory_space<vmem>>, vector<16xi32>,
          %get3A_306 = vector.shape_cast %get3A_305 : vector<16xi32> to vector<16xi32>
          %add3A_307 = vector.broadcast %mul3A_23 : i32 to vector<16xi32>
          %add3A_308 = arith.addi %get3A_306, %add3A_307 : vector<16xi32>
          %swap3A_309 = arith.constant 32 : index
          %swap3A_310 = tpu.vector_load %arg8[%swap3A_309] {strides = array<i32>} : memref<80xi32, #tpu.memory_space<vmem>>, vector<16xi32>,
          %swap3A_311 = vector.shape_cast %swap3A_310 : vector<16xi32> to vector<16xi32>
          %swap3A_312 = vector.shape_cast %add3A_308 : vector<16xi32> to vector<16xi32>
          tpu.vector_store %arg8[%swap3A_309], %swap3A_312 {strides = array<i32>} : memref<80xi32, #tpu.memory_space<vmem>>, vector<16xi32>,
          %get3A_313 = arith.index_cast %add3A_303 : i32 to index
          %get3A_314 = tpu.vector_load %arg7[%get3A_313] {strides = array<i32>} : memref<4000xi32, #tpu.memory_space<vmem>>, vector<16xi32>,
          %get3A_315 = vector.shape_cast %get3A_314 : vector<16xi32> to vector<16xi32>
          %swap3A_316 = arith.constant 32 : index
          %swap3A_317 = tpu.vector_load %arg9[%swap3A_316] {strides = array<i32>} : memref<80xi32, #tpu.memory_space<vmem>>, vector<16xi32>,
          %swap3A_318 = vector.shape_cast %swap3A_317 : vector<16xi32> to vector<16xi32>
          %swap3A_319 = vector.shape_cast %get3A_315 : vector<16xi32> to vector<16xi32>
          tpu.vector_store %arg9[%swap3A_316], %swap3A_319 {strides = array<i32>} : memref<80xi32, #tpu.memory_space<vmem>>, vector<16xi32>,
          %mul3A_320 = arith.constant 80 : i32
          %mul3A_321 = arith.muli %add3A_259, %mul3A_320 : i32
          %add3A_322 = arith.constant 48 : i32
          %add3A_323 = arith.addi %mul3A_321, %add3A_322 : i32
          %get3A_324 = arith.index_cast %add3A_323 : i32 to index
          %get3A_325 = tpu.vector_load %arg6[%get3A_324] {strides = array<i32>} : memref<4000xi32, #tpu.memory_space<vmem>>, vector<16xi32>,
          %get3A_326 = vector.shape_cast %get3A_325 : vector<16xi32> to vector<16xi32>
          %add3A_327 = vector.broadcast %mul3A_23 : i32 to vector<16xi32>
          %add3A_328 = arith.addi %get3A_326, %add3A_327 : vector<16xi32>
          %swap3A_329 = arith.constant 48 : index
          %swap3A_330 = tpu.vector_load %arg8[%swap3A_329] {strides = array<i32>} : memref<80xi32, #tpu.memory_space<vmem>>, vector<16xi32>,
          %swap3A_331 = vector.shape_cast %swap3A_330 : vector<16xi32> to vector<16xi32>
          %swap3A_332 = vector.shape_cast %add3A_328 : vector<16xi32> to vector<16xi32>
          tpu.vector_store %arg8[%swap3A_329], %swap3A_332 {strides = array<i32>} : memref<80xi32, #tpu.memory_space<vmem>>, vector<16xi32>,
          %get3A_333 = arith.index_cast %add3A_323 : i32 to index
          %get3A_334 = tpu.vector_load %arg7[%get3A_333] {strides = array<i32>} : memref<4000xi32, #tpu.memory_space<vmem>>, vector<16xi32>,
          %get3A_335 = vector.shape_cast %get3A_334 : vector<16xi32> to vector<16xi32>
          %swap3A_336 = arith.constant 48 : index
          %swap3A_337 = tpu.vector_load %arg9[%swap3A_336] {strides = array<i32>} : memref<80xi32, #tpu.memory_space<vmem>>, vector<16xi32>,
          %swap3A_338 = vector.shape_cast %swap3A_337 : vector<16xi32> to vector<16xi32>
          %swap3A_339 = vector.shape_cast %get3A_335 : vector<16xi32> to vector<16xi32>
          tpu.vector_store %arg9[%swap3A_336], %swap3A_339 {strides = array<i32>} : memref<80xi32, #tpu.memory_space<vmem>>, vector<16xi32>,
          %mul3A_340 = arith.constant 80 : i32
          %mul3A_341 = arith.muli %add3A_259, %mul3A_340 : i32
          %add3A_342 = arith.constant 64 : i32
          %add3A_343 = arith.addi %mul3A_341, %add3A_342 : i32
          %get3A_344 = arith.index_cast %add3A_343 : i32 to index
          %get3A_345 = tpu.vector_load %arg6[%get3A_344] {strides = array<i32>} : memref<4000xi32, #tpu.memory_space<vmem>>, vector<16xi32>,
          %get3A_346 = vector.shape_cast %get3A_345 : vector<16xi32> to vector<16xi32>
          %add3A_347 = vector.broadcast %mul3A_23 : i32 to vector<16xi32>
          %add3A_348 = arith.addi %get3A_346, %add3A_347 : vector<16xi32>
          %swap3A_349 = arith.constant 64 : index
          %swap3A_350 = tpu.vector_load %arg8[%swap3A_349] {strides = array<i32>} : memref<80xi32, #tpu.memory_space<vmem>>, vector<16xi32>,
          %swap3A_351 = vector.shape_cast %swap3A_350 : vector<16xi32> to vector<16xi32>
          %swap3A_352 = vector.shape_cast %add3A_348 : vector<16xi32> to vector<16xi32>
          tpu.vector_store %arg8[%swap3A_349], %swap3A_352 {strides = array<i32>} : memref<80xi32, #tpu.memory_space<vmem>>, vector<16xi32>,
          %get3A_353 = arith.index_cast %add3A_343 : i32 to index
          %get3A_354 = tpu.vector_load %arg7[%get3A_353] {strides = array<i32>} : memref<4000xi32, #tpu.memory_space<vmem>>, vector<16xi32>,
          %get3A_355 = vector.shape_cast %get3A_354 : vector<16xi32> to vector<16xi32>
          %swap3A_356 = arith.constant 64 : index
          %swap3A_357 = tpu.vector_load %arg9[%swap3A_356] {strides = array<i32>} : memref<80xi32, #tpu.memory_space<vmem>>, vector<16xi32>,
          %swap3A_358 = vector.shape_cast %swap3A_357 : vector<16xi32> to vector<16xi32>
          %swap3A_359 = vector.shape_cast %get3A_355 : vector<16xi32> to vector<16xi32>
          tpu.vector_store %arg9[%swap3A_356], %swap3A_359 {strides = array<i32>} : memref<80xi32, #tpu.memory_space<vmem>>, vector<16xi32>,
          %dma_start3A_360 = arith.constant 0 : i32
          %dma_start3A_361 = arith.constant 0 : i32
          %dma_start3A_362 = tpu.memref_slice %arg2[%dma_start3A_360, %dma_start3A_361] : memref<20000x128xf32, #tpu.memory_space<hbm>> -> memref<20000x128xf32, #tpu.memory_space<hbm>>
          tpu.enqueue_indirect_dma source(%dma_start3A_362 : memref<20000x128xf32, #tpu.memory_space<hbm>>) target(%arg12 : memref<80x128xf32, #tpu.memory_space<vmem>>) offsets(%arg8 : memref<80xi32, #tpu.memory_space<vmem>>) semaphore(%arg16 : memref<!tpu.dma_semaphore, #tpu.memory_space<semaphore_mem>>)
        } else {
        }
        %dma_wait3A_252 = arith.constant 0 : i32
        %dma_wait3A_253 = arith.constant 0 : i32
        %dma_wait3A_254 = tpu.memref_slice %arg2[%dma_wait3A_252, %dma_wait3A_253] : memref<20000x128xf32, #tpu.memory_space<hbm>> -> memref<20000x128xf32, #tpu.memory_space<hbm>>
        tpu.wait_indirect_dma semaphore(%arg17 : memref<!tpu.dma_semaphore, #tpu.memory_space<semaphore_mem>>) src(%dma_wait3A_254 : memref<20000x128xf32, #tpu.memory_space<hbm>>) dst(%arg13 : memref<80x128xf32, #tpu.memory_space<vmem>>)
        "tpu.region"() ({
          %run_scoped3A = tpu.sem_alloc : memref<!tpu.dma_semaphore, #tpu.memory_space<semaphore_mem>>
          %dma_start3A_256 = arith.constant 0 : i32
          %dma_start3A_257 = arith.constant 0 : i32
          %dma_start3A_258 = tpu.memref_slice %arg15[%dma_start3A_256, %dma_start3A_257] : memref<10000x128xf32, #tpu.memory_space<vmem_shared>> -> memref<10000x128xf32, #tpu.memory_space<vmem_shared>>
          tpu.enqueue_indirect_dma source(%arg13 : memref<80x128xf32, #tpu.memory_space<vmem>>) target(%dma_start3A_258 : memref<10000x128xf32, #tpu.memory_space<vmem_shared>>) offsets(%arg11 : memref<80xi32, #tpu.memory_space<vmem>>) semaphore(%run_scoped3A : memref<!tpu.dma_semaphore, #tpu.memory_space<semaphore_mem>>) {add = true}
          %dma_wait3A_259 = arith.constant 0 : i32
          %dma_wait3A_260 = arith.constant 0 : i32
          %dma_wait3A_261 = tpu.memref_slice %arg15[%dma_wait3A_259, %dma_wait3A_260] : memref<10000x128xf32, #tpu.memory_space<vmem_shared>> -> memref<10000x128xf32, #tpu.memory_space<vmem_shared>>
          tpu.wait_indirect_dma semaphore(%run_scoped3A : memref<!tpu.dma_semaphore, #tpu.memory_space<semaphore_mem>>) src(%arg13 : memref<80x128xf32, #tpu.memory_space<vmem>>) dst(%dma_wait3A_261 : memref<10000x128xf32, #tpu.memory_space<vmem_shared>>)
          tpu.yield
        }) : () -> ()
        %scan3A_255 = arith.constant 0 : i32
        scf.yield %scan3A_255 : i32
      }
      %scan3A_137 = arith.constant 25 : i32
      %scan3A_138 = arith.constant 0 : i32
      scf.yield %scan3A_138 : i32
    }
    %scan3A_30 = arith.constant 5 : i32
    %barrier3A_31 = arith.constant 0 : index
    tpu.barrier barrier_id(%barrier3A_31)
    %while3A_32 = arith.constant 0 : i32
    %while3A_33 = arith.constant 0 : i32
    %while3A_34 = arith.subi %select_n3A, %while3A_32 : i32
    %while3A_35 = arith.addi %while3A_32, %while3A_34 : i32
    %while3A_36 = arith.constant 1 : i32
    %while3A_37 = arith.divsi %while3A_34, %while3A_36 : i32
    %while3A_38 = arith.muli %while3A_37, %while3A_36 : i32
    %while3A_39 = arith.addi %while3A_32, %while3A_38 : i32
    %while3A_40 = arith.constant 1 : i32
    %while3A_41 = scf.for %while3A_44 = %while3A_32 to %while3A_39 step %while3A_40 iter_args(%while3A_45 = %while3A_33) -> (i32)  : i32 {
      %mul3A_46 = arith.constant 16 : i32
      %mul3A_47 = arith.muli %while3A_44, %mul3A_46 : i32
      %add3A = arith.addi %mul3A_6, %mul3A_47 : i32
      "tpu.region"() ({
        %run_scoped3A = tpu.sem_alloc : memref<!tpu.dma_semaphore, #tpu.memory_space<semaphore_mem>>
        %dma_start3A = arith.constant 0 : i32
        %dma_start3A_50 = tpu.memref_slice %arg15[%add3A, %dma_start3A] : memref<10000x128xf32, #tpu.memory_space<vmem_shared>> -> memref<16x128xf32, #tpu.memory_space<vmem_shared>>
        %dma_start3A_51 = arith.constant 0 : i32
        %dma_start3A_52 = tpu.memref_slice %arg15[%add3A, %dma_start3A_51] : memref<10000x128xf32, #tpu.memory_space<vmem_shared>> -> memref<16x128xf32, #tpu.memory_space<vmem_shared>>
        tpu.enqueue_dma source(%dma_start3A_52 : memref<16x128xf32, #tpu.memory_space<vmem_shared>>) target(%arg14 : memref<16x128xf32, #tpu.memory_space<vmem>>) target_semaphore(%run_scoped3A : memref<!tpu.dma_semaphore, #tpu.memory_space<semaphore_mem>>)
        %dma_wait3A = arith.constant 0 : i32
        %dma_wait3A_53 = tpu.memref_slice %arg15[%add3A, %dma_wait3A] : memref<10000x128xf32, #tpu.memory_space<vmem_shared>> -> memref<16x128xf32, #tpu.memory_space<vmem_shared>>
        %dma_wait3A_54 = arith.constant 0 : i32
        %dma_wait3A_55 = tpu.memref_slice %arg15[%add3A, %dma_wait3A_54] : memref<10000x128xf32, #tpu.memory_space<vmem_shared>> -> memref<16x128xf32, #tpu.memory_space<vmem_shared>>
        tpu.wait_dma2 semaphore(%run_scoped3A : memref<!tpu.dma_semaphore, #tpu.memory_space<semaphore_mem>>) src(%dma_wait3A_55 : memref<16x128xf32, #tpu.memory_space<vmem_shared>>) dst(%arg14 : memref<16x128xf32, #tpu.memory_space<vmem>>)
        tpu.yield
      }) : () -> ()
      %add3A_48 = arith.addi %mul3A_23, %add3A : i32
      "tpu.region"() ({
        %run_scoped3A = tpu.sem_alloc : memref<!tpu.dma_semaphore, #tpu.memory_space<semaphore_mem>>
        %dma_start3A = arith.constant 0 : i32
        %dma_start3A_50 = tpu.memref_slice %arg5[%add3A_48, %dma_start3A] : memref<20000x128xf32, #tpu.memory_space<hbm>> -> memref<16x128xf32, #tpu.memory_space<hbm>>
        %dma_start3A_51 = arith.constant 0 : i32
        %dma_start3A_52 = tpu.memref_slice %arg5[%add3A_48, %dma_start3A_51] : memref<20000x128xf32, #tpu.memory_space<hbm>> -> memref<16x128xf32, #tpu.memory_space<hbm>>
        tpu.enqueue_dma source(%arg14 : memref<16x128xf32, #tpu.memory_space<vmem>>) target(%dma_start3A_52 : memref<16x128xf32, #tpu.memory_space<hbm>>) target_semaphore(%run_scoped3A : memref<!tpu.dma_semaphore, #tpu.memory_space<semaphore_mem>>)
        %dma_wait3A = arith.constant 0 : i32
        %dma_wait3A_53 = tpu.memref_slice %arg5[%add3A_48, %dma_wait3A] : memref<20000x128xf32, #tpu.memory_space<hbm>> -> memref<16x128xf32, #tpu.memory_space<hbm>>
        %dma_wait3A_54 = arith.constant 0 : i32
        %dma_wait3A_55 = tpu.memref_slice %arg5[%add3A_48, %dma_wait3A_54] : memref<20000x128xf32, #tpu.memory_space<hbm>> -> memref<16x128xf32, #tpu.memory_space<hbm>>
        tpu.wait_dma2 semaphore(%run_scoped3A : memref<!tpu.dma_semaphore, #tpu.memory_space<semaphore_mem>>) src(%arg14 : memref<16x128xf32, #tpu.memory_space<vmem>>) dst(%dma_wait3A_55 : memref<16x128xf32, #tpu.memory_space<hbm>>)
        tpu.yield
      }) : () -> ()
      %while3A_49 = arith.constant 0 : i32
      scf.yield %while3A_49 : i32
    }
    %while3A_42 = arith.constant 1 : i32
    %while3A_43 = scf.for %while3A_44 = %while3A_39 to %while3A_35 step %while3A_42 iter_args(%while3A_45 = %while3A_41) -> (i32)  : i32 {
      %mul3A_46 = arith.constant 16 : i32
      %mul3A_47 = arith.muli %while3A_44, %mul3A_46 : i32
      %add3A = arith.addi %mul3A_6, %mul3A_47 : i32
      "tpu.region"() ({
        %run_scoped3A = tpu.sem_alloc : memref<!tpu.dma_semaphore, #tpu.memory_space<semaphore_mem>>
        %dma_start3A = arith.constant 0 : i32
        %dma_start3A_50 = tpu.memref_slice %arg15[%add3A, %dma_start3A] : memref<10000x128xf32, #tpu.memory_space<vmem_shared>> -> memref<16x128xf32, #tpu.memory_space<vmem_shared>>
        %dma_start3A_51 = arith.constant 0 : i32
        %dma_start3A_52 = tpu.memref_slice %arg15[%add3A, %dma_start3A_51] : memref<10000x128xf32, #tpu.memory_space<vmem_shared>> -> memref<16x128xf32, #tpu.memory_space<vmem_shared>>
        tpu.enqueue_dma source(%dma_start3A_52 : memref<16x128xf32, #tpu.memory_space<vmem_shared>>) target(%arg14 : memref<16x128xf32, #tpu.memory_space<vmem>>) target_semaphore(%run_scoped3A : memref<!tpu.dma_semaphore, #tpu.memory_space<semaphore_mem>>)
        %dma_wait3A = arith.constant 0 : i32
        %dma_wait3A_53 = tpu.memref_slice %arg15[%add3A, %dma_wait3A] : memref<10000x128xf32, #tpu.memory_space<vmem_shared>> -> memref<16x128xf32, #tpu.memory_space<vmem_shared>>
        %dma_wait3A_54 = arith.constant 0 : i32
        %dma_wait3A_55 = tpu.memref_slice %arg15[%add3A, %dma_wait3A_54] : memref<10000x128xf32, #tpu.memory_space<vmem_shared>> -> memref<16x128xf32, #tpu.memory_space<vmem_shared>>
        tpu.wait_dma2 semaphore(%run_scoped3A : memref<!tpu.dma_semaphore, #tpu.memory_space<semaphore_mem>>) src(%dma_wait3A_55 : memref<16x128xf32, #tpu.memory_space<vmem_shared>>) dst(%arg14 : memref<16x128xf32, #tpu.memory_space<vmem>>)
        tpu.yield
      }) : () -> ()
      %add3A_48 = arith.addi %mul3A_23, %add3A : i32
      "tpu.region"() ({
        %run_scoped3A = tpu.sem_alloc : memref<!tpu.dma_semaphore, #tpu.memory_space<semaphore_mem>>
        %dma_start3A = arith.constant 0 : i32
        %dma_start3A_50 = tpu.memref_slice %arg5[%add3A_48, %dma_start3A] : memref<20000x128xf32, #tpu.memory_space<hbm>> -> memref<16x128xf32, #tpu.memory_space<hbm>>
        %dma_start3A_51 = arith.constant 0 : i32
        %dma_start3A_52 = tpu.memref_slice %arg5[%add3A_48, %dma_start3A_51] : memref<20000x128xf32, #tpu.memory_space<hbm>> -> memref<16x128xf32, #tpu.memory_space<hbm>>
        tpu.enqueue_dma source(%arg14 : memref<16x128xf32, #tpu.memory_space<vmem>>) target(%dma_start3A_52 : memref<16x128xf32, #tpu.memory_space<hbm>>) target_semaphore(%run_scoped3A : memref<!tpu.dma_semaphore, #tpu.memory_space<semaphore_mem>>)
        %dma_wait3A = arith.constant 0 : i32
        %dma_wait3A_53 = tpu.memref_slice %arg5[%add3A_48, %dma_wait3A] : memref<20000x128xf32, #tpu.memory_space<hbm>> -> memref<16x128xf32, #tpu.memory_space<hbm>>
        %dma_wait3A_54 = arith.constant 0 : i32
        %dma_wait3A_55 = tpu.memref_slice %arg5[%add3A_48, %dma_wait3A_54] : memref<20000x128xf32, #tpu.memory_space<hbm>> -> memref<16x128xf32, #tpu.memory_space<hbm>>
        tpu.wait_dma2 semaphore(%run_scoped3A : memref<!tpu.dma_semaphore, #tpu.memory_space<semaphore_mem>>) src(%arg14 : memref<16x128xf32, #tpu.memory_space<vmem>>) dst(%dma_wait3A_55 : memref<16x128xf32, #tpu.memory_space<hbm>>)
        tpu.yield
      }) : () -> ()
      %while3A_49 = arith.constant 0 : i32
      scf.yield %while3A_49 : i32
    }
    return
  }
}

#map = affine_map<(d0, d1) -> (0, 0)>
#map1 = affine_map<(d0, d1) -> (0)>
module attributes {stable_mosaic.version = 14 : i64} {
  func.func @_scat_body(%arg0: i32, %arg1: i32, %arg2: memref<20000x128xf32, #tpu.memory_space<hbm>>, %arg3: memref<320000xi32, #tpu.memory_space<hbm>>, %arg4: memref<320000xi32, #tpu.memory_space<hbm>>, %arg5: memref<20000x128xf32, #tpu.memory_space<hbm>>, %arg6: memref<4000xi32, #tpu.memory_space<vmem>>, %arg7: memref<4000xi32, #tpu.memory_space<vmem>>, %arg8: memref<80xi32, #tpu.memory_space<vmem>>, %arg9: memref<80xi32, #tpu.memory_space<vmem>>, %arg10: memref<80xi32, #tpu.memory_space<vmem>>, %arg11: memref<80xi32, #tpu.memory_space<vmem>>, %arg12: memref<80x128xf32, #tpu.memory_space<vmem>>, %arg13: memref<80x128xf32, #tpu.memory_space<vmem>>, %arg14: memref<16x128xf32, #tpu.memory_space<vmem>>, %arg15: memref<10000x128xf32, #tpu.memory_space<vmem_shared>>, %arg16: memref<!tpu.dma_semaphore, #tpu.memory_space<semaphore_mem>>, %arg17: memref<!tpu.dma_semaphore, #tpu.memory_space<semaphore_mem>>) attributes {dimension_semantics = [#tpu.dimension_semantics<core_parallel>, #tpu.dimension_semantics<subcore_parallel>], iteration_bounds = array<i64: 2, 16>, scalar_prefetch = 0 : i64, scratch_operands = 12 : i64, tpu.core_type = #tpu.core_type<sc_vector_subcore>, window_params = [{transform_indices = #map}, {transform_indices = #map1}, {transform_indices = #map1}, {transform_indices = #map}]} {
    %scan3A = arith.constant 0 : i32
    %scan3A_0 = arith.constant 0 : i32
    %scan3A_1 = arith.constant 128 : i32
    %scan3A_2 = arith.addi %scan3A_0, %scan3A_1 : i32
    %scan3A_3 = arith.constant 1 : i32
    %scan3A_4 = scf.for %scan3A_44 = %scan3A_0 to %scan3A_2 step %scan3A_3 iter_args(%scan3A_45 = %scan3A) -> (i32)  : i32 {
      %broadcast_in_dim3A = arith.constant 0.000000e+00 : f32
      %broadcast_in_dim3A_46 = vector.broadcast %broadcast_in_dim3A : f32 to vector<16xf32>
      %jit3A_47 = arith.constant 8 : i32
      %div3A = arith.divsi %scan3A_44, %jit3A_47 : i32
      %sign3A = arith.constant 0 : i32
      %sign3A_48 = arith.cmpi sgt, %scan3A_44, %sign3A : i32
      %sign3A_49 = arith.extui %sign3A_48 : i1 to i32
      %sign3A_50 = arith.constant 0 : i32
      %sign3A_51 = arith.cmpi slt, %scan3A_44, %sign3A_50 : i32
      %sign3A_52 = arith.extui %sign3A_51 : i1 to i32
      %sign3A_53 = arith.subi %sign3A_49, %sign3A_52 : i32
      %sign3A_54 = arith.constant 0 : i32
      %sign3A_55 = arith.cmpi sgt, %jit3A_47, %sign3A_54 : i32
      %sign3A_56 = arith.extui %sign3A_55 : i1 to i32
      %sign3A_57 = arith.constant 0 : i32
      %sign3A_58 = arith.cmpi slt, %jit3A_47, %sign3A_57 : i32
      %sign3A_59 = arith.extui %sign3A_58 : i1 to i32
      %sign3A_60 = arith.subi %sign3A_56, %sign3A_59 : i32
      %ne3A = arith.cmpi ne, %sign3A_53, %sign3A_60 : i32
      %rem3A = arith.remsi %scan3A_44, %jit3A_47 : i32
      %ne3A_61 = arith.constant 0 : i32
      %ne3A_62 = arith.cmpi ne, %rem3A, %ne3A_61 : i32
      %and3A = arith.andi %ne3A, %ne3A_62 : i1
      %sub3A = arith.constant 1 : i32
      %sub3A_63 = arith.subi %div3A, %sub3A : i32
      %select_n3A_64 = arith.select %and3A, %sub3A_63, %div3A : i32
      %jit3A_65 = arith.constant 8 : i32
      %eq3A_66 = arith.constant 0 : i32
      %eq3A_67 = arith.cmpi eq, %jit3A_65, %eq3A_66 : i32
      %jit3A_68 = arith.constant 1 : i32
      %select_n3A_69 = arith.select %eq3A_67, %jit3A_68, %jit3A_65 : i32
      %rem3A_70 = arith.remsi %scan3A_44, %select_n3A_69 : i32
      %ne3A_71 = arith.constant 0 : i32
      %ne3A_72 = arith.cmpi ne, %rem3A_70, %ne3A_71 : i32
      %lt3A = arith.constant 0 : i32
      %lt3A_73 = arith.cmpi slt, %rem3A_70, %lt3A : i32
      %lt3A_74 = arith.constant 0 : i32
      %lt3A_75 = arith.cmpi slt, %select_n3A_69, %lt3A_74 : i32
      %ne3A_76 = arith.xori %lt3A_73, %lt3A_75 : i1
      %and3A_77 = arith.andi %ne3A_76, %ne3A_72 : i1
      %add3A = arith.addi %rem3A_70, %select_n3A_69 : i32
      %select_n3A_78 = arith.select %and3A_77, %add3A, %rem3A_70 : i32
      %mul3A_79 = arith.constant 16 : i32
      %mul3A_80 = arith.muli %select_n3A_78, %mul3A_79 : i32
      %swap3A = arith.index_cast %select_n3A_64 : i32 to index
      %swap3A_81 = arith.index_cast %mul3A_80 : i32 to index
      %swap3A_82 = tpu.vector_load %arg14[%swap3A, %swap3A_81] {strides = array<i32>} : memref<16x128xf32, #tpu.memory_space<vmem>>, vector<1x16xf32>,
      %swap3A_83 = vector.shape_cast %swap3A_82 : vector<1x16xf32> to vector<16xf32>
      %swap3A_84 = vector.shape_cast %broadcast_in_dim3A_46 : vector<16xf32> to vector<1x16xf32>
      tpu.vector_store %arg14[%swap3A, %swap3A_81], %swap3A_84 {strides = array<i32>} : memref<16x128xf32, #tpu.memory_space<vmem>>, vector<1x16xf32>,
      %scan3A_85 = arith.constant 0 : i32
      scf.yield %scan3A_85 : i32
    }
    %scan3A_5 = arith.constant 128 : i32
    %mul3A = arith.constant 624 : i32
    %mul3A_6 = arith.muli %arg1, %mul3A : i32
    %eq3A = arith.constant 15 : i32
    %eq3A_7 = arith.cmpi eq, %arg1, %eq3A : i32
    %jit3A = arith.constant 40 : i32
    %jit3A_8 = arith.constant 39 : i32
    %select_n3A = arith.select %eq3A_7, %jit3A, %jit3A_8 : i32
    %while3A = arith.constant 0 : i32
    %while3A_9 = arith.constant 0 : i32
    %while3A_10 = arith.subi %select_n3A, %while3A : i32
    %while3A_11 = arith.addi %while3A, %while3A_10 : i32
    %while3A_12 = arith.constant 1 : i32
    %while3A_13 = arith.divsi %while3A_10, %while3A_12 : i32
    %while3A_14 = arith.muli %while3A_13, %while3A_12 : i32
    %while3A_15 = arith.addi %while3A, %while3A_14 : i32
    %while3A_16 = arith.constant 1 : i32
    %while3A_17 = scf.for %while3A_44 = %while3A to %while3A_15 step %while3A_16 iter_args(%while3A_45 = %while3A_9) -> (i32)  : i32 {
      %mul3A_46 = arith.constant 16 : i32
      %mul3A_47 = arith.muli %while3A_44, %mul3A_46 : i32
      %add3A = arith.addi %mul3A_6, %mul3A_47 : i32
      "tpu.region"() ({
        %run_scoped3A = tpu.sem_alloc : memref<!tpu.dma_semaphore, #tpu.memory_space<semaphore_mem>>
        %dma_start3A = arith.constant 0 : i32
        %dma_start3A_49 = tpu.memref_slice %arg15[%add3A, %dma_start3A] : memref<10000x128xf32, #tpu.memory_space<vmem_shared>> -> memref<16x128xf32, #tpu.memory_space<vmem_shared>>
        %dma_start3A_50 = arith.constant 0 : i32
        %dma_start3A_51 = tpu.memref_slice %arg15[%add3A, %dma_start3A_50] : memref<10000x128xf32, #tpu.memory_space<vmem_shared>> -> memref<16x128xf32, #tpu.memory_space<vmem_shared>>
        tpu.enqueue_dma source(%arg14 : memref<16x128xf32, #tpu.memory_space<vmem>>) target(%dma_start3A_51 : memref<16x128xf32, #tpu.memory_space<vmem_shared>>) target_semaphore(%run_scoped3A : memref<!tpu.dma_semaphore, #tpu.memory_space<semaphore_mem>>)
        %dma_wait3A = arith.constant 0 : i32
        %dma_wait3A_52 = tpu.memref_slice %arg15[%add3A, %dma_wait3A] : memref<10000x128xf32, #tpu.memory_space<vmem_shared>> -> memref<16x128xf32, #tpu.memory_space<vmem_shared>>
        %dma_wait3A_53 = arith.constant 0 : i32
        %dma_wait3A_54 = tpu.memref_slice %arg15[%add3A, %dma_wait3A_53] : memref<10000x128xf32, #tpu.memory_space<vmem_shared>> -> memref<16x128xf32, #tpu.memory_space<vmem_shared>>
        tpu.wait_dma2 semaphore(%run_scoped3A : memref<!tpu.dma_semaphore, #tpu.memory_space<semaphore_mem>>) src(%arg14 : memref<16x128xf32, #tpu.memory_space<vmem>>) dst(%dma_wait3A_54 : memref<16x128xf32, #tpu.memory_space<vmem_shared>>)
        tpu.yield
      }) : () -> ()
      %while3A_48 = arith.constant 0 : i32
      scf.yield %while3A_48 : i32
    }
    %while3A_18 = arith.constant 1 : i32
    %while3A_19 = scf.for %while3A_44 = %while3A_15 to %while3A_11 step %while3A_18 iter_args(%while3A_45 = %while3A_17) -> (i32)  : i32 {
      %mul3A_46 = arith.constant 16 : i32
      %mul3A_47 = arith.muli %while3A_44, %mul3A_46 : i32
      %add3A = arith.addi %mul3A_6, %mul3A_47 : i32
      "tpu.region"() ({
        %run_scoped3A = tpu.sem_alloc : memref<!tpu.dma_semaphore, #tpu.memory_space<semaphore_mem>>
        %dma_start3A = arith.constant 0 : i32
        %dma_start3A_49 = tpu.memref_slice %arg15[%add3A, %dma_start3A] : memref<10000x128xf32, #tpu.memory_space<vmem_shared>> -> memref<16x128xf32, #tpu.memory_space<vmem_shared>>
        %dma_start3A_50 = arith.constant 0 : i32
        %dma_start3A_51 = tpu.memref_slice %arg15[%add3A, %dma_start3A_50] : memref<10000x128xf32, #tpu.memory_space<vmem_shared>> -> memref<16x128xf32, #tpu.memory_space<vmem_shared>>
        tpu.enqueue_dma source(%arg14 : memref<16x128xf32, #tpu.memory_space<vmem>>) target(%dma_start3A_51 : memref<16x128xf32, #tpu.memory_space<vmem_shared>>) target_semaphore(%run_scoped3A : memref<!tpu.dma_semaphore, #tpu.memory_space<semaphore_mem>>)
        %dma_wait3A = arith.constant 0 : i32
        %dma_wait3A_52 = tpu.memref_slice %arg15[%add3A, %dma_wait3A] : memref<10000x128xf32, #tpu.memory_space<vmem_shared>> -> memref<16x128xf32, #tpu.memory_space<vmem_shared>>
        %dma_wait3A_53 = arith.constant 0 : i32
        %dma_wait3A_54 = tpu.memref_slice %arg15[%add3A, %dma_wait3A_53] : memref<10000x128xf32, #tpu.memory_space<vmem_shared>> -> memref<16x128xf32, #tpu.memory_space<vmem_shared>>
        tpu.wait_dma2 semaphore(%run_scoped3A : memref<!tpu.dma_semaphore, #tpu.memory_space<semaphore_mem>>) src(%arg14 : memref<16x128xf32, #tpu.memory_space<vmem>>) dst(%dma_wait3A_54 : memref<16x128xf32, #tpu.memory_space<vmem_shared>>)
        tpu.yield
      }) : () -> ()
      %while3A_48 = arith.constant 0 : i32
      scf.yield %while3A_48 : i32
    }
    %mul3A_20 = arith.constant 20000 : i32
    %mul3A_21 = arith.muli %arg1, %mul3A_20 : i32
    %barrier3A = arith.constant 0 : index
    tpu.barrier barrier_id(%barrier3A)
    %mul3A_22 = arith.constant 10000 : i32
    %mul3A_23 = arith.muli %arg0, %mul3A_22 : i32
    %scan3A_24 = arith.constant 0 : i32
    %scan3A_25 = arith.constant 0 : i32
    %scan3A_26 = arith.constant 5 : i32
    %scan3A_27 = arith.addi %scan3A_25, %scan3A_26 : i32
    %scan3A_28 = arith.constant 1 : i32
    %scan3A_29 = scf.for %scan3A_44 = %scan3A_25 to %scan3A_27 step %scan3A_28 iter_args(%scan3A_45 = %scan3A_24) -> (i32)  : i32 {
      %mul3A_46 = arith.constant 4000 : i32
      %mul3A_47 = arith.muli %scan3A_44, %mul3A_46 : i32
      %add3A = arith.addi %mul3A_21, %mul3A_47 : i32
      "tpu.region"() ({
        %run_scoped3A = tpu.sem_alloc : memref<!tpu.dma_semaphore, #tpu.memory_space<semaphore_mem>>
        %dma_start3A_139 = tpu.memref_slice %arg3[%add3A] : memref<320000xi32, #tpu.memory_space<hbm>> -> memref<4000xi32, #tpu.memory_space<hbm>>
        %dma_start3A_140 = tpu.memref_slice %arg3[%add3A] : memref<320000xi32, #tpu.memory_space<hbm>> -> memref<4000xi32, #tpu.memory_space<hbm>>
        tpu.enqueue_dma source(%dma_start3A_140 : memref<4000xi32, #tpu.memory_space<hbm>>) target(%arg6 : memref<4000xi32, #tpu.memory_space<vmem>>) target_semaphore(%run_scoped3A : memref<!tpu.dma_semaphore, #tpu.memory_space<semaphore_mem>>)
        %dma_wait3A = tpu.memref_slice %arg3[%add3A] : memref<320000xi32, #tpu.memory_space<hbm>> -> memref<4000xi32, #tpu.memory_space<hbm>>
        %dma_wait3A_141 = tpu.memref_slice %arg3[%add3A] : memref<320000xi32, #tpu.memory_space<hbm>> -> memref<4000xi32, #tpu.memory_space<hbm>>
        tpu.wait_dma2 semaphore(%run_scoped3A : memref<!tpu.dma_semaphore, #tpu.memory_space<semaphore_mem>>) src(%dma_wait3A_141 : memref<4000xi32, #tpu.memory_space<hbm>>) dst(%arg6 : memref<4000xi32, #tpu.memory_space<vmem>>)
        tpu.yield
      }) : () -> ()
      %mul3A_48 = arith.constant 4000 : i32
      %mul3A_49 = arith.muli %scan3A_44, %mul3A_48 : i32
      %add3A_50 = arith.addi %mul3A_21, %mul3A_49 : i32
      "tpu.region"() ({
        %run_scoped3A = tpu.sem_alloc : memref<!tpu.dma_semaphore, #tpu.memory_space<semaphore_mem>>
        %dma_start3A_139 = tpu.memref_slice %arg4[%add3A_50] : memref<320000xi32, #tpu.memory_space<hbm>> -> memref<4000xi32, #tpu.memory_space<hbm>>
        %dma_start3A_140 = tpu.memref_slice %arg4[%add3A_50] : memref<320000xi32, #tpu.memory_space<hbm>> -> memref<4000xi32, #tpu.memory_space<hbm>>
        tpu.enqueue_dma source(%dma_start3A_140 : memref<4000xi32, #tpu.memory_space<hbm>>) target(%arg7 : memref<4000xi32, #tpu.memory_space<vmem>>) target_semaphore(%run_scoped3A : memref<!tpu.dma_semaphore, #tpu.memory_space<semaphore_mem>>)
        %dma_wait3A = tpu.memref_slice %arg4[%add3A_50] : memref<320000xi32, #tpu.memory_space<hbm>> -> memref<4000xi32, #tpu.memory_space<hbm>>
        %dma_wait3A_141 = tpu.memref_slice %arg4[%add3A_50] : memref<320000xi32, #tpu.memory_space<hbm>> -> memref<4000xi32, #tpu.memory_space<hbm>>
        tpu.wait_dma2 semaphore(%run_scoped3A : memref<!tpu.dma_semaphore, #tpu.memory_space<semaphore_mem>>) src(%dma_wait3A_141 : memref<4000xi32, #tpu.memory_space<hbm>>) dst(%arg7 : memref<4000xi32, #tpu.memory_space<vmem>>)
        tpu.yield
      }) : () -> ()
      %get3A = arith.constant 0 : index
      %get3A_51 = tpu.vector_load %arg6[%get3A] {strides = array<i32>} : memref<4000xi32, #tpu.memory_space<vmem>>, vector<16xi32>,
      %get3A_52 = vector.shape_cast %get3A_51 : vector<16xi32> to vector<16xi32>
      %add3A_53 = vector.broadcast %mul3A_23 : i32 to vector<16xi32>
      %add3A_54 = arith.addi %get3A_52, %add3A_53 : vector<16xi32>
      %swap3A = arith.constant 0 : index
      %swap3A_55 = tpu.vector_load %arg8[%swap3A] {strides = array<i32>} : memref<80xi32, #tpu.memory_space<vmem>>, vector<16xi32>,
      %swap3A_56 = vector.shape_cast %swap3A_55 : vector<16xi32> to vector<16xi32>
      %swap3A_57 = vector.shape_cast %add3A_54 : vector<16xi32> to vector<16xi32>
      tpu.vector_store %arg8[%swap3A], %swap3A_57 {strides = array<i32>} : memref<80xi32, #tpu.memory_space<vmem>>, vector<16xi32>,
      %get3A_58 = arith.constant 0 : index
      %get3A_59 = tpu.vector_load %arg7[%get3A_58] {strides = array<i32>} : memref<4000xi32, #tpu.memory_space<vmem>>, vector<16xi32>,
      %get3A_60 = vector.shape_cast %get3A_59 : vector<16xi32> to vector<16xi32>
      %swap3A_61 = arith.constant 0 : index
      %swap3A_62 = tpu.vector_load %arg9[%swap3A_61] {strides = array<i32>} : memref<80xi32, #tpu.memory_space<vmem>>, vector<16xi32>,
      %swap3A_63 = vector.shape_cast %swap3A_62 : vector<16xi32> to vector<16xi32>
      %swap3A_64 = vector.shape_cast %get3A_60 : vector<16xi32> to vector<16xi32>
      tpu.vector_store %arg9[%swap3A_61], %swap3A_64 {strides = array<i32>} : memref<80xi32, #tpu.memory_space<vmem>>, vector<16xi32>,
      %get3A_65 = arith.constant 16 : index
      %get3A_66 = tpu.vector_load %arg6[%get3A_65] {strides = array<i32>} : memref<4000xi32, #tpu.memory_space<vmem>>, vector<16xi32>,
      %get3A_67 = vector.shape_cast %get3A_66 : vector<16xi32> to vector<16xi32>
      %add3A_68 = vector.broadcast %mul3A_23 : i32 to vector<16xi32>
      %add3A_69 = arith.addi %get3A_67, %add3A_68 : vector<16xi32>
      %swap3A_70 = arith.constant 16 : index
      %swap3A_71 = tpu.vector_load %arg8[%swap3A_70] {strides = array<i32>} : memref<80xi32, #tpu.memory_space<vmem>>, vector<16xi32>,
      %swap3A_72 = vector.shape_cast %swap3A_71 : vector<16xi32> to vector<16xi32>
      %swap3A_73 = vector.shape_cast %add3A_69 : vector<16xi32> to vector<16xi32>
      tpu.vector_store %arg8[%swap3A_70], %swap3A_73 {strides = array<i32>} : memref<80xi32, #tpu.memory_space<vmem>>, vector<16xi32>,
      %get3A_74 = arith.constant 16 : index
      %get3A_75 = tpu.vector_load %arg7[%get3A_74] {strides = array<i32>} : memref<4000xi32, #tpu.memory_space<vmem>>, vector<16xi32>,
      %get3A_76 = vector.shape_cast %get3A_75 : vector<16xi32> to vector<16xi32>
      %swap3A_77 = arith.constant 16 : index
      %swap3A_78 = tpu.vector_load %arg9[%swap3A_77] {strides = array<i32>} : memref<80xi32, #tpu.memory_space<vmem>>, vector<16xi32>,
      %swap3A_79 = vector.shape_cast %swap3A_78 : vector<16xi32> to vector<16xi32>
      %swap3A_80 = vector.shape_cast %get3A_76 : vector<16xi32> to vector<16xi32>
      tpu.vector_store %arg9[%swap3A_77], %swap3A_80 {strides = array<i32>} : memref<80xi32, #tpu.memory_space<vmem>>, vector<16xi32>,
      %get3A_81 = arith.constant 32 : index
      %get3A_82 = tpu.vector_load %arg6[%get3A_81] {strides = array<i32>} : memref<4000xi32, #tpu.memory_space<vmem>>, vector<16xi32>,
      %get3A_83 = vector.shape_cast %get3A_82 : vector<16xi32> to vector<16xi32>
      %add3A_84 = vector.broadcast %mul3A_23 : i32 to vector<16xi32>
      %add3A_85 = arith.addi %get3A_83, %add3A_84 : vector<16xi32>
      %swap3A_86 = arith.constant 32 : index
      %swap3A_87 = tpu.vector_load %arg8[%swap3A_86] {strides = array<i32>} : memref<80xi32, #tpu.memory_space<vmem>>, vector<16xi32>,
      %swap3A_88 = vector.shape_cast %swap3A_87 : vector<16xi32> to vector<16xi32>
      %swap3A_89 = vector.shape_cast %add3A_85 : vector<16xi32> to vector<16xi32>
      tpu.vector_store %arg8[%swap3A_86], %swap3A_89 {strides = array<i32>} : memref<80xi32, #tpu.memory_space<vmem>>, vector<16xi32>,
      %get3A_90 = arith.constant 32 : index
      %get3A_91 = tpu.vector_load %arg7[%get3A_90] {strides = array<i32>} : memref<4000xi32, #tpu.memory_space<vmem>>, vector<16xi32>,
      %get3A_92 = vector.shape_cast %get3A_91 : vector<16xi32> to vector<16xi32>
      %swap3A_93 = arith.constant 32 : index
      %swap3A_94 = tpu.vector_load %arg9[%swap3A_93] {strides = array<i32>} : memref<80xi32, #tpu.memory_space<vmem>>, vector<16xi32>,
      %swap3A_95 = vector.shape_cast %swap3A_94 : vector<16xi32> to vector<16xi32>
      %swap3A_96 = vector.shape_cast %get3A_92 : vector<16xi32> to vector<16xi32>
      tpu.vector_store %arg9[%swap3A_93], %swap3A_96 {strides = array<i32>} : memref<80xi32, #tpu.memory_space<vmem>>, vector<16xi32>,
      %get3A_97 = arith.constant 48 : index
      %get3A_98 = tpu.vector_load %arg6[%get3A_97] {strides = array<i32>} : memref<4000xi32, #tpu.memory_space<vmem>>, vector<16xi32>,
      %get3A_99 = vector.shape_cast %get3A_98 : vector<16xi32> to vector<16xi32>
      %add3A_100 = vector.broadcast %mul3A_23 : i32 to vector<16xi32>
      %add3A_101 = arith.addi %get3A_99, %add3A_100 : vector<16xi32>
      %swap3A_102 = arith.constant 48 : index
      %swap3A_103 = tpu.vector_load %arg8[%swap3A_102] {strides = array<i32>} : memref<80xi32, #tpu.memory_space<vmem>>, vector<16xi32>,
      %swap3A_104 = vector.shape_cast %swap3A_103 : vector<16xi32> to vector<16xi32>
      %swap3A_105 = vector.shape_cast %add3A_101 : vector<16xi32> to vector<16xi32>
      tpu.vector_store %arg8[%swap3A_102], %swap3A_105 {strides = array<i32>} : memref<80xi32, #tpu.memory_space<vmem>>, vector<16xi32>,
      %get3A_106 = arith.constant 48 : index
      %get3A_107 = tpu.vector_load %arg7[%get3A_106] {strides = array<i32>} : memref<4000xi32, #tpu.memory_space<vmem>>, vector<16xi32>,
      %get3A_108 = vector.shape_cast %get3A_107 : vector<16xi32> to vector<16xi32>
      %swap3A_109 = arith.constant 48 : index
      %swap3A_110 = tpu.vector_load %arg9[%swap3A_109] {strides = array<i32>} : memref<80xi32, #tpu.memory_space<vmem>>, vector<16xi32>,
      %swap3A_111 = vector.shape_cast %swap3A_110 : vector<16xi32> to vector<16xi32>
      %swap3A_112 = vector.shape_cast %get3A_108 : vector<16xi32> to vector<16xi32>
      tpu.vector_store %arg9[%swap3A_109], %swap3A_112 {strides = array<i32>} : memref<80xi32, #tpu.memory_space<vmem>>, vector<16xi32>,
      %get3A_113 = arith.constant 64 : index
      %get3A_114 = tpu.vector_load %arg6[%get3A_113] {strides = array<i32>} : memref<4000xi32, #tpu.memory_space<vmem>>, vector<16xi32>,
      %get3A_115 = vector.shape_cast %get3A_114 : vector<16xi32> to vector<16xi32>
      %add3A_116 = vector.broadcast %mul3A_23 : i32 to vector<16xi32>
      %add3A_117 = arith.addi %get3A_115, %add3A_116 : vector<16xi32>
      %swap3A_118 = arith.constant 64 : index
      %swap3A_119 = tpu.vector_load %arg8[%swap3A_118] {strides = array<i32>} : memref<80xi32, #tpu.memory_space<vmem>>, vector<16xi32>,
      %swap3A_120 = vector.shape_cast %swap3A_119 : vector<16xi32> to vector<16xi32>
      %swap3A_121 = vector.shape_cast %add3A_117 : vector<16xi32> to vector<16xi32>
      tpu.vector_store %arg8[%swap3A_118], %swap3A_121 {strides = array<i32>} : memref<80xi32, #tpu.memory_space<vmem>>, vector<16xi32>,
      %get3A_122 = arith.constant 64 : index
      %get3A_123 = tpu.vector_load %arg7[%get3A_122] {strides = array<i32>} : memref<4000xi32, #tpu.memory_space<vmem>>, vector<16xi32>,
      %get3A_124 = vector.shape_cast %get3A_123 : vector<16xi32> to vector<16xi32>
      %swap3A_125 = arith.constant 64 : index
      %swap3A_126 = tpu.vector_load %arg9[%swap3A_125] {strides = array<i32>} : memref<80xi32, #tpu.memory_space<vmem>>, vector<16xi32>,
      %swap3A_127 = vector.shape_cast %swap3A_126 : vector<16xi32> to vector<16xi32>
      %swap3A_128 = vector.shape_cast %get3A_124 : vector<16xi32> to vector<16xi32>
      tpu.vector_store %arg9[%swap3A_125], %swap3A_128 {strides = array<i32>} : memref<80xi32, #tpu.memory_space<vmem>>, vector<16xi32>,
      %dma_start3A = arith.constant 0 : i32
      %dma_start3A_129 = arith.constant 0 : i32
      %dma_start3A_130 = tpu.memref_slice %arg2[%dma_start3A, %dma_start3A_129] : memref<20000x128xf32, #tpu.memory_space<hbm>> -> memref<20000x128xf32, #tpu.memory_space<hbm>>
      tpu.enqueue_indirect_dma source(%dma_start3A_130 : memref<20000x128xf32, #tpu.memory_space<hbm>>) target(%arg12 : memref<80x128xf32, #tpu.memory_space<vmem>>) offsets(%arg8 : memref<80xi32, #tpu.memory_space<vmem>>) semaphore(%arg16 : memref<!tpu.dma_semaphore, #tpu.memory_space<semaphore_mem>>)
      %scan3A_131 = arith.constant 0 : i32
      %scan3A_132 = arith.constant 0 : i32
      %scan3A_133 = arith.constant 25 : i32
      %scan3A_134 = arith.addi %scan3A_132, %scan3A_133 : i32
      %scan3A_135 = arith.constant 1 : i32
      %scan3A_136 = scf.for %scan3A_139 = %scan3A_132 to %scan3A_134 step %scan3A_135 iter_args(%scan3A_140 = %scan3A_131) -> (i32)  : i32 {
        %mul3A_141 = arith.constant 2 : i32
        %mul3A_142 = arith.muli %mul3A_141, %scan3A_139 : i32
        %add3A_143 = arith.constant 1 : i32
        %add3A_144 = arith.addi %mul3A_142, %add3A_143 : i32
        %mul3A_145 = arith.constant 80 : i32
        %mul3A_146 = arith.muli %add3A_144, %mul3A_145 : i32
        %add3A_147 = arith.constant 0 : i32
        %add3A_148 = arith.addi %mul3A_146, %add3A_147 : i32
        %get3A_149 = arith.index_cast %add3A_148 : i32 to index
        %get3A_150 = tpu.vector_load %arg6[%get3A_149] {strides = array<i32>} : memref<4000xi32, #tpu.memory_space<vmem>>, vector<16xi32>,
        %get3A_151 = vector.shape_cast %get3A_150 : vector<16xi32> to vector<16xi32>
        %add3A_152 = vector.broadcast %mul3A_23 : i32 to vector<16xi32>
        %add3A_153 = arith.addi %get3A_151, %add3A_152 : vector<16xi32>
        %swap3A_154 = arith.constant 0 : index
        %swap3A_155 = tpu.vector_load %arg10[%swap3A_154] {strides = array<i32>} : memref<80xi32, #tpu.memory_space<vmem>>, vector<16xi32>,
        %swap3A_156 = vector.shape_cast %swap3A_155 : vector<16xi32> to vector<16xi32>
        %swap3A_157 = vector.shape_cast %add3A_153 : vector<16xi32> to vector<16xi32>
        tpu.vector_store %arg10[%swap3A_154], %swap3A_157 {strides = array<i32>} : memref<80xi32, #tpu.memory_space<vmem>>, vector<16xi32>,
        %get3A_158 = arith.index_cast %add3A_148 : i32 to index
        %get3A_159 = tpu.vector_load %arg7[%get3A_158] {strides = array<i32>} : memref<4000xi32, #tpu.memory_space<vmem>>, vector<16xi32>,
        %get3A_160 = vector.shape_cast %get3A_159 : vector<16xi32> to vector<16xi32>
        %swap3A_161 = arith.constant 0 : index
        %swap3A_162 = tpu.vector_load %arg11[%swap3A_161] {strides = array<i32>} : memref<80xi32, #tpu.memory_space<vmem>>, vector<16xi32>,
        %swap3A_163 = vector.shape_cast %swap3A_162 : vector<16xi32> to vector<16xi32>
        %swap3A_164 = vector.shape_cast %get3A_160 : vector<16xi32> to vector<16xi32>
        tpu.vector_store %arg11[%swap3A_161], %swap3A_164 {strides = array<i32>} : memref<80xi32, #tpu.memory_space<vmem>>, vector<16xi32>,
        %mul3A_165 = arith.constant 80 : i32
        %mul3A_166 = arith.muli %add3A_144, %mul3A_165 : i32
        %add3A_167 = arith.constant 16 : i32
        %add3A_168 = arith.addi %mul3A_166, %add3A_167 : i32
        %get3A_169 = arith.index_cast %add3A_168 : i32 to index
        %get3A_170 = tpu.vector_load %arg6[%get3A_169] {strides = array<i32>} : memref<4000xi32, #tpu.memory_space<vmem>>, vector<16xi32>,
        %get3A_171 = vector.shape_cast %get3A_170 : vector<16xi32> to vector<16xi32>
        %add3A_172 = vector.broadcast %mul3A_23 : i32 to vector<16xi32>
        %add3A_173 = arith.addi %get3A_171, %add3A_172 : vector<16xi32>
        %swap3A_174 = arith.constant 16 : index
        %swap3A_175 = tpu.vector_load %arg10[%swap3A_174] {strides = array<i32>} : memref<80xi32, #tpu.memory_space<vmem>>, vector<16xi32>,
        %swap3A_176 = vector.shape_cast %swap3A_175 : vector<16xi32> to vector<16xi32>
        %swap3A_177 = vector.shape_cast %add3A_173 : vector<16xi32> to vector<16xi32>
        tpu.vector_store %arg10[%swap3A_174], %swap3A_177 {strides = array<i32>} : memref<80xi32, #tpu.memory_space<vmem>>, vector<16xi32>,
        %get3A_178 = arith.index_cast %add3A_168 : i32 to index
        %get3A_179 = tpu.vector_load %arg7[%get3A_178] {strides = array<i32>} : memref<4000xi32, #tpu.memory_space<vmem>>, vector<16xi32>,
        %get3A_180 = vector.shape_cast %get3A_179 : vector<16xi32> to vector<16xi32>
        %swap3A_181 = arith.constant 16 : index
        %swap3A_182 = tpu.vector_load %arg11[%swap3A_181] {strides = array<i32>} : memref<80xi32, #tpu.memory_space<vmem>>, vector<16xi32>,
        %swap3A_183 = vector.shape_cast %swap3A_182 : vector<16xi32> to vector<16xi32>
        %swap3A_184 = vector.shape_cast %get3A_180 : vector<16xi32> to vector<16xi32>
        tpu.vector_store %arg11[%swap3A_181], %swap3A_184 {strides = array<i32>} : memref<80xi32, #tpu.memory_space<vmem>>, vector<16xi32>,
        %mul3A_185 = arith.constant 80 : i32
        %mul3A_186 = arith.muli %add3A_144, %mul3A_185 : i32
        %add3A_187 = arith.constant 32 : i32
        %add3A_188 = arith.addi %mul3A_186, %add3A_187 : i32
        %get3A_189 = arith.index_cast %add3A_188 : i32 to index
        %get3A_190 = tpu.vector_load %arg6[%get3A_189] {strides = array<i32>} : memref<4000xi32, #tpu.memory_space<vmem>>, vector<16xi32>,
        %get3A_191 = vector.shape_cast %get3A_190 : vector<16xi32> to vector<16xi32>
        %add3A_192 = vector.broadcast %mul3A_23 : i32 to vector<16xi32>
        %add3A_193 = arith.addi %get3A_191, %add3A_192 : vector<16xi32>
        %swap3A_194 = arith.constant 32 : index
        %swap3A_195 = tpu.vector_load %arg10[%swap3A_194] {strides = array<i32>} : memref<80xi32, #tpu.memory_space<vmem>>, vector<16xi32>,
        %swap3A_196 = vector.shape_cast %swap3A_195 : vector<16xi32> to vector<16xi32>
        %swap3A_197 = vector.shape_cast %add3A_193 : vector<16xi32> to vector<16xi32>
        tpu.vector_store %arg10[%swap3A_194], %swap3A_197 {strides = array<i32>} : memref<80xi32, #tpu.memory_space<vmem>>, vector<16xi32>,
        %get3A_198 = arith.index_cast %add3A_188 : i32 to index
        %get3A_199 = tpu.vector_load %arg7[%get3A_198] {strides = array<i32>} : memref<4000xi32, #tpu.memory_space<vmem>>, vector<16xi32>,
        %get3A_200 = vector.shape_cast %get3A_199 : vector<16xi32> to vector<16xi32>
        %swap3A_201 = arith.constant 32 : index
        %swap3A_202 = tpu.vector_load %arg11[%swap3A_201] {strides = array<i32>} : memref<80xi32, #tpu.memory_space<vmem>>, vector<16xi32>,
        %swap3A_203 = vector.shape_cast %swap3A_202 : vector<16xi32> to vector<16xi32>
        %swap3A_204 = vector.shape_cast %get3A_200 : vector<16xi32> to vector<16xi32>
        tpu.vector_store %arg11[%swap3A_201], %swap3A_204 {strides = array<i32>} : memref<80xi32, #tpu.memory_space<vmem>>, vector<16xi32>,
        %mul3A_205 = arith.constant 80 : i32
        %mul3A_206 = arith.muli %add3A_144, %mul3A_205 : i32
        %add3A_207 = arith.constant 48 : i32
        %add3A_208 = arith.addi %mul3A_206, %add3A_207 : i32
        %get3A_209 = arith.index_cast %add3A_208 : i32 to index
        %get3A_210 = tpu.vector_load %arg6[%get3A_209] {strides = array<i32>} : memref<4000xi32, #tpu.memory_space<vmem>>, vector<16xi32>,
        %get3A_211 = vector.shape_cast %get3A_210 : vector<16xi32> to vector<16xi32>
        %add3A_212 = vector.broadcast %mul3A_23 : i32 to vector<16xi32>
        %add3A_213 = arith.addi %get3A_211, %add3A_212 : vector<16xi32>
        %swap3A_214 = arith.constant 48 : index
        %swap3A_215 = tpu.vector_load %arg10[%swap3A_214] {strides = array<i32>} : memref<80xi32, #tpu.memory_space<vmem>>, vector<16xi32>,
        %swap3A_216 = vector.shape_cast %swap3A_215 : vector<16xi32> to vector<16xi32>
        %swap3A_217 = vector.shape_cast %add3A_213 : vector<16xi32> to vector<16xi32>
        tpu.vector_store %arg10[%swap3A_214], %swap3A_217 {strides = array<i32>} : memref<80xi32, #tpu.memory_space<vmem>>, vector<16xi32>,
        %get3A_218 = arith.index_cast %add3A_208 : i32 to index
        %get3A_219 = tpu.vector_load %arg7[%get3A_218] {strides = array<i32>} : memref<4000xi32, #tpu.memory_space<vmem>>, vector<16xi32>,
        %get3A_220 = vector.shape_cast %get3A_219 : vector<16xi32> to vector<16xi32>
        %swap3A_221 = arith.constant 48 : index
        %swap3A_222 = tpu.vector_load %arg11[%swap3A_221] {strides = array<i32>} : memref<80xi32, #tpu.memory_space<vmem>>, vector<16xi32>,
        %swap3A_223 = vector.shape_cast %swap3A_222 : vector<16xi32> to vector<16xi32>
        %swap3A_224 = vector.shape_cast %get3A_220 : vector<16xi32> to vector<16xi32>
        tpu.vector_store %arg11[%swap3A_221], %swap3A_224 {strides = array<i32>} : memref<80xi32, #tpu.memory_space<vmem>>, vector<16xi32>,
        %mul3A_225 = arith.constant 80 : i32
        %mul3A_226 = arith.muli %add3A_144, %mul3A_225 : i32
        %add3A_227 = arith.constant 64 : i32
        %add3A_228 = arith.addi %mul3A_226, %add3A_227 : i32
        %get3A_229 = arith.index_cast %add3A_228 : i32 to index
        %get3A_230 = tpu.vector_load %arg6[%get3A_229] {strides = array<i32>} : memref<4000xi32, #tpu.memory_space<vmem>>, vector<16xi32>,
        %get3A_231 = vector.shape_cast %get3A_230 : vector<16xi32> to vector<16xi32>
        %add3A_232 = vector.broadcast %mul3A_23 : i32 to vector<16xi32>
        %add3A_233 = arith.addi %get3A_231, %add3A_232 : vector<16xi32>
        %swap3A_234 = arith.constant 64 : index
        %swap3A_235 = tpu.vector_load %arg10[%swap3A_234] {strides = array<i32>} : memref<80xi32, #tpu.memory_space<vmem>>, vector<16xi32>,
        %swap3A_236 = vector.shape_cast %swap3A_235 : vector<16xi32> to vector<16xi32>
        %swap3A_237 = vector.shape_cast %add3A_233 : vector<16xi32> to vector<16xi32>
        tpu.vector_store %arg10[%swap3A_234], %swap3A_237 {strides = array<i32>} : memref<80xi32, #tpu.memory_space<vmem>>, vector<16xi32>,
        %get3A_238 = arith.index_cast %add3A_228 : i32 to index
        %get3A_239 = tpu.vector_load %arg7[%get3A_238] {strides = array<i32>} : memref<4000xi32, #tpu.memory_space<vmem>>, vector<16xi32>,
        %get3A_240 = vector.shape_cast %get3A_239 : vector<16xi32> to vector<16xi32>
        %swap3A_241 = arith.constant 64 : index
        %swap3A_242 = tpu.vector_load %arg11[%swap3A_241] {strides = array<i32>} : memref<80xi32, #tpu.memory_space<vmem>>, vector<16xi32>,
        %swap3A_243 = vector.shape_cast %swap3A_242 : vector<16xi32> to vector<16xi32>
        %swap3A_244 = vector.shape_cast %get3A_240 : vector<16xi32> to vector<16xi32>
        tpu.vector_store %arg11[%swap3A_241], %swap3A_244 {strides = array<i32>} : memref<80xi32, #tpu.memory_space<vmem>>, vector<16xi32>,
        %dma_start3A_245 = arith.constant 0 : i32
        %dma_start3A_246 = arith.constant 0 : i32
        %dma_start3A_247 = tpu.memref_slice %arg2[%dma_start3A_245, %dma_start3A_246] : memref<20000x128xf32, #tpu.memory_space<hbm>> -> memref<20000x128xf32, #tpu.memory_space<hbm>>
        tpu.enqueue_indirect_dma source(%dma_start3A_247 : memref<20000x128xf32, #tpu.memory_space<hbm>>) target(%arg13 : memref<80x128xf32, #tpu.memory_space<vmem>>) offsets(%arg10 : memref<80xi32, #tpu.memory_space<vmem>>) semaphore(%arg17 : memref<!tpu.dma_semaphore, #tpu.memory_space<semaphore_mem>>)
        %dma_wait3A = arith.constant 0 : i32
        %dma_wait3A_248 = arith.constant 0 : i32
        %dma_wait3A_249 = tpu.memref_slice %arg2[%dma_wait3A, %dma_wait3A_248] : memref<20000x128xf32, #tpu.memory_space<hbm>> -> memref<20000x128xf32, #tpu.memory_space<hbm>>
        tpu.wait_indirect_dma semaphore(%arg16 : memref<!tpu.dma_semaphore, #tpu.memory_space<semaphore_mem>>) src(%dma_wait3A_249 : memref<20000x128xf32, #tpu.memory_space<hbm>>) dst(%arg12 : memref<80x128xf32, #tpu.memory_space<vmem>>)
        "tpu.region"() ({
          %run_scoped3A = tpu.sem_alloc : memref<!tpu.dma_semaphore, #tpu.memory_space<semaphore_mem>>
          %dma_start3A_256 = arith.constant 0 : i32
          %dma_start3A_257 = arith.constant 0 : i32
          %dma_start3A_258 = tpu.memref_slice %arg15[%dma_start3A_256, %dma_start3A_257] : memref<10000x128xf32, #tpu.memory_space<vmem_shared>> -> memref<10000x128xf32, #tpu.memory_space<vmem_shared>>
          tpu.enqueue_indirect_dma source(%arg12 : memref<80x128xf32, #tpu.memory_space<vmem>>) target(%dma_start3A_258 : memref<10000x128xf32, #tpu.memory_space<vmem_shared>>) offsets(%arg9 : memref<80xi32, #tpu.memory_space<vmem>>) semaphore(%run_scoped3A : memref<!tpu.dma_semaphore, #tpu.memory_space<semaphore_mem>>) {add = true}
          %dma_wait3A_259 = arith.constant 0 : i32
          %dma_wait3A_260 = arith.constant 0 : i32
          %dma_wait3A_261 = tpu.memref_slice %arg15[%dma_wait3A_259, %dma_wait3A_260] : memref<10000x128xf32, #tpu.memory_space<vmem_shared>> -> memref<10000x128xf32, #tpu.memory_space<vmem_shared>>
          tpu.wait_indirect_dma semaphore(%run_scoped3A : memref<!tpu.dma_semaphore, #tpu.memory_space<semaphore_mem>>) src(%arg12 : memref<80x128xf32, #tpu.memory_space<vmem>>) dst(%dma_wait3A_261 : memref<10000x128xf32, #tpu.memory_space<vmem_shared>>)
          tpu.yield
        }) : () -> ()
        %lt3A = arith.constant 24 : i32
        %lt3A_250 = arith.cmpi slt, %scan3A_139, %lt3A : i32
        %convert_element_type3A = arith.extui %lt3A_250 : i1 to i32
        %cond3A = arith.constant 0 : i32
        %cond3A_251 = arith.cmpi ne, %convert_element_type3A, %cond3A : i32
        scf.if %cond3A_251 {
          %mul3A_256 = arith.constant 2 : i32
          %mul3A_257 = arith.muli %mul3A_256, %scan3A_139 : i32
          %add3A_258 = arith.constant 2 : i32
          %add3A_259 = arith.addi %mul3A_257, %add3A_258 : i32
          %mul3A_260 = arith.constant 80 : i32
          %mul3A_261 = arith.muli %add3A_259, %mul3A_260 : i32
          %add3A_262 = arith.constant 0 : i32
          %add3A_263 = arith.addi %mul3A_261, %add3A_262 : i32
          %get3A_264 = arith.index_cast %add3A_263 : i32 to index
          %get3A_265 = tpu.vector_load %arg6[%get3A_264] {strides = array<i32>} : memref<4000xi32, #tpu.memory_space<vmem>>, vector<16xi32>,
          %get3A_266 = vector.shape_cast %get3A_265 : vector<16xi32> to vector<16xi32>
          %add3A_267 = vector.broadcast %mul3A_23 : i32 to vector<16xi32>
          %add3A_268 = arith.addi %get3A_266, %add3A_267 : vector<16xi32>
          %swap3A_269 = arith.constant 0 : index
          %swap3A_270 = tpu.vector_load %arg8[%swap3A_269] {strides = array<i32>} : memref<80xi32, #tpu.memory_space<vmem>>, vector<16xi32>,
          %swap3A_271 = vector.shape_cast %swap3A_270 : vector<16xi32> to vector<16xi32>
          %swap3A_272 = vector.shape_cast %add3A_268 : vector<16xi32> to vector<16xi32>
          tpu.vector_store %arg8[%swap3A_269], %swap3A_272 {strides = array<i32>} : memref<80xi32, #tpu.memory_space<vmem>>, vector<16xi32>,
          %get3A_273 = arith.index_cast %add3A_263 : i32 to index
          %get3A_274 = tpu.vector_load %arg7[%get3A_273] {strides = array<i32>} : memref<4000xi32, #tpu.memory_space<vmem>>, vector<16xi32>,
          %get3A_275 = vector.shape_cast %get3A_274 : vector<16xi32> to vector<16xi32>
          %swap3A_276 = arith.constant 0 : index
          %swap3A_277 = tpu.vector_load %arg9[%swap3A_276] {strides = array<i32>} : memref<80xi32, #tpu.memory_space<vmem>>, vector<16xi32>,
          %swap3A_278 = vector.shape_cast %swap3A_277 : vector<16xi32> to vector<16xi32>
          %swap3A_279 = vector.shape_cast %get3A_275 : vector<16xi32> to vector<16xi32>
          tpu.vector_store %arg9[%swap3A_276], %swap3A_279 {strides = array<i32>} : memref<80xi32, #tpu.memory_space<vmem>>, vector<16xi32>,
          %mul3A_280 = arith.constant 80 : i32
          %mul3A_281 = arith.muli %add3A_259, %mul3A_280 : i32
          %add3A_282 = arith.constant 16 : i32
          %add3A_283 = arith.addi %mul3A_281, %add3A_282 : i32
          %get3A_284 = arith.index_cast %add3A_283 : i32 to index
          %get3A_285 = tpu.vector_load %arg6[%get3A_284] {strides = array<i32>} : memref<4000xi32, #tpu.memory_space<vmem>>, vector<16xi32>,
          %get3A_286 = vector.shape_cast %get3A_285 : vector<16xi32> to vector<16xi32>
          %add3A_287 = vector.broadcast %mul3A_23 : i32 to vector<16xi32>
          %add3A_288 = arith.addi %get3A_286, %add3A_287 : vector<16xi32>
          %swap3A_289 = arith.constant 16 : index
          %swap3A_290 = tpu.vector_load %arg8[%swap3A_289] {strides = array<i32>} : memref<80xi32, #tpu.memory_space<vmem>>, vector<16xi32>,
          %swap3A_291 = vector.shape_cast %swap3A_290 : vector<16xi32> to vector<16xi32>
          %swap3A_292 = vector.shape_cast %add3A_288 : vector<16xi32> to vector<16xi32>
          tpu.vector_store %arg8[%swap3A_289], %swap3A_292 {strides = array<i32>} : memref<80xi32, #tpu.memory_space<vmem>>, vector<16xi32>,
          %get3A_293 = arith.index_cast %add3A_283 : i32 to index
          %get3A_294 = tpu.vector_load %arg7[%get3A_293] {strides = array<i32>} : memref<4000xi32, #tpu.memory_space<vmem>>, vector<16xi32>,
          %get3A_295 = vector.shape_cast %get3A_294 : vector<16xi32> to vector<16xi32>
          %swap3A_296 = arith.constant 16 : index
          %swap3A_297 = tpu.vector_load %arg9[%swap3A_296] {strides = array<i32>} : memref<80xi32, #tpu.memory_space<vmem>>, vector<16xi32>,
          %swap3A_298 = vector.shape_cast %swap3A_297 : vector<16xi32> to vector<16xi32>
          %swap3A_299 = vector.shape_cast %get3A_295 : vector<16xi32> to vector<16xi32>
          tpu.vector_store %arg9[%swap3A_296], %swap3A_299 {strides = array<i32>} : memref<80xi32, #tpu.memory_space<vmem>>, vector<16xi32>,
          %mul3A_300 = arith.constant 80 : i32
          %mul3A_301 = arith.muli %add3A_259, %mul3A_300 : i32
          %add3A_302 = arith.constant 32 : i32
          %add3A_303 = arith.addi %mul3A_301, %add3A_302 : i32
          %get3A_304 = arith.index_cast %add3A_303 : i32 to index
          %get3A_305 = tpu.vector_load %arg6[%get3A_304] {strides = array<i32>} : memref<4000xi32, #tpu.memory_space<vmem>>, vector<16xi32>,
          %get3A_306 = vector.shape_cast %get3A_305 : vector<16xi32> to vector<16xi32>
          %add3A_307 = vector.broadcast %mul3A_23 : i32 to vector<16xi32>
          %add3A_308 = arith.addi %get3A_306, %add3A_307 : vector<16xi32>
          %swap3A_309 = arith.constant 32 : index
          %swap3A_310 = tpu.vector_load %arg8[%swap3A_309] {strides = array<i32>} : memref<80xi32, #tpu.memory_space<vmem>>, vector<16xi32>,
          %swap3A_311 = vector.shape_cast %swap3A_310 : vector<16xi32> to vector<16xi32>
          %swap3A_312 = vector.shape_cast %add3A_308 : vector<16xi32> to vector<16xi32>
          tpu.vector_store %arg8[%swap3A_309], %swap3A_312 {strides = array<i32>} : memref<80xi32, #tpu.memory_space<vmem>>, vector<16xi32>,
          %get3A_313 = arith.index_cast %add3A_303 : i32 to index
          %get3A_314 = tpu.vector_load %arg7[%get3A_313] {strides = array<i32>} : memref<4000xi32, #tpu.memory_space<vmem>>, vector<16xi32>,
          %get3A_315 = vector.shape_cast %get3A_314 : vector<16xi32> to vector<16xi32>
          %swap3A_316 = arith.constant 32 : index
          %swap3A_317 = tpu.vector_load %arg9[%swap3A_316] {strides = array<i32>} : memref<80xi32, #tpu.memory_space<vmem>>, vector<16xi32>,
          %swap3A_318 = vector.shape_cast %swap3A_317 : vector<16xi32> to vector<16xi32>
          %swap3A_319 = vector.shape_cast %get3A_315 : vector<16xi32> to vector<16xi32>
          tpu.vector_store %arg9[%swap3A_316], %swap3A_319 {strides = array<i32>} : memref<80xi32, #tpu.memory_space<vmem>>, vector<16xi32>,
          %mul3A_320 = arith.constant 80 : i32
          %mul3A_321 = arith.muli %add3A_259, %mul3A_320 : i32
          %add3A_322 = arith.constant 48 : i32
          %add3A_323 = arith.addi %mul3A_321, %add3A_322 : i32
          %get3A_324 = arith.index_cast %add3A_323 : i32 to index
          %get3A_325 = tpu.vector_load %arg6[%get3A_324] {strides = array<i32>} : memref<4000xi32, #tpu.memory_space<vmem>>, vector<16xi32>,
          %get3A_326 = vector.shape_cast %get3A_325 : vector<16xi32> to vector<16xi32>
          %add3A_327 = vector.broadcast %mul3A_23 : i32 to vector<16xi32>
          %add3A_328 = arith.addi %get3A_326, %add3A_327 : vector<16xi32>
          %swap3A_329 = arith.constant 48 : index
          %swap3A_330 = tpu.vector_load %arg8[%swap3A_329] {strides = array<i32>} : memref<80xi32, #tpu.memory_space<vmem>>, vector<16xi32>,
          %swap3A_331 = vector.shape_cast %swap3A_330 : vector<16xi32> to vector<16xi32>
          %swap3A_332 = vector.shape_cast %add3A_328 : vector<16xi32> to vector<16xi32>
          tpu.vector_store %arg8[%swap3A_329], %swap3A_332 {strides = array<i32>} : memref<80xi32, #tpu.memory_space<vmem>>, vector<16xi32>,
          %get3A_333 = arith.index_cast %add3A_323 : i32 to index
          %get3A_334 = tpu.vector_load %arg7[%get3A_333] {strides = array<i32>} : memref<4000xi32, #tpu.memory_space<vmem>>, vector<16xi32>,
          %get3A_335 = vector.shape_cast %get3A_334 : vector<16xi32> to vector<16xi32>
          %swap3A_336 = arith.constant 48 : index
          %swap3A_337 = tpu.vector_load %arg9[%swap3A_336] {strides = array<i32>} : memref<80xi32, #tpu.memory_space<vmem>>, vector<16xi32>,
          %swap3A_338 = vector.shape_cast %swap3A_337 : vector<16xi32> to vector<16xi32>
          %swap3A_339 = vector.shape_cast %get3A_335 : vector<16xi32> to vector<16xi32>
          tpu.vector_store %arg9[%swap3A_336], %swap3A_339 {strides = array<i32>} : memref<80xi32, #tpu.memory_space<vmem>>, vector<16xi32>,
          %mul3A_340 = arith.constant 80 : i32
          %mul3A_341 = arith.muli %add3A_259, %mul3A_340 : i32
          %add3A_342 = arith.constant 64 : i32
          %add3A_343 = arith.addi %mul3A_341, %add3A_342 : i32
          %get3A_344 = arith.index_cast %add3A_343 : i32 to index
          %get3A_345 = tpu.vector_load %arg6[%get3A_344] {strides = array<i32>} : memref<4000xi32, #tpu.memory_space<vmem>>, vector<16xi32>,
          %get3A_346 = vector.shape_cast %get3A_345 : vector<16xi32> to vector<16xi32>
          %add3A_347 = vector.broadcast %mul3A_23 : i32 to vector<16xi32>
          %add3A_348 = arith.addi %get3A_346, %add3A_347 : vector<16xi32>
          %swap3A_349 = arith.constant 64 : index
          %swap3A_350 = tpu.vector_load %arg8[%swap3A_349] {strides = array<i32>} : memref<80xi32, #tpu.memory_space<vmem>>, vector<16xi32>,
          %swap3A_351 = vector.shape_cast %swap3A_350 : vector<16xi32> to vector<16xi32>
          %swap3A_352 = vector.shape_cast %add3A_348 : vector<16xi32> to vector<16xi32>
          tpu.vector_store %arg8[%swap3A_349], %swap3A_352 {strides = array<i32>} : memref<80xi32, #tpu.memory_space<vmem>>, vector<16xi32>,
          %get3A_353 = arith.index_cast %add3A_343 : i32 to index
          %get3A_354 = tpu.vector_load %arg7[%get3A_353] {strides = array<i32>} : memref<4000xi32, #tpu.memory_space<vmem>>, vector<16xi32>,
          %get3A_355 = vector.shape_cast %get3A_354 : vector<16xi32> to vector<16xi32>
          %swap3A_356 = arith.constant 64 : index
          %swap3A_357 = tpu.vector_load %arg9[%swap3A_356] {strides = array<i32>} : memref<80xi32, #tpu.memory_space<vmem>>, vector<16xi32>,
          %swap3A_358 = vector.shape_cast %swap3A_357 : vector<16xi32> to vector<16xi32>
          %swap3A_359 = vector.shape_cast %get3A_355 : vector<16xi32> to vector<16xi32>
          tpu.vector_store %arg9[%swap3A_356], %swap3A_359 {strides = array<i32>} : memref<80xi32, #tpu.memory_space<vmem>>, vector<16xi32>,
          %dma_start3A_360 = arith.constant 0 : i32
          %dma_start3A_361 = arith.constant 0 : i32
          %dma_start3A_362 = tpu.memref_slice %arg2[%dma_start3A_360, %dma_start3A_361] : memref<20000x128xf32, #tpu.memory_space<hbm>> -> memref<20000x128xf32, #tpu.memory_space<hbm>>
          tpu.enqueue_indirect_dma source(%dma_start3A_362 : memref<20000x128xf32, #tpu.memory_space<hbm>>) target(%arg12 : memref<80x128xf32, #tpu.memory_space<vmem>>) offsets(%arg8 : memref<80xi32, #tpu.memory_space<vmem>>) semaphore(%arg16 : memref<!tpu.dma_semaphore, #tpu.memory_space<semaphore_mem>>)
        } else {
        }
        %dma_wait3A_252 = arith.constant 0 : i32
        %dma_wait3A_253 = arith.constant 0 : i32
        %dma_wait3A_254 = tpu.memref_slice %arg2[%dma_wait3A_252, %dma_wait3A_253] : memref<20000x128xf32, #tpu.memory_space<hbm>> -> memref<20000x128xf32, #tpu.memory_space<hbm>>
        tpu.wait_indirect_dma semaphore(%arg17 : memref<!tpu.dma_semaphore, #tpu.memory_space<semaphore_mem>>) src(%dma_wait3A_254 : memref<20000x128xf32, #tpu.memory_space<hbm>>) dst(%arg13 : memref<80x128xf32, #tpu.memory_space<vmem>>)
        "tpu.region"() ({
          %run_scoped3A = tpu.sem_alloc : memref<!tpu.dma_semaphore, #tpu.memory_space<semaphore_mem>>
          %dma_start3A_256 = arith.constant 0 : i32
          %dma_start3A_257 = arith.constant 0 : i32
          %dma_start3A_258 = tpu.memref_slice %arg15[%dma_start3A_256, %dma_start3A_257] : memref<10000x128xf32, #tpu.memory_space<vmem_shared>> -> memref<10000x128xf32, #tpu.memory_space<vmem_shared>>
          tpu.enqueue_indirect_dma source(%arg13 : memref<80x128xf32, #tpu.memory_space<vmem>>) target(%dma_start3A_258 : memref<10000x128xf32, #tpu.memory_space<vmem_shared>>) offsets(%arg11 : memref<80xi32, #tpu.memory_space<vmem>>) semaphore(%run_scoped3A : memref<!tpu.dma_semaphore, #tpu.memory_space<semaphore_mem>>) {add = true}
          %dma_wait3A_259 = arith.constant 0 : i32
          %dma_wait3A_260 = arith.constant 0 : i32
          %dma_wait3A_261 = tpu.memref_slice %arg15[%dma_wait3A_259, %dma_wait3A_260] : memref<10000x128xf32, #tpu.memory_space<vmem_shared>> -> memref<10000x128xf32, #tpu.memory_space<vmem_shared>>
          tpu.wait_indirect_dma semaphore(%run_scoped3A : memref<!tpu.dma_semaphore, #tpu.memory_space<semaphore_mem>>) src(%arg13 : memref<80x128xf32, #tpu.memory_space<vmem>>) dst(%dma_wait3A_261 : memref<10000x128xf32, #tpu.memory_space<vmem_shared>>)
          tpu.yield
        }) : () -> ()
        %scan3A_255 = arith.constant 0 : i32
        scf.yield %scan3A_255 : i32
      }
      %scan3A_137 = arith.constant 25 : i32
      %scan3A_138 = arith.constant 0 : i32
      scf.yield %scan3A_138 : i32
    }
    %scan3A_30 = arith.constant 5 : i32
    %barrier3A_31 = arith.constant 0 : index
    tpu.barrier barrier_id(%barrier3A_31)
    %while3A_32 = arith.constant 0 : i32
    %while3A_33 = arith.constant 0 : i32
    %while3A_34 = arith.subi %select_n3A, %while3A_32 : i32
    %while3A_35 = arith.addi %while3A_32, %while3A_34 : i32
    %while3A_36 = arith.constant 1 : i32
    %while3A_37 = arith.divsi %while3A_34, %while3A_36 : i32
    %while3A_38 = arith.muli %while3A_37, %while3A_36 : i32
    %while3A_39 = arith.addi %while3A_32, %while3A_38 : i32
    %while3A_40 = arith.constant 1 : i32
    %while3A_41 = scf.for %while3A_44 = %while3A_32 to %while3A_39 step %while3A_40 iter_args(%while3A_45 = %while3A_33) -> (i32)  : i32 {
      %mul3A_46 = arith.constant 16 : i32
      %mul3A_47 = arith.muli %while3A_44, %mul3A_46 : i32
      %add3A = arith.addi %mul3A_6, %mul3A_47 : i32
      "tpu.region"() ({
        %run_scoped3A = tpu.sem_alloc : memref<!tpu.dma_semaphore, #tpu.memory_space<semaphore_mem>>
        %dma_start3A = arith.constant 0 : i32
        %dma_start3A_50 = tpu.memref_slice %arg15[%add3A, %dma_start3A] : memref<10000x128xf32, #tpu.memory_space<vmem_shared>> -> memref<16x128xf32, #tpu.memory_space<vmem_shared>>
        %dma_start3A_51 = arith.constant 0 : i32
        %dma_start3A_52 = tpu.memref_slice %arg15[%add3A, %dma_start3A_51] : memref<10000x128xf32, #tpu.memory_space<vmem_shared>> -> memref<16x128xf32, #tpu.memory_space<vmem_shared>>
        tpu.enqueue_dma source(%dma_start3A_52 : memref<16x128xf32, #tpu.memory_space<vmem_shared>>) target(%arg14 : memref<16x128xf32, #tpu.memory_space<vmem>>) target_semaphore(%run_scoped3A : memref<!tpu.dma_semaphore, #tpu.memory_space<semaphore_mem>>)
        %dma_wait3A = arith.constant 0 : i32
        %dma_wait3A_53 = tpu.memref_slice %arg15[%add3A, %dma_wait3A] : memref<10000x128xf32, #tpu.memory_space<vmem_shared>> -> memref<16x128xf32, #tpu.memory_space<vmem_shared>>
        %dma_wait3A_54 = arith.constant 0 : i32
        %dma_wait3A_55 = tpu.memref_slice %arg15[%add3A, %dma_wait3A_54] : memref<10000x128xf32, #tpu.memory_space<vmem_shared>> -> memref<16x128xf32, #tpu.memory_space<vmem_shared>>
        tpu.wait_dma2 semaphore(%run_scoped3A : memref<!tpu.dma_semaphore, #tpu.memory_space<semaphore_mem>>) src(%dma_wait3A_55 : memref<16x128xf32, #tpu.memory_space<vmem_shared>>) dst(%arg14 : memref<16x128xf32, #tpu.memory_space<vmem>>)
        tpu.yield
      }) : () -> ()
      %add3A_48 = arith.addi %mul3A_23, %add3A : i32
      "tpu.region"() ({
        %run_scoped3A = tpu.sem_alloc : memref<!tpu.dma_semaphore, #tpu.memory_space<semaphore_mem>>
        %dma_start3A = arith.constant 0 : i32
        %dma_start3A_50 = tpu.memref_slice %arg5[%add3A_48, %dma_start3A] : memref<20000x128xf32, #tpu.memory_space<hbm>> -> memref<16x128xf32, #tpu.memory_space<hbm>>
        %dma_start3A_51 = arith.constant 0 : i32
        %dma_start3A_52 = tpu.memref_slice %arg5[%add3A_48, %dma_start3A_51] : memref<20000x128xf32, #tpu.memory_space<hbm>> -> memref<16x128xf32, #tpu.memory_space<hbm>>
        tpu.enqueue_dma source(%arg14 : memref<16x128xf32, #tpu.memory_space<vmem>>) target(%dma_start3A_52 : memref<16x128xf32, #tpu.memory_space<hbm>>) target_semaphore(%run_scoped3A : memref<!tpu.dma_semaphore, #tpu.memory_space<semaphore_mem>>)
        %dma_wait3A = arith.constant 0 : i32
        %dma_wait3A_53 = tpu.memref_slice %arg5[%add3A_48, %dma_wait3A] : memref<20000x128xf32, #tpu.memory_space<hbm>> -> memref<16x128xf32, #tpu.memory_space<hbm>>
        %dma_wait3A_54 = arith.constant 0 : i32
        %dma_wait3A_55 = tpu.memref_slice %arg5[%add3A_48, %dma_wait3A_54] : memref<20000x128xf32, #tpu.memory_space<hbm>> -> memref<16x128xf32, #tpu.memory_space<hbm>>
        tpu.wait_dma2 semaphore(%run_scoped3A : memref<!tpu.dma_semaphore, #tpu.memory_space<semaphore_mem>>) src(%arg14 : memref<16x128xf32, #tpu.memory_space<vmem>>) dst(%dma_wait3A_55 : memref<16x128xf32, #tpu.memory_space<hbm>>)
        tpu.yield
      }) : () -> ()
      %while3A_49 = arith.constant 0 : i32
      scf.yield %while3A_49 : i32
    }
    %while3A_42 = arith.constant 1 : i32
    %while3A_43 = scf.for %while3A_44 = %while3A_39 to %while3A_35 step %while3A_42 iter_args(%while3A_45 = %while3A_41) -> (i32)  : i32 {
      %mul3A_46 = arith.constant 16 : i32
      %mul3A_47 = arith.muli %while3A_44, %mul3A_46 : i32
      %add3A = arith.addi %mul3A_6, %mul3A_47 : i32
      "tpu.region"() ({
        %run_scoped3A = tpu.sem_alloc : memref<!tpu.dma_semaphore, #tpu.memory_space<semaphore_mem>>
        %dma_start3A = arith.constant 0 : i32
        %dma_start3A_50 = tpu.memref_slice %arg15[%add3A, %dma_start3A] : memref<10000x128xf32, #tpu.memory_space<vmem_shared>> -> memref<16x128xf32, #tpu.memory_space<vmem_shared>>
        %dma_start3A_51 = arith.constant 0 : i32
        %dma_start3A_52 = tpu.memref_slice %arg15[%add3A, %dma_start3A_51] : memref<10000x128xf32, #tpu.memory_space<vmem_shared>> -> memref<16x128xf32, #tpu.memory_space<vmem_shared>>
        tpu.enqueue_dma source(%dma_start3A_52 : memref<16x128xf32, #tpu.memory_space<vmem_shared>>) target(%arg14 : memref<16x128xf32, #tpu.memory_space<vmem>>) target_semaphore(%run_scoped3A : memref<!tpu.dma_semaphore, #tpu.memory_space<semaphore_mem>>)
        %dma_wait3A = arith.constant 0 : i32
        %dma_wait3A_53 = tpu.memref_slice %arg15[%add3A, %dma_wait3A] : memref<10000x128xf32, #tpu.memory_space<vmem_shared>> -> memref<16x128xf32, #tpu.memory_space<vmem_shared>>
        %dma_wait3A_54 = arith.constant 0 : i32
        %dma_wait3A_55 = tpu.memref_slice %arg15[%add3A, %dma_wait3A_54] : memref<10000x128xf32, #tpu.memory_space<vmem_shared>> -> memref<16x128xf32, #tpu.memory_space<vmem_shared>>
        tpu.wait_dma2 semaphore(%run_scoped3A : memref<!tpu.dma_semaphore, #tpu.memory_space<semaphore_mem>>) src(%dma_wait3A_55 : memref<16x128xf32, #tpu.memory_space<vmem_shared>>) dst(%arg14 : memref<16x128xf32, #tpu.memory_space<vmem>>)
        tpu.yield
      }) : () -> ()
      %add3A_48 = arith.addi %mul3A_23, %add3A : i32
      "tpu.region"() ({
        %run_scoped3A = tpu.sem_alloc : memref<!tpu.dma_semaphore, #tpu.memory_space<semaphore_mem>>
        %dma_start3A = arith.constant 0 : i32
        %dma_start3A_50 = tpu.memref_slice %arg5[%add3A_48, %dma_start3A] : memref<20000x128xf32, #tpu.memory_space<hbm>> -> memref<16x128xf32, #tpu.memory_space<hbm>>
        %dma_start3A_51 = arith.constant 0 : i32
        %dma_start3A_52 = tpu.memref_slice %arg5[%add3A_48, %dma_start3A_51] : memref<20000x128xf32, #tpu.memory_space<hbm>> -> memref<16x128xf32, #tpu.memory_space<hbm>>
        tpu.enqueue_dma source(%arg14 : memref<16x128xf32, #tpu.memory_space<vmem>>) target(%dma_start3A_52 : memref<16x128xf32, #tpu.memory_space<hbm>>) target_semaphore(%run_scoped3A : memref<!tpu.dma_semaphore, #tpu.memory_space<semaphore_mem>>)
        %dma_wait3A = arith.constant 0 : i32
        %dma_wait3A_53 = tpu.memref_slice %arg5[%add3A_48, %dma_wait3A] : memref<20000x128xf32, #tpu.memory_space<hbm>> -> memref<16x128xf32, #tpu.memory_space<hbm>>
        %dma_wait3A_54 = arith.constant 0 : i32
        %dma_wait3A_55 = tpu.memref_slice %arg5[%add3A_48, %dma_wait3A_54] : memref<20000x128xf32, #tpu.memory_space<hbm>> -> memref<16x128xf32, #tpu.memory_space<hbm>>
        tpu.wait_dma2 semaphore(%run_scoped3A : memref<!tpu.dma_semaphore, #tpu.memory_space<semaphore_mem>>) src(%arg14 : memref<16x128xf32, #tpu.memory_space<vmem>>) dst(%dma_wait3A_55 : memref<16x128xf32, #tpu.memory_space<hbm>>)
        tpu.yield
      }) : () -> ()
      %while3A_49 = arith.constant 0 : i32
      scf.yield %while3A_49 : i32
    }
    return
  }
}

#map = affine_map<(d0, d1) -> (0)>
module attributes {stable_mosaic.version = 14 : i64} {
  func.func @_deg_body(%arg0: i32, %arg1: i32, %arg2: memref<320000xi32, #tpu.memory_space<hbm>>, %arg3: memref<20000xf32, #tpu.memory_space<hbm>>, %arg4: memref<80xi32, #tpu.memory_space<vmem>>, %arg5: memref<80xi32, #tpu.memory_space<vmem>>, %arg6: memref<80xf32, #tpu.memory_space<vmem>>, %arg7: memref<2000xf32, #tpu.memory_space<vmem>>, %arg8: memref<10000xf32, #tpu.memory_space<vmem_shared>>, %arg9: memref<!tpu.dma_semaphore, #tpu.memory_space<semaphore_mem>>, %arg10: memref<!tpu.dma_semaphore, #tpu.memory_space<semaphore_mem>>) attributes {dimension_semantics = [#tpu.dimension_semantics<core_parallel>, #tpu.dimension_semantics<subcore_parallel>], iteration_bounds = array<i64: 2, 16>, scalar_prefetch = 0 : i64, scratch_operands = 7 : i64, tpu.core_type = #tpu.core_type<sc_vector_subcore>, window_params = [{transform_indices = #map}, {transform_indices = #map}]} {
    %scan3A = arith.constant 0 : i32
    %scan3A_0 = arith.constant 0 : i32
    %scan3A_1 = arith.constant 5 : i32
    %scan3A_2 = arith.addi %scan3A_0, %scan3A_1 : i32
    %scan3A_3 = arith.constant 1 : i32
    %scan3A_4 = scf.for %scan3A_39 = %scan3A_0 to %scan3A_2 step %scan3A_3 iter_args(%scan3A_40 = %scan3A) -> (i32)  : i32 {
      %broadcast_in_dim3A = arith.constant 1.000000e+00 : f32
      %broadcast_in_dim3A_41 = vector.broadcast %broadcast_in_dim3A : f32 to vector<16xf32>
      %mul3A_42 = arith.constant 16 : i32
      %mul3A_43 = arith.muli %scan3A_39, %mul3A_42 : i32
      %swap3A = arith.index_cast %mul3A_43 : i32 to index
      %swap3A_44 = tpu.vector_load %arg6[%swap3A] {strides = array<i32>} : memref<80xf32, #tpu.memory_space<vmem>>, vector<16xf32>,
      %swap3A_45 = vector.shape_cast %swap3A_44 : vector<16xf32> to vector<16xf32>
      %swap3A_46 = vector.shape_cast %broadcast_in_dim3A_41 : vector<16xf32> to vector<16xf32>
      tpu.vector_store %arg6[%swap3A], %swap3A_46 {strides = array<i32>} : memref<80xf32, #tpu.memory_space<vmem>>, vector<16xf32>,
      %scan3A_47 = arith.constant 0 : i32
      scf.yield %scan3A_47 : i32
    }
    %scan3A_5 = arith.constant 5 : i32
    %scan3A_6 = arith.constant 0 : i32
    %scan3A_7 = arith.constant 0 : i32
    %scan3A_8 = arith.constant 125 : i32
    %scan3A_9 = arith.addi %scan3A_7, %scan3A_8 : i32
    %scan3A_10 = arith.constant 1 : i32
    %scan3A_11 = scf.for %scan3A_39 = %scan3A_7 to %scan3A_9 step %scan3A_10 iter_args(%scan3A_40 = %scan3A_6) -> (i32)  : i32 {
      %broadcast_in_dim3A = arith.constant 0.000000e+00 : f32
      %broadcast_in_dim3A_41 = vector.broadcast %broadcast_in_dim3A : f32 to vector<16xf32>
      %mul3A_42 = arith.constant 16 : i32
      %mul3A_43 = arith.muli %scan3A_39, %mul3A_42 : i32
      %swap3A = arith.index_cast %mul3A_43 : i32 to index
      %swap3A_44 = tpu.vector_load %arg7[%swap3A] {strides = array<i32>} : memref<2000xf32, #tpu.memory_space<vmem>>, vector<16xf32>,
      %swap3A_45 = vector.shape_cast %swap3A_44 : vector<16xf32> to vector<16xf32>
      %swap3A_46 = vector.shape_cast %broadcast_in_dim3A_41 : vector<16xf32> to vector<16xf32>
      tpu.vector_store %arg7[%swap3A], %swap3A_46 {strides = array<i32>} : memref<2000xf32, #tpu.memory_space<vmem>>, vector<16xf32>,
      %scan3A_47 = arith.constant 0 : i32
      scf.yield %scan3A_47 : i32
    }
    %scan3A_12 = arith.constant 125 : i32
    %lt3A = arith.constant 5 : i32
    %lt3A_13 = arith.cmpi slt, %arg1, %lt3A : i32
    %convert_element_type3A = arith.extui %lt3A_13 : i1 to i32
    %cond3A = arith.constant 0 : i32
    %cond3A_14 = arith.cmpi ne, %convert_element_type3A, %cond3A : i32
    scf.if %cond3A_14 {
      %mul3A_39 = arith.constant 2000 : i32
      %mul3A_40 = arith.muli %arg1, %mul3A_39 : i32
      "tpu.region"() ({
        %run_scoped3A = tpu.sem_alloc : memref<!tpu.dma_semaphore, #tpu.memory_space<semaphore_mem>>
        %dma_start3A_41 = tpu.memref_slice %arg8[%mul3A_40] : memref<10000xf32, #tpu.memory_space<vmem_shared>> -> memref<2000xf32, #tpu.memory_space<vmem_shared>>
        %dma_start3A_42 = tpu.memref_slice %arg8[%mul3A_40] : memref<10000xf32, #tpu.memory_space<vmem_shared>> -> memref<2000xf32, #tpu.memory_space<vmem_shared>>
        tpu.enqueue_dma source(%arg7 : memref<2000xf32, #tpu.memory_space<vmem>>) target(%dma_start3A_42 : memref<2000xf32, #tpu.memory_space<vmem_shared>>) target_semaphore(%run_scoped3A : memref<!tpu.dma_semaphore, #tpu.memory_space<semaphore_mem>>)
        %dma_wait3A_43 = tpu.memref_slice %arg8[%mul3A_40] : memref<10000xf32, #tpu.memory_space<vmem_shared>> -> memref<2000xf32, #tpu.memory_space<vmem_shared>>
        %dma_wait3A_44 = tpu.memref_slice %arg8[%mul3A_40] : memref<10000xf32, #tpu.memory_space<vmem_shared>> -> memref<2000xf32, #tpu.memory_space<vmem_shared>>
        tpu.wait_dma2 semaphore(%run_scoped3A : memref<!tpu.dma_semaphore, #tpu.memory_space<semaphore_mem>>) src(%arg7 : memref<2000xf32, #tpu.memory_space<vmem>>) dst(%dma_wait3A_44 : memref<2000xf32, #tpu.memory_space<vmem_shared>>)
        tpu.yield
      }) : () -> ()
    } else {
    }
    %barrier3A = arith.constant 0 : index
    tpu.barrier barrier_id(%barrier3A)
    %mul3A = arith.constant 160000 : i32
    %mul3A_15 = arith.muli %arg0, %mul3A : i32
    %mul3A_16 = arith.constant 10000 : i32
    %mul3A_17 = arith.muli %arg1, %mul3A_16 : i32
    %add3A = arith.addi %mul3A_15, %mul3A_17 : i32
    %add3A_18 = arith.constant 0 : i32
    %add3A_19 = arith.addi %add3A, %add3A_18 : i32
    %dma_start3A = tpu.memref_slice %arg2[%add3A_19] : memref<320000xi32, #tpu.memory_space<hbm>> -> memref<80xi32, #tpu.memory_space<hbm>>
    %dma_start3A_20 = tpu.memref_slice %arg2[%add3A_19] : memref<320000xi32, #tpu.memory_space<hbm>> -> memref<80xi32, #tpu.memory_space<hbm>>
    tpu.enqueue_dma source(%dma_start3A_20 : memref<80xi32, #tpu.memory_space<hbm>>) target(%arg4 : memref<80xi32, #tpu.memory_space<vmem>>) target_semaphore(%arg9 : memref<!tpu.dma_semaphore, #tpu.memory_space<semaphore_mem>>)
    %scan3A_21 = arith.constant 0 : i32
    %scan3A_22 = arith.constant 0 : i32
    %scan3A_23 = arith.constant 62 : i32
    %scan3A_24 = arith.addi %scan3A_22, %scan3A_23 : i32
    %scan3A_25 = arith.constant 1 : i32
    %scan3A_26 = scf.for %scan3A_39 = %scan3A_22 to %scan3A_24 step %scan3A_25 iter_args(%scan3A_40 = %scan3A_21) -> (i32)  : i32 {
      %mul3A_41 = arith.constant 2 : i32
      %mul3A_42 = arith.muli %mul3A_41, %scan3A_39 : i32
      %add3A_43 = arith.constant 1 : i32
      %add3A_44 = arith.addi %mul3A_42, %add3A_43 : i32
      %mul3A_45 = arith.constant 80 : i32
      %mul3A_46 = arith.muli %add3A_44, %mul3A_45 : i32
      %add3A_47 = arith.addi %add3A, %mul3A_46 : i32
      %dma_start3A_48 = tpu.memref_slice %arg2[%add3A_47] : memref<320000xi32, #tpu.memory_space<hbm>> -> memref<80xi32, #tpu.memory_space<hbm>>
      %dma_start3A_49 = tpu.memref_slice %arg2[%add3A_47] : memref<320000xi32, #tpu.memory_space<hbm>> -> memref<80xi32, #tpu.memory_space<hbm>>
      tpu.enqueue_dma source(%dma_start3A_49 : memref<80xi32, #tpu.memory_space<hbm>>) target(%arg5 : memref<80xi32, #tpu.memory_space<vmem>>) target_semaphore(%arg10 : memref<!tpu.dma_semaphore, #tpu.memory_space<semaphore_mem>>)
      %dma_wait3A_50 = tpu.memref_slice %arg2[%add3A] : memref<320000xi32, #tpu.memory_space<hbm>> -> memref<80xi32, #tpu.memory_space<hbm>>
      %dma_wait3A_51 = tpu.memref_slice %arg2[%add3A] : memref<320000xi32, #tpu.memory_space<hbm>> -> memref<80xi32, #tpu.memory_space<hbm>>
      tpu.wait_dma2 semaphore(%arg9 : memref<!tpu.dma_semaphore, #tpu.memory_space<semaphore_mem>>) src(%dma_wait3A_51 : memref<80xi32, #tpu.memory_space<hbm>>) dst(%arg4 : memref<80xi32, #tpu.memory_space<vmem>>)
      "tpu.region"() ({
        %run_scoped3A = tpu.sem_alloc : memref<!tpu.dma_semaphore, #tpu.memory_space<semaphore_mem>>
        %dma_start3A_60 = arith.constant 0 : i32
        %dma_start3A_61 = tpu.memref_slice %arg8[%dma_start3A_60] : memref<10000xf32, #tpu.memory_space<vmem_shared>> -> memref<10000xf32, #tpu.memory_space<vmem_shared>>
        tpu.enqueue_indirect_dma source(%arg6 : memref<80xf32, #tpu.memory_space<vmem>>) target(%dma_start3A_61 : memref<10000xf32, #tpu.memory_space<vmem_shared>>) offsets(%arg4 : memref<80xi32, #tpu.memory_space<vmem>>) semaphore(%run_scoped3A : memref<!tpu.dma_semaphore, #tpu.memory_space<semaphore_mem>>) {add = true}
        %dma_wait3A_62 = arith.constant 0 : i32
        %dma_wait3A_63 = tpu.memref_slice %arg8[%dma_wait3A_62] : memref<10000xf32, #tpu.memory_space<vmem_shared>> -> memref<10000xf32, #tpu.memory_space<vmem_shared>>
        tpu.wait_indirect_dma semaphore(%run_scoped3A : memref<!tpu.dma_semaphore, #tpu.memory_space<semaphore_mem>>) src(%arg6 : memref<80xf32, #tpu.memory_space<vmem>>) dst(%dma_wait3A_63 : memref<10000xf32, #tpu.memory_space<vmem_shared>>)
        tpu.yield
      }) : () -> ()
      %lt3A_52 = arith.constant 61 : i32
      %lt3A_53 = arith.cmpi slt, %scan3A_39, %lt3A_52 : i32
      %convert_element_type3A_54 = arith.extui %lt3A_53 : i1 to i32
      %cond3A_55 = arith.constant 0 : i32
      %cond3A_56 = arith.cmpi ne, %convert_element_type3A_54, %cond3A_55 : i32
      scf.if %cond3A_56 {
        %mul3A_60 = arith.constant 2 : i32
        %mul3A_61 = arith.muli %mul3A_60, %scan3A_39 : i32
        %add3A_62 = arith.constant 2 : i32
        %add3A_63 = arith.addi %mul3A_61, %add3A_62 : i32
        %mul3A_64 = arith.constant 80 : i32
        %mul3A_65 = arith.muli %add3A_63, %mul3A_64 : i32
        %add3A_66 = arith.addi %add3A, %mul3A_65 : i32
        %dma_start3A_67 = tpu.memref_slice %arg2[%add3A_66] : memref<320000xi32, #tpu.memory_space<hbm>> -> memref<80xi32, #tpu.memory_space<hbm>>
        %dma_start3A_68 = tpu.memref_slice %arg2[%add3A_66] : memref<320000xi32, #tpu.memory_space<hbm>> -> memref<80xi32, #tpu.memory_space<hbm>>
        tpu.enqueue_dma source(%dma_start3A_68 : memref<80xi32, #tpu.memory_space<hbm>>) target(%arg4 : memref<80xi32, #tpu.memory_space<vmem>>) target_semaphore(%arg9 : memref<!tpu.dma_semaphore, #tpu.memory_space<semaphore_mem>>)
      } else {
      }
      %dma_wait3A_57 = tpu.memref_slice %arg2[%add3A] : memref<320000xi32, #tpu.memory_space<hbm>> -> memref<80xi32, #tpu.memory_space<hbm>>
      %dma_wait3A_58 = tpu.memref_slice %arg2[%add3A] : memref<320000xi32, #tpu.memory_space<hbm>> -> memref<80xi32, #tpu.memory_space<hbm>>
      tpu.wait_dma2 semaphore(%arg10 : memref<!tpu.dma_semaphore, #tpu.memory_space<semaphore_mem>>) src(%dma_wait3A_58 : memref<80xi32, #tpu.memory_space<hbm>>) dst(%arg5 : memref<80xi32, #tpu.memory_space<vmem>>)
      "tpu.region"() ({
        %run_scoped3A = tpu.sem_alloc : memref<!tpu.dma_semaphore, #tpu.memory_space<semaphore_mem>>
        %dma_start3A_60 = arith.constant 0 : i32
        %dma_start3A_61 = tpu.memref_slice %arg8[%dma_start3A_60] : memref<10000xf32, #tpu.memory_space<vmem_shared>> -> memref<10000xf32, #tpu.memory_space<vmem_shared>>
        tpu.enqueue_indirect_dma source(%arg6 : memref<80xf32, #tpu.memory_space<vmem>>) target(%dma_start3A_61 : memref<10000xf32, #tpu.memory_space<vmem_shared>>) offsets(%arg5 : memref<80xi32, #tpu.memory_space<vmem>>) semaphore(%run_scoped3A : memref<!tpu.dma_semaphore, #tpu.memory_space<semaphore_mem>>) {add = true}
        %dma_wait3A_62 = arith.constant 0 : i32
        %dma_wait3A_63 = tpu.memref_slice %arg8[%dma_wait3A_62] : memref<10000xf32, #tpu.memory_space<vmem_shared>> -> memref<10000xf32, #tpu.memory_space<vmem_shared>>
        tpu.wait_indirect_dma semaphore(%run_scoped3A : memref<!tpu.dma_semaphore, #tpu.memory_space<semaphore_mem>>) src(%arg6 : memref<80xf32, #tpu.memory_space<vmem>>) dst(%dma_wait3A_63 : memref<10000xf32, #tpu.memory_space<vmem_shared>>)
        tpu.yield
      }) : () -> ()
      %scan3A_59 = arith.constant 0 : i32
      scf.yield %scan3A_59 : i32
    }
    %scan3A_27 = arith.constant 62 : i32
    %add3A_28 = arith.constant 9920 : i32
    %add3A_29 = arith.addi %add3A, %add3A_28 : i32
    %dma_start3A_30 = tpu.memref_slice %arg2[%add3A_29] : memref<320000xi32, #tpu.memory_space<hbm>> -> memref<80xi32, #tpu.memory_space<hbm>>
    %dma_start3A_31 = tpu.memref_slice %arg2[%add3A_29] : memref<320000xi32, #tpu.memory_space<hbm>> -> memref<80xi32, #tpu.memory_space<hbm>>
    tpu.enqueue_dma source(%dma_start3A_31 : memref<80xi32, #tpu.memory_space<hbm>>) target(%arg4 : memref<80xi32, #tpu.memory_space<vmem>>) target_semaphore(%arg9 : memref<!tpu.dma_semaphore, #tpu.memory_space<semaphore_mem>>)
    %dma_wait3A = tpu.memref_slice %arg2[%add3A] : memref<320000xi32, #tpu.memory_space<hbm>> -> memref<80xi32, #tpu.memory_space<hbm>>
    %dma_wait3A_32 = tpu.memref_slice %arg2[%add3A] : memref<320000xi32, #tpu.memory_space<hbm>> -> memref<80xi32, #tpu.memory_space<hbm>>
    tpu.wait_dma2 semaphore(%arg9 : memref<!tpu.dma_semaphore, #tpu.memory_space<semaphore_mem>>) src(%dma_wait3A_32 : memref<80xi32, #tpu.memory_space<hbm>>) dst(%arg4 : memref<80xi32, #tpu.memory_space<vmem>>)
    "tpu.region"() ({
      %run_scoped3A = tpu.sem_alloc : memref<!tpu.dma_semaphore, #tpu.memory_space<semaphore_mem>>
      %dma_start3A_39 = arith.constant 0 : i32
      %dma_start3A_40 = tpu.memref_slice %arg8[%dma_start3A_39] : memref<10000xf32, #tpu.memory_space<vmem_shared>> -> memref<10000xf32, #tpu.memory_space<vmem_shared>>
      tpu.enqueue_indirect_dma source(%arg6 : memref<80xf32, #tpu.memory_space<vmem>>) target(%dma_start3A_40 : memref<10000xf32, #tpu.memory_space<vmem_shared>>) offsets(%arg4 : memref<80xi32, #tpu.memory_space<vmem>>) semaphore(%run_scoped3A : memref<!tpu.dma_semaphore, #tpu.memory_space<semaphore_mem>>) {add = true}
      %dma_wait3A_41 = arith.constant 0 : i32
      %dma_wait3A_42 = tpu.memref_slice %arg8[%dma_wait3A_41] : memref<10000xf32, #tpu.memory_space<vmem_shared>> -> memref<10000xf32, #tpu.memory_space<vmem_shared>>
      tpu.wait_indirect_dma semaphore(%run_scoped3A : memref<!tpu.dma_semaphore, #tpu.memory_space<semaphore_mem>>) src(%arg6 : memref<80xf32, #tpu.memory_space<vmem>>) dst(%dma_wait3A_42 : memref<10000xf32, #tpu.memory_space<vmem_shared>>)
      tpu.yield
    }) : () -> ()
    %barrier3A_33 = arith.constant 0 : index
    tpu.barrier barrier_id(%barrier3A_33)
    %lt3A_34 = arith.constant 5 : i32
    %lt3A_35 = arith.cmpi slt, %arg1, %lt3A_34 : i32
    %convert_element_type3A_36 = arith.extui %lt3A_35 : i1 to i32
    %cond3A_37 = arith.constant 0 : i32
    %cond3A_38 = arith.cmpi ne, %convert_element_type3A_36, %cond3A_37 : i32
    scf.if %cond3A_38 {
      %mul3A_39 = arith.constant 2000 : i32
      %mul3A_40 = arith.muli %arg1, %mul3A_39 : i32
      "tpu.region"() ({
        %run_scoped3A = tpu.sem_alloc : memref<!tpu.dma_semaphore, #tpu.memory_space<semaphore_mem>>
        %dma_start3A_46 = tpu.memref_slice %arg8[%mul3A_40] : memref<10000xf32, #tpu.memory_space<vmem_shared>> -> memref<2000xf32, #tpu.memory_space<vmem_shared>>
        %dma_start3A_47 = tpu.memref_slice %arg8[%mul3A_40] : memref<10000xf32, #tpu.memory_space<vmem_shared>> -> memref<2000xf32, #tpu.memory_space<vmem_shared>>
        tpu.enqueue_dma source(%dma_start3A_47 : memref<2000xf32, #tpu.memory_space<vmem_shared>>) target(%arg7 : memref<2000xf32, #tpu.memory_space<vmem>>) target_semaphore(%run_scoped3A : memref<!tpu.dma_semaphore, #tpu.memory_space<semaphore_mem>>)
        %dma_wait3A_48 = tpu.memref_slice %arg8[%mul3A_40] : memref<10000xf32, #tpu.memory_space<vmem_shared>> -> memref<2000xf32, #tpu.memory_space<vmem_shared>>
        %dma_wait3A_49 = tpu.memref_slice %arg8[%mul3A_40] : memref<10000xf32, #tpu.memory_space<vmem_shared>> -> memref<2000xf32, #tpu.memory_space<vmem_shared>>
        tpu.wait_dma2 semaphore(%run_scoped3A : memref<!tpu.dma_semaphore, #tpu.memory_space<semaphore_mem>>) src(%dma_wait3A_49 : memref<2000xf32, #tpu.memory_space<vmem_shared>>) dst(%arg7 : memref<2000xf32, #tpu.memory_space<vmem>>)
        tpu.yield
      }) : () -> ()
      %mul3A_41 = arith.constant 10000 : i32
      %mul3A_42 = arith.muli %arg0, %mul3A_41 : i32
      %mul3A_43 = arith.constant 2000 : i32
      %mul3A_44 = arith.muli %arg1, %mul3A_43 : i32
      %add3A_45 = arith.addi %mul3A_42, %mul3A_44 : i32
      "tpu.region"() ({
        %run_scoped3A = tpu.sem_alloc : memref<!tpu.dma_semaphore, #tpu.memory_space<semaphore_mem>>
        %dma_start3A_46 = tpu.memref_slice %arg3[%add3A_45] : memref<20000xf32, #tpu.memory_space<hbm>> -> memref<2000xf32, #tpu.memory_space<hbm>>
        %dma_start3A_47 = tpu.memref_slice %arg3[%add3A_45] : memref<20000xf32, #tpu.memory_space<hbm>> -> memref<2000xf32, #tpu.memory_space<hbm>>
        tpu.enqueue_dma source(%arg7 : memref<2000xf32, #tpu.memory_space<vmem>>) target(%dma_start3A_47 : memref<2000xf32, #tpu.memory_space<hbm>>) target_semaphore(%run_scoped3A : memref<!tpu.dma_semaphore, #tpu.memory_space<semaphore_mem>>)
        %dma_wait3A_48 = tpu.memref_slice %arg3[%add3A_45] : memref<20000xf32, #tpu.memory_space<hbm>> -> memref<2000xf32, #tpu.memory_space<hbm>>
        %dma_wait3A_49 = tpu.memref_slice %arg3[%add3A_45] : memref<20000xf32, #tpu.memory_space<hbm>> -> memref<2000xf32, #tpu.memory_space<hbm>>
        tpu.wait_dma2 semaphore(%run_scoped3A : memref<!tpu.dma_semaphore, #tpu.memory_space<semaphore_mem>>) src(%arg7 : memref<2000xf32, #tpu.memory_space<vmem>>) dst(%dma_wait3A_49 : memref<2000xf32, #tpu.memory_space<hbm>>)
        tpu.yield
      }) : () -> ()
    } else {
    }
    return
  }
}

#map = affine_map<(d0, d1) -> (0, 0)>
#map1 = affine_map<(d0, d1) -> (0)>
module attributes {stable_mosaic.version = 14 : i64} {
  func.func @_scat_body(%arg0: i32, %arg1: i32, %arg2: memref<20000x128xf32, #tpu.memory_space<hbm>>, %arg3: memref<320000xi32, #tpu.memory_space<hbm>>, %arg4: memref<320000xi32, #tpu.memory_space<hbm>>, %arg5: memref<20000x128xf32, #tpu.memory_space<hbm>>, %arg6: memref<4000xi32, #tpu.memory_space<vmem>>, %arg7: memref<4000xi32, #tpu.memory_space<vmem>>, %arg8: memref<80xi32, #tpu.memory_space<vmem>>, %arg9: memref<80xi32, #tpu.memory_space<vmem>>, %arg10: memref<80xi32, #tpu.memory_space<vmem>>, %arg11: memref<80xi32, #tpu.memory_space<vmem>>, %arg12: memref<80x128xf32, #tpu.memory_space<vmem>>, %arg13: memref<80x128xf32, #tpu.memory_space<vmem>>, %arg14: memref<16x128xf32, #tpu.memory_space<vmem>>, %arg15: memref<10000x128xf32, #tpu.memory_space<vmem_shared>>, %arg16: memref<!tpu.dma_semaphore, #tpu.memory_space<semaphore_mem>>, %arg17: memref<!tpu.dma_semaphore, #tpu.memory_space<semaphore_mem>>) attributes {dimension_semantics = [#tpu.dimension_semantics<core_parallel>, #tpu.dimension_semantics<subcore_parallel>], iteration_bounds = array<i64: 2, 16>, scalar_prefetch = 0 : i64, scratch_operands = 12 : i64, tpu.core_type = #tpu.core_type<sc_vector_subcore>, window_params = [{transform_indices = #map}, {transform_indices = #map1}, {transform_indices = #map1}, {transform_indices = #map}]} {
    %scan3A = arith.constant 0 : i32
    %scan3A_0 = arith.constant 0 : i32
    %scan3A_1 = arith.constant 128 : i32
    %scan3A_2 = arith.addi %scan3A_0, %scan3A_1 : i32
    %scan3A_3 = arith.constant 1 : i32
    %scan3A_4 = scf.for %scan3A_44 = %scan3A_0 to %scan3A_2 step %scan3A_3 iter_args(%scan3A_45 = %scan3A) -> (i32)  : i32 {
      %broadcast_in_dim3A = arith.constant 0.000000e+00 : f32
      %broadcast_in_dim3A_46 = vector.broadcast %broadcast_in_dim3A : f32 to vector<16xf32>
      %jit3A_47 = arith.constant 8 : i32
      %div3A = arith.divsi %scan3A_44, %jit3A_47 : i32
      %sign3A = arith.constant 0 : i32
      %sign3A_48 = arith.cmpi sgt, %scan3A_44, %sign3A : i32
      %sign3A_49 = arith.extui %sign3A_48 : i1 to i32
      %sign3A_50 = arith.constant 0 : i32
      %sign3A_51 = arith.cmpi slt, %scan3A_44, %sign3A_50 : i32
      %sign3A_52 = arith.extui %sign3A_51 : i1 to i32
      %sign3A_53 = arith.subi %sign3A_49, %sign3A_52 : i32
      %sign3A_54 = arith.constant 0 : i32
      %sign3A_55 = arith.cmpi sgt, %jit3A_47, %sign3A_54 : i32
      %sign3A_56 = arith.extui %sign3A_55 : i1 to i32
      %sign3A_57 = arith.constant 0 : i32
      %sign3A_58 = arith.cmpi slt, %jit3A_47, %sign3A_57 : i32
      %sign3A_59 = arith.extui %sign3A_58 : i1 to i32
      %sign3A_60 = arith.subi %sign3A_56, %sign3A_59 : i32
      %ne3A = arith.cmpi ne, %sign3A_53, %sign3A_60 : i32
      %rem3A = arith.remsi %scan3A_44, %jit3A_47 : i32
      %ne3A_61 = arith.constant 0 : i32
      %ne3A_62 = arith.cmpi ne, %rem3A, %ne3A_61 : i32
      %and3A = arith.andi %ne3A, %ne3A_62 : i1
      %sub3A = arith.constant 1 : i32
      %sub3A_63 = arith.subi %div3A, %sub3A : i32
      %select_n3A_64 = arith.select %and3A, %sub3A_63, %div3A : i32
      %jit3A_65 = arith.constant 8 : i32
      %eq3A_66 = arith.constant 0 : i32
      %eq3A_67 = arith.cmpi eq, %jit3A_65, %eq3A_66 : i32
      %jit3A_68 = arith.constant 1 : i32
      %select_n3A_69 = arith.select %eq3A_67, %jit3A_68, %jit3A_65 : i32
      %rem3A_70 = arith.remsi %scan3A_44, %select_n3A_69 : i32
      %ne3A_71 = arith.constant 0 : i32
      %ne3A_72 = arith.cmpi ne, %rem3A_70, %ne3A_71 : i32
      %lt3A = arith.constant 0 : i32
      %lt3A_73 = arith.cmpi slt, %rem3A_70, %lt3A : i32
      %lt3A_74 = arith.constant 0 : i32
      %lt3A_75 = arith.cmpi slt, %select_n3A_69, %lt3A_74 : i32
      %ne3A_76 = arith.xori %lt3A_73, %lt3A_75 : i1
      %and3A_77 = arith.andi %ne3A_76, %ne3A_72 : i1
      %add3A = arith.addi %rem3A_70, %select_n3A_69 : i32
      %select_n3A_78 = arith.select %and3A_77, %add3A, %rem3A_70 : i32
      %mul3A_79 = arith.constant 16 : i32
      %mul3A_80 = arith.muli %select_n3A_78, %mul3A_79 : i32
      %swap3A = arith.index_cast %select_n3A_64 : i32 to index
      %swap3A_81 = arith.index_cast %mul3A_80 : i32 to index
      %swap3A_82 = tpu.vector_load %arg14[%swap3A, %swap3A_81] {strides = array<i32>} : memref<16x128xf32, #tpu.memory_space<vmem>>, vector<1x16xf32>,
      %swap3A_83 = vector.shape_cast %swap3A_82 : vector<1x16xf32> to vector<16xf32>
      %swap3A_84 = vector.shape_cast %broadcast_in_dim3A_46 : vector<16xf32> to vector<1x16xf32>
      tpu.vector_store %arg14[%swap3A, %swap3A_81], %swap3A_84 {strides = array<i32>} : memref<16x128xf32, #tpu.memory_space<vmem>>, vector<1x16xf32>,
      %scan3A_85 = arith.constant 0 : i32
      scf.yield %scan3A_85 : i32
    }
    %scan3A_5 = arith.constant 128 : i32
    %mul3A = arith.constant 624 : i32
    %mul3A_6 = arith.muli %arg1, %mul3A : i32
    %eq3A = arith.constant 15 : i32
    %eq3A_7 = arith.cmpi eq, %arg1, %eq3A : i32
    %jit3A = arith.constant 40 : i32
    %jit3A_8 = arith.constant 39 : i32
    %select_n3A = arith.select %eq3A_7, %jit3A, %jit3A_8 : i32
    %while3A = arith.constant 0 : i32
    %while3A_9 = arith.constant 0 : i32
    %while3A_10 = arith.subi %select_n3A, %while3A : i32
    %while3A_11 = arith.addi %while3A, %while3A_10 : i32
    %while3A_12 = arith.constant 1 : i32
    %while3A_13 = arith.divsi %while3A_10, %while3A_12 : i32
    %while3A_14 = arith.muli %while3A_13, %while3A_12 : i32
    %while3A_15 = arith.addi %while3A, %while3A_14 : i32
    %while3A_16 = arith.constant 1 : i32
    %while3A_17 = scf.for %while3A_44 = %while3A to %while3A_15 step %while3A_16 iter_args(%while3A_45 = %while3A_9) -> (i32)  : i32 {
      %mul3A_46 = arith.constant 16 : i32
      %mul3A_47 = arith.muli %while3A_44, %mul3A_46 : i32
      %add3A = arith.addi %mul3A_6, %mul3A_47 : i32
      "tpu.region"() ({
        %run_scoped3A = tpu.sem_alloc : memref<!tpu.dma_semaphore, #tpu.memory_space<semaphore_mem>>
        %dma_start3A = arith.constant 0 : i32
        %dma_start3A_49 = tpu.memref_slice %arg15[%add3A, %dma_start3A] : memref<10000x128xf32, #tpu.memory_space<vmem_shared>> -> memref<16x128xf32, #tpu.memory_space<vmem_shared>>
        %dma_start3A_50 = arith.constant 0 : i32
        %dma_start3A_51 = tpu.memref_slice %arg15[%add3A, %dma_start3A_50] : memref<10000x128xf32, #tpu.memory_space<vmem_shared>> -> memref<16x128xf32, #tpu.memory_space<vmem_shared>>
        tpu.enqueue_dma source(%arg14 : memref<16x128xf32, #tpu.memory_space<vmem>>) target(%dma_start3A_51 : memref<16x128xf32, #tpu.memory_space<vmem_shared>>) target_semaphore(%run_scoped3A : memref<!tpu.dma_semaphore, #tpu.memory_space<semaphore_mem>>)
        %dma_wait3A = arith.constant 0 : i32
        %dma_wait3A_52 = tpu.memref_slice %arg15[%add3A, %dma_wait3A] : memref<10000x128xf32, #tpu.memory_space<vmem_shared>> -> memref<16x128xf32, #tpu.memory_space<vmem_shared>>
        %dma_wait3A_53 = arith.constant 0 : i32
        %dma_wait3A_54 = tpu.memref_slice %arg15[%add3A, %dma_wait3A_53] : memref<10000x128xf32, #tpu.memory_space<vmem_shared>> -> memref<16x128xf32, #tpu.memory_space<vmem_shared>>
        tpu.wait_dma2 semaphore(%run_scoped3A : memref<!tpu.dma_semaphore, #tpu.memory_space<semaphore_mem>>) src(%arg14 : memref<16x128xf32, #tpu.memory_space<vmem>>) dst(%dma_wait3A_54 : memref<16x128xf32, #tpu.memory_space<vmem_shared>>)
        tpu.yield
      }) : () -> ()
      %while3A_48 = arith.constant 0 : i32
      scf.yield %while3A_48 : i32
    }
    %while3A_18 = arith.constant 1 : i32
    %while3A_19 = scf.for %while3A_44 = %while3A_15 to %while3A_11 step %while3A_18 iter_args(%while3A_45 = %while3A_17) -> (i32)  : i32 {
      %mul3A_46 = arith.constant 16 : i32
      %mul3A_47 = arith.muli %while3A_44, %mul3A_46 : i32
      %add3A = arith.addi %mul3A_6, %mul3A_47 : i32
      "tpu.region"() ({
        %run_scoped3A = tpu.sem_alloc : memref<!tpu.dma_semaphore, #tpu.memory_space<semaphore_mem>>
        %dma_start3A = arith.constant 0 : i32
        %dma_start3A_49 = tpu.memref_slice %arg15[%add3A, %dma_start3A] : memref<10000x128xf32, #tpu.memory_space<vmem_shared>> -> memref<16x128xf32, #tpu.memory_space<vmem_shared>>
        %dma_start3A_50 = arith.constant 0 : i32
        %dma_start3A_51 = tpu.memref_slice %arg15[%add3A, %dma_start3A_50] : memref<10000x128xf32, #tpu.memory_space<vmem_shared>> -> memref<16x128xf32, #tpu.memory_space<vmem_shared>>
        tpu.enqueue_dma source(%arg14 : memref<16x128xf32, #tpu.memory_space<vmem>>) target(%dma_start3A_51 : memref<16x128xf32, #tpu.memory_space<vmem_shared>>) target_semaphore(%run_scoped3A : memref<!tpu.dma_semaphore, #tpu.memory_space<semaphore_mem>>)
        %dma_wait3A = arith.constant 0 : i32
        %dma_wait3A_52 = tpu.memref_slice %arg15[%add3A, %dma_wait3A] : memref<10000x128xf32, #tpu.memory_space<vmem_shared>> -> memref<16x128xf32, #tpu.memory_space<vmem_shared>>
        %dma_wait3A_53 = arith.constant 0 : i32
        %dma_wait3A_54 = tpu.memref_slice %arg15[%add3A, %dma_wait3A_53] : memref<10000x128xf32, #tpu.memory_space<vmem_shared>> -> memref<16x128xf32, #tpu.memory_space<vmem_shared>>
        tpu.wait_dma2 semaphore(%run_scoped3A : memref<!tpu.dma_semaphore, #tpu.memory_space<semaphore_mem>>) src(%arg14 : memref<16x128xf32, #tpu.memory_space<vmem>>) dst(%dma_wait3A_54 : memref<16x128xf32, #tpu.memory_space<vmem_shared>>)
        tpu.yield
      }) : () -> ()
      %while3A_48 = arith.constant 0 : i32
      scf.yield %while3A_48 : i32
    }
    %mul3A_20 = arith.constant 20000 : i32
    %mul3A_21 = arith.muli %arg1, %mul3A_20 : i32
    %barrier3A = arith.constant 0 : index
    tpu.barrier barrier_id(%barrier3A)
    %mul3A_22 = arith.constant 10000 : i32
    %mul3A_23 = arith.muli %arg0, %mul3A_22 : i32
    %scan3A_24 = arith.constant 0 : i32
    %scan3A_25 = arith.constant 0 : i32
    %scan3A_26 = arith.constant 5 : i32
    %scan3A_27 = arith.addi %scan3A_25, %scan3A_26 : i32
    %scan3A_28 = arith.constant 1 : i32
    %scan3A_29 = scf.for %scan3A_44 = %scan3A_25 to %scan3A_27 step %scan3A_28 iter_args(%scan3A_45 = %scan3A_24) -> (i32)  : i32 {
      %mul3A_46 = arith.constant 4000 : i32
      %mul3A_47 = arith.muli %scan3A_44, %mul3A_46 : i32
      %add3A = arith.addi %mul3A_21, %mul3A_47 : i32
      "tpu.region"() ({
        %run_scoped3A = tpu.sem_alloc : memref<!tpu.dma_semaphore, #tpu.memory_space<semaphore_mem>>
        %dma_start3A_139 = tpu.memref_slice %arg3[%add3A] : memref<320000xi32, #tpu.memory_space<hbm>> -> memref<4000xi32, #tpu.memory_space<hbm>>
        %dma_start3A_140 = tpu.memref_slice %arg3[%add3A] : memref<320000xi32, #tpu.memory_space<hbm>> -> memref<4000xi32, #tpu.memory_space<hbm>>
        tpu.enqueue_dma source(%dma_start3A_140 : memref<4000xi32, #tpu.memory_space<hbm>>) target(%arg6 : memref<4000xi32, #tpu.memory_space<vmem>>) target_semaphore(%run_scoped3A : memref<!tpu.dma_semaphore, #tpu.memory_space<semaphore_mem>>)
        %dma_wait3A = tpu.memref_slice %arg3[%add3A] : memref<320000xi32, #tpu.memory_space<hbm>> -> memref<4000xi32, #tpu.memory_space<hbm>>
        %dma_wait3A_141 = tpu.memref_slice %arg3[%add3A] : memref<320000xi32, #tpu.memory_space<hbm>> -> memref<4000xi32, #tpu.memory_space<hbm>>
        tpu.wait_dma2 semaphore(%run_scoped3A : memref<!tpu.dma_semaphore, #tpu.memory_space<semaphore_mem>>) src(%dma_wait3A_141 : memref<4000xi32, #tpu.memory_space<hbm>>) dst(%arg6 : memref<4000xi32, #tpu.memory_space<vmem>>)
        tpu.yield
      }) : () -> ()
      %mul3A_48 = arith.constant 4000 : i32
      %mul3A_49 = arith.muli %scan3A_44, %mul3A_48 : i32
      %add3A_50 = arith.addi %mul3A_21, %mul3A_49 : i32
      "tpu.region"() ({
        %run_scoped3A = tpu.sem_alloc : memref<!tpu.dma_semaphore, #tpu.memory_space<semaphore_mem>>
        %dma_start3A_139 = tpu.memref_slice %arg4[%add3A_50] : memref<320000xi32, #tpu.memory_space<hbm>> -> memref<4000xi32, #tpu.memory_space<hbm>>
        %dma_start3A_140 = tpu.memref_slice %arg4[%add3A_50] : memref<320000xi32, #tpu.memory_space<hbm>> -> memref<4000xi32, #tpu.memory_space<hbm>>
        tpu.enqueue_dma source(%dma_start3A_140 : memref<4000xi32, #tpu.memory_space<hbm>>) target(%arg7 : memref<4000xi32, #tpu.memory_space<vmem>>) target_semaphore(%run_scoped3A : memref<!tpu.dma_semaphore, #tpu.memory_space<semaphore_mem>>)
        %dma_wait3A = tpu.memref_slice %arg4[%add3A_50] : memref<320000xi32, #tpu.memory_space<hbm>> -> memref<4000xi32, #tpu.memory_space<hbm>>
        %dma_wait3A_141 = tpu.memref_slice %arg4[%add3A_50] : memref<320000xi32, #tpu.memory_space<hbm>> -> memref<4000xi32, #tpu.memory_space<hbm>>
        tpu.wait_dma2 semaphore(%run_scoped3A : memref<!tpu.dma_semaphore, #tpu.memory_space<semaphore_mem>>) src(%dma_wait3A_141 : memref<4000xi32, #tpu.memory_space<hbm>>) dst(%arg7 : memref<4000xi32, #tpu.memory_space<vmem>>)
        tpu.yield
      }) : () -> ()
      %get3A = arith.constant 0 : index
      %get3A_51 = tpu.vector_load %arg6[%get3A] {strides = array<i32>} : memref<4000xi32, #tpu.memory_space<vmem>>, vector<16xi32>,
      %get3A_52 = vector.shape_cast %get3A_51 : vector<16xi32> to vector<16xi32>
      %add3A_53 = vector.broadcast %mul3A_23 : i32 to vector<16xi32>
      %add3A_54 = arith.addi %get3A_52, %add3A_53 : vector<16xi32>
      %swap3A = arith.constant 0 : index
      %swap3A_55 = tpu.vector_load %arg8[%swap3A] {strides = array<i32>} : memref<80xi32, #tpu.memory_space<vmem>>, vector<16xi32>,
      %swap3A_56 = vector.shape_cast %swap3A_55 : vector<16xi32> to vector<16xi32>
      %swap3A_57 = vector.shape_cast %add3A_54 : vector<16xi32> to vector<16xi32>
      tpu.vector_store %arg8[%swap3A], %swap3A_57 {strides = array<i32>} : memref<80xi32, #tpu.memory_space<vmem>>, vector<16xi32>,
      %get3A_58 = arith.constant 0 : index
      %get3A_59 = tpu.vector_load %arg7[%get3A_58] {strides = array<i32>} : memref<4000xi32, #tpu.memory_space<vmem>>, vector<16xi32>,
      %get3A_60 = vector.shape_cast %get3A_59 : vector<16xi32> to vector<16xi32>
      %swap3A_61 = arith.constant 0 : index
      %swap3A_62 = tpu.vector_load %arg9[%swap3A_61] {strides = array<i32>} : memref<80xi32, #tpu.memory_space<vmem>>, vector<16xi32>,
      %swap3A_63 = vector.shape_cast %swap3A_62 : vector<16xi32> to vector<16xi32>
      %swap3A_64 = vector.shape_cast %get3A_60 : vector<16xi32> to vector<16xi32>
      tpu.vector_store %arg9[%swap3A_61], %swap3A_64 {strides = array<i32>} : memref<80xi32, #tpu.memory_space<vmem>>, vector<16xi32>,
      %get3A_65 = arith.constant 16 : index
      %get3A_66 = tpu.vector_load %arg6[%get3A_65] {strides = array<i32>} : memref<4000xi32, #tpu.memory_space<vmem>>, vector<16xi32>,
      %get3A_67 = vector.shape_cast %get3A_66 : vector<16xi32> to vector<16xi32>
      %add3A_68 = vector.broadcast %mul3A_23 : i32 to vector<16xi32>
      %add3A_69 = arith.addi %get3A_67, %add3A_68 : vector<16xi32>
      %swap3A_70 = arith.constant 16 : index
      %swap3A_71 = tpu.vector_load %arg8[%swap3A_70] {strides = array<i32>} : memref<80xi32, #tpu.memory_space<vmem>>, vector<16xi32>,
      %swap3A_72 = vector.shape_cast %swap3A_71 : vector<16xi32> to vector<16xi32>
      %swap3A_73 = vector.shape_cast %add3A_69 : vector<16xi32> to vector<16xi32>
      tpu.vector_store %arg8[%swap3A_70], %swap3A_73 {strides = array<i32>} : memref<80xi32, #tpu.memory_space<vmem>>, vector<16xi32>,
      %get3A_74 = arith.constant 16 : index
      %get3A_75 = tpu.vector_load %arg7[%get3A_74] {strides = array<i32>} : memref<4000xi32, #tpu.memory_space<vmem>>, vector<16xi32>,
      %get3A_76 = vector.shape_cast %get3A_75 : vector<16xi32> to vector<16xi32>
      %swap3A_77 = arith.constant 16 : index
      %swap3A_78 = tpu.vector_load %arg9[%swap3A_77] {strides = array<i32>} : memref<80xi32, #tpu.memory_space<vmem>>, vector<16xi32>,
      %swap3A_79 = vector.shape_cast %swap3A_78 : vector<16xi32> to vector<16xi32>
      %swap3A_80 = vector.shape_cast %get3A_76 : vector<16xi32> to vector<16xi32>
      tpu.vector_store %arg9[%swap3A_77], %swap3A_80 {strides = array<i32>} : memref<80xi32, #tpu.memory_space<vmem>>, vector<16xi32>,
      %get3A_81 = arith.constant 32 : index
      %get3A_82 = tpu.vector_load %arg6[%get3A_81] {strides = array<i32>} : memref<4000xi32, #tpu.memory_space<vmem>>, vector<16xi32>,
      %get3A_83 = vector.shape_cast %get3A_82 : vector<16xi32> to vector<16xi32>
      %add3A_84 = vector.broadcast %mul3A_23 : i32 to vector<16xi32>
      %add3A_85 = arith.addi %get3A_83, %add3A_84 : vector<16xi32>
      %swap3A_86 = arith.constant 32 : index
      %swap3A_87 = tpu.vector_load %arg8[%swap3A_86] {strides = array<i32>} : memref<80xi32, #tpu.memory_space<vmem>>, vector<16xi32>,
      %swap3A_88 = vector.shape_cast %swap3A_87 : vector<16xi32> to vector<16xi32>
      %swap3A_89 = vector.shape_cast %add3A_85 : vector<16xi32> to vector<16xi32>
      tpu.vector_store %arg8[%swap3A_86], %swap3A_89 {strides = array<i32>} : memref<80xi32, #tpu.memory_space<vmem>>, vector<16xi32>,
      %get3A_90 = arith.constant 32 : index
      %get3A_91 = tpu.vector_load %arg7[%get3A_90] {strides = array<i32>} : memref<4000xi32, #tpu.memory_space<vmem>>, vector<16xi32>,
      %get3A_92 = vector.shape_cast %get3A_91 : vector<16xi32> to vector<16xi32>
      %swap3A_93 = arith.constant 32 : index
      %swap3A_94 = tpu.vector_load %arg9[%swap3A_93] {strides = array<i32>} : memref<80xi32, #tpu.memory_space<vmem>>, vector<16xi32>,
      %swap3A_95 = vector.shape_cast %swap3A_94 : vector<16xi32> to vector<16xi32>
      %swap3A_96 = vector.shape_cast %get3A_92 : vector<16xi32> to vector<16xi32>
      tpu.vector_store %arg9[%swap3A_93], %swap3A_96 {strides = array<i32>} : memref<80xi32, #tpu.memory_space<vmem>>, vector<16xi32>,
      %get3A_97 = arith.constant 48 : index
      %get3A_98 = tpu.vector_load %arg6[%get3A_97] {strides = array<i32>} : memref<4000xi32, #tpu.memory_space<vmem>>, vector<16xi32>,
      %get3A_99 = vector.shape_cast %get3A_98 : vector<16xi32> to vector<16xi32>
      %add3A_100 = vector.broadcast %mul3A_23 : i32 to vector<16xi32>
      %add3A_101 = arith.addi %get3A_99, %add3A_100 : vector<16xi32>
      %swap3A_102 = arith.constant 48 : index
      %swap3A_103 = tpu.vector_load %arg8[%swap3A_102] {strides = array<i32>} : memref<80xi32, #tpu.memory_space<vmem>>, vector<16xi32>,
      %swap3A_104 = vector.shape_cast %swap3A_103 : vector<16xi32> to vector<16xi32>
      %swap3A_105 = vector.shape_cast %add3A_101 : vector<16xi32> to vector<16xi32>
      tpu.vector_store %arg8[%swap3A_102], %swap3A_105 {strides = array<i32>} : memref<80xi32, #tpu.memory_space<vmem>>, vector<16xi32>,
      %get3A_106 = arith.constant 48 : index
      %get3A_107 = tpu.vector_load %arg7[%get3A_106] {strides = array<i32>} : memref<4000xi32, #tpu.memory_space<vmem>>, vector<16xi32>,
      %get3A_108 = vector.shape_cast %get3A_107 : vector<16xi32> to vector<16xi32>
      %swap3A_109 = arith.constant 48 : index
      %swap3A_110 = tpu.vector_load %arg9[%swap3A_109] {strides = array<i32>} : memref<80xi32, #tpu.memory_space<vmem>>, vector<16xi32>,
      %swap3A_111 = vector.shape_cast %swap3A_110 : vector<16xi32> to vector<16xi32>
      %swap3A_112 = vector.shape_cast %get3A_108 : vector<16xi32> to vector<16xi32>
      tpu.vector_store %arg9[%swap3A_109], %swap3A_112 {strides = array<i32>} : memref<80xi32, #tpu.memory_space<vmem>>, vector<16xi32>,
      %get3A_113 = arith.constant 64 : index
      %get3A_114 = tpu.vector_load %arg6[%get3A_113] {strides = array<i32>} : memref<4000xi32, #tpu.memory_space<vmem>>, vector<16xi32>,
      %get3A_115 = vector.shape_cast %get3A_114 : vector<16xi32> to vector<16xi32>
      %add3A_116 = vector.broadcast %mul3A_23 : i32 to vector<16xi32>
      %add3A_117 = arith.addi %get3A_115, %add3A_116 : vector<16xi32>
      %swap3A_118 = arith.constant 64 : index
      %swap3A_119 = tpu.vector_load %arg8[%swap3A_118] {strides = array<i32>} : memref<80xi32, #tpu.memory_space<vmem>>, vector<16xi32>,
      %swap3A_120 = vector.shape_cast %swap3A_119 : vector<16xi32> to vector<16xi32>
      %swap3A_121 = vector.shape_cast %add3A_117 : vector<16xi32> to vector<16xi32>
      tpu.vector_store %arg8[%swap3A_118], %swap3A_121 {strides = array<i32>} : memref<80xi32, #tpu.memory_space<vmem>>, vector<16xi32>,
      %get3A_122 = arith.constant 64 : index
      %get3A_123 = tpu.vector_load %arg7[%get3A_122] {strides = array<i32>} : memref<4000xi32, #tpu.memory_space<vmem>>, vector<16xi32>,
      %get3A_124 = vector.shape_cast %get3A_123 : vector<16xi32> to vector<16xi32>
      %swap3A_125 = arith.constant 64 : index
      %swap3A_126 = tpu.vector_load %arg9[%swap3A_125] {strides = array<i32>} : memref<80xi32, #tpu.memory_space<vmem>>, vector<16xi32>,
      %swap3A_127 = vector.shape_cast %swap3A_126 : vector<16xi32> to vector<16xi32>
      %swap3A_128 = vector.shape_cast %get3A_124 : vector<16xi32> to vector<16xi32>
      tpu.vector_store %arg9[%swap3A_125], %swap3A_128 {strides = array<i32>} : memref<80xi32, #tpu.memory_space<vmem>>, vector<16xi32>,
      %dma_start3A = arith.constant 0 : i32
      %dma_start3A_129 = arith.constant 0 : i32
      %dma_start3A_130 = tpu.memref_slice %arg2[%dma_start3A, %dma_start3A_129] : memref<20000x128xf32, #tpu.memory_space<hbm>> -> memref<20000x128xf32, #tpu.memory_space<hbm>>
      tpu.enqueue_indirect_dma source(%dma_start3A_130 : memref<20000x128xf32, #tpu.memory_space<hbm>>) target(%arg12 : memref<80x128xf32, #tpu.memory_space<vmem>>) offsets(%arg8 : memref<80xi32, #tpu.memory_space<vmem>>) semaphore(%arg16 : memref<!tpu.dma_semaphore, #tpu.memory_space<semaphore_mem>>)
      %scan3A_131 = arith.constant 0 : i32
      %scan3A_132 = arith.constant 0 : i32
      %scan3A_133 = arith.constant 25 : i32
      %scan3A_134 = arith.addi %scan3A_132, %scan3A_133 : i32
      %scan3A_135 = arith.constant 1 : i32
      %scan3A_136 = scf.for %scan3A_139 = %scan3A_132 to %scan3A_134 step %scan3A_135 iter_args(%scan3A_140 = %scan3A_131) -> (i32)  : i32 {
        %mul3A_141 = arith.constant 2 : i32
        %mul3A_142 = arith.muli %mul3A_141, %scan3A_139 : i32
        %add3A_143 = arith.constant 1 : i32
        %add3A_144 = arith.addi %mul3A_142, %add3A_143 : i32
        %mul3A_145 = arith.constant 80 : i32
        %mul3A_146 = arith.muli %add3A_144, %mul3A_145 : i32
        %add3A_147 = arith.constant 0 : i32
        %add3A_148 = arith.addi %mul3A_146, %add3A_147 : i32
        %get3A_149 = arith.index_cast %add3A_148 : i32 to index
        %get3A_150 = tpu.vector_load %arg6[%get3A_149] {strides = array<i32>} : memref<4000xi32, #tpu.memory_space<vmem>>, vector<16xi32>,
        %get3A_151 = vector.shape_cast %get3A_150 : vector<16xi32> to vector<16xi32>
        %add3A_152 = vector.broadcast %mul3A_23 : i32 to vector<16xi32>
        %add3A_153 = arith.addi %get3A_151, %add3A_152 : vector<16xi32>
        %swap3A_154 = arith.constant 0 : index
        %swap3A_155 = tpu.vector_load %arg10[%swap3A_154] {strides = array<i32>} : memref<80xi32, #tpu.memory_space<vmem>>, vector<16xi32>,
        %swap3A_156 = vector.shape_cast %swap3A_155 : vector<16xi32> to vector<16xi32>
        %swap3A_157 = vector.shape_cast %add3A_153 : vector<16xi32> to vector<16xi32>
        tpu.vector_store %arg10[%swap3A_154], %swap3A_157 {strides = array<i32>} : memref<80xi32, #tpu.memory_space<vmem>>, vector<16xi32>,
        %get3A_158 = arith.index_cast %add3A_148 : i32 to index
        %get3A_159 = tpu.vector_load %arg7[%get3A_158] {strides = array<i32>} : memref<4000xi32, #tpu.memory_space<vmem>>, vector<16xi32>,
        %get3A_160 = vector.shape_cast %get3A_159 : vector<16xi32> to vector<16xi32>
        %swap3A_161 = arith.constant 0 : index
        %swap3A_162 = tpu.vector_load %arg11[%swap3A_161] {strides = array<i32>} : memref<80xi32, #tpu.memory_space<vmem>>, vector<16xi32>,
        %swap3A_163 = vector.shape_cast %swap3A_162 : vector<16xi32> to vector<16xi32>
        %swap3A_164 = vector.shape_cast %get3A_160 : vector<16xi32> to vector<16xi32>
        tpu.vector_store %arg11[%swap3A_161], %swap3A_164 {strides = array<i32>} : memref<80xi32, #tpu.memory_space<vmem>>, vector<16xi32>,
        %mul3A_165 = arith.constant 80 : i32
        %mul3A_166 = arith.muli %add3A_144, %mul3A_165 : i32
        %add3A_167 = arith.constant 16 : i32
        %add3A_168 = arith.addi %mul3A_166, %add3A_167 : i32
        %get3A_169 = arith.index_cast %add3A_168 : i32 to index
        %get3A_170 = tpu.vector_load %arg6[%get3A_169] {strides = array<i32>} : memref<4000xi32, #tpu.memory_space<vmem>>, vector<16xi32>,
        %get3A_171 = vector.shape_cast %get3A_170 : vector<16xi32> to vector<16xi32>
        %add3A_172 = vector.broadcast %mul3A_23 : i32 to vector<16xi32>
        %add3A_173 = arith.addi %get3A_171, %add3A_172 : vector<16xi32>
        %swap3A_174 = arith.constant 16 : index
        %swap3A_175 = tpu.vector_load %arg10[%swap3A_174] {strides = array<i32>} : memref<80xi32, #tpu.memory_space<vmem>>, vector<16xi32>,
        %swap3A_176 = vector.shape_cast %swap3A_175 : vector<16xi32> to vector<16xi32>
        %swap3A_177 = vector.shape_cast %add3A_173 : vector<16xi32> to vector<16xi32>
        tpu.vector_store %arg10[%swap3A_174], %swap3A_177 {strides = array<i32>} : memref<80xi32, #tpu.memory_space<vmem>>, vector<16xi32>,
        %get3A_178 = arith.index_cast %add3A_168 : i32 to index
        %get3A_179 = tpu.vector_load %arg7[%get3A_178] {strides = array<i32>} : memref<4000xi32, #tpu.memory_space<vmem>>, vector<16xi32>,
        %get3A_180 = vector.shape_cast %get3A_179 : vector<16xi32> to vector<16xi32>
        %swap3A_181 = arith.constant 16 : index
        %swap3A_182 = tpu.vector_load %arg11[%swap3A_181] {strides = array<i32>} : memref<80xi32, #tpu.memory_space<vmem>>, vector<16xi32>,
        %swap3A_183 = vector.shape_cast %swap3A_182 : vector<16xi32> to vector<16xi32>
        %swap3A_184 = vector.shape_cast %get3A_180 : vector<16xi32> to vector<16xi32>
        tpu.vector_store %arg11[%swap3A_181], %swap3A_184 {strides = array<i32>} : memref<80xi32, #tpu.memory_space<vmem>>, vector<16xi32>,
        %mul3A_185 = arith.constant 80 : i32
        %mul3A_186 = arith.muli %add3A_144, %mul3A_185 : i32
        %add3A_187 = arith.constant 32 : i32
        %add3A_188 = arith.addi %mul3A_186, %add3A_187 : i32
        %get3A_189 = arith.index_cast %add3A_188 : i32 to index
        %get3A_190 = tpu.vector_load %arg6[%get3A_189] {strides = array<i32>} : memref<4000xi32, #tpu.memory_space<vmem>>, vector<16xi32>,
        %get3A_191 = vector.shape_cast %get3A_190 : vector<16xi32> to vector<16xi32>
        %add3A_192 = vector.broadcast %mul3A_23 : i32 to vector<16xi32>
        %add3A_193 = arith.addi %get3A_191, %add3A_192 : vector<16xi32>
        %swap3A_194 = arith.constant 32 : index
        %swap3A_195 = tpu.vector_load %arg10[%swap3A_194] {strides = array<i32>} : memref<80xi32, #tpu.memory_space<vmem>>, vector<16xi32>,
        %swap3A_196 = vector.shape_cast %swap3A_195 : vector<16xi32> to vector<16xi32>
        %swap3A_197 = vector.shape_cast %add3A_193 : vector<16xi32> to vector<16xi32>
        tpu.vector_store %arg10[%swap3A_194], %swap3A_197 {strides = array<i32>} : memref<80xi32, #tpu.memory_space<vmem>>, vector<16xi32>,
        %get3A_198 = arith.index_cast %add3A_188 : i32 to index
        %get3A_199 = tpu.vector_load %arg7[%get3A_198] {strides = array<i32>} : memref<4000xi32, #tpu.memory_space<vmem>>, vector<16xi32>,
        %get3A_200 = vector.shape_cast %get3A_199 : vector<16xi32> to vector<16xi32>
        %swap3A_201 = arith.constant 32 : index
        %swap3A_202 = tpu.vector_load %arg11[%swap3A_201] {strides = array<i32>} : memref<80xi32, #tpu.memory_space<vmem>>, vector<16xi32>,
        %swap3A_203 = vector.shape_cast %swap3A_202 : vector<16xi32> to vector<16xi32>
        %swap3A_204 = vector.shape_cast %get3A_200 : vector<16xi32> to vector<16xi32>
        tpu.vector_store %arg11[%swap3A_201], %swap3A_204 {strides = array<i32>} : memref<80xi32, #tpu.memory_space<vmem>>, vector<16xi32>,
        %mul3A_205 = arith.constant 80 : i32
        %mul3A_206 = arith.muli %add3A_144, %mul3A_205 : i32
        %add3A_207 = arith.constant 48 : i32
        %add3A_208 = arith.addi %mul3A_206, %add3A_207 : i32
        %get3A_209 = arith.index_cast %add3A_208 : i32 to index
        %get3A_210 = tpu.vector_load %arg6[%get3A_209] {strides = array<i32>} : memref<4000xi32, #tpu.memory_space<vmem>>, vector<16xi32>,
        %get3A_211 = vector.shape_cast %get3A_210 : vector<16xi32> to vector<16xi32>
        %add3A_212 = vector.broadcast %mul3A_23 : i32 to vector<16xi32>
        %add3A_213 = arith.addi %get3A_211, %add3A_212 : vector<16xi32>
        %swap3A_214 = arith.constant 48 : index
        %swap3A_215 = tpu.vector_load %arg10[%swap3A_214] {strides = array<i32>} : memref<80xi32, #tpu.memory_space<vmem>>, vector<16xi32>,
        %swap3A_216 = vector.shape_cast %swap3A_215 : vector<16xi32> to vector<16xi32>
        %swap3A_217 = vector.shape_cast %add3A_213 : vector<16xi32> to vector<16xi32>
        tpu.vector_store %arg10[%swap3A_214], %swap3A_217 {strides = array<i32>} : memref<80xi32, #tpu.memory_space<vmem>>, vector<16xi32>,
        %get3A_218 = arith.index_cast %add3A_208 : i32 to index
        %get3A_219 = tpu.vector_load %arg7[%get3A_218] {strides = array<i32>} : memref<4000xi32, #tpu.memory_space<vmem>>, vector<16xi32>,
        %get3A_220 = vector.shape_cast %get3A_219 : vector<16xi32> to vector<16xi32>
        %swap3A_221 = arith.constant 48 : index
        %swap3A_222 = tpu.vector_load %arg11[%swap3A_221] {strides = array<i32>} : memref<80xi32, #tpu.memory_space<vmem>>, vector<16xi32>,
        %swap3A_223 = vector.shape_cast %swap3A_222 : vector<16xi32> to vector<16xi32>
        %swap3A_224 = vector.shape_cast %get3A_220 : vector<16xi32> to vector<16xi32>
        tpu.vector_store %arg11[%swap3A_221], %swap3A_224 {strides = array<i32>} : memref<80xi32, #tpu.memory_space<vmem>>, vector<16xi32>,
        %mul3A_225 = arith.constant 80 : i32
        %mul3A_226 = arith.muli %add3A_144, %mul3A_225 : i32
        %add3A_227 = arith.constant 64 : i32
        %add3A_228 = arith.addi %mul3A_226, %add3A_227 : i32
        %get3A_229 = arith.index_cast %add3A_228 : i32 to index
        %get3A_230 = tpu.vector_load %arg6[%get3A_229] {strides = array<i32>} : memref<4000xi32, #tpu.memory_space<vmem>>, vector<16xi32>,
        %get3A_231 = vector.shape_cast %get3A_230 : vector<16xi32> to vector<16xi32>
        %add3A_232 = vector.broadcast %mul3A_23 : i32 to vector<16xi32>
        %add3A_233 = arith.addi %get3A_231, %add3A_232 : vector<16xi32>
        %swap3A_234 = arith.constant 64 : index
        %swap3A_235 = tpu.vector_load %arg10[%swap3A_234] {strides = array<i32>} : memref<80xi32, #tpu.memory_space<vmem>>, vector<16xi32>,
        %swap3A_236 = vector.shape_cast %swap3A_235 : vector<16xi32> to vector<16xi32>
        %swap3A_237 = vector.shape_cast %add3A_233 : vector<16xi32> to vector<16xi32>
        tpu.vector_store %arg10[%swap3A_234], %swap3A_237 {strides = array<i32>} : memref<80xi32, #tpu.memory_space<vmem>>, vector<16xi32>,
        %get3A_238 = arith.index_cast %add3A_228 : i32 to index
        %get3A_239 = tpu.vector_load %arg7[%get3A_238] {strides = array<i32>} : memref<4000xi32, #tpu.memory_space<vmem>>, vector<16xi32>,
        %get3A_240 = vector.shape_cast %get3A_239 : vector<16xi32> to vector<16xi32>
        %swap3A_241 = arith.constant 64 : index
        %swap3A_242 = tpu.vector_load %arg11[%swap3A_241] {strides = array<i32>} : memref<80xi32, #tpu.memory_space<vmem>>, vector<16xi32>,
        %swap3A_243 = vector.shape_cast %swap3A_242 : vector<16xi32> to vector<16xi32>
        %swap3A_244 = vector.shape_cast %get3A_240 : vector<16xi32> to vector<16xi32>
        tpu.vector_store %arg11[%swap3A_241], %swap3A_244 {strides = array<i32>} : memref<80xi32, #tpu.memory_space<vmem>>, vector<16xi32>,
        %dma_start3A_245 = arith.constant 0 : i32
        %dma_start3A_246 = arith.constant 0 : i32
        %dma_start3A_247 = tpu.memref_slice %arg2[%dma_start3A_245, %dma_start3A_246] : memref<20000x128xf32, #tpu.memory_space<hbm>> -> memref<20000x128xf32, #tpu.memory_space<hbm>>
        tpu.enqueue_indirect_dma source(%dma_start3A_247 : memref<20000x128xf32, #tpu.memory_space<hbm>>) target(%arg13 : memref<80x128xf32, #tpu.memory_space<vmem>>) offsets(%arg10 : memref<80xi32, #tpu.memory_space<vmem>>) semaphore(%arg17 : memref<!tpu.dma_semaphore, #tpu.memory_space<semaphore_mem>>)
        %dma_wait3A = arith.constant 0 : i32
        %dma_wait3A_248 = arith.constant 0 : i32
        %dma_wait3A_249 = tpu.memref_slice %arg2[%dma_wait3A, %dma_wait3A_248] : memref<20000x128xf32, #tpu.memory_space<hbm>> -> memref<20000x128xf32, #tpu.memory_space<hbm>>
        tpu.wait_indirect_dma semaphore(%arg16 : memref<!tpu.dma_semaphore, #tpu.memory_space<semaphore_mem>>) src(%dma_wait3A_249 : memref<20000x128xf32, #tpu.memory_space<hbm>>) dst(%arg12 : memref<80x128xf32, #tpu.memory_space<vmem>>)
        "tpu.region"() ({
          %run_scoped3A = tpu.sem_alloc : memref<!tpu.dma_semaphore, #tpu.memory_space<semaphore_mem>>
          %dma_start3A_256 = arith.constant 0 : i32
          %dma_start3A_257 = arith.constant 0 : i32
          %dma_start3A_258 = tpu.memref_slice %arg15[%dma_start3A_256, %dma_start3A_257] : memref<10000x128xf32, #tpu.memory_space<vmem_shared>> -> memref<10000x128xf32, #tpu.memory_space<vmem_shared>>
          tpu.enqueue_indirect_dma source(%arg12 : memref<80x128xf32, #tpu.memory_space<vmem>>) target(%dma_start3A_258 : memref<10000x128xf32, #tpu.memory_space<vmem_shared>>) offsets(%arg9 : memref<80xi32, #tpu.memory_space<vmem>>) semaphore(%run_scoped3A : memref<!tpu.dma_semaphore, #tpu.memory_space<semaphore_mem>>) {add = true}
          %dma_wait3A_259 = arith.constant 0 : i32
          %dma_wait3A_260 = arith.constant 0 : i32
          %dma_wait3A_261 = tpu.memref_slice %arg15[%dma_wait3A_259, %dma_wait3A_260] : memref<10000x128xf32, #tpu.memory_space<vmem_shared>> -> memref<10000x128xf32, #tpu.memory_space<vmem_shared>>
          tpu.wait_indirect_dma semaphore(%run_scoped3A : memref<!tpu.dma_semaphore, #tpu.memory_space<semaphore_mem>>) src(%arg12 : memref<80x128xf32, #tpu.memory_space<vmem>>) dst(%dma_wait3A_261 : memref<10000x128xf32, #tpu.memory_space<vmem_shared>>)
          tpu.yield
        }) : () -> ()
        %lt3A = arith.constant 24 : i32
        %lt3A_250 = arith.cmpi slt, %scan3A_139, %lt3A : i32
        %convert_element_type3A = arith.extui %lt3A_250 : i1 to i32
        %cond3A = arith.constant 0 : i32
        %cond3A_251 = arith.cmpi ne, %convert_element_type3A, %cond3A : i32
        scf.if %cond3A_251 {
          %mul3A_256 = arith.constant 2 : i32
          %mul3A_257 = arith.muli %mul3A_256, %scan3A_139 : i32
          %add3A_258 = arith.constant 2 : i32
          %add3A_259 = arith.addi %mul3A_257, %add3A_258 : i32
          %mul3A_260 = arith.constant 80 : i32
          %mul3A_261 = arith.muli %add3A_259, %mul3A_260 : i32
          %add3A_262 = arith.constant 0 : i32
          %add3A_263 = arith.addi %mul3A_261, %add3A_262 : i32
          %get3A_264 = arith.index_cast %add3A_263 : i32 to index
          %get3A_265 = tpu.vector_load %arg6[%get3A_264] {strides = array<i32>} : memref<4000xi32, #tpu.memory_space<vmem>>, vector<16xi32>,
          %get3A_266 = vector.shape_cast %get3A_265 : vector<16xi32> to vector<16xi32>
          %add3A_267 = vector.broadcast %mul3A_23 : i32 to vector<16xi32>
          %add3A_268 = arith.addi %get3A_266, %add3A_267 : vector<16xi32>
          %swap3A_269 = arith.constant 0 : index
          %swap3A_270 = tpu.vector_load %arg8[%swap3A_269] {strides = array<i32>} : memref<80xi32, #tpu.memory_space<vmem>>, vector<16xi32>,
          %swap3A_271 = vector.shape_cast %swap3A_270 : vector<16xi32> to vector<16xi32>
          %swap3A_272 = vector.shape_cast %add3A_268 : vector<16xi32> to vector<16xi32>
          tpu.vector_store %arg8[%swap3A_269], %swap3A_272 {strides = array<i32>} : memref<80xi32, #tpu.memory_space<vmem>>, vector<16xi32>,
          %get3A_273 = arith.index_cast %add3A_263 : i32 to index
          %get3A_274 = tpu.vector_load %arg7[%get3A_273] {strides = array<i32>} : memref<4000xi32, #tpu.memory_space<vmem>>, vector<16xi32>,
          %get3A_275 = vector.shape_cast %get3A_274 : vector<16xi32> to vector<16xi32>
          %swap3A_276 = arith.constant 0 : index
          %swap3A_277 = tpu.vector_load %arg9[%swap3A_276] {strides = array<i32>} : memref<80xi32, #tpu.memory_space<vmem>>, vector<16xi32>,
          %swap3A_278 = vector.shape_cast %swap3A_277 : vector<16xi32> to vector<16xi32>
          %swap3A_279 = vector.shape_cast %get3A_275 : vector<16xi32> to vector<16xi32>
          tpu.vector_store %arg9[%swap3A_276], %swap3A_279 {strides = array<i32>} : memref<80xi32, #tpu.memory_space<vmem>>, vector<16xi32>,
          %mul3A_280 = arith.constant 80 : i32
          %mul3A_281 = arith.muli %add3A_259, %mul3A_280 : i32
          %add3A_282 = arith.constant 16 : i32
          %add3A_283 = arith.addi %mul3A_281, %add3A_282 : i32
          %get3A_284 = arith.index_cast %add3A_283 : i32 to index
          %get3A_285 = tpu.vector_load %arg6[%get3A_284] {strides = array<i32>} : memref<4000xi32, #tpu.memory_space<vmem>>, vector<16xi32>,
          %get3A_286 = vector.shape_cast %get3A_285 : vector<16xi32> to vector<16xi32>
          %add3A_287 = vector.broadcast %mul3A_23 : i32 to vector<16xi32>
          %add3A_288 = arith.addi %get3A_286, %add3A_287 : vector<16xi32>
          %swap3A_289 = arith.constant 16 : index
          %swap3A_290 = tpu.vector_load %arg8[%swap3A_289] {strides = array<i32>} : memref<80xi32, #tpu.memory_space<vmem>>, vector<16xi32>,
          %swap3A_291 = vector.shape_cast %swap3A_290 : vector<16xi32> to vector<16xi32>
          %swap3A_292 = vector.shape_cast %add3A_288 : vector<16xi32> to vector<16xi32>
          tpu.vector_store %arg8[%swap3A_289], %swap3A_292 {strides = array<i32>} : memref<80xi32, #tpu.memory_space<vmem>>, vector<16xi32>,
          %get3A_293 = arith.index_cast %add3A_283 : i32 to index
          %get3A_294 = tpu.vector_load %arg7[%get3A_293] {strides = array<i32>} : memref<4000xi32, #tpu.memory_space<vmem>>, vector<16xi32>,
          %get3A_295 = vector.shape_cast %get3A_294 : vector<16xi32> to vector<16xi32>
          %swap3A_296 = arith.constant 16 : index
          %swap3A_297 = tpu.vector_load %arg9[%swap3A_296] {strides = array<i32>} : memref<80xi32, #tpu.memory_space<vmem>>, vector<16xi32>,
          %swap3A_298 = vector.shape_cast %swap3A_297 : vector<16xi32> to vector<16xi32>
          %swap3A_299 = vector.shape_cast %get3A_295 : vector<16xi32> to vector<16xi32>
          tpu.vector_store %arg9[%swap3A_296], %swap3A_299 {strides = array<i32>} : memref<80xi32, #tpu.memory_space<vmem>>, vector<16xi32>,
          %mul3A_300 = arith.constant 80 : i32
          %mul3A_301 = arith.muli %add3A_259, %mul3A_300 : i32
          %add3A_302 = arith.constant 32 : i32
          %add3A_303 = arith.addi %mul3A_301, %add3A_302 : i32
          %get3A_304 = arith.index_cast %add3A_303 : i32 to index
          %get3A_305 = tpu.vector_load %arg6[%get3A_304] {strides = array<i32>} : memref<4000xi32, #tpu.memory_space<vmem>>, vector<16xi32>,
          %get3A_306 = vector.shape_cast %get3A_305 : vector<16xi32> to vector<16xi32>
          %add3A_307 = vector.broadcast %mul3A_23 : i32 to vector<16xi32>
          %add3A_308 = arith.addi %get3A_306, %add3A_307 : vector<16xi32>
          %swap3A_309 = arith.constant 32 : index
          %swap3A_310 = tpu.vector_load %arg8[%swap3A_309] {strides = array<i32>} : memref<80xi32, #tpu.memory_space<vmem>>, vector<16xi32>,
          %swap3A_311 = vector.shape_cast %swap3A_310 : vector<16xi32> to vector<16xi32>
          %swap3A_312 = vector.shape_cast %add3A_308 : vector<16xi32> to vector<16xi32>
          tpu.vector_store %arg8[%swap3A_309], %swap3A_312 {strides = array<i32>} : memref<80xi32, #tpu.memory_space<vmem>>, vector<16xi32>,
          %get3A_313 = arith.index_cast %add3A_303 : i32 to index
          %get3A_314 = tpu.vector_load %arg7[%get3A_313] {strides = array<i32>} : memref<4000xi32, #tpu.memory_space<vmem>>, vector<16xi32>,
          %get3A_315 = vector.shape_cast %get3A_314 : vector<16xi32> to vector<16xi32>
          %swap3A_316 = arith.constant 32 : index
          %swap3A_317 = tpu.vector_load %arg9[%swap3A_316] {strides = array<i32>} : memref<80xi32, #tpu.memory_space<vmem>>, vector<16xi32>,
          %swap3A_318 = vector.shape_cast %swap3A_317 : vector<16xi32> to vector<16xi32>
          %swap3A_319 = vector.shape_cast %get3A_315 : vector<16xi32> to vector<16xi32>
          tpu.vector_store %arg9[%swap3A_316], %swap3A_319 {strides = array<i32>} : memref<80xi32, #tpu.memory_space<vmem>>, vector<16xi32>,
          %mul3A_320 = arith.constant 80 : i32
          %mul3A_321 = arith.muli %add3A_259, %mul3A_320 : i32
          %add3A_322 = arith.constant 48 : i32
          %add3A_323 = arith.addi %mul3A_321, %add3A_322 : i32
          %get3A_324 = arith.index_cast %add3A_323 : i32 to index
          %get3A_325 = tpu.vector_load %arg6[%get3A_324] {strides = array<i32>} : memref<4000xi32, #tpu.memory_space<vmem>>, vector<16xi32>,
          %get3A_326 = vector.shape_cast %get3A_325 : vector<16xi32> to vector<16xi32>
          %add3A_327 = vector.broadcast %mul3A_23 : i32 to vector<16xi32>
          %add3A_328 = arith.addi %get3A_326, %add3A_327 : vector<16xi32>
          %swap3A_329 = arith.constant 48 : index
          %swap3A_330 = tpu.vector_load %arg8[%swap3A_329] {strides = array<i32>} : memref<80xi32, #tpu.memory_space<vmem>>, vector<16xi32>,
          %swap3A_331 = vector.shape_cast %swap3A_330 : vector<16xi32> to vector<16xi32>
          %swap3A_332 = vector.shape_cast %add3A_328 : vector<16xi32> to vector<16xi32>
          tpu.vector_store %arg8[%swap3A_329], %swap3A_332 {strides = array<i32>} : memref<80xi32, #tpu.memory_space<vmem>>, vector<16xi32>,
          %get3A_333 = arith.index_cast %add3A_323 : i32 to index
          %get3A_334 = tpu.vector_load %arg7[%get3A_333] {strides = array<i32>} : memref<4000xi32, #tpu.memory_space<vmem>>, vector<16xi32>,
          %get3A_335 = vector.shape_cast %get3A_334 : vector<16xi32> to vector<16xi32>
          %swap3A_336 = arith.constant 48 : index
          %swap3A_337 = tpu.vector_load %arg9[%swap3A_336] {strides = array<i32>} : memref<80xi32, #tpu.memory_space<vmem>>, vector<16xi32>,
          %swap3A_338 = vector.shape_cast %swap3A_337 : vector<16xi32> to vector<16xi32>
          %swap3A_339 = vector.shape_cast %get3A_335 : vector<16xi32> to vector<16xi32>
          tpu.vector_store %arg9[%swap3A_336], %swap3A_339 {strides = array<i32>} : memref<80xi32, #tpu.memory_space<vmem>>, vector<16xi32>,
          %mul3A_340 = arith.constant 80 : i32
          %mul3A_341 = arith.muli %add3A_259, %mul3A_340 : i32
          %add3A_342 = arith.constant 64 : i32
          %add3A_343 = arith.addi %mul3A_341, %add3A_342 : i32
          %get3A_344 = arith.index_cast %add3A_343 : i32 to index
          %get3A_345 = tpu.vector_load %arg6[%get3A_344] {strides = array<i32>} : memref<4000xi32, #tpu.memory_space<vmem>>, vector<16xi32>,
          %get3A_346 = vector.shape_cast %get3A_345 : vector<16xi32> to vector<16xi32>
          %add3A_347 = vector.broadcast %mul3A_23 : i32 to vector<16xi32>
          %add3A_348 = arith.addi %get3A_346, %add3A_347 : vector<16xi32>
          %swap3A_349 = arith.constant 64 : index
          %swap3A_350 = tpu.vector_load %arg8[%swap3A_349] {strides = array<i32>} : memref<80xi32, #tpu.memory_space<vmem>>, vector<16xi32>,
          %swap3A_351 = vector.shape_cast %swap3A_350 : vector<16xi32> to vector<16xi32>
          %swap3A_352 = vector.shape_cast %add3A_348 : vector<16xi32> to vector<16xi32>
          tpu.vector_store %arg8[%swap3A_349], %swap3A_352 {strides = array<i32>} : memref<80xi32, #tpu.memory_space<vmem>>, vector<16xi32>,
          %get3A_353 = arith.index_cast %add3A_343 : i32 to index
          %get3A_354 = tpu.vector_load %arg7[%get3A_353] {strides = array<i32>} : memref<4000xi32, #tpu.memory_space<vmem>>, vector<16xi32>,
          %get3A_355 = vector.shape_cast %get3A_354 : vector<16xi32> to vector<16xi32>
          %swap3A_356 = arith.constant 64 : index
          %swap3A_357 = tpu.vector_load %arg9[%swap3A_356] {strides = array<i32>} : memref<80xi32, #tpu.memory_space<vmem>>, vector<16xi32>,
          %swap3A_358 = vector.shape_cast %swap3A_357 : vector<16xi32> to vector<16xi32>
          %swap3A_359 = vector.shape_cast %get3A_355 : vector<16xi32> to vector<16xi32>
          tpu.vector_store %arg9[%swap3A_356], %swap3A_359 {strides = array<i32>} : memref<80xi32, #tpu.memory_space<vmem>>, vector<16xi32>,
          %dma_start3A_360 = arith.constant 0 : i32
          %dma_start3A_361 = arith.constant 0 : i32
          %dma_start3A_362 = tpu.memref_slice %arg2[%dma_start3A_360, %dma_start3A_361] : memref<20000x128xf32, #tpu.memory_space<hbm>> -> memref<20000x128xf32, #tpu.memory_space<hbm>>
          tpu.enqueue_indirect_dma source(%dma_start3A_362 : memref<20000x128xf32, #tpu.memory_space<hbm>>) target(%arg12 : memref<80x128xf32, #tpu.memory_space<vmem>>) offsets(%arg8 : memref<80xi32, #tpu.memory_space<vmem>>) semaphore(%arg16 : memref<!tpu.dma_semaphore, #tpu.memory_space<semaphore_mem>>)
        } else {
        }
        %dma_wait3A_252 = arith.constant 0 : i32
        %dma_wait3A_253 = arith.constant 0 : i32
        %dma_wait3A_254 = tpu.memref_slice %arg2[%dma_wait3A_252, %dma_wait3A_253] : memref<20000x128xf32, #tpu.memory_space<hbm>> -> memref<20000x128xf32, #tpu.memory_space<hbm>>
        tpu.wait_indirect_dma semaphore(%arg17 : memref<!tpu.dma_semaphore, #tpu.memory_space<semaphore_mem>>) src(%dma_wait3A_254 : memref<20000x128xf32, #tpu.memory_space<hbm>>) dst(%arg13 : memref<80x128xf32, #tpu.memory_space<vmem>>)
        "tpu.region"() ({
          %run_scoped3A = tpu.sem_alloc : memref<!tpu.dma_semaphore, #tpu.memory_space<semaphore_mem>>
          %dma_start3A_256 = arith.constant 0 : i32
          %dma_start3A_257 = arith.constant 0 : i32
          %dma_start3A_258 = tpu.memref_slice %arg15[%dma_start3A_256, %dma_start3A_257] : memref<10000x128xf32, #tpu.memory_space<vmem_shared>> -> memref<10000x128xf32, #tpu.memory_space<vmem_shared>>
          tpu.enqueue_indirect_dma source(%arg13 : memref<80x128xf32, #tpu.memory_space<vmem>>) target(%dma_start3A_258 : memref<10000x128xf32, #tpu.memory_space<vmem_shared>>) offsets(%arg11 : memref<80xi32, #tpu.memory_space<vmem>>) semaphore(%run_scoped3A : memref<!tpu.dma_semaphore, #tpu.memory_space<semaphore_mem>>) {add = true}
          %dma_wait3A_259 = arith.constant 0 : i32
          %dma_wait3A_260 = arith.constant 0 : i32
          %dma_wait3A_261 = tpu.memref_slice %arg15[%dma_wait3A_259, %dma_wait3A_260] : memref<10000x128xf32, #tpu.memory_space<vmem_shared>> -> memref<10000x128xf32, #tpu.memory_space<vmem_shared>>
          tpu.wait_indirect_dma semaphore(%run_scoped3A : memref<!tpu.dma_semaphore, #tpu.memory_space<semaphore_mem>>) src(%arg13 : memref<80x128xf32, #tpu.memory_space<vmem>>) dst(%dma_wait3A_261 : memref<10000x128xf32, #tpu.memory_space<vmem_shared>>)
          tpu.yield
        }) : () -> ()
        %scan3A_255 = arith.constant 0 : i32
        scf.yield %scan3A_255 : i32
      }
      %scan3A_137 = arith.constant 25 : i32
      %scan3A_138 = arith.constant 0 : i32
      scf.yield %scan3A_138 : i32
    }
    %scan3A_30 = arith.constant 5 : i32
    %barrier3A_31 = arith.constant 0 : index
    tpu.barrier barrier_id(%barrier3A_31)
    %while3A_32 = arith.constant 0 : i32
    %while3A_33 = arith.constant 0 : i32
    %while3A_34 = arith.subi %select_n3A, %while3A_32 : i32
    %while3A_35 = arith.addi %while3A_32, %while3A_34 : i32
    %while3A_36 = arith.constant 1 : i32
    %while3A_37 = arith.divsi %while3A_34, %while3A_36 : i32
    %while3A_38 = arith.muli %while3A_37, %while3A_36 : i32
    %while3A_39 = arith.addi %while3A_32, %while3A_38 : i32
    %while3A_40 = arith.constant 1 : i32
    %while3A_41 = scf.for %while3A_44 = %while3A_32 to %while3A_39 step %while3A_40 iter_args(%while3A_45 = %while3A_33) -> (i32)  : i32 {
      %mul3A_46 = arith.constant 16 : i32
      %mul3A_47 = arith.muli %while3A_44, %mul3A_46 : i32
      %add3A = arith.addi %mul3A_6, %mul3A_47 : i32
      "tpu.region"() ({
        %run_scoped3A = tpu.sem_alloc : memref<!tpu.dma_semaphore, #tpu.memory_space<semaphore_mem>>
        %dma_start3A = arith.constant 0 : i32
        %dma_start3A_50 = tpu.memref_slice %arg15[%add3A, %dma_start3A] : memref<10000x128xf32, #tpu.memory_space<vmem_shared>> -> memref<16x128xf32, #tpu.memory_space<vmem_shared>>
        %dma_start3A_51 = arith.constant 0 : i32
        %dma_start3A_52 = tpu.memref_slice %arg15[%add3A, %dma_start3A_51] : memref<10000x128xf32, #tpu.memory_space<vmem_shared>> -> memref<16x128xf32, #tpu.memory_space<vmem_shared>>
        tpu.enqueue_dma source(%dma_start3A_52 : memref<16x128xf32, #tpu.memory_space<vmem_shared>>) target(%arg14 : memref<16x128xf32, #tpu.memory_space<vmem>>) target_semaphore(%run_scoped3A : memref<!tpu.dma_semaphore, #tpu.memory_space<semaphore_mem>>)
        %dma_wait3A = arith.constant 0 : i32
        %dma_wait3A_53 = tpu.memref_slice %arg15[%add3A, %dma_wait3A] : memref<10000x128xf32, #tpu.memory_space<vmem_shared>> -> memref<16x128xf32, #tpu.memory_space<vmem_shared>>
        %dma_wait3A_54 = arith.constant 0 : i32
        %dma_wait3A_55 = tpu.memref_slice %arg15[%add3A, %dma_wait3A_54] : memref<10000x128xf32, #tpu.memory_space<vmem_shared>> -> memref<16x128xf32, #tpu.memory_space<vmem_shared>>
        tpu.wait_dma2 semaphore(%run_scoped3A : memref<!tpu.dma_semaphore, #tpu.memory_space<semaphore_mem>>) src(%dma_wait3A_55 : memref<16x128xf32, #tpu.memory_space<vmem_shared>>) dst(%arg14 : memref<16x128xf32, #tpu.memory_space<vmem>>)
        tpu.yield
      }) : () -> ()
      %add3A_48 = arith.addi %mul3A_23, %add3A : i32
      "tpu.region"() ({
        %run_scoped3A = tpu.sem_alloc : memref<!tpu.dma_semaphore, #tpu.memory_space<semaphore_mem>>
        %dma_start3A = arith.constant 0 : i32
        %dma_start3A_50 = tpu.memref_slice %arg5[%add3A_48, %dma_start3A] : memref<20000x128xf32, #tpu.memory_space<hbm>> -> memref<16x128xf32, #tpu.memory_space<hbm>>
        %dma_start3A_51 = arith.constant 0 : i32
        %dma_start3A_52 = tpu.memref_slice %arg5[%add3A_48, %dma_start3A_51] : memref<20000x128xf32, #tpu.memory_space<hbm>> -> memref<16x128xf32, #tpu.memory_space<hbm>>
        tpu.enqueue_dma source(%arg14 : memref<16x128xf32, #tpu.memory_space<vmem>>) target(%dma_start3A_52 : memref<16x128xf32, #tpu.memory_space<hbm>>) target_semaphore(%run_scoped3A : memref<!tpu.dma_semaphore, #tpu.memory_space<semaphore_mem>>)
        %dma_wait3A = arith.constant 0 : i32
        %dma_wait3A_53 = tpu.memref_slice %arg5[%add3A_48, %dma_wait3A] : memref<20000x128xf32, #tpu.memory_space<hbm>> -> memref<16x128xf32, #tpu.memory_space<hbm>>
        %dma_wait3A_54 = arith.constant 0 : i32
        %dma_wait3A_55 = tpu.memref_slice %arg5[%add3A_48, %dma_wait3A_54] : memref<20000x128xf32, #tpu.memory_space<hbm>> -> memref<16x128xf32, #tpu.memory_space<hbm>>
        tpu.wait_dma2 semaphore(%run_scoped3A : memref<!tpu.dma_semaphore, #tpu.memory_space<semaphore_mem>>) src(%arg14 : memref<16x128xf32, #tpu.memory_space<vmem>>) dst(%dma_wait3A_55 : memref<16x128xf32, #tpu.memory_space<hbm>>)
        tpu.yield
      }) : () -> ()
      %while3A_49 = arith.constant 0 : i32
      scf.yield %while3A_49 : i32
    }
    %while3A_42 = arith.constant 1 : i32
    %while3A_43 = scf.for %while3A_44 = %while3A_39 to %while3A_35 step %while3A_42 iter_args(%while3A_45 = %while3A_41) -> (i32)  : i32 {
      %mul3A_46 = arith.constant 16 : i32
      %mul3A_47 = arith.muli %while3A_44, %mul3A_46 : i32
      %add3A = arith.addi %mul3A_6, %mul3A_47 : i32
      "tpu.region"() ({
        %run_scoped3A = tpu.sem_alloc : memref<!tpu.dma_semaphore, #tpu.memory_space<semaphore_mem>>
        %dma_start3A = arith.constant 0 : i32
        %dma_start3A_50 = tpu.memref_slice %arg15[%add3A, %dma_start3A] : memref<10000x128xf32, #tpu.memory_space<vmem_shared>> -> memref<16x128xf32, #tpu.memory_space<vmem_shared>>
        %dma_start3A_51 = arith.constant 0 : i32
        %dma_start3A_52 = tpu.memref_slice %arg15[%add3A, %dma_start3A_51] : memref<10000x128xf32, #tpu.memory_space<vmem_shared>> -> memref<16x128xf32, #tpu.memory_space<vmem_shared>>
        tpu.enqueue_dma source(%dma_start3A_52 : memref<16x128xf32, #tpu.memory_space<vmem_shared>>) target(%arg14 : memref<16x128xf32, #tpu.memory_space<vmem>>) target_semaphore(%run_scoped3A : memref<!tpu.dma_semaphore, #tpu.memory_space<semaphore_mem>>)
        %dma_wait3A = arith.constant 0 : i32
        %dma_wait3A_53 = tpu.memref_slice %arg15[%add3A, %dma_wait3A] : memref<10000x128xf32, #tpu.memory_space<vmem_shared>> -> memref<16x128xf32, #tpu.memory_space<vmem_shared>>
        %dma_wait3A_54 = arith.constant 0 : i32
        %dma_wait3A_55 = tpu.memref_slice %arg15[%add3A, %dma_wait3A_54] : memref<10000x128xf32, #tpu.memory_space<vmem_shared>> -> memref<16x128xf32, #tpu.memory_space<vmem_shared>>
        tpu.wait_dma2 semaphore(%run_scoped3A : memref<!tpu.dma_semaphore, #tpu.memory_space<semaphore_mem>>) src(%dma_wait3A_55 : memref<16x128xf32, #tpu.memory_space<vmem_shared>>) dst(%arg14 : memref<16x128xf32, #tpu.memory_space<vmem>>)
        tpu.yield
      }) : () -> ()
      %add3A_48 = arith.addi %mul3A_23, %add3A : i32
      "tpu.region"() ({
        %run_scoped3A = tpu.sem_alloc : memref<!tpu.dma_semaphore, #tpu.memory_space<semaphore_mem>>
        %dma_start3A = arith.constant 0 : i32
        %dma_start3A_50 = tpu.memref_slice %arg5[%add3A_48, %dma_start3A] : memref<20000x128xf32, #tpu.memory_space<hbm>> -> memref<16x128xf32, #tpu.memory_space<hbm>>
        %dma_start3A_51 = arith.constant 0 : i32
        %dma_start3A_52 = tpu.memref_slice %arg5[%add3A_48, %dma_start3A_51] : memref<20000x128xf32, #tpu.memory_space<hbm>> -> memref<16x128xf32, #tpu.memory_space<hbm>>
        tpu.enqueue_dma source(%arg14 : memref<16x128xf32, #tpu.memory_space<vmem>>) target(%dma_start3A_52 : memref<16x128xf32, #tpu.memory_space<hbm>>) target_semaphore(%run_scoped3A : memref<!tpu.dma_semaphore, #tpu.memory_space<semaphore_mem>>)
        %dma_wait3A = arith.constant 0 : i32
        %dma_wait3A_53 = tpu.memref_slice %arg5[%add3A_48, %dma_wait3A] : memref<20000x128xf32, #tpu.memory_space<hbm>> -> memref<16x128xf32, #tpu.memory_space<hbm>>
        %dma_wait3A_54 = arith.constant 0 : i32
        %dma_wait3A_55 = tpu.memref_slice %arg5[%add3A_48, %dma_wait3A_54] : memref<20000x128xf32, #tpu.memory_space<hbm>> -> memref<16x128xf32, #tpu.memory_space<hbm>>
        tpu.wait_dma2 semaphore(%run_scoped3A : memref<!tpu.dma_semaphore, #tpu.memory_space<semaphore_mem>>) src(%arg14 : memref<16x128xf32, #tpu.memory_space<vmem>>) dst(%dma_wait3A_55 : memref<16x128xf32, #tpu.memory_space<hbm>>)
        tpu.yield
      }) : () -> ()
      %while3A_49 = arith.constant 0 : i32
      scf.yield %while3A_49 : i32
    }
    return
  }
}

module attributes {stable_mosaic.version = 14 : i64} {
  func.func @_mm1b_body(%arg0: i32, %arg1: i32, %arg2: memref<1000x128xf32, #tpu.memory_space<vmem>>, %arg3: memref<2x1000x1xf32, #tpu.memory_space<vmem>>, %arg4: memref<1x1000x128xf32, #tpu.memory_space<vmem>>, %arg5: memref<1000x1xf32, #tpu.memory_space<vmem>>) attributes {dimension_semantics = [#tpu.dimension_semantics<arbitrary>, #tpu.dimension_semantics<arbitrary>], iteration_bounds = array<i64: 10, 2>, scalar_prefetch = 0 : i64, scratch_operands = 0 : i64, tpu.core_type = #tpu.core_type<tc>, window_params = [{transform_indices = @transform_0, window_bounds = array<i64: 1000, 128>}, {transform_indices = @transform_1, window_bounds = array<i64: 2, 1000, 1>}, {transform_indices = @transform_2, window_bounds = array<i64: 1, 1000, 128>}, {transform_indices = @transform_3, window_bounds = array<i64: 1000, 1>}]} {
    %get3A = arith.constant 0 : index
    %get3A_0 = arith.constant 0 : index
    %get3A_1 = arith.constant 0 : index
    %get3A_2 = vector.load %arg3[%get3A, %get3A_0, %get3A_1] : memref<2x1000x1xf32, #tpu.memory_space<vmem>>, vector<1x1000x1xf32>
    %get3A_3 = vector.shape_cast %get3A_2 : vector<1x1000x1xf32> to vector<1000x1xf32>
    %get3A_4 = arith.constant 1 : index
    %get3A_5 = arith.constant 0 : index
    %get3A_6 = arith.constant 0 : index
    %get3A_7 = vector.load %arg3[%get3A_4, %get3A_5, %get3A_6] : memref<2x1000x1xf32, #tpu.memory_space<vmem>>, vector<1x1000x1xf32>
    %get3A_8 = vector.shape_cast %get3A_7 : vector<1x1000x1xf32> to vector<1000x1xf32>
    %add3A = arith.addf %get3A_3, %get3A_8 : vector<1000x1xf32>
    %add3A_9 = arith.constant 1.000000e+00 : f32
    %add3A_10 = vector.broadcast %add3A_9 : f32 to vector<1000x1xf32>
    %add3A_11 = arith.addf %add3A, %add3A_10 : vector<1000x1xf32>
    %rsqrt3A = math.rsqrt %add3A_11 : vector<1000x1xf32>
    %swap3A = arith.constant 0 : index
    %swap3A_12 = arith.constant 0 : index
    %swap3A_13 = vector.load %arg5[%swap3A, %swap3A_12] : memref<1000x1xf32, #tpu.memory_space<vmem>>, vector<1000x1xf32>
    tpu.vector_store %arg5[%swap3A, %swap3A_12], %rsqrt3A {strides = array<i32>} : memref<1000x1xf32, #tpu.memory_space<vmem>>, vector<1000x1xf32>,
    %get3A_14 = arith.constant 0 : index
    %get3A_15 = arith.constant 0 : index
    %get3A_16 = vector.load %arg2[%get3A_14, %get3A_15] : memref<1000x128xf32, #tpu.memory_space<vmem>>, vector<1000x128xf32>
    %mul3A = vector.broadcast %rsqrt3A : vector<1000x1xf32> to vector<1000x128xf32>
    %mul3A_17 = arith.mulf %get3A_16, %mul3A : vector<1000x128xf32>
    %swap3A_18 = arith.constant 0 : index
    %swap3A_19 = arith.constant 0 : index
    %swap3A_20 = arith.constant 0 : index
    %swap3A_21 = vector.load %arg4[%swap3A_18, %swap3A_19, %swap3A_20] : memref<1x1000x128xf32, #tpu.memory_space<vmem>>, vector<1x1000x128xf32>
    %swap3A_22 = vector.shape_cast %swap3A_21 : vector<1x1000x128xf32> to vector<1000x128xf32>
    %swap3A_23 = vector.shape_cast %mul3A_17 : vector<1000x128xf32> to vector<1x1000x128xf32>
    tpu.vector_store %arg4[%swap3A_18, %swap3A_19, %swap3A_20], %swap3A_23 {strides = array<i32>} : memref<1x1000x128xf32, #tpu.memory_space<vmem>>, vector<1x1000x128xf32>,
    return
  }
  func.func @transform_0(%arg0: i32, %arg1: i32) -> (i32, i32) {
    %c0_i32 = arith.constant 0 : i32
    return %arg0, %arg1 : i32, i32
  }
  func.func @transform_1(%arg0: i32, %arg1: i32) -> (i32, i32, i32) {
    %c0_i32 = arith.constant 0 : i32
    %c0_i32_0 = arith.constant 0 : i32
    %c0_i32_1 = arith.constant 0 : i32
    return %c0_i32, %arg0, %c0_i32_0 : i32, i32, i32
  }
  func.func @transform_2(%arg0: i32, %arg1: i32) -> (i32, i32, i32) {
    %c0_i32 = arith.constant 0 : i32
    %c0_i32_0 = arith.constant 0 : i32
    return %arg1, %arg0, %c0_i32 : i32, i32, i32
  }
  func.func @transform_3(%arg0: i32, %arg1: i32) -> (i32, i32) {
    %c0_i32 = arith.constant 0 : i32
    %c0_i32_0 = arith.constant 0 : i32
    return %arg0, %c0_i32 : i32, i32
  }
}

module attributes {stable_mosaic.version = 14 : i64} {
  func.func @_mm1a_body(%arg0: i32, %arg1: memref<1000x128xf32, #tpu.memory_space<vmem>>, %arg2: memref<128x256xf32, #tpu.memory_space<vmem>>, %arg3: memref<1000x256xf32, #tpu.memory_space<vmem>>) attributes {dimension_semantics = [#tpu.dimension_semantics<arbitrary>], iteration_bounds = array<i64: 10>, scalar_prefetch = 0 : i64, scratch_operands = 0 : i64, tpu.core_type = #tpu.core_type<tc>, window_params = [{transform_indices = @transform_0, window_bounds = array<i64: 1000, 128>}, {pipeline_mode = #tpu.pipeline_mode<synchronous>, transform_indices = @transform_1, window_bounds = array<i64: 128, 256>}, {transform_indices = @transform_2, window_bounds = array<i64: 1000, 256>}]} {
    %get3A = arith.constant 0 : index
    %get3A_0 = arith.constant 0 : index
    %get3A_1 = vector.load %arg1[%get3A, %get3A_0] : memref<1000x128xf32, #tpu.memory_space<vmem>>, vector<1000x128xf32>
    %get3A_2 = arith.constant 0 : index
    %get3A_3 = arith.constant 0 : index
    %get3A_4 = vector.load %arg2[%get3A_2, %get3A_3] : memref<128x256xf32, #tpu.memory_space<vmem>>, vector<128x256xf32>
    %dot_general3A = arith.constant dense<0.000000e+00> : vector<1000x256xf32>
    %dot_general3A_5 = tpu.matmul %get3A_1, %get3A_4, %dot_general3A {dimension_numbers = #tpu.dot_dimension_numbers<[1], [0], [0], [1], [0, 0, 1, 1], [], []>, precision = #tpu.contract_precision<fp32>, transpose_lhs_hint = false} : vector<1000x128xf32>, vector<128x256xf32>, vector<1000x256xf32> -> vector<1000x256xf32>
    %swap3A = arith.constant 0 : index
    %swap3A_6 = arith.constant 0 : index
    %swap3A_7 = vector.load %arg3[%swap3A, %swap3A_6] : memref<1000x256xf32, #tpu.memory_space<vmem>>, vector<1000x256xf32>
    tpu.vector_store %arg3[%swap3A, %swap3A_6], %dot_general3A_5 {strides = array<i32>} : memref<1000x256xf32, #tpu.memory_space<vmem>>, vector<1000x256xf32>,
    return
  }
  func.func @transform_0(%arg0: i32) -> (i32, i32) {
    %c0_i32 = arith.constant 0 : i32
    %c0_i32_0 = arith.constant 0 : i32
    return %arg0, %c0_i32 : i32, i32
  }
  func.func @transform_1(%arg0: i32) -> (i32, i32) {
    %c0_i32 = arith.constant 0 : i32
    %c0_i32_0 = arith.constant 0 : i32
    %c0_i32_1 = arith.constant 0 : i32
    return %c0_i32, %c0_i32_0 : i32, i32
  }
  func.func @transform_2(%arg0: i32) -> (i32, i32) {
    %c0_i32 = arith.constant 0 : i32
    %c0_i32_0 = arith.constant 0 : i32
    return %arg0, %c0_i32 : i32, i32
  }
}

module attributes {stable_mosaic.version = 14 : i64} {
  func.func @_mm2_body(%arg0: i32, %arg1: i32, %arg2: memref<2x1000x128xf32, #tpu.memory_space<vmem>>, %arg3: memref<2x1000x128xf32, #tpu.memory_space<vmem>>, %arg4: memref<1000x1xf32, #tpu.memory_space<vmem>>, %arg5: memref<1x256xf32, #tpu.memory_space<vmem>>, %arg6: memref<256x128xf32, #tpu.memory_space<vmem>>, %arg7: memref<1x1000x128xf32, #tpu.memory_space<vmem>>) attributes {dimension_semantics = [#tpu.dimension_semantics<arbitrary>, #tpu.dimension_semantics<arbitrary>], iteration_bounds = array<i64: 10, 2>, scalar_prefetch = 0 : i64, scratch_operands = 0 : i64, tpu.core_type = #tpu.core_type<tc>, window_params = [{transform_indices = @transform_0, window_bounds = array<i64: 2, 1000, 128>}, {transform_indices = @transform_1, window_bounds = array<i64: 2, 1000, 128>}, {transform_indices = @transform_2, window_bounds = array<i64: 1000, 1>}, {pipeline_mode = #tpu.pipeline_mode<synchronous>, transform_indices = @transform_3, window_bounds = array<i64: 1, 256>}, {transform_indices = @transform_4, window_bounds = array<i64: 256, 128>}, {transform_indices = @transform_5, window_bounds = array<i64: 1, 1000, 128>}]} {
    %get3A = arith.constant 0 : index
    %get3A_0 = arith.constant 0 : index
    %get3A_1 = vector.load %arg4[%get3A, %get3A_0] : memref<1000x1xf32, #tpu.memory_space<vmem>>, vector<1000x1xf32>
    %get3A_2 = arith.constant 0 : index
    %get3A_3 = arith.constant 0 : index
    %get3A_4 = arith.constant 0 : index
    %get3A_5 = vector.load %arg2[%get3A_2, %get3A_3, %get3A_4] : memref<2x1000x128xf32, #tpu.memory_space<vmem>>, vector<2x1000x128xf32>
    %get3A_6 = arith.constant 0 : index
    %get3A_7 = arith.constant 0 : index
    %get3A_8 = arith.constant 0 : index
    %get3A_9 = vector.load %arg3[%get3A_6, %get3A_7, %get3A_8] : memref<2x1000x128xf32, #tpu.memory_space<vmem>>, vector<2x1000x128xf32>
    %add3A = arith.addf %get3A_5, %get3A_9 : vector<2x1000x128xf32>
    %slice3A = vector.extract_strided_slice %add3A {offsets = [0, 0, 0], sizes = [1, 1000, 128], strides = [1, 1, 1]} : vector<2x1000x128xf32> to vector<1x1000x128xf32>
    %squeeze3A = vector.shape_cast %slice3A : vector<1x1000x128xf32> to vector<1000x128xf32>
    %slice3A_10 = vector.extract_strided_slice %add3A {offsets = [1, 0, 0], sizes = [1, 1000, 128], strides = [1, 1, 1]} : vector<2x1000x128xf32> to vector<1x1000x128xf32>
    %squeeze3A_11 = vector.shape_cast %slice3A_10 : vector<1x1000x128xf32> to vector<1000x128xf32>
    %concatenate3A = tpu.concatenate %squeeze3A, %squeeze3A_11 in 1 : vector<1000x128xf32>, vector<1000x128xf32> -> vector<1000x256xf32>
    %mul3A = vector.broadcast %get3A_1 : vector<1000x1xf32> to vector<1000x256xf32>
    %mul3A_12 = arith.mulf %concatenate3A, %mul3A : vector<1000x256xf32>
    %get3A_13 = arith.constant 0 : index
    %get3A_14 = arith.constant 0 : index
    %get3A_15 = vector.load %arg5[%get3A_13, %get3A_14] : memref<1x256xf32, #tpu.memory_space<vmem>>, vector<1x256xf32>
    %add3A_16 = vector.broadcast %get3A_15 : vector<1x256xf32> to vector<1000x256xf32>
    %add3A_17 = arith.addf %mul3A_12, %add3A_16 : vector<1000x256xf32>
    %max3A = arith.constant 0.000000e+00 : f32
    %max3A_18 = vector.broadcast %max3A : f32 to vector<1000x256xf32>
    %max3A_19 = arith.maximumf %add3A_17, %max3A_18 : vector<1000x256xf32>
    %get3A_20 = arith.constant 0 : index
    %get3A_21 = arith.constant 0 : index
    %get3A_22 = vector.load %arg6[%get3A_20, %get3A_21] : memref<256x128xf32, #tpu.memory_space<vmem>>, vector<256x128xf32>
    %dot_general3A = arith.constant dense<0.000000e+00> : vector<1000x128xf32>
    %dot_general3A_23 = tpu.matmul %max3A_19, %get3A_22, %dot_general3A {dimension_numbers = #tpu.dot_dimension_numbers<[1], [0], [0], [1], [0, 0, 1, 1], [], []>, precision = #tpu.contract_precision<fp32>, transpose_lhs_hint = false} : vector<1000x256xf32>, vector<256x128xf32>, vector<1000x128xf32> -> vector<1000x128xf32>
    %mul3A_24 = vector.broadcast %get3A_1 : vector<1000x1xf32> to vector<1000x128xf32>
    %mul3A_25 = arith.mulf %dot_general3A_23, %mul3A_24 : vector<1000x128xf32>
    %swap3A = arith.constant 0 : index
    %swap3A_26 = arith.constant 0 : index
    %swap3A_27 = arith.constant 0 : index
    %swap3A_28 = vector.load %arg7[%swap3A, %swap3A_26, %swap3A_27] : memref<1x1000x128xf32, #tpu.memory_space<vmem>>, vector<1x1000x128xf32>
    %swap3A_29 = vector.shape_cast %swap3A_28 : vector<1x1000x128xf32> to vector<1000x128xf32>
    %swap3A_30 = vector.shape_cast %mul3A_25 : vector<1000x128xf32> to vector<1x1000x128xf32>
    tpu.vector_store %arg7[%swap3A, %swap3A_26, %swap3A_27], %swap3A_30 {strides = array<i32>} : memref<1x1000x128xf32, #tpu.memory_space<vmem>>, vector<1x1000x128xf32>,
    return
  }
  func.func @transform_0(%arg0: i32, %arg1: i32) -> (i32, i32, i32) {
    %c0_i32 = arith.constant 0 : i32
    %c0_i32_0 = arith.constant 0 : i32
    %c0_i32_1 = arith.constant 0 : i32
    return %c0_i32, %arg0, %c0_i32_0 : i32, i32, i32
  }
  func.func @transform_1(%arg0: i32, %arg1: i32) -> (i32, i32, i32) {
    %c0_i32 = arith.constant 0 : i32
    %c0_i32_0 = arith.constant 0 : i32
    %c0_i32_1 = arith.constant 0 : i32
    return %c0_i32, %arg0, %c0_i32_0 : i32, i32, i32
  }
  func.func @transform_2(%arg0: i32, %arg1: i32) -> (i32, i32) {
    %c0_i32 = arith.constant 0 : i32
    %c0_i32_0 = arith.constant 0 : i32
    return %arg0, %c0_i32 : i32, i32
  }
  func.func @transform_3(%arg0: i32, %arg1: i32) -> (i32, i32) {
    %c0_i32 = arith.constant 0 : i32
    %c0_i32_0 = arith.constant 0 : i32
    %c0_i32_1 = arith.constant 0 : i32
    return %c0_i32, %c0_i32_0 : i32, i32
  }
  func.func @transform_4(%arg0: i32, %arg1: i32) -> (i32, i32) {
    %c0_i32 = arith.constant 0 : i32
    %c0_i32_0 = arith.constant 0 : i32
    return %c0_i32, %arg1 : i32, i32
  }
  func.func @transform_5(%arg0: i32, %arg1: i32) -> (i32, i32, i32) {
    %c0_i32 = arith.constant 0 : i32
    %c0_i32_0 = arith.constant 0 : i32
    return %arg1, %arg0, %c0_i32 : i32, i32, i32
  }
}

module attributes {stable_mosaic.version = 14 : i64} {
  func.func @_pool_body(%arg0: i32, %arg1: memref<2x1000x128xf32, #tpu.memory_space<vmem>>, %arg2: memref<2x1000x128xf32, #tpu.memory_space<vmem>>, %arg3: memref<1000x1xf32, #tpu.memory_space<vmem>>, %arg4: memref<1x256xf32, #tpu.memory_space<vmem>>, %arg5: memref<1000x1xi32, #tpu.memory_space<vmem>>, %arg6: memref<256x3xf32, #tpu.memory_space<vmem>>, %arg7: memref<1x3xf32, #tpu.memory_space<vmem>>, %arg8: memref<64x3xf32, #tpu.memory_space<vmem>>, %arg9: memref<64x256xf32, #tpu.memory_space<vmem>>, %arg10: memref<64x128xf32, #tpu.memory_space<vmem>>) attributes {dimension_semantics = [#tpu.dimension_semantics<arbitrary>], iteration_bounds = array<i64: 10>, scalar_prefetch = 0 : i64, scratch_operands = 2 : i64, tpu.core_type = #tpu.core_type<tc>, window_params = [{transform_indices = @transform_0, window_bounds = array<i64: 2, 1000, 128>}, {transform_indices = @transform_1, window_bounds = array<i64: 2, 1000, 128>}, {transform_indices = @transform_2, window_bounds = array<i64: 1000, 1>}, {pipeline_mode = #tpu.pipeline_mode<synchronous>, transform_indices = @transform_3, window_bounds = array<i64: 1, 256>}, {transform_indices = @transform_4, window_bounds = array<i64: 1000, 1>}, {pipeline_mode = #tpu.pipeline_mode<synchronous>, transform_indices = @transform_5, window_bounds = array<i64: 256, 3>}, {pipeline_mode = #tpu.pipeline_mode<synchronous>, transform_indices = @transform_6, window_bounds = array<i64: 1, 3>}, {pipeline_mode = #tpu.pipeline_mode<synchronous>, transform_indices = @transform_7, window_bounds = array<i64: 64, 3>}]} {
    %eq3A = arith.constant 0 : i32
    %eq3A_0 = arith.cmpi eq, %arg0, %eq3A : i32
    %convert_element_type3A = arith.extui %eq3A_0 : i1 to i32
    %cond3A = arith.constant 0 : i32
    %cond3A_1 = arith.cmpi ne, %convert_element_type3A, %cond3A : i32
    scf.if %cond3A_1 {
      %broadcast_in_dim3A_49 = arith.constant 0.000000e+00 : f32
      %broadcast_in_dim3A_50 = vector.broadcast %broadcast_in_dim3A_49 : f32 to vector<64x256xf32>
      %swap3A_51 = arith.constant 0 : index
      %swap3A_52 = arith.constant 0 : index
      %swap3A_53 = vector.load %arg9[%swap3A_51, %swap3A_52] : memref<64x256xf32, #tpu.memory_space<vmem>>, vector<64x256xf32>
      tpu.vector_store %arg9[%swap3A_51, %swap3A_52], %broadcast_in_dim3A_50 {strides = array<i32>} : memref<64x256xf32, #tpu.memory_space<vmem>>, vector<64x256xf32>,
      %broadcast_in_dim3A_54 = arith.constant 0.000000e+00 : f32
      %broadcast_in_dim3A_55 = vector.broadcast %broadcast_in_dim3A_54 : f32 to vector<64x128xf32>
      %swap3A_56 = arith.constant 0 : index
      %swap3A_57 = arith.constant 0 : index
      %swap3A_58 = vector.load %arg10[%swap3A_56, %swap3A_57] : memref<64x128xf32, #tpu.memory_space<vmem>>, vector<64x128xf32>
      tpu.vector_store %arg10[%swap3A_56, %swap3A_57], %broadcast_in_dim3A_55 {strides = array<i32>} : memref<64x128xf32, #tpu.memory_space<vmem>>, vector<64x128xf32>,
    } else {
    }
    %get3A = arith.constant 0 : index
    %get3A_2 = arith.constant 0 : index
    %get3A_3 = arith.constant 0 : index
    %get3A_4 = vector.load %arg1[%get3A, %get3A_2, %get3A_3] : memref<2x1000x128xf32, #tpu.memory_space<vmem>>, vector<2x1000x128xf32>
    %get3A_5 = arith.constant 0 : index
    %get3A_6 = arith.constant 0 : index
    %get3A_7 = arith.constant 0 : index
    %get3A_8 = vector.load %arg2[%get3A_5, %get3A_6, %get3A_7] : memref<2x1000x128xf32, #tpu.memory_space<vmem>>, vector<2x1000x128xf32>
    %add3A = arith.addf %get3A_4, %get3A_8 : vector<2x1000x128xf32>
    %slice3A = vector.extract_strided_slice %add3A {offsets = [0, 0, 0], sizes = [1, 1000, 128], strides = [1, 1, 1]} : vector<2x1000x128xf32> to vector<1x1000x128xf32>
    %squeeze3A = vector.shape_cast %slice3A : vector<1x1000x128xf32> to vector<1000x128xf32>
    %slice3A_9 = vector.extract_strided_slice %add3A {offsets = [1, 0, 0], sizes = [1, 1000, 128], strides = [1, 1, 1]} : vector<2x1000x128xf32> to vector<1x1000x128xf32>
    %squeeze3A_10 = vector.shape_cast %slice3A_9 : vector<1x1000x128xf32> to vector<1000x128xf32>
    %concatenate3A = tpu.concatenate %squeeze3A, %squeeze3A_10 in 1 : vector<1000x128xf32>, vector<1000x128xf32> -> vector<1000x256xf32>
    %get3A_11 = arith.constant 0 : index
    %get3A_12 = arith.constant 0 : index
    %get3A_13 = vector.load %arg3[%get3A_11, %get3A_12] : memref<1000x1xf32, #tpu.memory_space<vmem>>, vector<1000x1xf32>
    %mul3A = vector.broadcast %get3A_13 : vector<1000x1xf32> to vector<1000x256xf32>
    %mul3A_14 = arith.mulf %concatenate3A, %mul3A : vector<1000x256xf32>
    %get3A_15 = arith.constant 0 : index
    %get3A_16 = arith.constant 0 : index
    %get3A_17 = vector.load %arg4[%get3A_15, %get3A_16] : memref<1x256xf32, #tpu.memory_space<vmem>>, vector<1x256xf32>
    %add3A_18 = vector.broadcast %get3A_17 : vector<1x256xf32> to vector<1000x256xf32>
    %add3A_19 = arith.addf %mul3A_14, %add3A_18 : vector<1000x256xf32>
    %get3A_20 = arith.constant 0 : index
    %get3A_21 = arith.constant 0 : index
    %get3A_22 = vector.load %arg5[%get3A_20, %get3A_21] : memref<1000x1xi32, #tpu.memory_space<vmem>>, vector<1000x1xi32>
    %reshape3A = vector.shape_cast %get3A_22 : vector<1000x1xi32> to vector<1x1000xi32>
    %iota3A = tpu.iota {dimensions = array<i32: 0>} : vector<64x1000xi32>
    %eq3A_23 = vector.broadcast %reshape3A : vector<1x1000xi32> to vector<64x1000xi32>
    %eq3A_24 = arith.cmpi eq, %iota3A, %eq3A_23 : vector<64x1000xi32>
    %convert_element_type3A_25 = arith.extui %eq3A_24 : vector<64x1000xi1> to vector<64x1000xi32>
    %convert_element_type3A_26 = arith.sitofp %convert_element_type3A_25 : vector<64x1000xi32> to vector<64x1000xf32>
    %get3A_27 = arith.constant 0 : index
    %get3A_28 = arith.constant 0 : index
    %get3A_29 = vector.load %arg9[%get3A_27, %get3A_28] : memref<64x256xf32, #tpu.memory_space<vmem>>, vector<64x256xf32>
    %dot_general3A = arith.constant dense<0.000000e+00> : vector<64x256xf32>
    %dot_general3A_30 = tpu.matmul %convert_element_type3A_26, %add3A_19, %dot_general3A {dimension_numbers = #tpu.dot_dimension_numbers<[1], [0], [0], [1], [0, 0, 1, 1], [], []>, precision = #tpu.contract_precision<fp32>, transpose_lhs_hint = false} : vector<64x1000xf32>, vector<1000x256xf32>, vector<64x256xf32> -> vector<64x256xf32>
    %add3A_31 = arith.addf %get3A_29, %dot_general3A_30 : vector<64x256xf32>
    %swap3A = arith.constant 0 : index
    %swap3A_32 = arith.constant 0 : index
    %swap3A_33 = vector.load %arg9[%swap3A, %swap3A_32] : memref<64x256xf32, #tpu.memory_space<vmem>>, vector<64x256xf32>
    tpu.vector_store %arg9[%swap3A, %swap3A_32], %add3A_31 {strides = array<i32>} : memref<64x256xf32, #tpu.memory_space<vmem>>, vector<64x256xf32>,
    %get3A_34 = arith.constant 0 : index
    %get3A_35 = arith.constant 0 : index
    %get3A_36 = vector.load %arg10[%get3A_34, %get3A_35] : memref<64x128xf32, #tpu.memory_space<vmem>>, vector<64x128xf32>
    %reduce_sum3A = arith.constant dense<0.000000e+00> : vector<64xf32>
    %reduce_sum3A_37 = vector.multi_reduction <add>, %convert_element_type3A_26, %reduce_sum3A [1] : vector<64x1000xf32> to vector<64xf32>
    %broadcast_in_dim3A = vector.shape_cast %reduce_sum3A_37 : vector<64xf32> to vector<64x1xf32>
    %broadcast_in_dim3A_38 = vector.shape_cast %broadcast_in_dim3A : vector<64x1xf32> to vector<64x1xf32>
    %broadcast_in_dim3A_39 = vector.broadcast %broadcast_in_dim3A_38 : vector<64x1xf32> to vector<64x128xf32>
    %add3A_40 = arith.addf %get3A_36, %broadcast_in_dim3A_39 : vector<64x128xf32>
    %swap3A_41 = arith.constant 0 : index
    %swap3A_42 = arith.constant 0 : index
    %swap3A_43 = vector.load %arg10[%swap3A_41, %swap3A_42] : memref<64x128xf32, #tpu.memory_space<vmem>>, vector<64x128xf32>
    tpu.vector_store %arg10[%swap3A_41, %swap3A_42], %add3A_40 {strides = array<i32>} : memref<64x128xf32, #tpu.memory_space<vmem>>, vector<64x128xf32>,
    %eq3A_44 = arith.constant 9 : i32
    %eq3A_45 = arith.cmpi eq, %arg0, %eq3A_44 : i32
    %convert_element_type3A_46 = arith.extui %eq3A_45 : i1 to i32
    %cond3A_47 = arith.constant 0 : i32
    %cond3A_48 = arith.cmpi ne, %convert_element_type3A_46, %cond3A_47 : i32
    scf.if %cond3A_48 {
      %get3A_49 = arith.constant 0 : index
      %get3A_50 = arith.constant 0 : index
      %get3A_51 = vector.load %arg9[%get3A_49, %get3A_50] : memref<64x256xf32, #tpu.memory_space<vmem>>, vector<64x256xf32>
      %get3A_52 = arith.constant 0 : index
      %get3A_53 = arith.constant 0 : index
      %get3A_54 = vector.load %arg10[%get3A_52, %get3A_53] : memref<64x128xf32, #tpu.memory_space<vmem>>, vector<64x1xf32>
      %max3A = arith.constant 1.000000e+00 : f32
      %max3A_55 = vector.broadcast %max3A : f32 to vector<64x1xf32>
      %max3A_56 = arith.maximumf %get3A_54, %max3A_55 : vector<64x1xf32>
      %div3A = vector.broadcast %max3A_56 : vector<64x1xf32> to vector<64x256xf32>
      %div3A_57 = arith.divf %get3A_51, %div3A : vector<64x256xf32>
      %get3A_58 = arith.constant 0 : index
      %get3A_59 = arith.constant 0 : index
      %get3A_60 = vector.load %arg6[%get3A_58, %get3A_59] : memref<256x3xf32, #tpu.memory_space<vmem>>, vector<256x3xf32>
      %dot_general3A_61 = arith.constant dense<0.000000e+00> : vector<64x3xf32>
      %dot_general3A_62 = tpu.matmul %div3A_57, %get3A_60, %dot_general3A_61 {dimension_numbers = #tpu.dot_dimension_numbers<[1], [0], [0], [1], [0, 0, 1, 1], [], []>, precision = #tpu.contract_precision<fp32>, transpose_lhs_hint = false} : vector<64x256xf32>, vector<256x3xf32>, vector<64x3xf32> -> vector<64x3xf32>
      %get3A_63 = arith.constant 0 : index
      %get3A_64 = arith.constant 0 : index
      %get3A_65 = vector.load %arg7[%get3A_63, %get3A_64] : memref<1x3xf32, #tpu.memory_space<vmem>>, vector<1x3xf32>
      %add3A_66 = vector.broadcast %get3A_65 : vector<1x3xf32> to vector<64x3xf32>
      %add3A_67 = arith.addf %dot_general3A_62, %add3A_66 : vector<64x3xf32>
      %reduce_max3A = arith.constant dense<0xFF800000> : vector<64xf32>
      %reduce_max3A_68 = vector.multi_reduction <maximumf>, %add3A_67, %reduce_max3A [1] : vector<64x3xf32> to vector<64xf32>
      %broadcast_in_dim3A_69 = vector.shape_cast %reduce_max3A_68 : vector<64xf32> to vector<64x1xf32>
      %sub3A = vector.broadcast %broadcast_in_dim3A_69 : vector<64x1xf32> to vector<64x3xf32>
      %sub3A_70 = arith.subf %add3A_67, %sub3A : vector<64x3xf32>
      %exp3A = math.exp %sub3A_70 : vector<64x3xf32>
      %reduce_sum3A_71 = arith.constant dense<0.000000e+00> : vector<64xf32>
      %reduce_sum3A_72 = vector.multi_reduction <add>, %exp3A, %reduce_sum3A_71 [1] : vector<64x3xf32> to vector<64xf32>
      %broadcast_in_dim3A_73 = vector.shape_cast %reduce_sum3A_72 : vector<64xf32> to vector<64x1xf32>
      %log3A = math.log %broadcast_in_dim3A_73 : vector<64x1xf32>
      %add3A_74 = arith.addf %broadcast_in_dim3A_69, %log3A : vector<64x1xf32>
      %sub3A_75 = vector.broadcast %add3A_74 : vector<64x1xf32> to vector<64x3xf32>
      %sub3A_76 = arith.subf %add3A_67, %sub3A_75 : vector<64x3xf32>
      %swap3A_77 = arith.constant 0 : index
      %swap3A_78 = arith.constant 0 : index
      %swap3A_79 = vector.load %arg8[%swap3A_77, %swap3A_78] : memref<64x3xf32, #tpu.memory_space<vmem>>, vector<64x3xf32>
      tpu.vector_store %arg8[%swap3A_77, %swap3A_78], %sub3A_76 {strides = array<i32>} : memref<64x3xf32, #tpu.memory_space<vmem>>, vector<64x3xf32>,
    } else {
    }
    return
  }
  func.func @transform_0(%arg0: i32) -> (i32, i32, i32) {
    %c0_i32 = arith.constant 0 : i32
    %c0_i32_0 = arith.constant 0 : i32
    %c0_i32_1 = arith.constant 0 : i32
    return %c0_i32, %arg0, %c0_i32_0 : i32, i32, i32
  }
  func.func @transform_1(%arg0: i32) -> (i32, i32, i32) {
    %c0_i32 = arith.constant 0 : i32
    %c0_i32_0 = arith.constant 0 : i32
    %c0_i32_1 = arith.constant 0 : i32
    return %c0_i32, %arg0, %c0_i32_0 : i32, i32, i32
  }
  func.func @transform_2(%arg0: i32) -> (i32, i32) {
    %c0_i32 = arith.constant 0 : i32
    %c0_i32_0 = arith.constant 0 : i32
    return %arg0, %c0_i32 : i32, i32
  }
  func.func @transform_3(%arg0: i32) -> (i32, i32) {
    %c0_i32 = arith.constant 0 : i32
    %c0_i32_0 = arith.constant 0 : i32
    %c0_i32_1 = arith.constant 0 : i32
    return %c0_i32, %c0_i32_0 : i32, i32
  }
  func.func @transform_4(%arg0: i32) -> (i32, i32) {
    %c0_i32 = arith.constant 0 : i32
    %c0_i32_0 = arith.constant 0 : i32
    return %arg0, %c0_i32 : i32, i32
  }
  func.func @transform_5(%arg0: i32) -> (i32, i32) {
    %c0_i32 = arith.constant 0 : i32
    %c0_i32_0 = arith.constant 0 : i32
    %c0_i32_1 = arith.constant 0 : i32
    return %c0_i32, %c0_i32_0 : i32, i32
  }
  func.func @transform_6(%arg0: i32) -> (i32, i32) {
    %c0_i32 = arith.constant 0 : i32
    %c0_i32_0 = arith.constant 0 : i32
    %c0_i32_1 = arith.constant 0 : i32
    return %c0_i32, %c0_i32_0 : i32, i32
  }
  func.func @transform_7(%arg0: i32) -> (i32, i32) {
    %c0_i32 = arith.constant 0 : i32
    %c0_i32_0 = arith.constant 0 : i32
    %c0_i32_1 = arith.constant 0 : i32
    return %c0_i32, %c0_i32_0 : i32, i32
  }
}

</mosaic_0001>

<sc_bundles>
// kernel: kernel.11.cloned.1.call-start
scs
__scs_entry_jumppad:
0x0: {  	(pc) =	sbr.rel $0x88, $3  }
0x1: {  	(tag) =	ssettag $0x0;
	lr =	simm.s32 $0x1  }
0x2: {  	[smem:$0x3F96] =	sst lr;
	_ =	strace $0xD0000000  }
0x3: {  	_ = 	snop  }
0x4: {  	_ = 	snop  }
0x5: {  	_ = 	snop  }
0x6: {  	_ = 	snop  }
0x7: {  	_ = 	snop  }
__scs_overlays_trampoline_lowered:
0x8: {  	[smem:$0x3FA5] =	sst s0  }
0x9: {  	[smem:$0x3FA6] =	sst s1  }
0xa: {  	[smem:$0x3FA7] =	sst s2  }
0xb: {  	[smem:$0x3FA8] =	sst s3  }
0xc: {  	[smem:$0x3FA9] =	sst s4  }
0xd: {  	[smem:$0x3FAA] =	sst s5  }
0xe: {  	[smem:$0x3FAB] =	sst s6  }
0xf: {  	[smem:$0x3FAC] =	sst s7  }
0x10: {  	[smem:$0x3FAD] =	sst s8  }
0x11: {  	[smem:$0x3FAE] =	sst s9;
	s0 =	simm.s32 @!p0 $0x0  }
0x12: {  	s1 =	sld [smem:$0x3F94];
	s0 =	simm.s32 @p0 $0x1  }
0x13: {  	[smem:$0x3FAF] =	sst s0;
	s0 =	simm.s32 @!p1 $0x0  }
0x14: {  	s2 =	sld [smem:$0x3F93];
	s0 =	simm.s32 @p1 $0x1  }
0x15: {  	[smem:$0x3FB0] =	sst s0;
	s0 =	simm.s32 @!p2 $0x0  }
0x16: {  	s3 =	sld [smem:$0x3FDB];
	s0 =	simm.s32 @p2 $0x1  }
0x17: {  	s4 =	simm.s32 $0x1BF5;
	[smem:$0x3FB2] =	sst s0  }
0x18: {  	s0 =	sld [smem:$0x3F95];
	_ =	swait.ge [sflag:s4], $0x0  }
0x19: {  	s7 =	sld [smem:$0x3F96]  }
0x1a: {  	s8 =	sadd.s32 $0xFFFFE003, lr  }
0x1b: {  	s9 =	sadd.s32 $0xFFFFFEF7, lr;
	s5 =	simm.s32 $0xFFFFFFFF;
	p2 =	slt.u32 s8, $0xFFFFF086  }
0x1c: {  	p1 =	slt.u32 s9, $0xF7A;
	s5 =	simm.s32 @!p2 $0x0  }
0x1d: {  	s5 =	simm.s32 @p1 $0x1;
	p0 =	seq.s32 s7, s2  }
0x1e: {  	s7 =	smul.u32 @!p0 $0xF7A, s2;
	p2 =	seq.s32 @!p0 s5, $0x0  }
0x1f: {  	s9 =	smul.u32 $0xF7A, s1;
	s8 =	simm.s32 @!p0 $0x1BF5;
	p2 =	por !p2, p0  }
0x20: {  	[sflag:s8] =	ssyncset.s32 @!p0 $0xFFFFF086;
	s6 =	sadd.s32 @!p0 s3, s7;
	s7 =	simm.s32 @!p0 $0x108  }
0x21: {  	s3 =	sadd.s32 s3, s9;
	s6 =	sadd.s32 @!p0 $0x88, s6;
	s7 =	simm.s32 @p2 $0x1082  }
0x22: {  	[simem:s7], [sflag:s8] =	dma.local @!p0 [hbm:s6], $0xF7A  }
0x23: {  	s9 =	sor.u32 $0xD0000000, s2;
	s6 =	simm.s32 $0x108;
	_ =	swait.ge @!p0 [sflag:s8], $0x0  }
0x24: {  	s3 =	sadd.s32 $0x88, s3;
	s6 =	simm.s32 @!p1 $0x1082;
	[sflag:s4] =	ssyncset.s32 $0xFFFFF086  }
0x25: {  	[simem:s6], [sflag:s4] =	dma.local [hbm:s3], $0xF7A  }
0x26: {  	[smem:$0x3F96] =	sst s1;
	(tag) =	ssettag s2;
	_ =	strace s9  }
0x27: {  	s1 =	sld [smem:$0x3FA6]  }
0x28: {  	s2 =	sld [smem:$0x3FA7]  }
0x29: {  	s4 =	sld [smem:$0x3FA9]  }
0x2a: {  	p0 =	seq.s32 s5, $0x0;
	s5 =	sld [smem:$0x3FAA]  }
0x2b: {  	s6 =	sld [smem:$0x3FAB]  }
0x2c: {  	s7 =	sld [smem:$0x3FAC]  }
0x2d: {  	s3 =	simm.s32 $0x108;
	s8 =	sld [smem:$0x3FAD]  }
0x2e: {  	s3 =	simm.s32 @!p0 $0x1082;
	s9 =	sld [smem:$0x3FAE]  }
0x2f: {  	lr =	sadd.s32 s0, s3;
	s0 =	sld [smem:$0x3FA5]  }
0x30: {  	s3 =	sld [smem:$0x3FA8]  }
0x31: {  	[smem:$0x3FB1] =	sst s10  }
0x32: {  	s10 =	sld [smem:$0x3FAF];
	_ =	sdelay $0x3  }
0x33: {  	p0 =	seq.s32 s10, $0x1;
	s10 =	sld [smem:$0x3FB1];
	_ =	sdelay $0x3  }
0x34: {  	[smem:$0x3FB1] =	sst s10  }
0x35: {  	s10 =	sld [smem:$0x3FB0];
	_ =	sdelay $0x3  }
0x36: {  	p1 =	seq.s32 s10, $0x1;
	s10 =	sld [smem:$0x3FB1];
	_ =	sdelay $0x3  }
0x37: {  	[smem:$0x3FB1] =	sst s10  }
0x38: {  	s10 =	sld [smem:$0x3FB2]  }
0x39: {  	_ = 	snop;
	(pc) =	sbr.ind lr, $3  }
0x3a: {  	_ = 	snop  }
0x3b: {  	_ = 	snop  }
0x3c: {  	p2 =	seq.s32 s10, $0x1;
	s10 =	sld [smem:$0x3FB1]  }
0x3d: {  	_ =	shalt  }
0x3e: {  	_ =	shalt  }
0x3f: {  	_ =	shalt  }
0x40: {  	_ =	shalt  }
0x41: {  	_ =	shalt  }
0x42: {  	_ =	shalt  }
0x43: {  	_ =	shalt  }
0x44: {  	_ =	shalt  }
0x45: {  	_ =	shalt  }
0x46: {  	_ =	shalt  }
0x47: {  	_ =	shalt  }
0x48: {  	_ =	shalt  }
0x49: {  	_ =	shalt  }
0x4a: {  	_ =	shalt  }
0x4b: {  	_ =	shalt  }
0x4c: {  	_ =	shalt  }
0x4d: {  	_ =	shalt  }
0x4e: {  	_ =	shalt  }
0x4f: {  	_ =	shalt  }
0x50: {  	_ =	shalt  }
0x51: {  	_ =	shalt  }
0x52: {  	_ =	shalt  }
0x53: {  	_ =	shalt  }
0x54: {  	_ =	shalt  }
0x55: {  	_ =	shalt  }
0x56: {  	_ =	shalt  }
0x57: {  	_ =	shalt  }
0x58: {  	_ =	shalt  }
0x59: {  	_ =	shalt  }
0x5a: {  	_ =	shalt  }
0x5b: {  	_ =	shalt  }
0x5c: {  	_ =	shalt  }
0x5d: {  	_ =	shalt  }
0x5e: {  	_ =	shalt  }
0x5f: {  	_ =	shalt  }
0x60: {  	_ =	shalt  }
0x61: {  	_ =	shalt  }
0x62: {  	_ =	shalt  }
0x63: {  	_ =	shalt  }
0x64: {  	_ =	shalt  }
0x65: {  	_ =	shalt  }
0x66: {  	_ =	shalt  }
0x67: {  	_ =	shalt  }
0x68: {  	_ =	shalt  }
0x69: {  	_ =	shalt  }
0x6a: {  	_ =	shalt  }
0x6b: {  	_ =	shalt  }
0x6c: {  	_ =	shalt  }
0x6d: {  	_ =	shalt  }
0x6e: {  	_ =	shalt  }
0x6f: {  	_ =	shalt  }
0x70: {  	_ =	shalt  }
0x71: {  	_ =	shalt  }
0x72: {  	_ =	shalt  }
0x73: {  	_ =	shalt  }
0x74: {  	_ =	shalt  }
0x75: {  	_ =	shalt  }
0x76: {  	_ =	shalt  }
0x77: {  	_ =	shalt  }
0x78: {  	_ =	shalt  }
0x79: {  	_ =	shalt  }
0x7a: {  	_ =	shalt  }
0x7b: {  	_ =	shalt  }
0x7c: {  	_ =	shalt  }
0x7d: {  	_ =	shalt  }
0x7e: {  	_ =	shalt  }
0x7f: {  	_ =	shalt  }
0x80: {  	_ =	shalt  }
0x81: {  	_ =	shalt  }
0x82: {  	_ =	shalt  }
0x83: {  	_ =	shalt  }
0x84: {  	_ =	shalt  }
0x85: {  	_ =	shalt  }
0x86: {  	_ =	shalt  }
0x87: {  	_ =	shalt  }
.Lfunc_end0:
.L_simem_size_0:
called_computation_lowered:
.L_overlay_start_0:
0x88: {  	s2 =	sld [smem:$0x3FD9]  }
0x89: {  	s3 =	sld [smem:$0x3FFE];
	_ =	sdelay $0x1  }
0x8a: {  	s1 =	srdreg.scid  }
0x8b: {  	s0 =	sand.u32 $0x1, s1  }
0x8c: {  	s16 =	sshll.u32 s0, $0xA;
	s2 =	sadd.s32 s3, s2  }
0x8d: {  	s2 =	sadd.s32 s2, s16  }
0x8e: {  	[smem:$0x3FBD] =	sst s2  }
0x8f: {  	_ = 	snop  }
0x90: {  	(tm) =	ssettm $0x1  }
0x91: {  	s17 =	sld [smem:$0x3FFB];
	_ =	sdelay $0x3  }
0x92: {  	_ =	strace s17  }
0x93: {  	s2 =	sld [smem:$0x3FFC];
	_ =	sdelay $0x3  }
0x94: {  	_ =	strace s2  }
0x95: {  	s2 =	sld [smem:$0x3FFD];
	_ =	sdelay $0x3  }
0x96: {  	_ =	strace s2  }
0x97: {  	_ =	strace $0x8FFFFFFF  }
0x98: {  	s18 =	sld [smem:$0x3FDB];
	_ =	sdelay $0x1  }
0x99: {  	s19 =	simm.s32 $_scs_section_size  }
0x9a: {  	s4 =	simm.s32 $_size__tile_overlayer_lowered;
	s5 =	simm.s32 $_tile_overlayer_lowered  }
0x9b: {  	s22 =	simm.s32 $0x1BFF;
	s21 =	sshll.u32 s5, $0x1;
	s2 =	sadd.s32 s19, s18  }
0x9c: {  	s6 =	simm.s32 $0x0;
	s20 =	sshll.u32 s4, $0x1;
	s4 =	sadd.s32 s21, s2  }
0x9d: {  	[timem:s6], [sflag:s22] =	dma.local [hbm:s4], s20  }
0x9e: {  	_ =	swait.ge [sflag:s22], s20  }
0x9f: {  	s3 =	ssub.s32 $0x0, s20;
	[sflag:s22] =	ssyncset.done $0x0  }
0xa0: {  	[sflag:s22] =	ssyncadd.s32 s3;
	_ =	sdelay $0x1  }
0xa1: {  	s23 =	simm.s32 $0x1B8B  }
0xa2: {  	_ =	swait.ge [sflag:s23], $0x1  }
0xa3: {  	[sflag:s23] =	ssyncset.done $0x0  }
0xa4: {  	s25 =	simm.s32 $0x1B8E;
	s24 =	sld [smem:$0x3FFE];
	[sflag:s23] =	ssyncadd.s32 $0xFFFFFFFF  }
0xa5: {  	s26 =	simm.s32 $execute0_lowered;
	[smem:$0x3FD2] =	sst s25  }
0xa6: {  	s4 =	sshll.u32 s26, $0x1;
	_ =	strace $0x80000046;
	[dreg:$0x1] =	wrdreg $0xFFFFFFFF  }
0xa7: {  	s28 =	simm.s32 $_size_execute0_lowered;
	s2 =	sadd.s32 s2, s4;
	[dreg:$0x0] =	wrdreg $0x0  }
0xa8: {  	s4 =	sshll.u32 s28, $0x1;
	[dreg:$0x2] =	wrdreg s2  }
0xa9: {  	[dreg:$0x3] =	wrdreg s4  }
0xaa: {  	[dreg:$0x4] =	wrdreg $0xC0  }
0xab: {  	_ =	task [dreg:s6], $0x5FFFF  }
0xac: {  	[dreg:$0x1] =	wrdreg $0xFFFFFFFF  }
0xad: {  	[dreg:$0x0] =	wrdreg $0x60  }
0xae: {  	[dreg:$0x2] =	wrdreg s24  }
0xaf: {  	[dreg:$0x3] =	wrdreg $0x9800  }
0xb0: {  	[dreg:$0x4] =	wrdreg $0x9  }
0xb1: {  	_ =	task.clear_ibuf [dreg:s6], $0x5FFFF;
	_ =	strace $0x90000046  }
0xb2: {  	s29 =	simm.s32 $0x9;
	_ =	strace $0x80000048  }
0xb3: {  	_ =	swait.ge [sflag:s29], $0x1  }
0xb4: {  	[sflag:s29] =	ssyncadd.s32 $0xFFFFFFFF  }
0xb5: {  	_ =	strace $0x90000048  }
0xb6: {  	_ =	sfence  }
0xb7: {  	s30 =	sld [smem:$0x0];
	_ =	sdelay $0x2  }
0xb8: {  	s31 =	sshll.u32 s1, $0xD;
	s1 =	sshrl.u32 s1, $0x2  }
0xb9: {  	s3 =	sand.u32 $0x4000, s31;
	s1 =	sadd.s32 s1, s30  }
0xba: {  	s0 =	sor.u32 s3, s0;
	s1 =	sshll.u32 s1, $0x11  }
0xbb: {  	s0 =	sor.u32 s1, s0  }
0xbc: {  	s0 =	sadd.s32 $0x8F2B, s0  }
0xbd: {  	[sflag:s0] =	ssyncadd.remote.s32 $0x1  }
0xbe: {  	_ =	sfence.sel $0xFFFF  }
0xbf: {  	[dreg:$0x0] =	wrdreg $0xFFFFFFFF;
	(pc) =	sbr.abs _section_cstart, $3  }
0xc0: {  	[dreg:$0x1] =	wrdreg $0xFFFFFFFF  }
0xc1: {  	_ =	task.clear_ibuf [dreg:s6], $0x2FFFF;
	_ =	strace $0x9FFFFFFF  }
0xc2: {  	(tm) =	ssettm $0x7FFFFFFF  }
0xc3: {  	_ =	shalt  }
tec
execute0_lowered:
.L_overlay_start_1:
0x0: {  	(tag) =	ssettag $0x1  }
0x1: {  	s1 =	srdreg.scid;
	s5 =	rddreg [dreg:$0x0]  }
0x2: {  	s0 =	stileid.u32;
	s2 =	rddreg [dreg:$0x1]  }
0x3: {  	s3 =	simm.s32 $0x0;
	s14 =	simm.s32 $0x80;
	s15 =	simm.s32 $0x1  }
0x4: {  	s16 =	simm.s32 $0x50;
	s17 =	simm.s32 $0x100;
	s8 =	smul.u32 $0x7D0, s0  }
0x5: {  	s18 =	simm.s32 $0x3;
	s19 =	simm.s32 $0x2;
	s10 =	smul.u32 $0x2710, s0  }
0x6: {  	s6 =	sand.u32 $0x1, s1;
	s1 =	rddreg [dreg:$0x2];
	s11 =	smul.u32 $0x1F40, s0  }
0x7: {  	s20 =	simm.s32 $0x0;
	[smem:$0x7FF] =	sst s3;
	s4 =	smul.u32 $0x2710, s6  }
0x8: {  	p0 =	sgt.u32 s0, $0x4;
	s7 =	smul.u32 $0x27100, s6;
	s6 =	ssub.s32 $0x2, s6  }
0x9: {  	_ =	strace $0x80000047;
	s29 =	sshrl.u32 s6, $0x1;
	s31 =	sshrl.u32 s11, $0x2  }
0xa: {  	s9 =	sadd.s32 s8, s4;
	s4 =	sadd.s32 $0xCC00, s5;
	s12 =	sadd.s32 s10, s7  }
0xb: {  	s30 =	ssub.s32 s6, s29;
	s6 =	sadd.s32 s31, s2;
	s8 =	sadd.s32 s8, s2  }
0xc: {  	s9 =	sshrl.u32 s9, $0x3;
	s7 =	sshrl.u32 s12, $0x3;
	s10 =	smax.u32 s30, $0x1  }
0xd: {  	s13 =	sadd.s32 $0x50, s12;
	s9 =	sadd.s32 s9, s5;
	s5 =	sadd.s32 s4, s7  }
0xe: {  	s12 =	sadd.s32 $0xA0, s12;
	s13 =	sshrl.u32 s13, $0x3;
	s7 =	sadd.s32 $0x4D8, s5  }
0xf: {  	v0 =	vimm.f32 $1.000000000e+00;
	v1 =	vimm.f32 $0.0e+00;
	s9 =	sadd.s32 $0x16A00, s9;
	s11 =	sadd.s32 $0x4CE, s5;
	s13 =	sadd.s32 s13, s4  }
.LBB2_1:
0x10: {  	[tilespmem:$0x100] =	vst v0  }
0x11: {  	[tilespmem:$0x110] =	vst v0  }
0x12: {  	[tilespmem:$0x120] =	vst v0  }
0x13: {  	[tilespmem:$0x130] =	vst v0  }
0x14: {  	[tilespmem:$0x140] =	vst v0;
	s21 =	simm.s32 $0x40;
	s22 =	simm.s32 $0x0  }
.LBB2_2:
0x15: {  	p1 =	sne.s32 s21, $0x1F00;
	[tilespmem:s22+$0x180] =	vst v1;
	s22 =	smov.u32 s21;
	s21 =	sadd.s32 $0x40, s21  }
.Ltmp0:
0x16: {  	(pc) =	sbr.rel @p1 .LBB2_2-.Ltmp0, $2  }
0x17: {  	_ =	sdelay $0x2  }
0x18: {  	s22 =	sshra.s32 s22, $0x2  }
0x19: {  	[tilespmem:s22+$0x180] =	vst v1;
	s21 =	simm.s32 @!p0 $0x180  }
0x1a: {  	[spmem:s6] =	stream.linear.scatter @!p0 [tilespmem:s21], [sflag:$0x3], $0x7D0, $0x38;
	[tilespmem:$0xBF8] =	vst v63  }
0x1b: {  	s21 =	simm.s32 @!p0 $0x3  }
0x1c: {  	_ =	swait.ge @!p0 [sflag:s21], $0x7D0  }
0x1d: {  	[sflag:s21] =	ssyncset.done @!p0 $0x0  }
0x1e: {  	[sflag:s21] =	ssyncadd.s32 @!p0 $0xFFFFF830  }
0x1f: {  	s29 =	simm.s32 $0x0;
	[bflag:$0x0] =	sbarrier.arrive $0xFFFF  }
0x20: {  	[tilespmem:s29], [sflag:$0x1] =	stream.linear.gather [hbm4b:s5+s29], $0x50, $0x38;
	[tilespmem:$0xBF8] =	vst v63  }
0x21: {  	s30 =	sadd.s32 $0x0, s13  }
0x22: {  	[tilespmem:s14], [sflag:$0x2] =	stream.linear.gather [hbm4b:s30+s3], $0x50, $0x38;
	[tilespmem:$0xBF8] =	vst v63  }
0x23: {  	_ =	swait.ge [sflag:s15], $0x50  }
0x24: {  	[sflag:s15] =	ssyncset.done $0x0  }
0x25: {  	[sflag:s15] =	ssyncadd.s32 $0xFFFFFFB0  }
0x26: {  	[spmem:s2] =	stream.indirect.scatter.add.f32 [tilespmem:s17], [sflag:$0x3], $0x1, s3, s16, $0xb8;
	[tilespmem:$0xBF8] =	vst v63  }
0x27: {  	_ =	swait.ge [sflag:s18], $0x50  }
0x28: {  	s31 =	sshrl.u32 s12, $0x3;
	[sflag:s18] =	ssyncset.done $0x0  }
0x29: {  	s21 =	sadd.s32 s4, s31;
	[sflag:s18] =	ssyncadd.s32 $0xFFFFFFB0  }
0x2a: {  	[tilespmem:s3], [sflag:$0x1] =	stream.linear.gather [hbm4b:s21+s3], $0x50, $0x38;
	[tilespmem:$0xBF8] =	vst v63  }
0x2b: {  	_ =	swait.ge [sflag:s19], $0x50  }
0x2c: {  	[sflag:s19] =	ssyncset.done $0x0  }
0x2d: {  	[sflag:s19] =	ssyncadd.s32 $0xFFFFFFB0  }
0x2e: {  	[spmem:s2] =	stream.indirect.scatter.add.f32 [tilespmem:s17], [sflag:$0x3], $0x1, s14, s16, $0xb8;
	[tilespmem:$0xBF8] =	vst v63  }
0x2f: {  	s22 =	simm.s32 $0x14;
	_ =	swait.ge [sflag:s18], $0x50  }
0x30: {  	s23 =	simm.s32 $0x28;
	s21 =	sadd.s32 $0xA0, s12;
	[sflag:s18] =	ssyncset.done $0x0  }
.LBB2_4:
0x31: {  	s24 =	sadd.s32 s22, s13  }
0x32: {  	[sflag:s18] =	ssyncadd.s32 $0xFFFFFFB0;
	s22 =	smov.u32 s23;
	s25 =	sadd.s32 $0x14, s23  }
0x33: {  	[tilespmem:s14], [sflag:$0x2] =	stream.linear.gather [hbm4b:s24+s3], $0x50, $0x38;
	[tilespmem:$0xBF8] =	vst v63  }
0x34: {  	p1 =	sne.s32 s23, $0x4B0;
	_ =	swait.ge [sflag:s15], $0x50  }
0x35: {  	[sflag:s15] =	ssyncset.done $0x0  }
0x36: {  	[sflag:s15] =	ssyncadd.s32 $0xFFFFFFB0  }
0x37: {  	[spmem:s2] =	stream.indirect.scatter.add.f32 [tilespmem:s17], [sflag:$0x3], $0x1, s3, s16, $0xb8;
	[tilespmem:$0xBF8] =	vst v63  }
0x38: {  	_ =	swait.ge [sflag:s18], $0x50  }
0x39: {  	s23 =	sshrl.u32 s21, $0x3;
	[sflag:s18] =	ssyncset.done $0x0  }
0x3a: {  	s23 =	sadd.s32 s4, s23;
	[sflag:s18] =	ssyncadd.s32 $0xFFFFFFB0  }
0x3b: {  	[tilespmem:s3], [sflag:$0x1] =	stream.linear.gather [hbm4b:s23+s3], $0x50, $0x38;
	[tilespmem:$0xBF8] =	vst v63  }
0x3c: {  	_ =	swait.ge [sflag:s19], $0x50  }
.Ltmp1:
0x3d: {  	[sflag:s19] =	ssyncset.done $0x0;
	(pc) =	sbr.rel @p1 .LBB2_4-.Ltmp1, $4  }
0x3e: {  	[sflag:s19] =	ssyncadd.s32 $0xFFFFFFB0  }
0x3f: {  	[spmem:s2] =	stream.indirect.scatter.add.f32 [tilespmem:s17], [sflag:$0x3], $0x1, s14, s16, $0xb8;
	[tilespmem:$0xBF8] =	vst v63  }
0x40: {  	_ =	swait.ge [sflag:s18], $0x50  }
0x41: {  	s21 =	sadd.s32 $0xA0, s21;
	s23 =	smov.u32 s25;
	[sflag:s18] =	ssyncset.done $0x0  }
0x42: {  	s22 =	sadd.s32 s22, s13;
	[sflag:s18] =	ssyncadd.s32 $0xFFFFFFB0  }
0x43: {  	[tilespmem:s14], [sflag:$0x2] =	stream.linear.gather [hbm4b:s22+s3], $0x50, $0x38;
	[tilespmem:$0xBF8] =	vst v63  }
0x44: {  	_ =	swait.ge [sflag:s15], $0x50  }
0x45: {  	[sflag:s15] =	ssyncset.done $0x0  }
0x46: {  	[sflag:s15] =	ssyncadd.s32 $0xFFFFFFB0  }
0x47: {  	[spmem:s2] =	stream.indirect.scatter.add.f32 [tilespmem:s17], [sflag:$0x3], $0x1, s3, s16, $0xb8;
	[tilespmem:$0xBF8] =	vst v63  }
0x48: {  	_ =	swait.ge [sflag:s18], $0x50  }
0x49: {  	s21 =	sshrl.u32 s21, $0x3;
	[sflag:s18] =	ssyncset.done $0x0  }
0x4a: {  	s21 =	sadd.s32 s4, s21;
	[sflag:s18] =	ssyncadd.s32 $0xFFFFFFB0  }
0x4b: {  	[tilespmem:s3], [sflag:$0x1] =	stream.linear.gather [hbm4b:s21+s3], $0x50, $0x38;
	[tilespmem:$0xBF8] =	vst v63  }
0x4c: {  	_ =	swait.ge [sflag:s19], $0x50  }
0x4d: {  	[sflag:s19] =	ssyncset.done $0x0  }
0x4e: {  	[sflag:s19] =	ssyncadd.s32 $0xFFFFFFB0  }
0x4f: {  	[spmem:s2] =	stream.indirect.scatter.add.f32 [tilespmem:s17], [sflag:$0x3], $0x1, s14, s16, $0xb8;
	[tilespmem:$0xBF8] =	vst v63  }
0x50: {  	_ =	swait.ge [sflag:s18], $0x50  }
0x51: {  	[sflag:s18] =	ssyncset.done $0x0  }
0x52: {  	[sflag:s18] =	ssyncadd.s32 $0xFFFFFFB0  }
0x53: {  	[tilespmem:s14], [sflag:$0x2] =	stream.linear.gather [hbm4b:s11+s3], $0x50, $0x38;
	[tilespmem:$0xBF8] =	vst v63  }
0x54: {  	_ =	swait.ge [sflag:s15], $0x50  }
0x55: {  	[sflag:s15] =	ssyncset.done $0x0  }
0x56: {  	[sflag:s15] =	ssyncadd.s32 $0xFFFFFFB0  }
0x57: {  	[spmem:s2] =	stream.indirect.scatter.add.f32 [tilespmem:s17], [sflag:$0x3], $0x1, s3, s16, $0xb8;
	[tilespmem:$0xBF8] =	vst v63  }
0x58: {  	_ =	swait.ge [sflag:s18], $0x50  }
0x59: {  	[sflag:s18] =	ssyncset.done $0x0  }
0x5a: {  	[sflag:s18] =	ssyncadd.s32 $0xFFFFFFB0  }
0x5b: {  	_ =	swait.ge [sflag:s19], $0x50  }
0x5c: {  	[sflag:s19] =	ssyncset.done $0x0  }
0x5d: {  	[sflag:s19] =	ssyncadd.s32 $0xFFFFFFB0  }
0x5e: {  	[spmem:s2] =	stream.indirect.scatter.add.f32 [tilespmem:s17], [sflag:$0x3], $0x1, s14, s16, $0xb8;
	[tilespmem:$0xBF8] =	vst v63  }
0x5f: {  	_ =	swait.ge [sflag:s18], $0x50  }
0x60: {  	[sflag:s18] =	ssyncset.done $0x0  }
0x61: {  	[sflag:s18] =	ssyncadd.s32 $0xFFFFFFB0  }
0x62: {  	[tilespmem:s3], [sflag:$0x1] =	stream.linear.gather [hbm4b:s7+s3], $0x50, $0x38;
	[tilespmem:$0xBF8] =	vst v63  }
0x63: {  	_ =	swait.ge [sflag:s15], $0x50  }
0x64: {  	[sflag:s15] =	ssyncset.done $0x0  }
0x65: {  	[sflag:s15] =	ssyncadd.s32 $0xFFFFFFB0  }
0x66: {  	[spmem:s2] =	stream.indirect.scatter.add.f32 [tilespmem:s17], [sflag:$0x3], $0x1, s3, s16, $0xb8;
	[tilespmem:$0xBF8] =	vst v63  }
0x67: {  	_ =	swait.ge [sflag:s18], $0x50  }
0x68: {  	[sflag:s18] =	ssyncset.done $0x0  }
0x69: {  	[sflag:s18] =	ssyncadd.s32 $0xFFFFFFB0  }
0x6a: {  	s22 =	simm.s32 @!p0 $0x3;
	s21 =	simm.s32 @!p0 $0x180;
	[bflag:$0x0] =	sbarrier.arrive $0xFFFF  }
0x6b: {  	[tilespmem:s21], [sflag:$0x3] =	stream.linear.gather @!p0 [spmem:s8], $0x7D0, $0x38;
	[tilespmem:$0xBF8] =	vst v63  }
0x6c: {  	s20 =	sadd.s32 $0x1, s20;
	_ =	swait.ge @!p0 [sflag:s22], $0x7D0  }
0x6d: {  	p1 =	sne.s32 s20, s10;
	[sflag:s22] =	ssyncset.done @!p0 $0x0  }
.Ltmp2:
0x6e: {  	s23 =	simm.s32 @!p0 $0x0;
	[sflag:s22] =	ssyncadd.s32 @!p0 $0xFFFFF830;
	(pc) =	sbr.rel @p1 .LBB2_1-.Ltmp2, $4  }
0x6f: {  	[hbm4b:s9+s23] =	stream.linear.scatter @!p0 [tilespmem:s21], [sflag:$0x3], $0x7D0, $0x38;
	[tilespmem:$0xBF8] =	vst v63  }
0x70: {  	_ =	swait.ge @!p0 [sflag:s22], $0x7D0  }
0x71: {  	[sflag:s22] =	ssyncset.done @!p0 $0x0  }
0x72: {  	[sflag:s22] =	ssyncadd.s32 @!p0 $0xFFFFF830  }
0x73: {  	_ =	sfence.sel $0x180000  }
0x74: {  	[bflag:$0x0] =	sbarrier.arrive $0xFFFF  }
0x75: {  	p0 =	sne.s32 s0, $0x0;
	_ =	strace $0x90000047  }
0x76: {  	s0 =	sadd.s32 @!p0 $0x100000, s1;
	[bflag:$0x2] =	sbarrier.arrive $0xFFFF  }
0x77: {  	[sflag:s0] =	ssyncadd.tile.s32 @!p0 $0x1;
	_ =	shalt  }
.Lfunc_end2:
_tile_overlayer_lowered:
.L_overlay_start_2:
0x78: {  	(tag) =	ssettag $0x2  }
0x79: {  	s0 =	rddreg [dreg:$0x0];
	s2 =	stileid.u32  }
0x7a: {  	s1 =	rddreg [dreg:$0x1];
	p0 =	sne.s32 s2, $0x0  }
0x7b: {  	s3 =	rddreg [dreg:$0x2];
	[bflag:$0x3] =	sbarrier.arrive $0xFFFF;
	s2 =	simm.s32 @!p0 $0x1C03  }
0x7c: {  	[timem:s3], [sflag:s2] =	dma.local @!p0 [hbm:s0], s1  }
0x7d: {  	s0 =	simm.s32 @!p0 $0x3  }
0x7e: {  	_ =	swait.ge @!p0 [sflag:s0], s1  }
0x7f: {  	s1 =	ssub.s32 @!p0 $0x0, s1;
	[sflag:s0] =	ssyncset.done @!p0 $0x0  }
0x80: {  	[sflag:s0] =	ssyncadd.s32 @!p0 s1  }
0x81: {  	[bflag:$0x3] =	sbarrier.arrive $0xFFFF  }
0x82: {  	_ =	shalt  }

// kernel: kernel.14.cloned.1.call-start
scs
__scs_entry_jumppad:
0x0: {  	(pc) =	sbr.rel $0x88, $3  }
0x1: {  	(tag) =	ssettag $0x0;
	lr =	simm.s32 $0x1  }
0x2: {  	[smem:$0x3F96] =	sst lr;
	_ =	strace $0xD0000000  }
0x3: {  	_ = 	snop  }
0x4: {  	_ = 	snop  }
0x5: {  	_ = 	snop  }
0x6: {  	_ = 	snop  }
0x7: {  	_ = 	snop  }
__scs_overlays_trampoline_lowered:
0x8: {  	[smem:$0x3FA5] =	sst s0  }
0x9: {  	[smem:$0x3FA6] =	sst s1  }
0xa: {  	[smem:$0x3FA7] =	sst s2  }
0xb: {  	[smem:$0x3FA8] =	sst s3  }
0xc: {  	[smem:$0x3FA9] =	sst s4  }
0xd: {  	[smem:$0x3FAA] =	sst s5  }
0xe: {  	[smem:$0x3FAB] =	sst s6  }
0xf: {  	[smem:$0x3FAC] =	sst s7  }
0x10: {  	[smem:$0x3FAD] =	sst s8  }
0x11: {  	[smem:$0x3FAE] =	sst s9;
	s0 =	simm.s32 @!p0 $0x0  }
0x12: {  	s1 =	sld [smem:$0x3F94];
	s0 =	simm.s32 @p0 $0x1  }
0x13: {  	[smem:$0x3FAF] =	sst s0;
	s0 =	simm.s32 @!p1 $0x0  }
0x14: {  	s2 =	sld [smem:$0x3F93];
	s0 =	simm.s32 @p1 $0x1  }
0x15: {  	[smem:$0x3FB0] =	sst s0;
	s0 =	simm.s32 @!p2 $0x0  }
0x16: {  	s3 =	sld [smem:$0x3FDB];
	s0 =	simm.s32 @p2 $0x1  }
0x17: {  	s4 =	simm.s32 $0x1BF5;
	[smem:$0x3FB2] =	sst s0  }
0x18: {  	s0 =	sld [smem:$0x3F95];
	_ =	swait.ge [sflag:s4], $0x0  }
0x19: {  	s7 =	sld [smem:$0x3F96]  }
0x1a: {  	s8 =	sadd.s32 $0xFFFFE003, lr  }
0x1b: {  	s9 =	sadd.s32 $0xFFFFFEF7, lr;
	s5 =	simm.s32 $0xFFFFFFFF;
	p2 =	slt.u32 s8, $0xFFFFF086  }
0x1c: {  	p1 =	slt.u32 s9, $0xF7A;
	s5 =	simm.s32 @!p2 $0x0  }
0x1d: {  	s5 =	simm.s32 @p1 $0x1;
	p0 =	seq.s32 s7, s2  }
0x1e: {  	s7 =	smul.u32 @!p0 $0xF7A, s2;
	p2 =	seq.s32 @!p0 s5, $0x0  }
0x1f: {  	s9 =	smul.u32 $0xF7A, s1;
	s8 =	simm.s32 @!p0 $0x1BF5;
	p2 =	por !p2, p0  }
0x20: {  	[sflag:s8] =	ssyncset.s32 @!p0 $0xFFFFF086;
	s6 =	sadd.s32 @!p0 s3, s7;
	s7 =	simm.s32 @!p0 $0x108  }
0x21: {  	s3 =	sadd.s32 s3, s9;
	s6 =	sadd.s32 @!p0 $0x88, s6;
	s7 =	simm.s32 @p2 $0x1082  }
0x22: {  	[simem:s7], [sflag:s8] =	dma.local @!p0 [hbm:s6], $0xF7A  }
0x23: {  	s9 =	sor.u32 $0xD0000000, s2;
	s6 =	simm.s32 $0x108;
	_ =	swait.ge @!p0 [sflag:s8], $0x0  }
0x24: {  	s3 =	sadd.s32 $0x88, s3;
	s6 =	simm.s32 @!p1 $0x1082;
	[sflag:s4] =	ssyncset.s32 $0xFFFFF086  }
0x25: {  	[simem:s6], [sflag:s4] =	dma.local [hbm:s3], $0xF7A  }
0x26: {  	[smem:$0x3F96] =	sst s1;
	(tag) =	ssettag s2;
	_ =	strace s9  }
0x27: {  	s1 =	sld [smem:$0x3FA6]  }
0x28: {  	s2 =	sld [smem:$0x3FA7]  }
0x29: {  	s4 =	sld [smem:$0x3FA9]  }
0x2a: {  	p0 =	seq.s32 s5, $0x0;
	s5 =	sld [smem:$0x3FAA]  }
0x2b: {  	s6 =	sld [smem:$0x3FAB]  }
0x2c: {  	s7 =	sld [smem:$0x3FAC]  }
0x2d: {  	s3 =	simm.s32 $0x108;
	s8 =	sld [smem:$0x3FAD]  }
0x2e: {  	s3 =	simm.s32 @!p0 $0x1082;
	s9 =	sld [smem:$0x3FAE]  }
0x2f: {  	lr =	sadd.s32 s0, s3;
	s0 =	sld [smem:$0x3FA5]  }
0x30: {  	s3 =	sld [smem:$0x3FA8]  }
0x31: {  	[smem:$0x3FB1] =	sst s10  }
0x32: {  	s10 =	sld [smem:$0x3FAF];
	_ =	sdelay $0x3  }
0x33: {  	p0 =	seq.s32 s10, $0x1;
	s10 =	sld [smem:$0x3FB1];
	_ =	sdelay $0x3  }
0x34: {  	[smem:$0x3FB1] =	sst s10  }
0x35: {  	s10 =	sld [smem:$0x3FB0];
	_ =	sdelay $0x3  }
0x36: {  	p1 =	seq.s32 s10, $0x1;
	s10 =	sld [smem:$0x3FB1];
	_ =	sdelay $0x3  }
0x37: {  	[smem:$0x3FB1] =	sst s10  }
0x38: {  	s10 =	sld [smem:$0x3FB2]  }
0x39: {  	_ = 	snop;
	(pc) =	sbr.ind lr, $3  }
0x3a: {  	_ = 	snop  }
0x3b: {  	_ = 	snop  }
0x3c: {  	p2 =	seq.s32 s10, $0x1;
	s10 =	sld [smem:$0x3FB1]  }
0x3d: {  	_ =	shalt  }
0x3e: {  	_ =	shalt  }
0x3f: {  	_ =	shalt  }
0x40: {  	_ =	shalt  }
0x41: {  	_ =	shalt  }
0x42: {  	_ =	shalt  }
0x43: {  	_ =	shalt  }
0x44: {  	_ =	shalt  }
0x45: {  	_ =	shalt  }
0x46: {  	_ =	shalt  }
0x47: {  	_ =	shalt  }
0x48: {  	_ =	shalt  }
0x49: {  	_ =	shalt  }
0x4a: {  	_ =	shalt  }
0x4b: {  	_ =	shalt  }
0x4c: {  	_ =	shalt  }
0x4d: {  	_ =	shalt  }
0x4e: {  	_ =	shalt  }
0x4f: {  	_ =	shalt  }
0x50: {  	_ =	shalt  }
0x51: {  	_ =	shalt  }
0x52: {  	_ =	shalt  }
0x53: {  	_ =	shalt  }
0x54: {  	_ =	shalt  }
0x55: {  	_ =	shalt  }
0x56: {  	_ =	shalt  }
0x57: {  	_ =	shalt  }
0x58: {  	_ =	shalt  }
0x59: {  	_ =	shalt  }
0x5a: {  	_ =	shalt  }
0x5b: {  	_ =	shalt  }
0x5c: {  	_ =	shalt  }
0x5d: {  	_ =	shalt  }
0x5e: {  	_ =	shalt  }
0x5f: {  	_ =	shalt  }
0x60: {  	_ =	shalt  }
0x61: {  	_ =	shalt  }
0x62: {  	_ =	shalt  }
0x63: {  	_ =	shalt  }
0x64: {  	_ =	shalt  }
0x65: {  	_ =	shalt  }
0x66: {  	_ =	shalt  }
0x67: {  	_ =	shalt  }
0x68: {  	_ =	shalt  }
0x69: {  	_ =	shalt  }
0x6a: {  	_ =	shalt  }
0x6b: {  	_ =	shalt  }
0x6c: {  	_ =	shalt  }
0x6d: {  	_ =	shalt  }
0x6e: {  	_ =	shalt  }
0x6f: {  	_ =	shalt  }
0x70: {  	_ =	shalt  }
0x71: {  	_ =	shalt  }
0x72: {  	_ =	shalt  }
0x73: {  	_ =	shalt  }
0x74: {  	_ =	shalt  }
0x75: {  	_ =	shalt  }
0x76: {  	_ =	shalt  }
0x77: {  	_ =	shalt  }
0x78: {  	_ =	shalt  }
0x79: {  	_ =	shalt  }
0x7a: {  	_ =	shalt  }
0x7b: {  	_ =	shalt  }
0x7c: {  	_ =	shalt  }
0x7d: {  	_ =	shalt  }
0x7e: {  	_ =	shalt  }
0x7f: {  	_ =	shalt  }
0x80: {  	_ =	shalt  }
0x81: {  	_ =	shalt  }
0x82: {  	_ =	shalt  }
0x83: {  	_ =	shalt  }
0x84: {  	_ =	shalt  }
0x85: {  	_ =	shalt  }
0x86: {  	_ =	shalt  }
0x87: {  	_ =	shalt  }
.Lfunc_end0:
.L_simem_size_0:
called_computation.1_lowered:
.L_overlay_start_0:
0x88: {  	s2 =	sld [smem:$0x3FD9]  }
0x89: {  	s3 =	sld [smem:$0x3FFE];
	_ =	sdelay $0x1  }
0x8a: {  	s1 =	srdreg.scid  }
0x8b: {  	s0 =	sand.u32 $0x1, s1  }
0x8c: {  	s16 =	sshll.u32 s0, $0xA;
	s2 =	sadd.s32 s3, s2  }
0x8d: {  	s2 =	sadd.s32 s2, s16  }
0x8e: {  	[smem:$0x3FBD] =	sst s2  }
0x8f: {  	_ = 	snop  }
0x90: {  	(tm) =	ssettm $0x1  }
0x91: {  	s17 =	sld [smem:$0x3FFB];
	_ =	sdelay $0x3  }
0x92: {  	_ =	strace s17  }
0x93: {  	s2 =	sld [smem:$0x3FFC];
	_ =	sdelay $0x3  }
0x94: {  	_ =	strace s2  }
0x95: {  	s2 =	sld [smem:$0x3FFD];
	_ =	sdelay $0x3  }
0x96: {  	_ =	strace s2  }
0x97: {  	_ =	strace $0x8FFFFFFF  }
0x98: {  	s18 =	sld [smem:$0x3FDB];
	_ =	sdelay $0x1  }
0x99: {  	s19 =	simm.s32 $_scs_section_size  }
0x9a: {  	s4 =	simm.s32 $_size__tile_overlayer_lowered;
	s5 =	simm.s32 $_tile_overlayer_lowered  }
0x9b: {  	s22 =	simm.s32 $0x1BFF;
	s21 =	sshll.u32 s5, $0x1;
	s2 =	sadd.s32 s19, s18  }
0x9c: {  	s6 =	simm.s32 $0x0;
	s20 =	sshll.u32 s4, $0x1;
	s4 =	sadd.s32 s21, s2  }
0x9d: {  	[timem:s6], [sflag:s22] =	dma.local [hbm:s4], s20  }
0x9e: {  	_ =	swait.ge [sflag:s22], s20  }
0x9f: {  	s3 =	ssub.s32 $0x0, s20;
	[sflag:s22] =	ssyncset.done $0x0  }
0xa0: {  	[sflag:s22] =	ssyncadd.s32 s3;
	_ =	sdelay $0x1  }
0xa1: {  	s23 =	simm.s32 $0x1B8B  }
0xa2: {  	_ =	swait.ge [sflag:s23], $0x1  }
0xa3: {  	[sflag:s23] =	ssyncset.done $0x0  }
0xa4: {  	s25 =	simm.s32 $0x1B8E;
	s24 =	sld [smem:$0x3FFE];
	[sflag:s23] =	ssyncadd.s32 $0xFFFFFFFF  }
0xa5: {  	s26 =	simm.s32 $execute0_lowered;
	[smem:$0x3FD2] =	sst s25  }
0xa6: {  	s4 =	sshll.u32 s26, $0x1;
	_ =	strace $0x80000049;
	[dreg:$0x1] =	wrdreg $0xFFFFFFFF  }
0xa7: {  	s28 =	simm.s32 $_size_execute0_lowered;
	s2 =	sadd.s32 s2, s4;
	[dreg:$0x0] =	wrdreg $0x0  }
0xa8: {  	s4 =	sshll.u32 s28, $0x1;
	[dreg:$0x2] =	wrdreg s2  }
0xa9: {  	[dreg:$0x3] =	wrdreg s4  }
0xaa: {  	[dreg:$0x4] =	wrdreg $0xC0  }
0xab: {  	_ =	task [dreg:s6], $0x5FFFF  }
0xac: {  	[dreg:$0x1] =	wrdreg $0xFFFFFFFF  }
0xad: {  	[dreg:$0x0] =	wrdreg $0x60  }
0xae: {  	[dreg:$0x2] =	wrdreg s24  }
0xaf: {  	[dreg:$0x3] =	wrdreg $0x7A000  }
0xb0: {  	[dreg:$0x4] =	wrdreg $0x9  }
0xb1: {  	_ =	task.clear_ibuf [dreg:s6], $0x5FFFF;
	_ =	strace $0x90000049  }
0xb2: {  	s29 =	simm.s32 $0x9;
	_ =	strace $0x8000004B  }
0xb3: {  	_ =	swait.ge [sflag:s29], $0x1  }
0xb4: {  	[sflag:s29] =	ssyncadd.s32 $0xFFFFFFFF  }
0xb5: {  	_ =	strace $0x9000004B  }
0xb6: {  	_ =	sfence  }
0xb7: {  	s30 =	sld [smem:$0x0];
	_ =	sdelay $0x2  }
0xb8: {  	s31 =	sshll.u32 s1, $0xD;
	s1 =	sshrl.u32 s1, $0x2  }
0xb9: {  	s3 =	sand.u32 $0x4000, s31;
	s1 =	sadd.s32 s1, s30  }
0xba: {  	s0 =	sor.u32 s3, s0;
	s1 =	sshll.u32 s1, $0x11  }
0xbb: {  	s0 =	sor.u32 s1, s0  }
0xbc: {  	s0 =	sadd.s32 $0x8F2B, s0  }
0xbd: {  	[sflag:s0] =	ssyncadd.remote.s32 $0x1  }
0xbe: {  	_ =	sfence.sel $0xFFFF  }
0xbf: {  	[dreg:$0x0] =	wrdreg $0xFFFFFFFF;
	(pc) =	sbr.abs _section_cstart, $3  }
0xc0: {  	[dreg:$0x1] =	wrdreg $0xFFFFFFFF  }
0xc1: {  	_ =	task.clear_ibuf [dreg:s6], $0x2FFFF;
	_ =	strace $0x9FFFFFFF  }
0xc2: {  	(tm) =	ssettm $0x7FFFFFFF  }
0xc3: {  	_ =	shalt  }
tec
execute0_lowered:
.L_overlay_start_1:
0x0: {  	(tag) =	ssettag $0x1  }
0x1: {  	s7 =	rddreg [dreg:$0x0]  }
0x2: {  	s1 =	rddreg [dreg:$0x1]  }
0x3: {  	s2 =	simm.s32 $0x0;
	s4 =	srdreg.scid;
	s0 =	stileid.u32  }
0x4: {  	s14 =	simm.s32 $0x1000;
	s15 =	simm.s32 $0x50;
	s16 =	simm.s32 $0x2000  }
0x5: {  	s17 =	simm.s32 $0x2200;
	s18 =	simm.s32 $0x2100;
	s19 =	simm.s32 $0x4A00  }
0x6: {  	s20 =	simm.s32 $0x1;
	s21 =	simm.s32 $0x2080;
	s23 =	simm.s32 $0x2180  }
0x7: {  	s24 =	simm.s32 $0x0;
	[smem:$0x7FF] =	sst s2;
	s3 =	sadd.s32 $0x16A00, s7  }
0x8: {  	s10 =	sand.u32 $0x1, s4;
	s5 =	sadd.s32 $0x2E00, s7;
	s30 =	smul.u32 $0x4E000, s0  }
0x9: {  	s6 =	sadd.s32 $0xCC00, s7;
	p0 =	seq.s32 s0, $0xF;
	s13 =	smul.u32 $0x2700, s0  }
0xa: {  	_ =	strace $0x8000004A;
	s8 =	smul.u32 $0x27100, s10;
	s9 =	ssub.s32 $0x2, s10  }
0xb: {  	s22 =	smul.u32 $0x2710, s10;
	s11 =	sshrl.u32 s9, $0x1;
	s31 =	sshrl.u32 s30, $0x2  }
0xc: {  	s12 =	sadd.s32 s8, s7;
	s11 =	ssub.s32 s9, s11;
	s7 =	simm.s32 $0x28  }
0xd: {  	s8 =	smul.u32 $0x4E20, s0;
	s9 =	sadd.s32 s31, s1;
	v0 =	vmov s22;
	s22 =	simm.s32 $0x2  }
0xe: {  	s7 =	simm.s32 @!p0 $0x27;
	s12 =	sadd.s32 s13, s12;
	s10 =	smax.u32 s11, $0x1  }
0xf: {  	v1 =	vimm.f32 $0.0e+00;
	s13 =	simm.s32 $0x3;
	s11 =	sadd.s32 $0x64C00, s12;
	s12 =	simm.s32 $0x7200  }
.LBB2_1:
0x10: {  	s25 =	sand.u32 $0x1E00, s2  }
0x11: {  	s26 =	sand.u32 $0x70, s2;
	s28 =	sshrl.u32 s25, $0x2  }
0x12: {  	s25 =	simm.s32 $0x40;
	s28 =	sor.u32 s26, s28;
	s26 =	simm.s32 $0x0  }
.LBB2_2:
0x13: {  	p0 =	sne.s32 s25, $0x1FC0  }
0x14: {  	[tilespmem:s28+$0x7200] =	vst v1;
	s26 =	sadd.s32 $0x10, s26;
	s28 =	smov.u32 s25;
	s25 =	sadd.s32 $0x40, s25  }
.Ltmp0:
0x15: {  	(pc) =	sbr.rel @p0 .LBB2_2-.Ltmp0, $4  }
0x16: {  	_ = 	snop  }
0x17: {  	s28 =	sand.u32 $0x1E00, s28  }
0x18: {  	s29 =	sand.u32 $0x70, s26;
	s28 =	sshrl.u32 s28, $0x2  }
0x19: {  	s28 =	sor.u32 s29, s28  }
0x1a: {  	p0 =	sne.s32 s7, $0x1  }
.Ltmp1:
0x1b: {  	_ = 	snop;
	(pc) =	sbr.rel @!p0 .LBB2_5-.Ltmp1, $4  }
0x1c: {  	[tilespmem:s28+$0x7200] =	vst v1  }
0x1d: {  	[spmem:s9] =	stream.linear.scatter [tilespmem:s12], [sflag:$0x3], $0x800, $0x38;
	[tilespmem:$0x1B280] =	vst v63  }
0x1e: {  	_ =	swait.ge [sflag:s13], $0x800  }
0x1f: {  	s25 =	sadd.s32 $0xFFFFFFFF, s7;
	s26 =	smov.u32 s9;
	[sflag:s13] =	ssyncset.done $0x0  }
.LBB2_4:
0x20: {  	p1 =	sne.s32 s25, $0x1;
	[sflag:s13] =	ssyncadd.s32 $0xFFFFF800;
	s26 =	sadd.s32 $0x800, s26  }
.Ltmp2:
0x21: {  	s25 =	sadd.s32 $0xFFFFFFFF, s25;
	(pc) =	sbr.rel @p1 .LBB2_4-.Ltmp2, $4  }
0x22: {  	_ = 	snop  }
0x23: {  	[spmem:s26] =	stream.linear.scatter [tilespmem:s12], [sflag:$0x3], $0x800, $0x38;
	[tilespmem:$0x1B280] =	vst v63  }
0x24: {  	_ =	swait.ge [sflag:s13], $0x800  }
0x25: {  	[sflag:s13] =	ssyncset.done $0x0  }
.LBB2_5:
0x26: {  	[sflag:s13] =	ssyncadd.s32 $0xFFFFF800  }
0x27: {  	s25 =	simm.s32 $0x0;
	s26 =	simm.s32 $0x0;
	[bflag:$0x0] =	sbarrier.arrive $0xFFFF  }
.LBB2_6:
0x28: {  	s28 =	smul.u32 $0xFA0, s26;
	_ =	sdelay $0x1  }
0x29: {  	s28 =	sadd.s32 s8, s28  }
0x2a: {  	s28 =	sshrl.u32 s28, $0x3  }
0x2b: {  	s29 =	sadd.s32 s5, s28  }
0x2c: {  	[tilespmem:s25], [sflag:$0x3] =	stream.linear.gather [hbm4b:s29+s25], $0xFA0, $0x38;
	[tilespmem:$0x1B280] =	vst v63  }
0x2d: {  	_ =	swait.ge [sflag:s13], $0xFA0  }
0x2e: {  	[sflag:s13] =	ssyncset.done $0x0  }
0x2f: {  	s28 =	sadd.s32 s6, s28;
	[sflag:s13] =	ssyncadd.s32 $0xFFFFF060  }
0x30: {  	[tilespmem:s14], [sflag:$0x3] =	stream.linear.gather [hbm4b:s28+s25], $0xFA0, $0x38;
	[tilespmem:$0x1B280] =	vst v63  }
0x31: {  	_ =	swait.ge [sflag:s13], $0xFA0  }
0x32: {  	[sflag:s13] =	ssyncset.done $0x0  }
0x33: {  	[sflag:s13] =	ssyncadd.s32 $0xFFFFF060  }
0x34: {  	v2 =	vld [tilespmem:$0x0]  }
0x35: {  	v3 =	vld [tilespmem:$0x1000]  }
0x36: {  	v5 =	vld [tilespmem:$0x1010]  }
0x37: {  	v4 =	vld [tilespmem:$0x10]  }
0x38: {  	v6 =	vld [tilespmem:$0x20]  }
0x39: {  	v7 =	vld [tilespmem:$0x1020]  }
0x3a: {  	v61 =	vld [tilespmem:$0x1030];
	[tilespmem:$0x2080] =	vst v3  }
0x3b: {  	v63 =	vld [tilespmem:$0x1040];
	v2 =	vadd.s32 v0, v2;
	[tilespmem:$0x2090] =	vst v5  }
0x3c: {  	v3 =	vadd.s32 v0, v4;
	[tilespmem:$0x2000] =	vst v2;
	v2 =	vld [tilespmem:$0x30]  }
0x3d: {  	[tilespmem:$0x2010] =	vst v3;
	v3 =	vld [tilespmem:$0x40]  }
0x3e: {  	[tilespmem:$0x20A0] =	vst v7  }
0x3f: {  	[tilespmem:$0x20B0] =	vst v61  }
0x40: {  	v62 =	vadd.s32 v0, v6;
	[tilespmem:$0x20C0] =	vst v63  }
0x41: {  	[tilespmem:$0x2020] =	vst v62;
	v2 =	vadd.s32 v0, v2  }
0x42: {  	[tilespmem:$0x2030] =	vst v2;
	v2 =	vadd.s32 v0, v3  }
0x43: {  	s29 =	simm.s32 $0x70;
	[tilespmem:$0x2040] =	vst v2  }
0x44: {  	[tilespmem:s17], [sflag:$0x1] =	stream.indirect.gather [hbm4b:s3+s15], $0x80, s16, s15, $0xb8;
	[tilespmem:$0x1B280] =	vst v63  }
0x45: {  	v2 =	vld [tilespmem:s29+$0xFFFFFFE0];
	_ =	sdelay $0x4  }
0x46: {  	v2 =	vadd.s32 v0, v2  }
0x47: {  	s28 =	simm.s32 $0x1070;
	[tilespmem:$0x2100] =	vst v2  }
0x48: {  	v2 =	vld [tilespmem:s28+$0xFFFFFFE0];
	_ =	sdelay $0x4  }
0x49: {  	[tilespmem:$0x2180] =	vst v2  }
0x4a: {  	v2 =	vld [tilespmem:s29+$0xFFFFFFF0];
	_ =	sdelay $0x4  }
0x4b: {  	v2 =	vadd.s32 v0, v2  }
0x4c: {  	[tilespmem:$0x2110] =	vst v2  }
0x4d: {  	v2 =	vld [tilespmem:s28+$0xFFFFFFF0];
	_ =	sdelay $0x4  }
0x4e: {  	[tilespmem:$0x2190] =	vst v2  }
0x4f: {  	v2 =	vld [tilespmem:s29+$0x0];
	_ =	sdelay $0x4  }
0x50: {  	v2 =	vadd.s32 v0, v2  }
0x51: {  	[tilespmem:$0x2120] =	vst v2  }
0x52: {  	v2 =	vld [tilespmem:s28+$0x0];
	_ =	sdelay $0x4  }
0x53: {  	s30 =	sand.u32 $0x1FE0, s25;
	[tilespmem:$0x21A0] =	vst v2  }
0x54: {  	v2 =	vld [tilespmem:s30+$0x80];
	_ =	sdelay $0x4  }
0x55: {  	v2 =	vadd.s32 v0, v2  }
0x56: {  	[tilespmem:$0x2130] =	vst v2  }
0x57: {  	v2 =	vld [tilespmem:s30+$0x1080];
	_ =	sdelay $0x4  }
0x58: {  	[tilespmem:$0x21B0] =	vst v2  }
0x59: {  	v2 =	vld [tilespmem:s29+$0x20];
	_ =	sdelay $0x4  }
0x5a: {  	v2 =	vadd.s32 v0, v2  }
0x5b: {  	[tilespmem:$0x2140] =	vst v2  }
0x5c: {  	v2 =	vld [tilespmem:s28+$0x20];
	_ =	sdelay $0x4  }
0x5d: {  	[tilespmem:$0x21C0] =	vst v2  }
0x5e: {  	[tilespmem:s19], [sflag:$0x2] =	stream.indirect.gather [hbm4b:s3+s15], $0x80, s18, s15, $0xb8;
	[tilespmem:$0x1B280] =	vst v63  }
0x5f: {  	_ =	swait.ge [sflag:s20], $0x2800  }
0x60: {  	[sflag:s20] =	ssyncset.done $0x0  }
0x61: {  	[sflag:s20] =	ssyncadd.s32 $0xFFFFD800  }
0x62: {  	[spmem:s1] =	stream.indirect.scatter.add.f32 [tilespmem:s17], [sflag:$0x3], $0x80, s21, s15, $0xb8;
	[tilespmem:$0x1B280] =	vst v63  }
0x63: {  	_ =	swait.ge [sflag:s13], $0x2800  }
0x64: {  	[sflag:s13] =	ssyncset.done $0x0  }
0x65: {  	p1 =	por $0x0, $0x0;
	[sflag:s13] =	ssyncadd.s32 $0xFFFFD800  }
0x66: {  	v2 =	vld @!p1 [tilespmem:s29+$0x30];
	_ =	sdelay $0x4  }
0x67: {  	v2 =	vadd.s32 @!p1 v0, v2  }
0x68: {  	[tilespmem:$0x2000] =	vst @!p1 v2  }
0x69: {  	v2 =	vld @!p1 [tilespmem:s28+$0x30];
	_ =	sdelay $0x4  }
0x6a: {  	[tilespmem:$0x2080] =	vst @!p1 v2  }
0x6b: {  	v2 =	vld @!p1 [tilespmem:s29+$0x40];
	_ =	sdelay $0x4  }
0x6c: {  	v2 =	vadd.s32 @!p1 v0, v2  }
0x6d: {  	[tilespmem:$0x2010] =	vst @!p1 v2  }
0x6e: {  	v2 =	vld @!p1 [tilespmem:s28+$0x40];
	_ =	sdelay $0x4  }
0x6f: {  	[tilespmem:$0x2090] =	vst @!p1 v2  }
0x70: {  	v2 =	vld @!p1 [tilespmem:s29+$0x50];
	_ =	sdelay $0x4  }
0x71: {  	v2 =	vadd.s32 @!p1 v0, v2  }
0x72: {  	[tilespmem:$0x2020] =	vst @!p1 v2  }
0x73: {  	v2 =	vld @!p1 [tilespmem:s28+$0x50];
	_ =	sdelay $0x4  }
0x74: {  	[tilespmem:$0x20A0] =	vst @!p1 v2  }
0x75: {  	v2 =	vld @!p1 [tilespmem:s29+$0x60];
	_ =	sdelay $0x4  }
0x76: {  	v2 =	vadd.s32 @!p1 v0, v2  }
0x77: {  	[tilespmem:$0x2030] =	vst @!p1 v2  }
0x78: {  	v2 =	vld @!p1 [tilespmem:s28+$0x60];
	_ =	sdelay $0x4  }
0x79: {  	[tilespmem:$0x20B0] =	vst @!p1 v2  }
0x7a: {  	v2 =	vld @!p1 [tilespmem:s29+$0x70];
	_ =	sdelay $0x4  }
0x7b: {  	v2 =	vadd.s32 @!p1 v0, v2  }
0x7c: {  	[tilespmem:$0x2040] =	vst @!p1 v2  }
0x7d: {  	v2 =	vld @!p1 [tilespmem:s28+$0x70];
	_ =	sdelay $0x4  }
0x7e: {  	s31 =	simm.s32 @!p1 $0x2200;
	s30 =	simm.s32 @!p1 $0x2000;
	s29 =	simm.s32 @!p1 $0x50;
	[tilespmem:$0x20C0] =	vst @!p1 v2  }
0x7f: {  	[tilespmem:s31], [sflag:$0x1] =	stream.indirect.gather @!p1 [hbm4b:s3+s29], $0x80, s30, s29, $0xb8;
	[tilespmem:$0x1B280] =	vst v63  }
0x80: {  	_ =	swait.ge [sflag:s22], $0x2800  }
0x81: {  	[sflag:s22] =	ssyncset.done $0x0  }
0x82: {  	[sflag:s22] =	ssyncadd.s32 $0xFFFFD800  }
0x83: {  	[spmem:s1] =	stream.indirect.scatter.add.f32 [tilespmem:s19], [sflag:$0x3], $0x80, s23, s15, $0xb8;
	[tilespmem:$0x1B280] =	vst v63  }
0x84: {  	_ =	swait.ge [sflag:s13], $0x2800  }
0x85: {  	s29 =	simm.s32 $0xA0;
	s30 =	simm.s32 $0x110;
	[sflag:s13] =	ssyncset.done $0x0  }
.LBB2_7:
0x86: {  	[sflag:s13] =	ssyncadd.s32 $0xFFFFD800  }
0x87: {  	s28 =	sadd.s32 $0xA0, s28;
	s31 =	smov.u32 s29;
	s29 =	sadd.s32 $0xA0, s29  }
0x88: {  	v2 =	vld [tilespmem:s30+$0xFFFFFFE0];
	p1 =	sne.s32 s29, $0xFA0;
	_ =	sdelay $0x4  }
0x89: {  	v2 =	vadd.s32 v0, v2  }
0x8a: {  	[tilespmem:$0x2100] =	vst v2  }
0x8b: {  	v2 =	vld [tilespmem:s28+$0xFFFFFFE0];
	_ =	sdelay $0x4  }
0x8c: {  	[tilespmem:$0x2180] =	vst v2  }
0x8d: {  	v2 =	vld [tilespmem:s30+$0xFFFFFFF0];
	_ =	sdelay $0x4  }
0x8e: {  	v2 =	vadd.s32 v0, v2  }
0x8f: {  	[tilespmem:$0x2110] =	vst v2  }
0x90: {  	v2 =	vld [tilespmem:s28+$0xFFFFFFF0];
	_ =	sdelay $0x4  }
0x91: {  	[tilespmem:$0x2190] =	vst v2  }
0x92: {  	v2 =	vld [tilespmem:s30+$0x0];
	_ =	sdelay $0x4  }
0x93: {  	v2 =	vadd.s32 v0, v2  }
0x94: {  	[tilespmem:$0x2120] =	vst v2  }
0x95: {  	v2 =	vld [tilespmem:s28+$0x0];
	_ =	sdelay $0x4  }
0x96: {  	s0 =	sand.u32 $0x1FE0, s31;
	[tilespmem:$0x21A0] =	vst v2  }
0x97: {  	v2 =	vld [tilespmem:s0+$0x80];
	_ =	sdelay $0x4  }
0x98: {  	v2 =	vadd.s32 v0, v2  }
0x99: {  	[tilespmem:$0x2130] =	vst v2  }
0x9a: {  	v2 =	vld [tilespmem:s0+$0x1080];
	_ =	sdelay $0x4  }
0x9b: {  	[tilespmem:$0x21B0] =	vst v2  }
0x9c: {  	v2 =	vld [tilespmem:s30+$0x20];
	_ =	sdelay $0x4  }
0x9d: {  	v2 =	vadd.s32 v0, v2  }
0x9e: {  	[tilespmem:$0x2140] =	vst v2  }
0x9f: {  	v2 =	vld [tilespmem:s28+$0x20];
	_ =	sdelay $0x4  }
0xa0: {  	[tilespmem:$0x21C0] =	vst v2  }
0xa1: {  	[tilespmem:s19], [sflag:$0x2] =	stream.indirect.gather [hbm4b:s3+s15], $0x80, s18, s15, $0xb8;
	[tilespmem:$0x1B280] =	vst v63  }
0xa2: {  	_ =	swait.ge [sflag:s20], $0x2800  }
0xa3: {  	[sflag:s20] =	ssyncset.done $0x0  }
0xa4: {  	[sflag:s20] =	ssyncadd.s32 $0xFFFFD800  }
0xa5: {  	[spmem:s1] =	stream.indirect.scatter.add.f32 [tilespmem:s17], [sflag:$0x3], $0x80, s21, s15, $0xb8;
	[tilespmem:$0x1B280] =	vst v63  }
0xa6: {  	_ =	swait.ge [sflag:s13], $0x2800  }
0xa7: {  	[sflag:s13] =	ssyncset.done $0x0  }
0xa8: {  	p2 =	seq.s32 s31, $0xF00;
	[sflag:s13] =	ssyncadd.s32 $0xFFFFD800  }
0xa9: {  	v2 =	vld @!p2 [tilespmem:s30+$0x30];
	_ =	sdelay $0x4  }
0xaa: {  	v2 =	vadd.s32 @!p2 v0, v2  }
0xab: {  	[tilespmem:$0x2000] =	vst @!p2 v2  }
0xac: {  	v2 =	vld @!p2 [tilespmem:s28+$0x30];
	_ =	sdelay $0x4  }
0xad: {  	[tilespmem:$0x2080] =	vst @!p2 v2  }
0xae: {  	v2 =	vld @!p2 [tilespmem:s30+$0x40];
	_ =	sdelay $0x4  }
0xaf: {  	v2 =	vadd.s32 @!p2 v0, v2  }
0xb0: {  	[tilespmem:$0x2010] =	vst @!p2 v2  }
0xb1: {  	v2 =	vld @!p2 [tilespmem:s28+$0x40];
	_ =	sdelay $0x4  }
0xb2: {  	[tilespmem:$0x2090] =	vst @!p2 v2  }
0xb3: {  	v2 =	vld @!p2 [tilespmem:s30+$0x50];
	_ =	sdelay $0x4  }
0xb4: {  	v2 =	vadd.s32 @!p2 v0, v2  }
0xb5: {  	[tilespmem:$0x2020] =	vst @!p2 v2  }
0xb6: {  	v2 =	vld @!p2 [tilespmem:s28+$0x50];
	_ =	sdelay $0x4  }
0xb7: {  	[tilespmem:$0x20A0] =	vst @!p2 v2  }
0xb8: {  	v2 =	vld @!p2 [tilespmem:s30+$0x60];
	_ =	sdelay $0x4  }
0xb9: {  	v2 =	vadd.s32 @!p2 v0, v2  }
0xba: {  	[tilespmem:$0x2030] =	vst @!p2 v2  }
0xbb: {  	v2 =	vld @!p2 [tilespmem:s28+$0x60];
	_ =	sdelay $0x4  }
0xbc: {  	[tilespmem:$0x20B0] =	vst @!p2 v2  }
0xbd: {  	v2 =	vld @!p2 [tilespmem:s30+$0x70];
	_ =	sdelay $0x4  }
0xbe: {  	v2 =	vadd.s32 @!p2 v0, v2  }
0xbf: {  	[tilespmem:$0x2040] =	vst @!p2 v2  }
0xc0: {  	v2 =	vld @!p2 [tilespmem:s28+$0x70];
	_ =	sdelay $0x4  }
0xc1: {  	s31 =	simm.s32 @!p2 $0x2000;
	s4 =	simm.s32 @!p2 $0x2200;
	s0 =	simm.s32 @!p2 $0x50;
	[tilespmem:$0x20C0] =	vst @!p2 v2  }
0xc2: {  	[tilespmem:s4], [sflag:$0x1] =	stream.indirect.gather @!p2 [hbm4b:s3+s0], $0x80, s31, s0, $0xb8;
	[tilespmem:$0x1B280] =	vst v63  }
0xc3: {  	_ =	swait.ge [sflag:s22], $0x2800  }
.Ltmp3:
0xc4: {  	[sflag:s22] =	ssyncset.done $0x0;
	(pc) =	sbr.rel @p1 .LBB2_7-.Ltmp3, $4  }
0xc5: {  	[sflag:s22] =	ssyncadd.s32 $0xFFFFD800  }
0xc6: {  	[spmem:s1] =	stream.indirect.scatter.add.f32 [tilespmem:s19], [sflag:$0x3], $0x80, s23, s15, $0xb8;
	[tilespmem:$0x1B280] =	vst v63  }
0xc7: {  	_ =	swait.ge [sflag:s13], $0x2800  }
0xc8: {  	s30 =	sadd.s32 $0xA0, s30;
	[sflag:s13] =	ssyncset.done $0x0  }
0xc9: {  	s26 =	sadd.s32 $0x1, s26  }
0xca: {  	p1 =	sne.s32 s26, $0x5  }
.Ltmp4:
0xcb: {  	_ = 	snop;
	(pc) =	sbr.rel @p1 .LBB2_6-.Ltmp4, $2  }
0xcc: {  	_ =	sdelay $0x2  }
0xcd: {  	[sflag:s13] =	ssyncadd.s32 $0xFFFFD800  }
0xce: {  	[bflag:$0x0] =	sbarrier.arrive $0xFFFF  }
0xcf: {  	[tilespmem:s12], [sflag:$0x3] =	stream.linear.gather [spmem:s9], $0x800, $0x38;
	[tilespmem:$0x1B280] =	vst v63  }
0xd0: {  	_ =	swait.ge [sflag:s13], $0x800  }
.Ltmp5:
0xd1: {  	[sflag:s13] =	ssyncset.done $0x0;
	(pc) =	sbr.rel @!p0 .LBB2_11-.Ltmp5, $4  }
0xd2: {  	[sflag:s13] =	ssyncadd.s32 $0xFFFFF800  }
0xd3: {  	[hbm4b:s11+s2] =	stream.linear.scatter [tilespmem:s12], [sflag:$0x3], $0x800, $0x38;
	[tilespmem:$0x1B280] =	vst v63  }
0xd4: {  	s25 =	sadd.s32 $0xFFFFFFFF, s7;
	_ =	swait.ge [sflag:s13], $0x800  }
0xd5: {  	s26 =	smov.u32 s9;
	s28 =	smov.u32 s11;
	[sflag:s13] =	ssyncset.done $0x0  }
.LBB2_10:
0xd6: {  	[sflag:s13] =	ssyncadd.s32 $0xFFFFF800;
	s26 =	sadd.s32 $0x800, s26;
	s28 =	sadd.s32 $0x100, s28  }
0xd7: {  	[tilespmem:s12], [sflag:$0x3] =	stream.linear.gather [spmem:s26], $0x800, $0x38;
	[tilespmem:$0x1B280] =	vst v63  }
0xd8: {  	p0 =	sne.s32 s25, $0x1;
	s25 =	sadd.s32 $0xFFFFFFFF, s25;
	_ =	swait.ge [sflag:s13], $0x800  }
.Ltmp6:
0xd9: {  	[sflag:s13] =	ssyncset.done $0x0;
	(pc) =	sbr.rel @p0 .LBB2_10-.Ltmp6, $4  }
0xda: {  	[sflag:s13] =	ssyncadd.s32 $0xFFFFF800  }
0xdb: {  	[hbm4b:s28+s2] =	stream.linear.scatter [tilespmem:s12], [sflag:$0x3], $0x800, $0x38;
	[tilespmem:$0x1B280] =	vst v63  }
0xdc: {  	_ =	swait.ge [sflag:s13], $0x800  }
0xdd: {  	[sflag:s13] =	ssyncset.done $0x0  }
.LBB2_11:
0xde: {  	s24 =	sadd.s32 $0x1, s24  }
0xdf: {  	p0 =	sne.s32 s24, s10  }
.Ltmp7:
0xe0: {  	_ = 	snop;
	(pc) =	sbr.rel @p0 .LBB2_1-.Ltmp7, $2  }
0xe1: {  	_ =	sdelay $0x2  }
0xe2: {  	[sflag:s13] =	ssyncadd.s32 $0xFFFFF800  }
0xe3: {  	_ =	sfence.sel $0x180000  }
0xe4: {  	[bflag:$0x0] =	sbarrier.arrive $0xFFFF  }
0xe5: {  	_ =	strace $0x9000004A  }
0xe6: {  	s0 =	stileid.u32;
	[bflag:$0x2] =	sbarrier.arrive $0xFFFF  }
0xe7: {  	p0 =	sne.s32 s0, $0x0;
	s0 =	rddreg [dreg:$0x2]  }
0xe8: {  	s0 =	sadd.s32 @!p0 $0x100000, s0  }
0xe9: {  	[sflag:s0] =	ssyncadd.tile.s32 @!p0 $0x1;
	_ =	shalt  }
.Lfunc_end2:
_tile_overlayer_lowered:
.L_overlay_start_2:
0xea: {  	(tag) =	ssettag $0x2  }
0xeb: {  	s0 =	rddreg [dreg:$0x0];
	s2 =	stileid.u32  }
0xec: {  	s1 =	rddreg [dreg:$0x1];
	p0 =	sne.s32 s2, $0x0  }
0xed: {  	s3 =	rddreg [dreg:$0x2];
	[bflag:$0x3] =	sbarrier.arrive $0xFFFF;
	s2 =	simm.s32 @!p0 $0x1C03  }
0xee: {  	[timem:s3], [sflag:s2] =	dma.local @!p0 [hbm:s0], s1  }
0xef: {  	s0 =	simm.s32 @!p0 $0x3  }
0xf0: {  	_ =	swait.ge @!p0 [sflag:s0], s1  }
0xf1: {  	s1 =	ssub.s32 @!p0 $0x0, s1;
	[sflag:s0] =	ssyncset.done @!p0 $0x0  }
0xf2: {  	[sflag:s0] =	ssyncadd.s32 @!p0 s1  }
0xf3: {  	[bflag:$0x3] =	sbarrier.arrive $0xFFFF  }
0xf4: {  	_ =	shalt  }

// kernel: kernel.17.cloned.1.call-start
scs
__scs_entry_jumppad:
0x0: {  	(pc) =	sbr.rel $0x88, $3  }
0x1: {  	(tag) =	ssettag $0x0;
	lr =	simm.s32 $0x1  }
0x2: {  	[smem:$0x3F96] =	sst lr;
	_ =	strace $0xD0000000  }
0x3: {  	_ = 	snop  }
0x4: {  	_ = 	snop  }
0x5: {  	_ = 	snop  }
0x6: {  	_ = 	snop  }
0x7: {  	_ = 	snop  }
__scs_overlays_trampoline_lowered:
0x8: {  	[smem:$0x3FA5] =	sst s0  }
0x9: {  	[smem:$0x3FA6] =	sst s1  }
0xa: {  	[smem:$0x3FA7] =	sst s2  }
0xb: {  	[smem:$0x3FA8] =	sst s3  }
0xc: {  	[smem:$0x3FA9] =	sst s4  }
0xd: {  	[smem:$0x3FAA] =	sst s5  }
0xe: {  	[smem:$0x3FAB] =	sst s6  }
0xf: {  	[smem:$0x3FAC] =	sst s7  }
0x10: {  	[smem:$0x3FAD] =	sst s8  }
0x11: {  	[smem:$0x3FAE] =	sst s9;
	s0 =	simm.s32 @!p0 $0x0  }
0x12: {  	s1 =	sld [smem:$0x3F94];
	s0 =	simm.s32 @p0 $0x1  }
0x13: {  	[smem:$0x3FAF] =	sst s0;
	s0 =	simm.s32 @!p1 $0x0  }
0x14: {  	s2 =	sld [smem:$0x3F93];
	s0 =	simm.s32 @p1 $0x1  }
0x15: {  	[smem:$0x3FB0] =	sst s0;
	s0 =	simm.s32 @!p2 $0x0  }
0x16: {  	s3 =	sld [smem:$0x3FDB];
	s0 =	simm.s32 @p2 $0x1  }
0x17: {  	s4 =	simm.s32 $0x1BF5;
	[smem:$0x3FB2] =	sst s0  }
0x18: {  	s0 =	sld [smem:$0x3F95];
	_ =	swait.ge [sflag:s4], $0x0  }
0x19: {  	s7 =	sld [smem:$0x3F96]  }
0x1a: {  	s8 =	sadd.s32 $0xFFFFE003, lr  }
0x1b: {  	s9 =	sadd.s32 $0xFFFFFEF7, lr;
	s5 =	simm.s32 $0xFFFFFFFF;
	p2 =	slt.u32 s8, $0xFFFFF086  }
0x1c: {  	p1 =	slt.u32 s9, $0xF7A;
	s5 =	simm.s32 @!p2 $0x0  }
0x1d: {  	s5 =	simm.s32 @p1 $0x1;
	p0 =	seq.s32 s7, s2  }
0x1e: {  	s7 =	smul.u32 @!p0 $0xF7A, s2;
	p2 =	seq.s32 @!p0 s5, $0x0  }
0x1f: {  	s9 =	smul.u32 $0xF7A, s1;
	s8 =	simm.s32 @!p0 $0x1BF5;
	p2 =	por !p2, p0  }
0x20: {  	[sflag:s8] =	ssyncset.s32 @!p0 $0xFFFFF086;
	s6 =	sadd.s32 @!p0 s3, s7;
	s7 =	simm.s32 @!p0 $0x108  }
0x21: {  	s3 =	sadd.s32 s3, s9;
	s6 =	sadd.s32 @!p0 $0x88, s6;
	s7 =	simm.s32 @p2 $0x1082  }
0x22: {  	[simem:s7], [sflag:s8] =	dma.local @!p0 [hbm:s6], $0xF7A  }
0x23: {  	s9 =	sor.u32 $0xD0000000, s2;
	s6 =	simm.s32 $0x108;
	_ =	swait.ge @!p0 [sflag:s8], $0x0  }
0x24: {  	s3 =	sadd.s32 $0x88, s3;
	s6 =	simm.s32 @!p1 $0x1082;
	[sflag:s4] =	ssyncset.s32 $0xFFFFF086  }
0x25: {  	[simem:s6], [sflag:s4] =	dma.local [hbm:s3], $0xF7A  }
0x26: {  	[smem:$0x3F96] =	sst s1;
	(tag) =	ssettag s2;
	_ =	strace s9  }
0x27: {  	s1 =	sld [smem:$0x3FA6]  }
0x28: {  	s2 =	sld [smem:$0x3FA7]  }
0x29: {  	s4 =	sld [smem:$0x3FA9]  }
0x2a: {  	p0 =	seq.s32 s5, $0x0;
	s5 =	sld [smem:$0x3FAA]  }
0x2b: {  	s6 =	sld [smem:$0x3FAB]  }
0x2c: {  	s7 =	sld [smem:$0x3FAC]  }
0x2d: {  	s3 =	simm.s32 $0x108;
	s8 =	sld [smem:$0x3FAD]  }
0x2e: {  	s3 =	simm.s32 @!p0 $0x1082;
	s9 =	sld [smem:$0x3FAE]  }
0x2f: {  	lr =	sadd.s32 s0, s3;
	s0 =	sld [smem:$0x3FA5]  }
0x30: {  	s3 =	sld [smem:$0x3FA8]  }
0x31: {  	[smem:$0x3FB1] =	sst s10  }
0x32: {  	s10 =	sld [smem:$0x3FAF];
	_ =	sdelay $0x3  }
0x33: {  	p0 =	seq.s32 s10, $0x1;
	s10 =	sld [smem:$0x3FB1];
	_ =	sdelay $0x3  }
0x34: {  	[smem:$0x3FB1] =	sst s10  }
0x35: {  	s10 =	sld [smem:$0x3FB0];
	_ =	sdelay $0x3  }
0x36: {  	p1 =	seq.s32 s10, $0x1;
	s10 =	sld [smem:$0x3FB1];
	_ =	sdelay $0x3  }
0x37: {  	[smem:$0x3FB1] =	sst s10  }
0x38: {  	s10 =	sld [smem:$0x3FB2]  }
0x39: {  	_ = 	snop;
	(pc) =	sbr.ind lr, $3  }
0x3a: {  	_ = 	snop  }
0x3b: {  	_ = 	snop  }
0x3c: {  	p2 =	seq.s32 s10, $0x1;
	s10 =	sld [smem:$0x3FB1]  }
0x3d: {  	_ =	shalt  }
0x3e: {  	_ =	shalt  }
0x3f: {  	_ =	shalt  }
0x40: {  	_ =	shalt  }
0x41: {  	_ =	shalt  }
0x42: {  	_ =	shalt  }
0x43: {  	_ =	shalt  }
0x44: {  	_ =	shalt  }
0x45: {  	_ =	shalt  }
0x46: {  	_ =	shalt  }
0x47: {  	_ =	shalt  }
0x48: {  	_ =	shalt  }
0x49: {  	_ =	shalt  }
0x4a: {  	_ =	shalt  }
0x4b: {  	_ =	shalt  }
0x4c: {  	_ =	shalt  }
0x4d: {  	_ =	shalt  }
0x4e: {  	_ =	shalt  }
0x4f: {  	_ =	shalt  }
0x50: {  	_ =	shalt  }
0x51: {  	_ =	shalt  }
0x52: {  	_ =	shalt  }
0x53: {  	_ =	shalt  }
0x54: {  	_ =	shalt  }
0x55: {  	_ =	shalt  }
0x56: {  	_ =	shalt  }
0x57: {  	_ =	shalt  }
0x58: {  	_ =	shalt  }
0x59: {  	_ =	shalt  }
0x5a: {  	_ =	shalt  }
0x5b: {  	_ =	shalt  }
0x5c: {  	_ =	shalt  }
0x5d: {  	_ =	shalt  }
0x5e: {  	_ =	shalt  }
0x5f: {  	_ =	shalt  }
0x60: {  	_ =	shalt  }
0x61: {  	_ =	shalt  }
0x62: {  	_ =	shalt  }
0x63: {  	_ =	shalt  }
0x64: {  	_ =	shalt  }
0x65: {  	_ =	shalt  }
0x66: {  	_ =	shalt  }
0x67: {  	_ =	shalt  }
0x68: {  	_ =	shalt  }
0x69: {  	_ =	shalt  }
0x6a: {  	_ =	shalt  }
0x6b: {  	_ =	shalt  }
0x6c: {  	_ =	shalt  }
0x6d: {  	_ =	shalt  }
0x6e: {  	_ =	shalt  }
0x6f: {  	_ =	shalt  }
0x70: {  	_ =	shalt  }
0x71: {  	_ =	shalt  }
0x72: {  	_ =	shalt  }
0x73: {  	_ =	shalt  }
0x74: {  	_ =	shalt  }
0x75: {  	_ =	shalt  }
0x76: {  	_ =	shalt  }
0x77: {  	_ =	shalt  }
0x78: {  	_ =	shalt  }
0x79: {  	_ =	shalt  }
0x7a: {  	_ =	shalt  }
0x7b: {  	_ =	shalt  }
0x7c: {  	_ =	shalt  }
0x7d: {  	_ =	shalt  }
0x7e: {  	_ =	shalt  }
0x7f: {  	_ =	shalt  }
0x80: {  	_ =	shalt  }
0x81: {  	_ =	shalt  }
0x82: {  	_ =	shalt  }
0x83: {  	_ =	shalt  }
0x84: {  	_ =	shalt  }
0x85: {  	_ =	shalt  }
0x86: {  	_ =	shalt  }
0x87: {  	_ =	shalt  }
.Lfunc_end0:
.L_simem_size_0:
called_computation.2_lowered:
.L_overlay_start_0:
0x88: {  	s2 =	sld [smem:$0x3FD9]  }
0x89: {  	s3 =	sld [smem:$0x3FFE];
	_ =	sdelay $0x1  }
0x8a: {  	s1 =	srdreg.scid  }
0x8b: {  	s0 =	sand.u32 $0x1, s1  }
0x8c: {  	s16 =	sshll.u32 s0, $0xA;
	s2 =	sadd.s32 s3, s2  }
0x8d: {  	s2 =	sadd.s32 s2, s16  }
0x8e: {  	[smem:$0x3FBD] =	sst s2  }
0x8f: {  	_ = 	snop  }
0x90: {  	(tm) =	ssettm $0x1  }
0x91: {  	s17 =	sld [smem:$0x3FFB];
	_ =	sdelay $0x3  }
0x92: {  	_ =	strace s17  }
0x93: {  	s2 =	sld [smem:$0x3FFC];
	_ =	sdelay $0x3  }
0x94: {  	_ =	strace s2  }
0x95: {  	s2 =	sld [smem:$0x3FFD];
	_ =	sdelay $0x3  }
0x96: {  	_ =	strace s2  }
0x97: {  	_ =	strace $0x8FFFFFFF  }
0x98: {  	s18 =	sld [smem:$0x3FDB];
	_ =	sdelay $0x1  }
0x99: {  	s19 =	simm.s32 $_scs_section_size  }
0x9a: {  	s4 =	simm.s32 $_size__tile_overlayer_lowered;
	s5 =	simm.s32 $_tile_overlayer_lowered  }
0x9b: {  	s22 =	simm.s32 $0x1BFF;
	s21 =	sshll.u32 s5, $0x1;
	s2 =	sadd.s32 s19, s18  }
0x9c: {  	s6 =	simm.s32 $0x0;
	s20 =	sshll.u32 s4, $0x1;
	s4 =	sadd.s32 s21, s2  }
0x9d: {  	[timem:s6], [sflag:s22] =	dma.local [hbm:s4], s20  }
0x9e: {  	_ =	swait.ge [sflag:s22], s20  }
0x9f: {  	s3 =	ssub.s32 $0x0, s20;
	[sflag:s22] =	ssyncset.done $0x0  }
0xa0: {  	[sflag:s22] =	ssyncadd.s32 s3;
	_ =	sdelay $0x1  }
0xa1: {  	s23 =	simm.s32 $0x1B8B  }
0xa2: {  	_ =	swait.ge [sflag:s23], $0x1  }
0xa3: {  	[sflag:s23] =	ssyncset.done $0x0  }
0xa4: {  	s25 =	simm.s32 $0x1B8E;
	s24 =	sld [smem:$0x3FFE];
	[sflag:s23] =	ssyncadd.s32 $0xFFFFFFFF  }
0xa5: {  	s26 =	simm.s32 $execute0_lowered;
	[smem:$0x3FD2] =	sst s25  }
0xa6: {  	s4 =	sshll.u32 s26, $0x1;
	_ =	strace $0x8000004C;
	[dreg:$0x1] =	wrdreg $0xFFFFFFFF  }
0xa7: {  	s28 =	simm.s32 $_size_execute0_lowered;
	s2 =	sadd.s32 s2, s4;
	[dreg:$0x0] =	wrdreg $0x0  }
0xa8: {  	s4 =	sshll.u32 s28, $0x1;
	[dreg:$0x2] =	wrdreg s2  }
0xa9: {  	[dreg:$0x3] =	wrdreg s4  }
0xaa: {  	[dreg:$0x4] =	wrdreg $0xC0  }
0xab: {  	_ =	task [dreg:s6], $0x5FFFF  }
0xac: {  	[dreg:$0x1] =	wrdreg $0xFFFFFFFF  }
0xad: {  	[dreg:$0x0] =	wrdreg $0x60  }
0xae: {  	[dreg:$0x2] =	wrdreg s24  }
0xaf: {  	[dreg:$0x3] =	wrdreg $0x7A000  }
0xb0: {  	[dreg:$0x4] =	wrdreg $0x9  }
0xb1: {  	_ =	task.clear_ibuf [dreg:s6], $0x5FFFF;
	_ =	strace $0x9000004C  }
0xb2: {  	s29 =	simm.s32 $0x9;
	_ =	strace $0x8000004E  }
0xb3: {  	_ =	swait.ge [sflag:s29], $0x1  }
0xb4: {  	[sflag:s29] =	ssyncadd.s32 $0xFFFFFFFF  }
0xb5: {  	_ =	strace $0x9000004E  }
0xb6: {  	_ =	sfence  }
0xb7: {  	s30 =	sld [smem:$0x0];
	_ =	sdelay $0x2  }
0xb8: {  	s31 =	sshll.u32 s1, $0xD;
	s1 =	sshrl.u32 s1, $0x2  }
0xb9: {  	s3 =	sand.u32 $0x4000, s31;
	s1 =	sadd.s32 s1, s30  }
0xba: {  	s0 =	sor.u32 s3, s0;
	s1 =	sshll.u32 s1, $0x11  }
0xbb: {  	s0 =	sor.u32 s1, s0  }
0xbc: {  	s0 =	sadd.s32 $0x8F2B, s0  }
0xbd: {  	[sflag:s0] =	ssyncadd.remote.s32 $0x1  }
0xbe: {  	_ =	sfence.sel $0xFFFF  }
0xbf: {  	[dreg:$0x0] =	wrdreg $0xFFFFFFFF;
	(pc) =	sbr.abs _section_cstart, $3  }
0xc0: {  	[dreg:$0x1] =	wrdreg $0xFFFFFFFF  }
0xc1: {  	_ =	task.clear_ibuf [dreg:s6], $0x2FFFF;
	_ =	strace $0x9FFFFFFF  }
0xc2: {  	(tm) =	ssettm $0x7FFFFFFF  }
0xc3: {  	_ =	shalt  }
tec
execute0_lowered:
.L_overlay_start_1:
0x0: {  	(tag) =	ssettag $0x1  }
0x1: {  	s7 =	rddreg [dreg:$0x0]  }
0x2: {  	s1 =	rddreg [dreg:$0x1]  }
0x3: {  	s2 =	simm.s32 $0x0;
	s4 =	srdreg.scid;
	s0 =	stileid.u32  }
0x4: {  	s14 =	simm.s32 $0x1000;
	s15 =	simm.s32 $0x50;
	s16 =	simm.s32 $0x2000  }
0x5: {  	s17 =	simm.s32 $0x2200;
	s18 =	simm.s32 $0x2100;
	s19 =	simm.s32 $0x4A00  }
0x6: {  	s20 =	simm.s32 $0x1;
	s21 =	simm.s32 $0x2080;
	s23 =	simm.s32 $0x2180  }
0x7: {  	s24 =	simm.s32 $0x0;
	[smem:$0x7FF] =	sst s2;
	s3 =	sadd.s32 $0x16A00, s7  }
0x8: {  	s10 =	sand.u32 $0x1, s4;
	s5 =	sadd.s32 $0x2E00, s7;
	s30 =	smul.u32 $0x4E000, s0  }
0x9: {  	s6 =	sadd.s32 $0xCC00, s7;
	p0 =	seq.s32 s0, $0xF;
	s13 =	smul.u32 $0x2700, s0  }
0xa: {  	_ =	strace $0x8000004D;
	s8 =	smul.u32 $0x27100, s10;
	s9 =	ssub.s32 $0x2, s10  }
0xb: {  	s22 =	smul.u32 $0x2710, s10;
	s11 =	sshrl.u32 s9, $0x1;
	s31 =	sshrl.u32 s30, $0x2  }
0xc: {  	s12 =	sadd.s32 s8, s7;
	s11 =	ssub.s32 s9, s11;
	s7 =	simm.s32 $0x28  }
0xd: {  	s8 =	smul.u32 $0x4E20, s0;
	s9 =	sadd.s32 s31, s1;
	v0 =	vmov s22;
	s22 =	simm.s32 $0x2  }
0xe: {  	s7 =	simm.s32 @!p0 $0x27;
	s12 =	sadd.s32 s13, s12;
	s10 =	smax.u32 s11, $0x1  }
0xf: {  	v1 =	vimm.f32 $0.0e+00;
	s13 =	simm.s32 $0x3;
	s11 =	sadd.s32 $0x64C00, s12;
	s12 =	simm.s32 $0x7200  }
.LBB2_1:
0x10: {  	s25 =	sand.u32 $0x1E00, s2  }
0x11: {  	s26 =	sand.u32 $0x70, s2;
	s28 =	sshrl.u32 s25, $0x2  }
0x12: {  	s25 =	simm.s32 $0x40;
	s28 =	sor.u32 s26, s28;
	s26 =	simm.s32 $0x0  }
.LBB2_2:
0x13: {  	p0 =	sne.s32 s25, $0x1FC0  }
0x14: {  	[tilespmem:s28+$0x7200] =	vst v1;
	s26 =	sadd.s32 $0x10, s26;
	s28 =	smov.u32 s25;
	s25 =	sadd.s32 $0x40, s25  }
.Ltmp0:
0x15: {  	(pc) =	sbr.rel @p0 .LBB2_2-.Ltmp0, $4  }
0x16: {  	_ = 	snop  }
0x17: {  	s28 =	sand.u32 $0x1E00, s28  }
0x18: {  	s29 =	sand.u32 $0x70, s26;
	s28 =	sshrl.u32 s28, $0x2  }
0x19: {  	s28 =	sor.u32 s29, s28  }
0x1a: {  	p0 =	sne.s32 s7, $0x1  }
.Ltmp1:
0x1b: {  	_ = 	snop;
	(pc) =	sbr.rel @!p0 .LBB2_5-.Ltmp1, $4  }
0x1c: {  	[tilespmem:s28+$0x7200] =	vst v1  }
0x1d: {  	[spmem:s9] =	stream.linear.scatter [tilespmem:s12], [sflag:$0x3], $0x800, $0x38;
	[tilespmem:$0x1B280] =	vst v63  }
0x1e: {  	_ =	swait.ge [sflag:s13], $0x800  }
0x1f: {  	s25 =	sadd.s32 $0xFFFFFFFF, s7;
	s26 =	smov.u32 s9;
	[sflag:s13] =	ssyncset.done $0x0  }
.LBB2_4:
0x20: {  	p1 =	sne.s32 s25, $0x1;
	[sflag:s13] =	ssyncadd.s32 $0xFFFFF800;
	s26 =	sadd.s32 $0x800, s26  }
.Ltmp2:
0x21: {  	s25 =	sadd.s32 $0xFFFFFFFF, s25;
	(pc) =	sbr.rel @p1 .LBB2_4-.Ltmp2, $4  }
0x22: {  	_ = 	snop  }
0x23: {  	[spmem:s26] =	stream.linear.scatter [tilespmem:s12], [sflag:$0x3], $0x800, $0x38;
	[tilespmem:$0x1B280] =	vst v63  }
0x24: {  	_ =	swait.ge [sflag:s13], $0x800  }
0x25: {  	[sflag:s13] =	ssyncset.done $0x0  }
.LBB2_5:
0x26: {  	[sflag:s13] =	ssyncadd.s32 $0xFFFFF800  }
0x27: {  	s25 =	simm.s32 $0x0;
	s26 =	simm.s32 $0x0;
	[bflag:$0x0] =	sbarrier.arrive $0xFFFF  }
.LBB2_6:
0x28: {  	s28 =	smul.u32 $0xFA0, s26;
	_ =	sdelay $0x1  }
0x29: {  	s28 =	sadd.s32 s8, s28  }
0x2a: {  	s28 =	sshrl.u32 s28, $0x3  }
0x2b: {  	s29 =	sadd.s32 s5, s28  }
0x2c: {  	[tilespmem:s25], [sflag:$0x3] =	stream.linear.gather [hbm4b:s29+s25], $0xFA0, $0x38;
	[tilespmem:$0x1B280] =	vst v63  }
0x2d: {  	_ =	swait.ge [sflag:s13], $0xFA0  }
0x2e: {  	[sflag:s13] =	ssyncset.done $0x0  }
0x2f: {  	s28 =	sadd.s32 s6, s28;
	[sflag:s13] =	ssyncadd.s32 $0xFFFFF060  }
0x30: {  	[tilespmem:s14], [sflag:$0x3] =	stream.linear.gather [hbm4b:s28+s25], $0xFA0, $0x38;
	[tilespmem:$0x1B280] =	vst v63  }
0x31: {  	_ =	swait.ge [sflag:s13], $0xFA0  }
0x32: {  	[sflag:s13] =	ssyncset.done $0x0  }
0x33: {  	[sflag:s13] =	ssyncadd.s32 $0xFFFFF060  }
0x34: {  	v2 =	vld [tilespmem:$0x0]  }
0x35: {  	v3 =	vld [tilespmem:$0x1000]  }
0x36: {  	v5 =	vld [tilespmem:$0x1010]  }
0x37: {  	v4 =	vld [tilespmem:$0x10]  }
0x38: {  	v6 =	vld [tilespmem:$0x20]  }
0x39: {  	v7 =	vld [tilespmem:$0x1020]  }
0x3a: {  	v61 =	vld [tilespmem:$0x1030];
	[tilespmem:$0x2080] =	vst v3  }
0x3b: {  	v63 =	vld [tilespmem:$0x1040];
	v2 =	vadd.s32 v0, v2;
	[tilespmem:$0x2090] =	vst v5  }
0x3c: {  	v3 =	vadd.s32 v0, v4;
	[tilespmem:$0x2000] =	vst v2;
	v2 =	vld [tilespmem:$0x30]  }
0x3d: {  	[tilespmem:$0x2010] =	vst v3;
	v3 =	vld [tilespmem:$0x40]  }
0x3e: {  	[tilespmem:$0x20A0] =	vst v7  }
0x3f: {  	[tilespmem:$0x20B0] =	vst v61  }
0x40: {  	v62 =	vadd.s32 v0, v6;
	[tilespmem:$0x20C0] =	vst v63  }
0x41: {  	[tilespmem:$0x2020] =	vst v62;
	v2 =	vadd.s32 v0, v2  }
0x42: {  	[tilespmem:$0x2030] =	vst v2;
	v2 =	vadd.s32 v0, v3  }
0x43: {  	s29 =	simm.s32 $0x70;
	[tilespmem:$0x2040] =	vst v2  }
0x44: {  	[tilespmem:s17], [sflag:$0x1] =	stream.indirect.gather [hbm4b:s3+s15], $0x80, s16, s15, $0xb8;
	[tilespmem:$0x1B280] =	vst v63  }
0x45: {  	v2 =	vld [tilespmem:s29+$0xFFFFFFE0];
	_ =	sdelay $0x4  }
0x46: {  	v2 =	vadd.s32 v0, v2  }
0x47: {  	s28 =	simm.s32 $0x1070;
	[tilespmem:$0x2100] =	vst v2  }
0x48: {  	v2 =	vld [tilespmem:s28+$0xFFFFFFE0];
	_ =	sdelay $0x4  }
0x49: {  	[tilespmem:$0x2180] =	vst v2  }
0x4a: {  	v2 =	vld [tilespmem:s29+$0xFFFFFFF0];
	_ =	sdelay $0x4  }
0x4b: {  	v2 =	vadd.s32 v0, v2  }
0x4c: {  	[tilespmem:$0x2110] =	vst v2  }
0x4d: {  	v2 =	vld [tilespmem:s28+$0xFFFFFFF0];
	_ =	sdelay $0x4  }
0x4e: {  	[tilespmem:$0x2190] =	vst v2  }
0x4f: {  	v2 =	vld [tilespmem:s29+$0x0];
	_ =	sdelay $0x4  }
0x50: {  	v2 =	vadd.s32 v0, v2  }
0x51: {  	[tilespmem:$0x2120] =	vst v2  }
0x52: {  	v2 =	vld [tilespmem:s28+$0x0];
	_ =	sdelay $0x4  }
0x53: {  	s30 =	sand.u32 $0x1FE0, s25;
	[tilespmem:$0x21A0] =	vst v2  }
0x54: {  	v2 =	vld [tilespmem:s30+$0x80];
	_ =	sdelay $0x4  }
0x55: {  	v2 =	vadd.s32 v0, v2  }
0x56: {  	[tilespmem:$0x2130] =	vst v2  }
0x57: {  	v2 =	vld [tilespmem:s30+$0x1080];
	_ =	sdelay $0x4  }
0x58: {  	[tilespmem:$0x21B0] =	vst v2  }
0x59: {  	v2 =	vld [tilespmem:s29+$0x20];
	_ =	sdelay $0x4  }
0x5a: {  	v2 =	vadd.s32 v0, v2  }
0x5b: {  	[tilespmem:$0x2140] =	vst v2  }
0x5c: {  	v2 =	vld [tilespmem:s28+$0x20];
	_ =	sdelay $0x4  }
0x5d: {  	[tilespmem:$0x21C0] =	vst v2  }
0x5e: {  	[tilespmem:s19], [sflag:$0x2] =	stream.indirect.gather [hbm4b:s3+s15], $0x80, s18, s15, $0xb8;
	[tilespmem:$0x1B280] =	vst v63  }
0x5f: {  	_ =	swait.ge [sflag:s20], $0x2800  }
0x60: {  	[sflag:s20] =	ssyncset.done $0x0  }
0x61: {  	[sflag:s20] =	ssyncadd.s32 $0xFFFFD800  }
0x62: {  	[spmem:s1] =	stream.indirect.scatter.add.f32 [tilespmem:s17], [sflag:$0x3], $0x80, s21, s15, $0xb8;
	[tilespmem:$0x1B280] =	vst v63  }
0x63: {  	_ =	swait.ge [sflag:s13], $0x2800  }
0x64: {  	[sflag:s13] =	ssyncset.done $0x0  }
0x65: {  	p1 =	por $0x0, $0x0;
	[sflag:s13] =	ssyncadd.s32 $0xFFFFD800  }
0x66: {  	v2 =	vld @!p1 [tilespmem:s29+$0x30];
	_ =	sdelay $0x4  }
0x67: {  	v2 =	vadd.s32 @!p1 v0, v2  }
0x68: {  	[tilespmem:$0x2000] =	vst @!p1 v2  }
0x69: {  	v2 =	vld @!p1 [tilespmem:s28+$0x30];
	_ =	sdelay $0x4  }
0x6a: {  	[tilespmem:$0x2080] =	vst @!p1 v2  }
0x6b: {  	v2 =	vld @!p1 [tilespmem:s29+$0x40];
	_ =	sdelay $0x4  }
0x6c: {  	v2 =	vadd.s32 @!p1 v0, v2  }
0x6d: {  	[tilespmem:$0x2010] =	vst @!p1 v2  }
0x6e: {  	v2 =	vld @!p1 [tilespmem:s28+$0x40];
	_ =	sdelay $0x4  }
0x6f: {  	[tilespmem:$0x2090] =	vst @!p1 v2  }
0x70: {  	v2 =	vld @!p1 [tilespmem:s29+$0x50];
	_ =	sdelay $0x4  }
0x71: {  	v2 =	vadd.s32 @!p1 v0, v2  }
0x72: {  	[tilespmem:$0x2020] =	vst @!p1 v2  }
0x73: {  	v2 =	vld @!p1 [tilespmem:s28+$0x50];
	_ =	sdelay $0x4  }
0x74: {  	[tilespmem:$0x20A0] =	vst @!p1 v2  }
0x75: {  	v2 =	vld @!p1 [tilespmem:s29+$0x60];
	_ =	sdelay $0x4  }
0x76: {  	v2 =	vadd.s32 @!p1 v0, v2  }
0x77: {  	[tilespmem:$0x2030] =	vst @!p1 v2  }
0x78: {  	v2 =	vld @!p1 [tilespmem:s28+$0x60];
	_ =	sdelay $0x4  }
0x79: {  	[tilespmem:$0x20B0] =	vst @!p1 v2  }
0x7a: {  	v2 =	vld @!p1 [tilespmem:s29+$0x70];
	_ =	sdelay $0x4  }
0x7b: {  	v2 =	vadd.s32 @!p1 v0, v2  }
0x7c: {  	[tilespmem:$0x2040] =	vst @!p1 v2  }
0x7d: {  	v2 =	vld @!p1 [tilespmem:s28+$0x70];
	_ =	sdelay $0x4  }
0x7e: {  	s31 =	simm.s32 @!p1 $0x2200;
	s30 =	simm.s32 @!p1 $0x2000;
	s29 =	simm.s32 @!p1 $0x50;
	[tilespmem:$0x20C0] =	vst @!p1 v2  }
0x7f: {  	[tilespmem:s31], [sflag:$0x1] =	stream.indirect.gather @!p1 [hbm4b:s3+s29], $0x80, s30, s29, $0xb8;
	[tilespmem:$0x1B280] =	vst v63  }
0x80: {  	_ =	swait.ge [sflag:s22], $0x2800  }
0x81: {  	[sflag:s22] =	ssyncset.done $0x0  }
0x82: {  	[sflag:s22] =	ssyncadd.s32 $0xFFFFD800  }
0x83: {  	[spmem:s1] =	stream.indirect.scatter.add.f32 [tilespmem:s19], [sflag:$0x3], $0x80, s23, s15, $0xb8;
	[tilespmem:$0x1B280] =	vst v63  }
0x84: {  	_ =	swait.ge [sflag:s13], $0x2800  }
0x85: {  	s29 =	simm.s32 $0xA0;
	s30 =	simm.s32 $0x110;
	[sflag:s13] =	ssyncset.done $0x0  }
.LBB2_7:
0x86: {  	[sflag:s13] =	ssyncadd.s32 $0xFFFFD800  }
0x87: {  	s28 =	sadd.s32 $0xA0, s28;
	s31 =	smov.u32 s29;
	s29 =	sadd.s32 $0xA0, s29  }
0x88: {  	v2 =	vld [tilespmem:s30+$0xFFFFFFE0];
	p1 =	sne.s32 s29, $0xFA0;
	_ =	sdelay $0x4  }
0x89: {  	v2 =	vadd.s32 v0, v2  }
0x8a: {  	[tilespmem:$0x2100] =	vst v2  }
0x8b: {  	v2 =	vld [tilespmem:s28+$0xFFFFFFE0];
	_ =	sdelay $0x4  }
0x8c: {  	[tilespmem:$0x2180] =	vst v2  }
0x8d: {  	v2 =	vld [tilespmem:s30+$0xFFFFFFF0];
	_ =	sdelay $0x4  }
0x8e: {  	v2 =	vadd.s32 v0, v2  }
0x8f: {  	[tilespmem:$0x2110] =	vst v2  }
0x90: {  	v2 =	vld [tilespmem:s28+$0xFFFFFFF0];
	_ =	sdelay $0x4  }
0x91: {  	[tilespmem:$0x2190] =	vst v2  }
0x92: {  	v2 =	vld [tilespmem:s30+$0x0];
	_ =	sdelay $0x4  }
0x93: {  	v2 =	vadd.s32 v0, v2  }
0x94: {  	[tilespmem:$0x2120] =	vst v2  }
0x95: {  	v2 =	vld [tilespmem:s28+$0x0];
	_ =	sdelay $0x4  }
0x96: {  	s0 =	sand.u32 $0x1FE0, s31;
	[tilespmem:$0x21A0] =	vst v2  }
0x97: {  	v2 =	vld [tilespmem:s0+$0x80];
	_ =	sdelay $0x4  }
0x98: {  	v2 =	vadd.s32 v0, v2  }
0x99: {  	[tilespmem:$0x2130] =	vst v2  }
0x9a: {  	v2 =	vld [tilespmem:s0+$0x1080];
	_ =	sdelay $0x4  }
0x9b: {  	[tilespmem:$0x21B0] =	vst v2  }
0x9c: {  	v2 =	vld [tilespmem:s30+$0x20];
	_ =	sdelay $0x4  }
0x9d: {  	v2 =	vadd.s32 v0, v2  }
0x9e: {  	[tilespmem:$0x2140] =	vst v2  }
0x9f: {  	v2 =	vld [tilespmem:s28+$0x20];
	_ =	sdelay $0x4  }
0xa0: {  	[tilespmem:$0x21C0] =	vst v2  }
0xa1: {  	[tilespmem:s19], [sflag:$0x2] =	stream.indirect.gather [hbm4b:s3+s15], $0x80, s18, s15, $0xb8;
	[tilespmem:$0x1B280] =	vst v63  }
0xa2: {  	_ =	swait.ge [sflag:s20], $0x2800  }
0xa3: {  	[sflag:s20] =	ssyncset.done $0x0  }
0xa4: {  	[sflag:s20] =	ssyncadd.s32 $0xFFFFD800  }
0xa5: {  	[spmem:s1] =	stream.indirect.scatter.add.f32 [tilespmem:s17], [sflag:$0x3], $0x80, s21, s15, $0xb8;
	[tilespmem:$0x1B280] =	vst v63  }
0xa6: {  	_ =	swait.ge [sflag:s13], $0x2800  }
0xa7: {  	[sflag:s13] =	ssyncset.done $0x0  }
0xa8: {  	p2 =	seq.s32 s31, $0xF00;
	[sflag:s13] =	ssyncadd.s32 $0xFFFFD800  }
0xa9: {  	v2 =	vld @!p2 [tilespmem:s30+$0x30];
	_ =	sdelay $0x4  }
0xaa: {  	v2 =	vadd.s32 @!p2 v0, v2  }
0xab: {  	[tilespmem:$0x2000] =	vst @!p2 v2  }
0xac: {  	v2 =	vld @!p2 [tilespmem:s28+$0x30];
	_ =	sdelay $0x4  }
0xad: {  	[tilespmem:$0x2080] =	vst @!p2 v2  }
0xae: {  	v2 =	vld @!p2 [tilespmem:s30+$0x40];
	_ =	sdelay $0x4  }
0xaf: {  	v2 =	vadd.s32 @!p2 v0, v2  }
0xb0: {  	[tilespmem:$0x2010] =	vst @!p2 v2  }
0xb1: {  	v2 =	vld @!p2 [tilespmem:s28+$0x40];
	_ =	sdelay $0x4  }
0xb2: {  	[tilespmem:$0x2090] =	vst @!p2 v2  }
0xb3: {  	v2 =	vld @!p2 [tilespmem:s30+$0x50];
	_ =	sdelay $0x4  }
0xb4: {  	v2 =	vadd.s32 @!p2 v0, v2  }
0xb5: {  	[tilespmem:$0x2020] =	vst @!p2 v2  }
0xb6: {  	v2 =	vld @!p2 [tilespmem:s28+$0x50];
	_ =	sdelay $0x4  }
0xb7: {  	[tilespmem:$0x20A0] =	vst @!p2 v2  }
0xb8: {  	v2 =	vld @!p2 [tilespmem:s30+$0x60];
	_ =	sdelay $0x4  }
0xb9: {  	v2 =	vadd.s32 @!p2 v0, v2  }
0xba: {  	[tilespmem:$0x2030] =	vst @!p2 v2  }
0xbb: {  	v2 =	vld @!p2 [tilespmem:s28+$0x60];
	_ =	sdelay $0x4  }
0xbc: {  	[tilespmem:$0x20B0] =	vst @!p2 v2  }
0xbd: {  	v2 =	vld @!p2 [tilespmem:s30+$0x70];
	_ =	sdelay $0x4  }
0xbe: {  	v2 =	vadd.s32 @!p2 v0, v2  }
0xbf: {  	[tilespmem:$0x2040] =	vst @!p2 v2  }
0xc0: {  	v2 =	vld @!p2 [tilespmem:s28+$0x70];
	_ =	sdelay $0x4  }
0xc1: {  	s31 =	simm.s32 @!p2 $0x2000;
	s4 =	simm.s32 @!p2 $0x2200;
	s0 =	simm.s32 @!p2 $0x50;
	[tilespmem:$0x20C0] =	vst @!p2 v2  }
0xc2: {  	[tilespmem:s4], [sflag:$0x1] =	stream.indirect.gather @!p2 [hbm4b:s3+s0], $0x80, s31, s0, $0xb8;
	[tilespmem:$0x1B280] =	vst v63  }
0xc3: {  	_ =	swait.ge [sflag:s22], $0x2800  }
.Ltmp3:
0xc4: {  	[sflag:s22] =	ssyncset.done $0x0;
	(pc) =	sbr.rel @p1 .LBB2_7-.Ltmp3, $4  }
0xc5: {  	[sflag:s22] =	ssyncadd.s32 $0xFFFFD800  }
0xc6: {  	[spmem:s1] =	stream.indirect.scatter.add.f32 [tilespmem:s19], [sflag:$0x3], $0x80, s23, s15, $0xb8;
	[tilespmem:$0x1B280] =	vst v63  }
0xc7: {  	_ =	swait.ge [sflag:s13], $0x2800  }
0xc8: {  	s30 =	sadd.s32 $0xA0, s30;
	[sflag:s13] =	ssyncset.done $0x0  }
0xc9: {  	s26 =	sadd.s32 $0x1, s26  }
0xca: {  	p1 =	sne.s32 s26, $0x5  }
.Ltmp4:
0xcb: {  	_ = 	snop;
	(pc) =	sbr.rel @p1 .LBB2_6-.Ltmp4, $2  }
0xcc: {  	_ =	sdelay $0x2  }
0xcd: {  	[sflag:s13] =	ssyncadd.s32 $0xFFFFD800  }
0xce: {  	[bflag:$0x0] =	sbarrier.arrive $0xFFFF  }
0xcf: {  	[tilespmem:s12], [sflag:$0x3] =	stream.linear.gather [spmem:s9], $0x800, $0x38;
	[tilespmem:$0x1B280] =	vst v63  }
0xd0: {  	_ =	swait.ge [sflag:s13], $0x800  }
.Ltmp5:
0xd1: {  	[sflag:s13] =	ssyncset.done $0x0;
	(pc) =	sbr.rel @!p0 .LBB2_11-.Ltmp5, $4  }
0xd2: {  	[sflag:s13] =	ssyncadd.s32 $0xFFFFF800  }
0xd3: {  	[hbm4b:s11+s2] =	stream.linear.scatter [tilespmem:s12], [sflag:$0x3], $0x800, $0x38;
	[tilespmem:$0x1B280] =	vst v63  }
0xd4: {  	s25 =	sadd.s32 $0xFFFFFFFF, s7;
	_ =	swait.ge [sflag:s13], $0x800  }
0xd5: {  	s26 =	smov.u32 s9;
	s28 =	smov.u32 s11;
	[sflag:s13] =	ssyncset.done $0x0  }
.LBB2_10:
0xd6: {  	[sflag:s13] =	ssyncadd.s32 $0xFFFFF800;
	s26 =	sadd.s32 $0x800, s26;
	s28 =	sadd.s32 $0x100, s28  }
0xd7: {  	[tilespmem:s12], [sflag:$0x3] =	stream.linear.gather [spmem:s26], $0x800, $0x38;
	[tilespmem:$0x1B280] =	vst v63  }
0xd8: {  	p0 =	sne.s32 s25, $0x1;
	s25 =	sadd.s32 $0xFFFFFFFF, s25;
	_ =	swait.ge [sflag:s13], $0x800  }
.Ltmp6:
0xd9: {  	[sflag:s13] =	ssyncset.done $0x0;
	(pc) =	sbr.rel @p0 .LBB2_10-.Ltmp6, $4  }
0xda: {  	[sflag:s13] =	ssyncadd.s32 $0xFFFFF800  }
0xdb: {  	[hbm4b:s28+s2] =	stream.linear.scatter [tilespmem:s12], [sflag:$0x3], $0x800, $0x38;
	[tilespmem:$0x1B280] =	vst v63  }
0xdc: {  	_ =	swait.ge [sflag:s13], $0x800  }
0xdd: {  	[sflag:s13] =	ssyncset.done $0x0  }
.LBB2_11:
0xde: {  	s24 =	sadd.s32 $0x1, s24  }
0xdf: {  	p0 =	sne.s32 s24, s10  }
.Ltmp7:
0xe0: {  	_ = 	snop;
	(pc) =	sbr.rel @p0 .LBB2_1-.Ltmp7, $2  }
0xe1: {  	_ =	sdelay $0x2  }
0xe2: {  	[sflag:s13] =	ssyncadd.s32 $0xFFFFF800  }
0xe3: {  	_ =	sfence.sel $0x180000  }
0xe4: {  	[bflag:$0x0] =	sbarrier.arrive $0xFFFF  }
0xe5: {  	_ =	strace $0x9000004D  }
0xe6: {  	s0 =	stileid.u32;
	[bflag:$0x2] =	sbarrier.arrive $0xFFFF  }
0xe7: {  	p0 =	sne.s32 s0, $0x0;
	s0 =	rddreg [dreg:$0x2]  }
0xe8: {  	s0 =	sadd.s32 @!p0 $0x100000, s0  }
0xe9: {  	[sflag:s0] =	ssyncadd.tile.s32 @!p0 $0x1;
	_ =	shalt  }
.Lfunc_end2:
_tile_overlayer_lowered:
.L_overlay_start_2:
0xea: {  	(tag) =	ssettag $0x2  }
0xeb: {  	s0 =	rddreg [dreg:$0x0];
	s2 =	stileid.u32  }
0xec: {  	s1 =	rddreg [dreg:$0x1];
	p0 =	sne.s32 s2, $0x0  }
0xed: {  	s3 =	rddreg [dreg:$0x2];
	[bflag:$0x3] =	sbarrier.arrive $0xFFFF;
	s2 =	simm.s32 @!p0 $0x1C03  }
0xee: {  	[timem:s3], [sflag:s2] =	dma.local @!p0 [hbm:s0], s1  }
0xef: {  	s0 =	simm.s32 @!p0 $0x3  }
0xf0: {  	_ =	swait.ge @!p0 [sflag:s0], s1  }
0xf1: {  	s1 =	ssub.s32 @!p0 $0x0, s1;
	[sflag:s0] =	ssyncset.done @!p0 $0x0  }
0xf2: {  	[sflag:s0] =	ssyncadd.s32 @!p0 s1  }
0xf3: {  	[bflag:$0x3] =	sbarrier.arrive $0xFFFF  }
0xf4: {  	_ =	shalt  }

// kernel: kernel.20.cloned.1.call-start
scs
__scs_entry_jumppad:
0x0: {  	(pc) =	sbr.rel $0x88, $3  }
0x1: {  	(tag) =	ssettag $0x0;
	lr =	simm.s32 $0x1  }
0x2: {  	[smem:$0x3F96] =	sst lr;
	_ =	strace $0xD0000000  }
0x3: {  	_ = 	snop  }
0x4: {  	_ = 	snop  }
0x5: {  	_ = 	snop  }
0x6: {  	_ = 	snop  }
0x7: {  	_ = 	snop  }
__scs_overlays_trampoline_lowered:
0x8: {  	[smem:$0x3FA5] =	sst s0  }
0x9: {  	[smem:$0x3FA6] =	sst s1  }
0xa: {  	[smem:$0x3FA7] =	sst s2  }
0xb: {  	[smem:$0x3FA8] =	sst s3  }
0xc: {  	[smem:$0x3FA9] =	sst s4  }
0xd: {  	[smem:$0x3FAA] =	sst s5  }
0xe: {  	[smem:$0x3FAB] =	sst s6  }
0xf: {  	[smem:$0x3FAC] =	sst s7  }
0x10: {  	[smem:$0x3FAD] =	sst s8  }
0x11: {  	[smem:$0x3FAE] =	sst s9;
	s0 =	simm.s32 @!p0 $0x0  }
0x12: {  	s1 =	sld [smem:$0x3F94];
	s0 =	simm.s32 @p0 $0x1  }
0x13: {  	[smem:$0x3FAF] =	sst s0;
	s0 =	simm.s32 @!p1 $0x0  }
0x14: {  	s2 =	sld [smem:$0x3F93];
	s0 =	simm.s32 @p1 $0x1  }
0x15: {  	[smem:$0x3FB0] =	sst s0;
	s0 =	simm.s32 @!p2 $0x0  }
0x16: {  	s3 =	sld [smem:$0x3FDB];
	s0 =	simm.s32 @p2 $0x1  }
0x17: {  	s4 =	simm.s32 $0x1BF5;
	[smem:$0x3FB2] =	sst s0  }
0x18: {  	s0 =	sld [smem:$0x3F95];
	_ =	swait.ge [sflag:s4], $0x0  }
0x19: {  	s7 =	sld [smem:$0x3F96]  }
0x1a: {  	s8 =	sadd.s32 $0xFFFFE003, lr  }
0x1b: {  	s9 =	sadd.s32 $0xFFFFFEF7, lr;
	s5 =	simm.s32 $0xFFFFFFFF;
	p2 =	slt.u32 s8, $0xFFFFF086  }
0x1c: {  	p1 =	slt.u32 s9, $0xF7A;
	s5 =	simm.s32 @!p2 $0x0  }
0x1d: {  	s5 =	simm.s32 @p1 $0x1;
	p0 =	seq.s32 s7, s2  }
0x1e: {  	s7 =	smul.u32 @!p0 $0xF7A, s2;
	p2 =	seq.s32 @!p0 s5, $0x0  }
0x1f: {  	s9 =	smul.u32 $0xF7A, s1;
	s8 =	simm.s32 @!p0 $0x1BF5;
	p2 =	por !p2, p0  }
0x20: {  	[sflag:s8] =	ssyncset.s32 @!p0 $0xFFFFF086;
	s6 =	sadd.s32 @!p0 s3, s7;
	s7 =	simm.s32 @!p0 $0x108  }
0x21: {  	s3 =	sadd.s32 s3, s9;
	s6 =	sadd.s32 @!p0 $0x88, s6;
	s7 =	simm.s32 @p2 $0x1082  }
0x22: {  	[simem:s7], [sflag:s8] =	dma.local @!p0 [hbm:s6], $0xF7A  }
0x23: {  	s9 =	sor.u32 $0xD0000000, s2;
	s6 =	simm.s32 $0x108;
	_ =	swait.ge @!p0 [sflag:s8], $0x0  }
0x24: {  	s3 =	sadd.s32 $0x88, s3;
	s6 =	simm.s32 @!p1 $0x1082;
	[sflag:s4] =	ssyncset.s32 $0xFFFFF086  }
0x25: {  	[simem:s6], [sflag:s4] =	dma.local [hbm:s3], $0xF7A  }
0x26: {  	[smem:$0x3F96] =	sst s1;
	(tag) =	ssettag s2;
	_ =	strace s9  }
0x27: {  	s1 =	sld [smem:$0x3FA6]  }
0x28: {  	s2 =	sld [smem:$0x3FA7]  }
0x29: {  	s4 =	sld [smem:$0x3FA9]  }
0x2a: {  	p0 =	seq.s32 s5, $0x0;
	s5 =	sld [smem:$0x3FAA]  }
0x2b: {  	s6 =	sld [smem:$0x3FAB]  }
0x2c: {  	s7 =	sld [smem:$0x3FAC]  }
0x2d: {  	s3 =	simm.s32 $0x108;
	s8 =	sld [smem:$0x3FAD]  }
0x2e: {  	s3 =	simm.s32 @!p0 $0x1082;
	s9 =	sld [smem:$0x3FAE]  }
0x2f: {  	lr =	sadd.s32 s0, s3;
	s0 =	sld [smem:$0x3FA5]  }
0x30: {  	s3 =	sld [smem:$0x3FA8]  }
0x31: {  	[smem:$0x3FB1] =	sst s10  }
0x32: {  	s10 =	sld [smem:$0x3FAF];
	_ =	sdelay $0x3  }
0x33: {  	p0 =	seq.s32 s10, $0x1;
	s10 =	sld [smem:$0x3FB1];
	_ =	sdelay $0x3  }
0x34: {  	[smem:$0x3FB1] =	sst s10  }
0x35: {  	s10 =	sld [smem:$0x3FB0];
	_ =	sdelay $0x3  }
0x36: {  	p1 =	seq.s32 s10, $0x1;
	s10 =	sld [smem:$0x3FB1];
	_ =	sdelay $0x3  }
0x37: {  	[smem:$0x3FB1] =	sst s10  }
0x38: {  	s10 =	sld [smem:$0x3FB2]  }
0x39: {  	_ = 	snop;
	(pc) =	sbr.ind lr, $3  }
0x3a: {  	_ = 	snop  }
0x3b: {  	_ = 	snop  }
0x3c: {  	p2 =	seq.s32 s10, $0x1;
	s10 =	sld [smem:$0x3FB1]  }
0x3d: {  	_ =	shalt  }
0x3e: {  	_ =	shalt  }
0x3f: {  	_ =	shalt  }
0x40: {  	_ =	shalt  }
0x41: {  	_ =	shalt  }
0x42: {  	_ =	shalt  }
0x43: {  	_ =	shalt  }
0x44: {  	_ =	shalt  }
0x45: {  	_ =	shalt  }
0x46: {  	_ =	shalt  }
0x47: {  	_ =	shalt  }
0x48: {  	_ =	shalt  }
0x49: {  	_ =	shalt  }
0x4a: {  	_ =	shalt  }
0x4b: {  	_ =	shalt  }
0x4c: {  	_ =	shalt  }
0x4d: {  	_ =	shalt  }
0x4e: {  	_ =	shalt  }
0x4f: {  	_ =	shalt  }
0x50: {  	_ =	shalt  }
0x51: {  	_ =	shalt  }
0x52: {  	_ =	shalt  }
0x53: {  	_ =	shalt  }
0x54: {  	_ =	shalt  }
0x55: {  	_ =	shalt  }
0x56: {  	_ =	shalt  }
0x57: {  	_ =	shalt  }
0x58: {  	_ =	shalt  }
0x59: {  	_ =	shalt  }
0x5a: {  	_ =	shalt  }
0x5b: {  	_ =	shalt  }
0x5c: {  	_ =	shalt  }
0x5d: {  	_ =	shalt  }
0x5e: {  	_ =	shalt  }
0x5f: {  	_ =	shalt  }
0x60: {  	_ =	shalt  }
0x61: {  	_ =	shalt  }
0x62: {  	_ =	shalt  }
0x63: {  	_ =	shalt  }
0x64: {  	_ =	shalt  }
0x65: {  	_ =	shalt  }
0x66: {  	_ =	shalt  }
0x67: {  	_ =	shalt  }
0x68: {  	_ =	shalt  }
0x69: {  	_ =	shalt  }
0x6a: {  	_ =	shalt  }
0x6b: {  	_ =	shalt  }
0x6c: {  	_ =	shalt  }
0x6d: {  	_ =	shalt  }
0x6e: {  	_ =	shalt  }
0x6f: {  	_ =	shalt  }
0x70: {  	_ =	shalt  }
0x71: {  	_ =	shalt  }
0x72: {  	_ =	shalt  }
0x73: {  	_ =	shalt  }
0x74: {  	_ =	shalt  }
0x75: {  	_ =	shalt  }
0x76: {  	_ =	shalt  }
0x77: {  	_ =	shalt  }
0x78: {  	_ =	shalt  }
0x79: {  	_ =	shalt  }
0x7a: {  	_ =	shalt  }
0x7b: {  	_ =	shalt  }
0x7c: {  	_ =	shalt  }
0x7d: {  	_ =	shalt  }
0x7e: {  	_ =	shalt  }
0x7f: {  	_ =	shalt  }
0x80: {  	_ =	shalt  }
0x81: {  	_ =	shalt  }
0x82: {  	_ =	shalt  }
0x83: {  	_ =	shalt  }
0x84: {  	_ =	shalt  }
0x85: {  	_ =	shalt  }
0x86: {  	_ =	shalt  }
0x87: {  	_ =	shalt  }
.Lfunc_end0:
.L_simem_size_0:
called_computation.3_lowered:
.L_overlay_start_0:
0x88: {  	s2 =	sld [smem:$0x3FD9]  }
0x89: {  	s3 =	sld [smem:$0x3FFE];
	_ =	sdelay $0x1  }
0x8a: {  	s1 =	srdreg.scid  }
0x8b: {  	s0 =	sand.u32 $0x1, s1  }
0x8c: {  	s16 =	sshll.u32 s0, $0xA;
	s2 =	sadd.s32 s3, s2  }
0x8d: {  	s2 =	sadd.s32 s2, s16  }
0x8e: {  	[smem:$0x3FBD] =	sst s2  }
0x8f: {  	_ = 	snop  }
0x90: {  	(tm) =	ssettm $0x1  }
0x91: {  	s17 =	sld [smem:$0x3FFB];
	_ =	sdelay $0x3  }
0x92: {  	_ =	strace s17  }
0x93: {  	s2 =	sld [smem:$0x3FFC];
	_ =	sdelay $0x3  }
0x94: {  	_ =	strace s2  }
0x95: {  	s2 =	sld [smem:$0x3FFD];
	_ =	sdelay $0x3  }
0x96: {  	_ =	strace s2  }
0x97: {  	_ =	strace $0x8FFFFFFF  }
0x98: {  	s18 =	sld [smem:$0x3FDB];
	_ =	sdelay $0x1  }
0x99: {  	s19 =	simm.s32 $_scs_section_size  }
0x9a: {  	s4 =	simm.s32 $_size__tile_overlayer_lowered;
	s5 =	simm.s32 $_tile_overlayer_lowered  }
0x9b: {  	s22 =	simm.s32 $0x1BFF;
	s21 =	sshll.u32 s5, $0x1;
	s2 =	sadd.s32 s19, s18  }
0x9c: {  	s6 =	simm.s32 $0x0;
	s20 =	sshll.u32 s4, $0x1;
	s4 =	sadd.s32 s21, s2  }
0x9d: {  	[timem:s6], [sflag:s22] =	dma.local [hbm:s4], s20  }
0x9e: {  	_ =	swait.ge [sflag:s22], s20  }
0x9f: {  	s3 =	ssub.s32 $0x0, s20;
	[sflag:s22] =	ssyncset.done $0x0  }
0xa0: {  	[sflag:s22] =	ssyncadd.s32 s3;
	_ =	sdelay $0x1  }
0xa1: {  	s23 =	simm.s32 $0x1B8B  }
0xa2: {  	_ =	swait.ge [sflag:s23], $0x1  }
0xa3: {  	[sflag:s23] =	ssyncset.done $0x0  }
0xa4: {  	s25 =	simm.s32 $0x1B8E;
	s24 =	sld [smem:$0x3FFE];
	[sflag:s23] =	ssyncadd.s32 $0xFFFFFFFF  }
0xa5: {  	s26 =	simm.s32 $execute0_lowered;
	[smem:$0x3FD2] =	sst s25  }
0xa6: {  	s4 =	sshll.u32 s26, $0x1;
	_ =	strace $0x8000004F;
	[dreg:$0x1] =	wrdreg $0xFFFFFFFF  }
0xa7: {  	s28 =	simm.s32 $_size_execute0_lowered;
	s2 =	sadd.s32 s2, s4;
	[dreg:$0x0] =	wrdreg $0x0  }
0xa8: {  	s4 =	sshll.u32 s28, $0x1;
	[dreg:$0x2] =	wrdreg s2  }
0xa9: {  	[dreg:$0x3] =	wrdreg s4  }
0xaa: {  	[dreg:$0x4] =	wrdreg $0xC0  }
0xab: {  	_ =	task [dreg:s6], $0x5FFFF  }
0xac: {  	[dreg:$0x1] =	wrdreg $0xFFFFFFFF  }
0xad: {  	[dreg:$0x0] =	wrdreg $0x60  }
0xae: {  	[dreg:$0x2] =	wrdreg s24  }
0xaf: {  	[dreg:$0x3] =	wrdreg $0x7A000  }
0xb0: {  	[dreg:$0x4] =	wrdreg $0x9  }
0xb1: {  	_ =	task.clear_ibuf [dreg:s6], $0x5FFFF;
	_ =	strace $0x9000004F  }
0xb2: {  	s29 =	simm.s32 $0x9;
	_ =	strace $0x80000051  }
0xb3: {  	_ =	swait.ge [sflag:s29], $0x1  }
0xb4: {  	[sflag:s29] =	ssyncadd.s32 $0xFFFFFFFF  }
0xb5: {  	_ =	strace $0x90000051  }
0xb6: {  	_ =	sfence  }
0xb7: {  	s30 =	sld [smem:$0x0];
	_ =	sdelay $0x2  }
0xb8: {  	s31 =	sshll.u32 s1, $0xD;
	s1 =	sshrl.u32 s1, $0x2  }
0xb9: {  	s3 =	sand.u32 $0x4000, s31;
	s1 =	sadd.s32 s1, s30  }
0xba: {  	s0 =	sor.u32 s3, s0;
	s1 =	sshll.u32 s1, $0x11  }
0xbb: {  	s0 =	sor.u32 s1, s0  }
0xbc: {  	s0 =	sadd.s32 $0x8F2B, s0  }
0xbd: {  	[sflag:s0] =	ssyncadd.remote.s32 $0x1  }
0xbe: {  	_ =	sfence.sel $0xFFFF  }
0xbf: {  	[dreg:$0x0] =	wrdreg $0xFFFFFFFF;
	(pc) =	sbr.abs _section_cstart, $3  }
0xc0: {  	[dreg:$0x1] =	wrdreg $0xFFFFFFFF  }
0xc1: {  	_ =	task.clear_ibuf [dreg:s6], $0x2FFFF;
	_ =	strace $0x9FFFFFFF  }
0xc2: {  	(tm) =	ssettm $0x7FFFFFFF  }
0xc3: {  	_ =	shalt  }
tec
execute0_lowered:
.L_overlay_start_1:
0x0: {  	(tag) =	ssettag $0x1  }
0x1: {  	s7 =	rddreg [dreg:$0x0]  }
0x2: {  	s1 =	rddreg [dreg:$0x1]  }
0x3: {  	s2 =	simm.s32 $0x0;
	s4 =	srdreg.scid;
	s0 =	stileid.u32  }
0x4: {  	s14 =	simm.s32 $0x1000;
	s15 =	simm.s32 $0x50;
	s16 =	simm.s32 $0x2000  }
0x5: {  	s17 =	simm.s32 $0x2200;
	s18 =	simm.s32 $0x2100;
	s19 =	simm.s32 $0x4A00  }
0x6: {  	s20 =	simm.s32 $0x1;
	s21 =	simm.s32 $0x2080;
	s23 =	simm.s32 $0x2180  }
0x7: {  	s24 =	simm.s32 $0x0;
	[smem:$0x7FF] =	sst s2;
	s3 =	sadd.s32 $0x16A00, s7  }
0x8: {  	s10 =	sand.u32 $0x1, s4;
	s5 =	sadd.s32 $0x2E00, s7;
	s30 =	smul.u32 $0x4E000, s0  }
0x9: {  	s6 =	sadd.s32 $0xCC00, s7;
	p0 =	seq.s32 s0, $0xF;
	s13 =	smul.u32 $0x2700, s0  }
0xa: {  	_ =	strace $0x80000050;
	s8 =	smul.u32 $0x27100, s10;
	s9 =	ssub.s32 $0x2, s10  }
0xb: {  	s22 =	smul.u32 $0x2710, s10;
	s11 =	sshrl.u32 s9, $0x1;
	s31 =	sshrl.u32 s30, $0x2  }
0xc: {  	s12 =	sadd.s32 s8, s7;
	s11 =	ssub.s32 s9, s11;
	s7 =	simm.s32 $0x28  }
0xd: {  	s8 =	smul.u32 $0x4E20, s0;
	s9 =	sadd.s32 s31, s1;
	v0 =	vmov s22;
	s22 =	simm.s32 $0x2  }
0xe: {  	s7 =	simm.s32 @!p0 $0x27;
	s12 =	sadd.s32 s13, s12;
	s10 =	smax.u32 s11, $0x1  }
0xf: {  	v1 =	vimm.f32 $0.0e+00;
	s13 =	simm.s32 $0x3;
	s11 =	sadd.s32 $0x64C00, s12;
	s12 =	simm.s32 $0x7200  }
.LBB2_1:
0x10: {  	s25 =	sand.u32 $0x1E00, s2  }
0x11: {  	s26 =	sand.u32 $0x70, s2;
	s28 =	sshrl.u32 s25, $0x2  }
0x12: {  	s25 =	simm.s32 $0x40;
	s28 =	sor.u32 s26, s28;
	s26 =	simm.s32 $0x0  }
.LBB2_2:
0x13: {  	p0 =	sne.s32 s25, $0x1FC0  }
0x14: {  	[tilespmem:s28+$0x7200] =	vst v1;
	s26 =	sadd.s32 $0x10, s26;
	s28 =	smov.u32 s25;
	s25 =	sadd.s32 $0x40, s25  }
.Ltmp0:
0x15: {  	(pc) =	sbr.rel @p0 .LBB2_2-.Ltmp0, $4  }
0x16: {  	_ = 	snop  }
0x17: {  	s28 =	sand.u32 $0x1E00, s28  }
0x18: {  	s29 =	sand.u32 $0x70, s26;
	s28 =	sshrl.u32 s28, $0x2  }
0x19: {  	s28 =	sor.u32 s29, s28  }
0x1a: {  	p0 =	sne.s32 s7, $0x1  }
.Ltmp1:
0x1b: {  	_ = 	snop;
	(pc) =	sbr.rel @!p0 .LBB2_5-.Ltmp1, $4  }
0x1c: {  	[tilespmem:s28+$0x7200] =	vst v1  }
0x1d: {  	[spmem:s9] =	stream.linear.scatter [tilespmem:s12], [sflag:$0x3], $0x800, $0x38;
	[tilespmem:$0x1B280] =	vst v63  }
0x1e: {  	_ =	swait.ge [sflag:s13], $0x800  }
0x1f: {  	s25 =	sadd.s32 $0xFFFFFFFF, s7;
	s26 =	smov.u32 s9;
	[sflag:s13] =	ssyncset.done $0x0  }
.LBB2_4:
0x20: {  	p1 =	sne.s32 s25, $0x1;
	[sflag:s13] =	ssyncadd.s32 $0xFFFFF800;
	s26 =	sadd.s32 $0x800, s26  }
.Ltmp2:
0x21: {  	s25 =	sadd.s32 $0xFFFFFFFF, s25;
	(pc) =	sbr.rel @p1 .LBB2_4-.Ltmp2, $4  }
0x22: {  	_ = 	snop  }
0x23: {  	[spmem:s26] =	stream.linear.scatter [tilespmem:s12], [sflag:$0x3], $0x800, $0x38;
	[tilespmem:$0x1B280] =	vst v63  }
0x24: {  	_ =	swait.ge [sflag:s13], $0x800  }
0x25: {  	[sflag:s13] =	ssyncset.done $0x0  }
.LBB2_5:
0x26: {  	[sflag:s13] =	ssyncadd.s32 $0xFFFFF800  }
0x27: {  	s25 =	simm.s32 $0x0;
	s26 =	simm.s32 $0x0;
	[bflag:$0x0] =	sbarrier.arrive $0xFFFF  }
.LBB2_6:
0x28: {  	s28 =	smul.u32 $0xFA0, s26;
	_ =	sdelay $0x1  }
0x29: {  	s28 =	sadd.s32 s8, s28  }
0x2a: {  	s28 =	sshrl.u32 s28, $0x3  }
0x2b: {  	s29 =	sadd.s32 s5, s28  }
0x2c: {  	[tilespmem:s25], [sflag:$0x3] =	stream.linear.gather [hbm4b:s29+s25], $0xFA0, $0x38;
	[tilespmem:$0x1B280] =	vst v63  }
0x2d: {  	_ =	swait.ge [sflag:s13], $0xFA0  }
0x2e: {  	[sflag:s13] =	ssyncset.done $0x0  }
0x2f: {  	s28 =	sadd.s32 s6, s28;
	[sflag:s13] =	ssyncadd.s32 $0xFFFFF060  }
0x30: {  	[tilespmem:s14], [sflag:$0x3] =	stream.linear.gather [hbm4b:s28+s25], $0xFA0, $0x38;
	[tilespmem:$0x1B280] =	vst v63  }
0x31: {  	_ =	swait.ge [sflag:s13], $0xFA0  }
0x32: {  	[sflag:s13] =	ssyncset.done $0x0  }
0x33: {  	[sflag:s13] =	ssyncadd.s32 $0xFFFFF060  }
0x34: {  	v2 =	vld [tilespmem:$0x0]  }
0x35: {  	v3 =	vld [tilespmem:$0x1000]  }
0x36: {  	v5 =	vld [tilespmem:$0x1010]  }
0x37: {  	v4 =	vld [tilespmem:$0x10]  }
0x38: {  	v6 =	vld [tilespmem:$0x20]  }
0x39: {  	v7 =	vld [tilespmem:$0x1020]  }
0x3a: {  	v61 =	vld [tilespmem:$0x1030];
	[tilespmem:$0x2080] =	vst v3  }
0x3b: {  	v63 =	vld [tilespmem:$0x1040];
	v2 =	vadd.s32 v0, v2;
	[tilespmem:$0x2090] =	vst v5  }
0x3c: {  	v3 =	vadd.s32 v0, v4;
	[tilespmem:$0x2000] =	vst v2;
	v2 =	vld [tilespmem:$0x30]  }
0x3d: {  	[tilespmem:$0x2010] =	vst v3;
	v3 =	vld [tilespmem:$0x40]  }
0x3e: {  	[tilespmem:$0x20A0] =	vst v7  }
0x3f: {  	[tilespmem:$0x20B0] =	vst v61  }
0x40: {  	v62 =	vadd.s32 v0, v6;
	[tilespmem:$0x20C0] =	vst v63  }
0x41: {  	[tilespmem:$0x2020] =	vst v62;
	v2 =	vadd.s32 v0, v2  }
0x42: {  	[tilespmem:$0x2030] =	vst v2;
	v2 =	vadd.s32 v0, v3  }
0x43: {  	s29 =	simm.s32 $0x70;
	[tilespmem:$0x2040] =	vst v2  }
0x44: {  	[tilespmem:s17], [sflag:$0x1] =	stream.indirect.gather [hbm4b:s3+s15], $0x80, s16, s15, $0xb8;
	[tilespmem:$0x1B280] =	vst v63  }
0x45: {  	v2 =	vld [tilespmem:s29+$0xFFFFFFE0];
	_ =	sdelay $0x4  }
0x46: {  	v2 =	vadd.s32 v0, v2  }
0x47: {  	s28 =	simm.s32 $0x1070;
	[tilespmem:$0x2100] =	vst v2  }
0x48: {  	v2 =	vld [tilespmem:s28+$0xFFFFFFE0];
	_ =	sdelay $0x4  }
0x49: {  	[tilespmem:$0x2180] =	vst v2  }
0x4a: {  	v2 =	vld [tilespmem:s29+$0xFFFFFFF0];
	_ =	sdelay $0x4  }
0x4b: {  	v2 =	vadd.s32 v0, v2  }
0x4c: {  	[tilespmem:$0x2110] =	vst v2  }
0x4d: {  	v2 =	vld [tilespmem:s28+$0xFFFFFFF0];
	_ =	sdelay $0x4  }
0x4e: {  	[tilespmem:$0x2190] =	vst v2  }
0x4f: {  	v2 =	vld [tilespmem:s29+$0x0];
	_ =	sdelay $0x4  }
0x50: {  	v2 =	vadd.s32 v0, v2  }
0x51: {  	[tilespmem:$0x2120] =	vst v2  }
0x52: {  	v2 =	vld [tilespmem:s28+$0x0];
	_ =	sdelay $0x4  }
0x53: {  	s30 =	sand.u32 $0x1FE0, s25;
	[tilespmem:$0x21A0] =	vst v2  }
0x54: {  	v2 =	vld [tilespmem:s30+$0x80];
	_ =	sdelay $0x4  }
0x55: {  	v2 =	vadd.s32 v0, v2  }
0x56: {  	[tilespmem:$0x2130] =	vst v2  }
0x57: {  	v2 =	vld [tilespmem:s30+$0x1080];
	_ =	sdelay $0x4  }
0x58: {  	[tilespmem:$0x21B0] =	vst v2  }
0x59: {  	v2 =	vld [tilespmem:s29+$0x20];
	_ =	sdelay $0x4  }
0x5a: {  	v2 =	vadd.s32 v0, v2  }
0x5b: {  	[tilespmem:$0x2140] =	vst v2  }
0x5c: {  	v2 =	vld [tilespmem:s28+$0x20];
	_ =	sdelay $0x4  }
0x5d: {  	[tilespmem:$0x21C0] =	vst v2  }
0x5e: {  	[tilespmem:s19], [sflag:$0x2] =	stream.indirect.gather [hbm4b:s3+s15], $0x80, s18, s15, $0xb8;
	[tilespmem:$0x1B280] =	vst v63  }
0x5f: {  	_ =	swait.ge [sflag:s20], $0x2800  }
0x60: {  	[sflag:s20] =	ssyncset.done $0x0  }
0x61: {  	[sflag:s20] =	ssyncadd.s32 $0xFFFFD800  }
0x62: {  	[spmem:s1] =	stream.indirect.scatter.add.f32 [tilespmem:s17], [sflag:$0x3], $0x80, s21, s15, $0xb8;
	[tilespmem:$0x1B280] =	vst v63  }
0x63: {  	_ =	swait.ge [sflag:s13], $0x2800  }
0x64: {  	[sflag:s13] =	ssyncset.done $0x0  }
0x65: {  	p1 =	por $0x0, $0x0;
	[sflag:s13] =	ssyncadd.s32 $0xFFFFD800  }
0x66: {  	v2 =	vld @!p1 [tilespmem:s29+$0x30];
	_ =	sdelay $0x4  }
0x67: {  	v2 =	vadd.s32 @!p1 v0, v2  }
0x68: {  	[tilespmem:$0x2000] =	vst @!p1 v2  }
0x69: {  	v2 =	vld @!p1 [tilespmem:s28+$0x30];
	_ =	sdelay $0x4  }
0x6a: {  	[tilespmem:$0x2080] =	vst @!p1 v2  }
0x6b: {  	v2 =	vld @!p1 [tilespmem:s29+$0x40];
	_ =	sdelay $0x4  }
0x6c: {  	v2 =	vadd.s32 @!p1 v0, v2  }
0x6d: {  	[tilespmem:$0x2010] =	vst @!p1 v2  }
0x6e: {  	v2 =	vld @!p1 [tilespmem:s28+$0x40];
	_ =	sdelay $0x4  }
0x6f: {  	[tilespmem:$0x2090] =	vst @!p1 v2  }
0x70: {  	v2 =	vld @!p1 [tilespmem:s29+$0x50];
	_ =	sdelay $0x4  }
0x71: {  	v2 =	vadd.s32 @!p1 v0, v2  }
0x72: {  	[tilespmem:$0x2020] =	vst @!p1 v2  }
0x73: {  	v2 =	vld @!p1 [tilespmem:s28+$0x50];
	_ =	sdelay $0x4  }
0x74: {  	[tilespmem:$0x20A0] =	vst @!p1 v2  }
0x75: {  	v2 =	vld @!p1 [tilespmem:s29+$0x60];
	_ =	sdelay $0x4  }
0x76: {  	v2 =	vadd.s32 @!p1 v0, v2  }
0x77: {  	[tilespmem:$0x2030] =	vst @!p1 v2  }
0x78: {  	v2 =	vld @!p1 [tilespmem:s28+$0x60];
	_ =	sdelay $0x4  }
0x79: {  	[tilespmem:$0x20B0] =	vst @!p1 v2  }
0x7a: {  	v2 =	vld @!p1 [tilespmem:s29+$0x70];
	_ =	sdelay $0x4  }
0x7b: {  	v2 =	vadd.s32 @!p1 v0, v2  }
0x7c: {  	[tilespmem:$0x2040] =	vst @!p1 v2  }
0x7d: {  	v2 =	vld @!p1 [tilespmem:s28+$0x70];
	_ =	sdelay $0x4  }
0x7e: {  	s31 =	simm.s32 @!p1 $0x2200;
	s30 =	simm.s32 @!p1 $0x2000;
	s29 =	simm.s32 @!p1 $0x50;
	[tilespmem:$0x20C0] =	vst @!p1 v2  }
0x7f: {  	[tilespmem:s31], [sflag:$0x1] =	stream.indirect.gather @!p1 [hbm4b:s3+s29], $0x80, s30, s29, $0xb8;
	[tilespmem:$0x1B280] =	vst v63  }
0x80: {  	_ =	swait.ge [sflag:s22], $0x2800  }
0x81: {  	[sflag:s22] =	ssyncset.done $0x0  }
0x82: {  	[sflag:s22] =	ssyncadd.s32 $0xFFFFD800  }
0x83: {  	[spmem:s1] =	stream.indirect.scatter.add.f32 [tilespmem:s19], [sflag:$0x3], $0x80, s23, s15, $0xb8;
	[tilespmem:$0x1B280] =	vst v63  }
0x84: {  	_ =	swait.ge [sflag:s13], $0x2800  }
0x85: {  	s29 =	simm.s32 $0xA0;
	s30 =	simm.s32 $0x110;
	[sflag:s13] =	ssyncset.done $0x0  }
.LBB2_7:
0x86: {  	[sflag:s13] =	ssyncadd.s32 $0xFFFFD800  }
0x87: {  	s28 =	sadd.s32 $0xA0, s28;
	s31 =	smov.u32 s29;
	s29 =	sadd.s32 $0xA0, s29  }
0x88: {  	v2 =	vld [tilespmem:s30+$0xFFFFFFE0];
	p1 =	sne.s32 s29, $0xFA0;
	_ =	sdelay $0x4  }
0x89: {  	v2 =	vadd.s32 v0, v2  }
0x8a: {  	[tilespmem:$0x2100] =	vst v2  }
0x8b: {  	v2 =	vld [tilespmem:s28+$0xFFFFFFE0];
	_ =	sdelay $0x4  }
0x8c: {  	[tilespmem:$0x2180] =	vst v2  }
0x8d: {  	v2 =	vld [tilespmem:s30+$0xFFFFFFF0];
	_ =	sdelay $0x4  }
0x8e: {  	v2 =	vadd.s32 v0, v2  }
0x8f: {  	[tilespmem:$0x2110] =	vst v2  }
0x90: {  	v2 =	vld [tilespmem:s28+$0xFFFFFFF0];
	_ =	sdelay $0x4  }
0x91: {  	[tilespmem:$0x2190] =	vst v2  }
0x92: {  	v2 =	vld [tilespmem:s30+$0x0];
	_ =	sdelay $0x4  }
0x93: {  	v2 =	vadd.s32 v0, v2  }
0x94: {  	[tilespmem:$0x2120] =	vst v2  }
0x95: {  	v2 =	vld [tilespmem:s28+$0x0];
	_ =	sdelay $0x4  }
0x96: {  	s0 =	sand.u32 $0x1FE0, s31;
	[tilespmem:$0x21A0] =	vst v2  }
0x97: {  	v2 =	vld [tilespmem:s0+$0x80];
	_ =	sdelay $0x4  }
0x98: {  	v2 =	vadd.s32 v0, v2  }
0x99: {  	[tilespmem:$0x2130] =	vst v2  }
0x9a: {  	v2 =	vld [tilespmem:s0+$0x1080];
	_ =	sdelay $0x4  }
0x9b: {  	[tilespmem:$0x21B0] =	vst v2  }
0x9c: {  	v2 =	vld [tilespmem:s30+$0x20];
	_ =	sdelay $0x4  }
0x9d: {  	v2 =	vadd.s32 v0, v2  }
0x9e: {  	[tilespmem:$0x2140] =	vst v2  }
0x9f: {  	v2 =	vld [tilespmem:s28+$0x20];
	_ =	sdelay $0x4  }
0xa0: {  	[tilespmem:$0x21C0] =	vst v2  }
0xa1: {  	[tilespmem:s19], [sflag:$0x2] =	stream.indirect.gather [hbm4b:s3+s15], $0x80, s18, s15, $0xb8;
	[tilespmem:$0x1B280] =	vst v63  }
0xa2: {  	_ =	swait.ge [sflag:s20], $0x2800  }
0xa3: {  	[sflag:s20] =	ssyncset.done $0x0  }
0xa4: {  	[sflag:s20] =	ssyncadd.s32 $0xFFFFD800  }
0xa5: {  	[spmem:s1] =	stream.indirect.scatter.add.f32 [tilespmem:s17], [sflag:$0x3], $0x80, s21, s15, $0xb8;
	[tilespmem:$0x1B280] =	vst v63  }
0xa6: {  	_ =	swait.ge [sflag:s13], $0x2800  }
0xa7: {  	[sflag:s13] =	ssyncset.done $0x0  }
0xa8: {  	p2 =	seq.s32 s31, $0xF00;
	[sflag:s13] =	ssyncadd.s32 $0xFFFFD800  }
0xa9: {  	v2 =	vld @!p2 [tilespmem:s30+$0x30];
	_ =	sdelay $0x4  }
0xaa: {  	v2 =	vadd.s32 @!p2 v0, v2  }
0xab: {  	[tilespmem:$0x2000] =	vst @!p2 v2  }
0xac: {  	v2 =	vld @!p2 [tilespmem:s28+$0x30];
	_ =	sdelay $0x4  }
0xad: {  	[tilespmem:$0x2080] =	vst @!p2 v2  }
0xae: {  	v2 =	vld @!p2 [tilespmem:s30+$0x40];
	_ =	sdelay $0x4  }
0xaf: {  	v2 =	vadd.s32 @!p2 v0, v2  }
0xb0: {  	[tilespmem:$0x2010] =	vst @!p2 v2  }
0xb1: {  	v2 =	vld @!p2 [tilespmem:s28+$0x40];
	_ =	sdelay $0x4  }
0xb2: {  	[tilespmem:$0x2090] =	vst @!p2 v2  }
0xb3: {  	v2 =	vld @!p2 [tilespmem:s30+$0x50];
	_ =	sdelay $0x4  }
0xb4: {  	v2 =	vadd.s32 @!p2 v0, v2  }
0xb5: {  	[tilespmem:$0x2020] =	vst @!p2 v2  }
0xb6: {  	v2 =	vld @!p2 [tilespmem:s28+$0x50];
	_ =	sdelay $0x4  }
0xb7: {  	[tilespmem:$0x20A0] =	vst @!p2 v2  }
0xb8: {  	v2 =	vld @!p2 [tilespmem:s30+$0x60];
	_ =	sdelay $0x4  }
0xb9: {  	v2 =	vadd.s32 @!p2 v0, v2  }
0xba: {  	[tilespmem:$0x2030] =	vst @!p2 v2  }
0xbb: {  	v2 =	vld @!p2 [tilespmem:s28+$0x60];
	_ =	sdelay $0x4  }
0xbc: {  	[tilespmem:$0x20B0] =	vst @!p2 v2  }
0xbd: {  	v2 =	vld @!p2 [tilespmem:s30+$0x70];
	_ =	sdelay $0x4  }
0xbe: {  	v2 =	vadd.s32 @!p2 v0, v2  }
0xbf: {  	[tilespmem:$0x2040] =	vst @!p2 v2  }
0xc0: {  	v2 =	vld @!p2 [tilespmem:s28+$0x70];
	_ =	sdelay $0x4  }
0xc1: {  	s31 =	simm.s32 @!p2 $0x2000;
	s4 =	simm.s32 @!p2 $0x2200;
	s0 =	simm.s32 @!p2 $0x50;
	[tilespmem:$0x20C0] =	vst @!p2 v2  }
0xc2: {  	[tilespmem:s4], [sflag:$0x1] =	stream.indirect.gather @!p2 [hbm4b:s3+s0], $0x80, s31, s0, $0xb8;
	[tilespmem:$0x1B280] =	vst v63  }
0xc3: {  	_ =	swait.ge [sflag:s22], $0x2800  }
.Ltmp3:
0xc4: {  	[sflag:s22] =	ssyncset.done $0x0;
	(pc) =	sbr.rel @p1 .LBB2_7-.Ltmp3, $4  }
0xc5: {  	[sflag:s22] =	ssyncadd.s32 $0xFFFFD800  }
0xc6: {  	[spmem:s1] =	stream.indirect.scatter.add.f32 [tilespmem:s19], [sflag:$0x3], $0x80, s23, s15, $0xb8;
	[tilespmem:$0x1B280] =	vst v63  }
0xc7: {  	_ =	swait.ge [sflag:s13], $0x2800  }
0xc8: {  	s30 =	sadd.s32 $0xA0, s30;
	[sflag:s13] =	ssyncset.done $0x0  }
0xc9: {  	s26 =	sadd.s32 $0x1, s26  }
0xca: {  	p1 =	sne.s32 s26, $0x5  }
.Ltmp4:
0xcb: {  	_ = 	snop;
	(pc) =	sbr.rel @p1 .LBB2_6-.Ltmp4, $2  }
0xcc: {  	_ =	sdelay $0x2  }
0xcd: {  	[sflag:s13] =	ssyncadd.s32 $0xFFFFD800  }
0xce: {  	[bflag:$0x0] =	sbarrier.arrive $0xFFFF  }
0xcf: {  	[tilespmem:s12], [sflag:$0x3] =	stream.linear.gather [spmem:s9], $0x800, $0x38;
	[tilespmem:$0x1B280] =	vst v63  }
0xd0: {  	_ =	swait.ge [sflag:s13], $0x800  }
.Ltmp5:
0xd1: {  	[sflag:s13] =	ssyncset.done $0x0;
	(pc) =	sbr.rel @!p0 .LBB2_11-.Ltmp5, $4  }
0xd2: {  	[sflag:s13] =	ssyncadd.s32 $0xFFFFF800  }
0xd3: {  	[hbm4b:s11+s2] =	stream.linear.scatter [tilespmem:s12], [sflag:$0x3], $0x800, $0x38;
	[tilespmem:$0x1B280] =	vst v63  }
0xd4: {  	s25 =	sadd.s32 $0xFFFFFFFF, s7;
	_ =	swait.ge [sflag:s13], $0x800  }
0xd5: {  	s26 =	smov.u32 s9;
	s28 =	smov.u32 s11;
	[sflag:s13] =	ssyncset.done $0x0  }
.LBB2_10:
0xd6: {  	[sflag:s13] =	ssyncadd.s32 $0xFFFFF800;
	s26 =	sadd.s32 $0x800, s26;
	s28 =	sadd.s32 $0x100, s28  }
0xd7: {  	[tilespmem:s12], [sflag:$0x3] =	stream.linear.gather [spmem:s26], $0x800, $0x38;
	[tilespmem:$0x1B280] =	vst v63  }
0xd8: {  	p0 =	sne.s32 s25, $0x1;
	s25 =	sadd.s32 $0xFFFFFFFF, s25;
	_ =	swait.ge [sflag:s13], $0x800  }
.Ltmp6:
0xd9: {  	[sflag:s13] =	ssyncset.done $0x0;
	(pc) =	sbr.rel @p0 .LBB2_10-.Ltmp6, $4  }
0xda: {  	[sflag:s13] =	ssyncadd.s32 $0xFFFFF800  }
0xdb: {  	[hbm4b:s28+s2] =	stream.linear.scatter [tilespmem:s12], [sflag:$0x3], $0x800, $0x38;
	[tilespmem:$0x1B280] =	vst v63  }
0xdc: {  	_ =	swait.ge [sflag:s13], $0x800  }
0xdd: {  	[sflag:s13] =	ssyncset.done $0x0  }
.LBB2_11:
0xde: {  	s24 =	sadd.s32 $0x1, s24  }
0xdf: {  	p0 =	sne.s32 s24, s10  }
.Ltmp7:
0xe0: {  	_ = 	snop;
	(pc) =	sbr.rel @p0 .LBB2_1-.Ltmp7, $2  }
0xe1: {  	_ =	sdelay $0x2  }
0xe2: {  	[sflag:s13] =	ssyncadd.s32 $0xFFFFF800  }
0xe3: {  	_ =	sfence.sel $0x180000  }
0xe4: {  	[bflag:$0x0] =	sbarrier.arrive $0xFFFF  }
0xe5: {  	_ =	strace $0x90000050  }
0xe6: {  	s0 =	stileid.u32;
	[bflag:$0x2] =	sbarrier.arrive $0xFFFF  }
0xe7: {  	p0 =	sne.s32 s0, $0x0;
	s0 =	rddreg [dreg:$0x2]  }
0xe8: {  	s0 =	sadd.s32 @!p0 $0x100000, s0  }
0xe9: {  	[sflag:s0] =	ssyncadd.tile.s32 @!p0 $0x1;
	_ =	shalt  }
.Lfunc_end2:
_tile_overlayer_lowered:
.L_overlay_start_2:
0xea: {  	(tag) =	ssettag $0x2  }
0xeb: {  	s0 =	rddreg [dreg:$0x0];
	s2 =	stileid.u32  }
0xec: {  	s1 =	rddreg [dreg:$0x1];
	p0 =	sne.s32 s2, $0x0  }
0xed: {  	s3 =	rddreg [dreg:$0x2];
	[bflag:$0x3] =	sbarrier.arrive $0xFFFF;
	s2 =	simm.s32 @!p0 $0x1C03  }
0xee: {  	[timem:s3], [sflag:s2] =	dma.local @!p0 [hbm:s0], s1  }
0xef: {  	s0 =	simm.s32 @!p0 $0x3  }
0xf0: {  	_ =	swait.ge @!p0 [sflag:s0], s1  }
0xf1: {  	s1 =	ssub.s32 @!p0 $0x0, s1;
	[sflag:s0] =	ssyncset.done @!p0 $0x0  }
0xf2: {  	[sflag:s0] =	ssyncadd.s32 @!p0 s1  }
0xf3: {  	[bflag:$0x3] =	sbarrier.arrive $0xFFFF  }
0xf4: {  	_ =	shalt  }

</sc_bundles>
